<compile_context>
chip_gen: v7x
topology: tpu7x:2x2x1
jax: 0.10.2.dev20260603
libtpu: 0.0.44.dev20260713+nightly
codegen_flags: <defaults>
</compile_context>

<pallas_src>
import math

import jax
import jax.numpy as jnp
from jax import lax
from jax.experimental import pallas as pl
from jax.experimental.pallas import tpu as pltpu
from jax.experimental.pallas import tpu_sc as plsc

BETA_ = 0.99
LOG_BETA_ = math.log(BETA_)
L = 16
CH = 32


def _make_sc_loss(N, C, S):
    NS = 16
    NC = 2
    HPT = N // NS
    HK = HPT // L
    SPT = N // (NS * NC)
    NCH = SPT // CH
    CB = C // NS

    mesh = plsc.VectorSubcoreMesh(core_axis_name="c", subcore_axis_name="s",
                                  num_cores=NC, num_subcores=NS)

    def body(preds_hbm, y_hbm, m_hbm, out_hbm,
             y_v, m_v, y2_v, m2_v, rows0, rows1, rows2, hist1d, histr_v, cslice_v,
             red_v, cnt1d_v, w_v, pp_v, pall_v, out_v, sh, dsem, csem):
        cid = lax.axis_index("c")
        sid = lax.axis_index("s")
        lane = lax.iota(jnp.int32, L)
        hbase = sid * HPT
        gbase = (cid * NS + sid) * SPT
        bt = gbase // S
        s0 = gbase % S

        def fire(k, buf):
            pltpu.async_copy(
                preds_hbm.at[bt, pl.ds(pl.multiple_of(s0 + k * CH, CH), CH)],
                buf, dsem)

        def drain(buf):
            pltpu.make_async_copy(
                preds_hbm.at[bt, pl.ds(pl.multiple_of(s0, CH), CH)],
                buf, dsem).wait()

        fire(0, rows0)
        fire(1, rows1)
        fire(2, rows2)

        pltpu.sync_copy(y_hbm.at[pl.ds(hbase, HPT)], y_v)
        pltpu.sync_copy(m_hbm.at[pl.ds(hbase, HPT)], m_v)
        pltpu.sync_copy(y_hbm.at[pl.ds(gbase, SPT)], y2_v)
        pltpu.sync_copy(m_hbm.at[pl.ds(gbase, SPT)], m2_v)

        @pl.loop(0, NS * C // L, unroll=8)
        def _(i):
            hist1d[pl.ds(i * L, L)] = jnp.zeros((L,), jnp.float32)

        @pl.loop(0, HK, unroll=4)
        def _(c):
            yv = y_v[pl.ds(c * L, L)]
            mv = m_v[pl.ds(c * L, L)]
            plsc.addupdate_scatter(hist1d, [lane * C + yv], mv)

        @pl.loop(0, C // L)
        def _(c16):
            acc = jnp.zeros((L,), jnp.float32)
            for l in range(L):
                acc = acc + hist1d[pl.ds(l * C + c16 * L, L)]
            histr_v[pl.ds(c16 * L, L)] = acc

        pltpu.sync_copy(histr_v, sh.at[sid])
        plsc.subcore_barrier()

        for s in range(NS):
            pltpu.async_copy(sh.at[s, pl.ds(sid * CB, CB)], cslice_v.at[s],
                             csem)
        for s in range(NS):
            pltpu.make_async_copy(sh.at[s, pl.ds(sid * CB, CB)],
                                  cslice_v.at[s], csem).wait()
        for k in range(CB // L):
            acc = jnp.zeros((L,), jnp.float32)
            for s in range(NS):
                acc = acc + cslice_v[s, pl.ds(k * L, L)]
            red_v[pl.ds(k * L, L)] = acc
        pltpu.sync_copy(red_v, sh.at[NS + sid, pl.ds(0, CB)])
        plsc.subcore_barrier()

        for s in range(NS):
            pltpu.async_copy(sh.at[NS + s, pl.ds(0, CB)],
                             cnt1d_v.at[pl.ds(s * CB, CB)], csem)
        for s in range(NS):
            pltpu.make_async_copy(sh.at[NS + s, pl.ds(0, CB)],
                                  cnt1d_v.at[pl.ds(s * CB, CB)], csem).wait()

        @pl.loop(0, C // L, unroll=4)
        def _(c16):
            cnt = cnt1d_v[pl.ds(c16 * L, L)]
            bpow = jnp.exp(cnt * jnp.float32(LOG_BETA_))
            w = jnp.float32(1.0 - BETA_) / ((1.0 - bpow) + jnp.float32(1e-8))
            w_v[pl.ds(c16 * L, L)] = w

        def consume(k, buf, a1, a2):
            drain(buf)
            for v in range(CH // L):
                yv = y2_v[pl.ds(k * CH + v * L, L)]
                mv = m2_v[pl.ds(k * CH + v * L, L)]
                wv = plsc.load_gather(w_v, [yv]) * mv
                pv = plsc.load_gather(buf, [v * L + lane, yv])
                a1 = a1 + pv * wv
                a2 = a2 + wv
            return a1, a2

        z = jnp.zeros((L,), jnp.float32)
        bufs = (rows0, rows1, rows2)
        a1, a2 = z, z
        for k in range(NCH):
            a1, a2 = consume(k, bufs[k % 3], a1, a2)
            if k + 3 < NCH:
                fire(k + 3, bufs[(k + 3) % 3])
        pp_v[pl.ds(0, L)] = a1
        pp_v[pl.ds(L, L)] = a2
        pltpu.sync_copy(pp_v, sh.at[sid, pl.ds(0, 2 * L)])
        plsc.subcore_barrier()

        @pl.when(sid == 0)
        def _():
            for s in range(NS):
                pltpu.async_copy(sh.at[s, pl.ds(0, 2 * L)],
                                 pall_v.at[pl.ds(s * 2 * L, 2 * L)], csem)
            for s in range(NS):
                pltpu.make_async_copy(sh.at[s, pl.ds(0, 2 * L)],
                                      pall_v.at[pl.ds(s * 2 * L, 2 * L)],
                                      csem).wait()

            def rbody(t, carry):
                b1, b2 = carry
                return (b1 + pall_v[pl.ds(t * 2 * L, L)],
                        b2 + pall_v[pl.ds(t * 2 * L + L, L)])

            b1, b2 = lax.fori_loop(0, NS, rbody, (z, z))
            v1 = jnp.full((L,), jnp.sum(b1), dtype=jnp.float32)
            v2 = jnp.full((L,), jnp.sum(b2), dtype=jnp.float32)
            out_v[pl.ds(0, L)] = v1
            out_v[pl.ds(L, L)] = v2
            pltpu.sync_copy(out_v, out_hbm.at[cid])

    return pl.kernel(
        body,
        out_type=jax.ShapeDtypeStruct((NC, 2 * L), jnp.float32),
        mesh=mesh,
        compiler_params=pltpu.CompilerParams(needs_layout_passes=False),
        scratch_types=[
            pltpu.VMEM((HPT,), jnp.int32),
            pltpu.VMEM((HPT,), jnp.float32),
            pltpu.VMEM((SPT,), jnp.int32),
            pltpu.VMEM((SPT,), jnp.float32),
            pltpu.VMEM((CH, C), jnp.float32),
            pltpu.VMEM((CH, C), jnp.float32),
            pltpu.VMEM((CH, C), jnp.float32),
            pltpu.VMEM((NS * C,), jnp.float32),
            pltpu.VMEM((C,), jnp.float32),
            pltpu.VMEM((NS, CB), jnp.float32),
            pltpu.VMEM((CB,), jnp.float32),
            pltpu.VMEM((C,), jnp.float32),
            pltpu.VMEM((C,), jnp.float32),
            pltpu.VMEM((2 * L,), jnp.float32),
            pltpu.VMEM((2 * L * NS,), jnp.float32),
            pltpu.VMEM((2 * L,), jnp.float32),
            pltpu.VMEM_SHARED((2 * NS, C), jnp.float32),
            pltpu.SemaphoreType.DMA,
            pltpu.SemaphoreType.DMA,
        ],
    )


def kernel(preds, labels, pad_mask):
    B, S, C = preds.shape
    N = B * S
    y = labels.reshape(-1).astype(jnp.int32)
    m = pad_mask.reshape(-1).astype(jnp.float32)
    out = _make_sc_loss(N, C, S)(preds, y, m)
    s1 = out[0, 0] + out[1, 0]
    s2 = out[0, L] + out[1, L]
    return -s1 / s2

# --- scband reference (transcript-rebuilt; emitter-appended) ---
"""Pipeline reference for scband-general-cross-entropy-45320494908033 (READ-ONLY COPY).

The authoritative reference and input builder live on the scoring server;
editing this copy changes nothing except your own understanding.
"""

import jax, jax.numpy as jnp
import numpy as np

BETA = 0.99
B, S, C = 4, 4096, 1024

def setup_inputs(seed: int = 0) -> dict:
    key = jax.random.key(seed)
    k1, k2 = jax.random.split(key)
    preds = jax.random.normal(k1, (B, S, C), dtype=jnp.float32)
    labels = jax.random.randint(k2, (B, S), 0, C)
    pad_mask = jnp.ones((B, S), dtype=bool)
    return {"preds": preds, "labels": labels, "pad_mask": pad_mask}

def reference(preds, labels, pad_mask):
    # GeneralCrossEntropy(weight_type='cbce', beta=0.99, is_sequential=True)
    # -> CBCrossEntropy sequential branch
    num_classes = preds.shape[-1]
    mask = pad_mask.reshape(-1)
    mask_f = mask.astype(jnp.float32)
    p = preds.reshape(-1, num_classes)
    y = labels.reshape(-1)
    # torch.bincount: length = max(y)+1; here labels cover [0, C), and with
    # 16384 samples over 1024 classes max(y)==C-1 with overwhelming probability,
    # so length=C matches.
    bincnt = jnp.bincount(y, weights=mask_f, length=num_classes)
    weight = (1.0 - BETA) / (1.0 - BETA ** bincnt + 1e-8)
    w = weight[y] * mask_f
    picked = jnp.take_along_axis(p, y[:, None], axis=1)[:, 0]
    # F.nll_loss with weight, reduction='mean': sum(-w_y * x_y) / sum(w_y)
    loss = -(picked * w).sum() / w.sum()
    return loss

if __name__ == "__main__":
    import jax
    _d = setup_inputs()
    print(jax.jit(kernel)(*tuple(_d.values())))

</pallas_src>

<mosaic_0001>
#map = affine_map<(d0, d1) -> (0, 0, 0)>
#map1 = affine_map<(d0, d1) -> (0)>
#map2 = affine_map<(d0, d1) -> (0, 0)>
module attributes {stable_mosaic.version = 14 : i64} {
  func.func @body(%arg0: i32, %arg1: i32, %arg2: memref<4x4096x1024xf32, #tpu.memory_space<hbm>>, %arg3: memref<16384xi32, #tpu.memory_space<hbm>>, %arg4: memref<16384xf32, #tpu.memory_space<hbm>>, %arg5: memref<2x32xf32, #tpu.memory_space<hbm>>, %arg6: memref<1024xi32, #tpu.memory_space<vmem>>, %arg7: memref<1024xf32, #tpu.memory_space<vmem>>, %arg8: memref<512xi32, #tpu.memory_space<vmem>>, %arg9: memref<512xf32, #tpu.memory_space<vmem>>, %arg10: memref<32x1024xf32, #tpu.memory_space<vmem>>, %arg11: memref<32x1024xf32, #tpu.memory_space<vmem>>, %arg12: memref<32x1024xf32, #tpu.memory_space<vmem>>, %arg13: memref<16384xf32, #tpu.memory_space<vmem>>, %arg14: memref<1024xf32, #tpu.memory_space<vmem>>, %arg15: memref<16x64xf32, #tpu.memory_space<vmem>>, %arg16: memref<64xf32, #tpu.memory_space<vmem>>, %arg17: memref<1024xf32, #tpu.memory_space<vmem>>, %arg18: memref<1024xf32, #tpu.memory_space<vmem>>, %arg19: memref<32xf32, #tpu.memory_space<vmem>>, %arg20: memref<512xf32, #tpu.memory_space<vmem>>, %arg21: memref<32xf32, #tpu.memory_space<vmem>>, %arg22: memref<32x1024xf32, #tpu.memory_space<vmem_shared>>, %arg23: memref<!tpu.dma_semaphore, #tpu.memory_space<semaphore_mem>>, %arg24: memref<!tpu.dma_semaphore, #tpu.memory_space<semaphore_mem>>) attributes {dimension_semantics = [#tpu.dimension_semantics<core_parallel>, #tpu.dimension_semantics<subcore_parallel>], iteration_bounds = array<i64: 2, 16>, scalar_prefetch = 0 : i64, scratch_operands = 19 : i64, tpu.core_type = #tpu.core_type<sc_vector_subcore>, window_params = [{transform_indices = #map}, {transform_indices = #map1}, {transform_indices = #map1}, {transform_indices = #map2}]} {
    %iota3A = tpu.iota {dimensions = array<i32: 0>} : vector<16xi32>
    %mul3A = arith.constant 1024 : i32
    %mul3A_0 = arith.muli %arg1, %mul3A : i32
    %mul3A_1 = arith.constant 16 : i32
    %mul3A_2 = arith.muli %arg0, %mul3A_1 : i32
    %add3A = arith.addi %mul3A_2, %arg1 : i32
    %mul3A_3 = arith.constant 512 : i32
    %mul3A_4 = arith.muli %add3A, %mul3A_3 : i32
    %jit3A = arith.constant 4096 : i32
    %div3A = arith.divsi %mul3A_4, %jit3A : i32
    %sign3A = arith.constant 0 : i32
    %sign3A_5 = arith.cmpi sgt, %mul3A_4, %sign3A : i32
    %sign3A_6 = arith.extui %sign3A_5 : i1 to i32
    %sign3A_7 = arith.constant 0 : i32
    %sign3A_8 = arith.cmpi slt, %mul3A_4, %sign3A_7 : i32
    %sign3A_9 = arith.extui %sign3A_8 : i1 to i32
    %sign3A_10 = arith.subi %sign3A_6, %sign3A_9 : i32
    %sign3A_11 = arith.constant 0 : i32
    %sign3A_12 = arith.cmpi sgt, %jit3A, %sign3A_11 : i32
    %sign3A_13 = arith.extui %sign3A_12 : i1 to i32
    %sign3A_14 = arith.constant 0 : i32
    %sign3A_15 = arith.cmpi slt, %jit3A, %sign3A_14 : i32
    %sign3A_16 = arith.extui %sign3A_15 : i1 to i32
    %sign3A_17 = arith.subi %sign3A_13, %sign3A_16 : i32
    %ne3A = arith.cmpi ne, %sign3A_10, %sign3A_17 : i32
    %rem3A = arith.remsi %mul3A_4, %jit3A : i32
    %ne3A_18 = arith.constant 0 : i32
    %ne3A_19 = arith.cmpi ne, %rem3A, %ne3A_18 : i32
    %and3A = arith.andi %ne3A, %ne3A_19 : i1
    %sub3A = arith.constant 1 : i32
    %sub3A_20 = arith.subi %div3A, %sub3A : i32
    %select_n3A = arith.select %and3A, %sub3A_20, %div3A : i32
    %jit3A_21 = arith.constant 4096 : i32
    %eq3A = arith.constant 0 : i32
    %eq3A_22 = arith.cmpi eq, %jit3A_21, %eq3A : i32
    %jit3A_23 = arith.constant 1 : i32
    %select_n3A_24 = arith.select %eq3A_22, %jit3A_23, %jit3A_21 : i32
    %rem3A_25 = arith.remsi %mul3A_4, %select_n3A_24 : i32
    %ne3A_26 = arith.constant 0 : i32
    %ne3A_27 = arith.cmpi ne, %rem3A_25, %ne3A_26 : i32
    %lt3A = arith.constant 0 : i32
    %lt3A_28 = arith.cmpi slt, %rem3A_25, %lt3A : i32
    %lt3A_29 = arith.constant 0 : i32
    %lt3A_30 = arith.cmpi slt, %select_n3A_24, %lt3A_29 : i32
    %ne3A_31 = arith.xori %lt3A_28, %lt3A_30 : i1
    %and3A_32 = arith.andi %ne3A_31, %ne3A_27 : i1
    %add3A_33 = arith.addi %rem3A_25, %select_n3A_24 : i32
    %select_n3A_34 = arith.select %and3A_32, %add3A_33, %rem3A_25 : i32
    %add3A_35 = arith.constant 0 : i32
    %add3A_36 = arith.addi %select_n3A_34, %add3A_35 : i32
    %multiple_of3A = tpu.assume_multiple %add3A_36, 32 : i32
    %dma_start3A = arith.constant 0 : i32
    %dma_start3A_37 = tpu.memref_slice %arg2[%select_n3A, %multiple_of3A, %dma_start3A] : memref<4x4096x1024xf32, #tpu.memory_space<hbm>> -> memref<1x32x1024xf32, #tpu.memory_space<hbm>>
    %dma_start3A_38 = tpu.memref_squeeze %dma_start3A_37 : memref<1x32x1024xf32, #tpu.memory_space<hbm>> -> memref<32x1024xf32, #tpu.memory_space<hbm>>
    %dma_start3A_39 = arith.constant 0 : i32
    %dma_start3A_40 = tpu.memref_slice %arg2[%select_n3A, %multiple_of3A, %dma_start3A_39] : memref<4x4096x1024xf32, #tpu.memory_space<hbm>> -> memref<1x32x1024xf32, #tpu.memory_space<hbm>>
    %dma_start3A_41 = tpu.memref_squeeze %dma_start3A_40 : memref<1x32x1024xf32, #tpu.memory_space<hbm>> -> memref<32x1024xf32, #tpu.memory_space<hbm>>
    tpu.enqueue_dma source(%dma_start3A_41 : memref<32x1024xf32, #tpu.memory_space<hbm>>) target(%arg10 : memref<32x1024xf32, #tpu.memory_space<vmem>>) target_semaphore(%arg23 : memref<!tpu.dma_semaphore, #tpu.memory_space<semaphore_mem>>)
    %add3A_42 = arith.constant 32 : i32
    %add3A_43 = arith.addi %select_n3A_34, %add3A_42 : i32
    %multiple_of3A_44 = tpu.assume_multiple %add3A_43, 32 : i32
    %dma_start3A_45 = arith.constant 0 : i32
    %dma_start3A_46 = tpu.memref_slice %arg2[%select_n3A, %multiple_of3A_44, %dma_start3A_45] : memref<4x4096x1024xf32, #tpu.memory_space<hbm>> -> memref<1x32x1024xf32, #tpu.memory_space<hbm>>
    %dma_start3A_47 = tpu.memref_squeeze %dma_start3A_46 : memref<1x32x1024xf32, #tpu.memory_space<hbm>> -> memref<32x1024xf32, #tpu.memory_space<hbm>>
    %dma_start3A_48 = arith.constant 0 : i32
    %dma_start3A_49 = tpu.memref_slice %arg2[%select_n3A, %multiple_of3A_44, %dma_start3A_48] : memref<4x4096x1024xf32, #tpu.memory_space<hbm>> -> memref<1x32x1024xf32, #tpu.memory_space<hbm>>
    %dma_start3A_50 = tpu.memref_squeeze %dma_start3A_49 : memref<1x32x1024xf32, #tpu.memory_space<hbm>> -> memref<32x1024xf32, #tpu.memory_space<hbm>>
    tpu.enqueue_dma source(%dma_start3A_50 : memref<32x1024xf32, #tpu.memory_space<hbm>>) target(%arg11 : memref<32x1024xf32, #tpu.memory_space<vmem>>) target_semaphore(%arg23 : memref<!tpu.dma_semaphore, #tpu.memory_space<semaphore_mem>>)
    %add3A_51 = arith.constant 64 : i32
    %add3A_52 = arith.addi %select_n3A_34, %add3A_51 : i32
    %multiple_of3A_53 = tpu.assume_multiple %add3A_52, 32 : i32
    %dma_start3A_54 = arith.constant 0 : i32
    %dma_start3A_55 = tpu.memref_slice %arg2[%select_n3A, %multiple_of3A_53, %dma_start3A_54] : memref<4x4096x1024xf32, #tpu.memory_space<hbm>> -> memref<1x32x1024xf32, #tpu.memory_space<hbm>>
    %dma_start3A_56 = tpu.memref_squeeze %dma_start3A_55 : memref<1x32x1024xf32, #tpu.memory_space<hbm>> -> memref<32x1024xf32, #tpu.memory_space<hbm>>
    %dma_start3A_57 = arith.constant 0 : i32
    %dma_start3A_58 = tpu.memref_slice %arg2[%select_n3A, %multiple_of3A_53, %dma_start3A_57] : memref<4x4096x1024xf32, #tpu.memory_space<hbm>> -> memref<1x32x1024xf32, #tpu.memory_space<hbm>>
    %dma_start3A_59 = tpu.memref_squeeze %dma_start3A_58 : memref<1x32x1024xf32, #tpu.memory_space<hbm>> -> memref<32x1024xf32, #tpu.memory_space<hbm>>
    tpu.enqueue_dma source(%dma_start3A_59 : memref<32x1024xf32, #tpu.memory_space<hbm>>) target(%arg12 : memref<32x1024xf32, #tpu.memory_space<vmem>>) target_semaphore(%arg23 : memref<!tpu.dma_semaphore, #tpu.memory_space<semaphore_mem>>)
    "tpu.region"() ({
      %run_scoped3A = tpu.sem_alloc : memref<!tpu.dma_semaphore, #tpu.memory_space<semaphore_mem>>
      %dma_start3A_1868 = tpu.memref_slice %arg3[%mul3A_0] : memref<16384xi32, #tpu.memory_space<hbm>> -> memref<1024xi32, #tpu.memory_space<hbm>>
      %dma_start3A_1869 = tpu.memref_slice %arg3[%mul3A_0] : memref<16384xi32, #tpu.memory_space<hbm>> -> memref<1024xi32, #tpu.memory_space<hbm>>
      tpu.enqueue_dma source(%dma_start3A_1869 : memref<1024xi32, #tpu.memory_space<hbm>>) target(%arg6 : memref<1024xi32, #tpu.memory_space<vmem>>) target_semaphore(%run_scoped3A : memref<!tpu.dma_semaphore, #tpu.memory_space<semaphore_mem>>)
      %dma_wait3A_1870 = tpu.memref_slice %arg3[%mul3A_0] : memref<16384xi32, #tpu.memory_space<hbm>> -> memref<1024xi32, #tpu.memory_space<hbm>>
      %dma_wait3A_1871 = tpu.memref_slice %arg3[%mul3A_0] : memref<16384xi32, #tpu.memory_space<hbm>> -> memref<1024xi32, #tpu.memory_space<hbm>>
      tpu.wait_dma2 semaphore(%run_scoped3A : memref<!tpu.dma_semaphore, #tpu.memory_space<semaphore_mem>>) src(%dma_wait3A_1871 : memref<1024xi32, #tpu.memory_space<hbm>>) dst(%arg6 : memref<1024xi32, #tpu.memory_space<vmem>>)
      tpu.yield
    }) : () -> ()
    "tpu.region"() ({
      %run_scoped3A = tpu.sem_alloc : memref<!tpu.dma_semaphore, #tpu.memory_space<semaphore_mem>>
      %dma_start3A_1868 = tpu.memref_slice %arg4[%mul3A_0] : memref<16384xf32, #tpu.memory_space<hbm>> -> memref<1024xf32, #tpu.memory_space<hbm>>
      %dma_start3A_1869 = tpu.memref_slice %arg4[%mul3A_0] : memref<16384xf32, #tpu.memory_space<hbm>> -> memref<1024xf32, #tpu.memory_space<hbm>>
      tpu.enqueue_dma source(%dma_start3A_1869 : memref<1024xf32, #tpu.memory_space<hbm>>) target(%arg7 : memref<1024xf32, #tpu.memory_space<vmem>>) target_semaphore(%run_scoped3A : memref<!tpu.dma_semaphore, #tpu.memory_space<semaphore_mem>>)
      %dma_wait3A_1870 = tpu.memref_slice %arg4[%mul3A_0] : memref<16384xf32, #tpu.memory_space<hbm>> -> memref<1024xf32, #tpu.memory_space<hbm>>
      %dma_wait3A_1871 = tpu.memref_slice %arg4[%mul3A_0] : memref<16384xf32, #tpu.memory_space<hbm>> -> memref<1024xf32, #tpu.memory_space<hbm>>
      tpu.wait_dma2 semaphore(%run_scoped3A : memref<!tpu.dma_semaphore, #tpu.memory_space<semaphore_mem>>) src(%dma_wait3A_1871 : memref<1024xf32, #tpu.memory_space<hbm>>) dst(%arg7 : memref<1024xf32, #tpu.memory_space<vmem>>)
      tpu.yield
    }) : () -> ()
    "tpu.region"() ({
      %run_scoped3A = tpu.sem_alloc : memref<!tpu.dma_semaphore, #tpu.memory_space<semaphore_mem>>
      %dma_start3A_1868 = tpu.memref_slice %arg3[%mul3A_4] : memref<16384xi32, #tpu.memory_space<hbm>> -> memref<512xi32, #tpu.memory_space<hbm>>
      %dma_start3A_1869 = tpu.memref_slice %arg3[%mul3A_4] : memref<16384xi32, #tpu.memory_space<hbm>> -> memref<512xi32, #tpu.memory_space<hbm>>
      tpu.enqueue_dma source(%dma_start3A_1869 : memref<512xi32, #tpu.memory_space<hbm>>) target(%arg8 : memref<512xi32, #tpu.memory_space<vmem>>) target_semaphore(%run_scoped3A : memref<!tpu.dma_semaphore, #tpu.memory_space<semaphore_mem>>)
      %dma_wait3A_1870 = tpu.memref_slice %arg3[%mul3A_4] : memref<16384xi32, #tpu.memory_space<hbm>> -> memref<512xi32, #tpu.memory_space<hbm>>
      %dma_wait3A_1871 = tpu.memref_slice %arg3[%mul3A_4] : memref<16384xi32, #tpu.memory_space<hbm>> -> memref<512xi32, #tpu.memory_space<hbm>>
      tpu.wait_dma2 semaphore(%run_scoped3A : memref<!tpu.dma_semaphore, #tpu.memory_space<semaphore_mem>>) src(%dma_wait3A_1871 : memref<512xi32, #tpu.memory_space<hbm>>) dst(%arg8 : memref<512xi32, #tpu.memory_space<vmem>>)
      tpu.yield
    }) : () -> ()
    "tpu.region"() ({
      %run_scoped3A = tpu.sem_alloc : memref<!tpu.dma_semaphore, #tpu.memory_space<semaphore_mem>>
      %dma_start3A_1868 = tpu.memref_slice %arg4[%mul3A_4] : memref<16384xf32, #tpu.memory_space<hbm>> -> memref<512xf32, #tpu.memory_space<hbm>>
      %dma_start3A_1869 = tpu.memref_slice %arg4[%mul3A_4] : memref<16384xf32, #tpu.memory_space<hbm>> -> memref<512xf32, #tpu.memory_space<hbm>>
      tpu.enqueue_dma source(%dma_start3A_1869 : memref<512xf32, #tpu.memory_space<hbm>>) target(%arg9 : memref<512xf32, #tpu.memory_space<vmem>>) target_semaphore(%run_scoped3A : memref<!tpu.dma_semaphore, #tpu.memory_space<semaphore_mem>>)
      %dma_wait3A_1870 = tpu.memref_slice %arg4[%mul3A_4] : memref<16384xf32, #tpu.memory_space<hbm>> -> memref<512xf32, #tpu.memory_space<hbm>>
      %dma_wait3A_1871 = tpu.memref_slice %arg4[%mul3A_4] : memref<16384xf32, #tpu.memory_space<hbm>> -> memref<512xf32, #tpu.memory_space<hbm>>
      tpu.wait_dma2 semaphore(%run_scoped3A : memref<!tpu.dma_semaphore, #tpu.memory_space<semaphore_mem>>) src(%dma_wait3A_1871 : memref<512xf32, #tpu.memory_space<hbm>>) dst(%arg9 : memref<512xf32, #tpu.memory_space<vmem>>)
      tpu.yield
    }) : () -> ()
    %scan3A = arith.constant 0 : i32
    %scan3A_60 = arith.constant 1024 : i32
    %scan3A_61 = arith.addi %scan3A, %scan3A_60 : i32
    %scan3A_62 = arith.constant 8 : i32
    scf.for %scan3A_1868 = %scan3A to %scan3A_61 step %scan3A_62  : i32 {
      %mul3A_1869 = arith.constant 1 : i32
      %mul3A_1870 = arith.muli %scan3A_1868, %mul3A_1869 : i32
      %add3A_1871 = arith.constant 0 : i32
      %add3A_1872 = arith.addi %add3A_1871, %mul3A_1870 : i32
      %broadcast_in_dim3A_1873 = arith.constant 0.000000e+00 : f32
      %broadcast_in_dim3A_1874 = vector.broadcast %broadcast_in_dim3A_1873 : f32 to vector<16xf32>
      %mul3A_1875 = arith.constant 16 : i32
      %mul3A_1876 = arith.muli %add3A_1872, %mul3A_1875 : i32
      %swap3A_1877 = arith.index_cast %mul3A_1876 : i32 to index
      %swap3A_1878 = tpu.vector_load %arg13[%swap3A_1877] {strides = array<i32>} : memref<16384xf32, #tpu.memory_space<vmem>>, vector<16xf32>,
      tpu.vector_store %arg13[%swap3A_1877], %broadcast_in_dim3A_1874 {strides = array<i32>} : memref<16384xf32, #tpu.memory_space<vmem>>, vector<16xf32>,
      %scan3A_1879 = arith.constant 1 : i32
      %scan3A_1880 = arith.addi %scan3A_1868, %scan3A_1879 : i32
      %mul3A_1881 = arith.constant 1 : i32
      %mul3A_1882 = arith.muli %scan3A_1880, %mul3A_1881 : i32
      %add3A_1883 = arith.constant 0 : i32
      %add3A_1884 = arith.addi %add3A_1883, %mul3A_1882 : i32
      %broadcast_in_dim3A_1885 = arith.constant 0.000000e+00 : f32
      %broadcast_in_dim3A_1886 = vector.broadcast %broadcast_in_dim3A_1885 : f32 to vector<16xf32>
      %mul3A_1887 = arith.constant 16 : i32
      %mul3A_1888 = arith.muli %add3A_1884, %mul3A_1887 : i32
      %swap3A_1889 = arith.index_cast %mul3A_1888 : i32 to index
      %swap3A_1890 = tpu.vector_load %arg13[%swap3A_1889] {strides = array<i32>} : memref<16384xf32, #tpu.memory_space<vmem>>, vector<16xf32>,
      tpu.vector_store %arg13[%swap3A_1889], %broadcast_in_dim3A_1886 {strides = array<i32>} : memref<16384xf32, #tpu.memory_space<vmem>>, vector<16xf32>,
      %scan3A_1891 = arith.constant 2 : i32
      %scan3A_1892 = arith.addi %scan3A_1868, %scan3A_1891 : i32
      %mul3A_1893 = arith.constant 1 : i32
      %mul3A_1894 = arith.muli %scan3A_1892, %mul3A_1893 : i32
      %add3A_1895 = arith.constant 0 : i32
      %add3A_1896 = arith.addi %add3A_1895, %mul3A_1894 : i32
      %broadcast_in_dim3A_1897 = arith.constant 0.000000e+00 : f32
      %broadcast_in_dim3A_1898 = vector.broadcast %broadcast_in_dim3A_1897 : f32 to vector<16xf32>
      %mul3A_1899 = arith.constant 16 : i32
      %mul3A_1900 = arith.muli %add3A_1896, %mul3A_1899 : i32
      %swap3A_1901 = arith.index_cast %mul3A_1900 : i32 to index
      %swap3A_1902 = tpu.vector_load %arg13[%swap3A_1901] {strides = array<i32>} : memref<16384xf32, #tpu.memory_space<vmem>>, vector<16xf32>,
      tpu.vector_store %arg13[%swap3A_1901], %broadcast_in_dim3A_1898 {strides = array<i32>} : memref<16384xf32, #tpu.memory_space<vmem>>, vector<16xf32>,
      %scan3A_1903 = arith.constant 3 : i32
      %scan3A_1904 = arith.addi %scan3A_1868, %scan3A_1903 : i32
      %mul3A_1905 = arith.constant 1 : i32
      %mul3A_1906 = arith.muli %scan3A_1904, %mul3A_1905 : i32
      %add3A_1907 = arith.constant 0 : i32
      %add3A_1908 = arith.addi %add3A_1907, %mul3A_1906 : i32
      %broadcast_in_dim3A_1909 = arith.constant 0.000000e+00 : f32
      %broadcast_in_dim3A_1910 = vector.broadcast %broadcast_in_dim3A_1909 : f32 to vector<16xf32>
      %mul3A_1911 = arith.constant 16 : i32
      %mul3A_1912 = arith.muli %add3A_1908, %mul3A_1911 : i32
      %swap3A_1913 = arith.index_cast %mul3A_1912 : i32 to index
      %swap3A_1914 = tpu.vector_load %arg13[%swap3A_1913] {strides = array<i32>} : memref<16384xf32, #tpu.memory_space<vmem>>, vector<16xf32>,
      tpu.vector_store %arg13[%swap3A_1913], %broadcast_in_dim3A_1910 {strides = array<i32>} : memref<16384xf32, #tpu.memory_space<vmem>>, vector<16xf32>,
      %scan3A_1915 = arith.constant 4 : i32
      %scan3A_1916 = arith.addi %scan3A_1868, %scan3A_1915 : i32
      %mul3A_1917 = arith.constant 1 : i32
      %mul3A_1918 = arith.muli %scan3A_1916, %mul3A_1917 : i32
      %add3A_1919 = arith.constant 0 : i32
      %add3A_1920 = arith.addi %add3A_1919, %mul3A_1918 : i32
      %broadcast_in_dim3A_1921 = arith.constant 0.000000e+00 : f32
      %broadcast_in_dim3A_1922 = vector.broadcast %broadcast_in_dim3A_1921 : f32 to vector<16xf32>
      %mul3A_1923 = arith.constant 16 : i32
      %mul3A_1924 = arith.muli %add3A_1920, %mul3A_1923 : i32
      %swap3A_1925 = arith.index_cast %mul3A_1924 : i32 to index
      %swap3A_1926 = tpu.vector_load %arg13[%swap3A_1925] {strides = array<i32>} : memref<16384xf32, #tpu.memory_space<vmem>>, vector<16xf32>,
      tpu.vector_store %arg13[%swap3A_1925], %broadcast_in_dim3A_1922 {strides = array<i32>} : memref<16384xf32, #tpu.memory_space<vmem>>, vector<16xf32>,
      %scan3A_1927 = arith.constant 5 : i32
      %scan3A_1928 = arith.addi %scan3A_1868, %scan3A_1927 : i32
      %mul3A_1929 = arith.constant 1 : i32
      %mul3A_1930 = arith.muli %scan3A_1928, %mul3A_1929 : i32
      %add3A_1931 = arith.constant 0 : i32
      %add3A_1932 = arith.addi %add3A_1931, %mul3A_1930 : i32
      %broadcast_in_dim3A_1933 = arith.constant 0.000000e+00 : f32
      %broadcast_in_dim3A_1934 = vector.broadcast %broadcast_in_dim3A_1933 : f32 to vector<16xf32>
      %mul3A_1935 = arith.constant 16 : i32
      %mul3A_1936 = arith.muli %add3A_1932, %mul3A_1935 : i32
      %swap3A_1937 = arith.index_cast %mul3A_1936 : i32 to index
      %swap3A_1938 = tpu.vector_load %arg13[%swap3A_1937] {strides = array<i32>} : memref<16384xf32, #tpu.memory_space<vmem>>, vector<16xf32>,
      tpu.vector_store %arg13[%swap3A_1937], %broadcast_in_dim3A_1934 {strides = array<i32>} : memref<16384xf32, #tpu.memory_space<vmem>>, vector<16xf32>,
      %scan3A_1939 = arith.constant 6 : i32
      %scan3A_1940 = arith.addi %scan3A_1868, %scan3A_1939 : i32
      %mul3A_1941 = arith.constant 1 : i32
      %mul3A_1942 = arith.muli %scan3A_1940, %mul3A_1941 : i32
      %add3A_1943 = arith.constant 0 : i32
      %add3A_1944 = arith.addi %add3A_1943, %mul3A_1942 : i32
      %broadcast_in_dim3A_1945 = arith.constant 0.000000e+00 : f32
      %broadcast_in_dim3A_1946 = vector.broadcast %broadcast_in_dim3A_1945 : f32 to vector<16xf32>
      %mul3A_1947 = arith.constant 16 : i32
      %mul3A_1948 = arith.muli %add3A_1944, %mul3A_1947 : i32
      %swap3A_1949 = arith.index_cast %mul3A_1948 : i32 to index
      %swap3A_1950 = tpu.vector_load %arg13[%swap3A_1949] {strides = array<i32>} : memref<16384xf32, #tpu.memory_space<vmem>>, vector<16xf32>,
      tpu.vector_store %arg13[%swap3A_1949], %broadcast_in_dim3A_1946 {strides = array<i32>} : memref<16384xf32, #tpu.memory_space<vmem>>, vector<16xf32>,
      %scan3A_1951 = arith.constant 7 : i32
      %scan3A_1952 = arith.addi %scan3A_1868, %scan3A_1951 : i32
      %mul3A_1953 = arith.constant 1 : i32
      %mul3A_1954 = arith.muli %scan3A_1952, %mul3A_1953 : i32
      %add3A_1955 = arith.constant 0 : i32
      %add3A_1956 = arith.addi %add3A_1955, %mul3A_1954 : i32
      %broadcast_in_dim3A_1957 = arith.constant 0.000000e+00 : f32
      %broadcast_in_dim3A_1958 = vector.broadcast %broadcast_in_dim3A_1957 : f32 to vector<16xf32>
      %mul3A_1959 = arith.constant 16 : i32
      %mul3A_1960 = arith.muli %add3A_1956, %mul3A_1959 : i32
      %swap3A_1961 = arith.index_cast %mul3A_1960 : i32 to index
      %swap3A_1962 = tpu.vector_load %arg13[%swap3A_1961] {strides = array<i32>} : memref<16384xf32, #tpu.memory_space<vmem>>, vector<16xf32>,
      tpu.vector_store %arg13[%swap3A_1961], %broadcast_in_dim3A_1958 {strides = array<i32>} : memref<16384xf32, #tpu.memory_space<vmem>>, vector<16xf32>,
    }
    %scan3A_63 = arith.constant 1024 : i32
    %scan3A_64 = arith.constant 0 : i32
    %scan3A_65 = arith.constant 64 : i32
    %scan3A_66 = arith.addi %scan3A_64, %scan3A_65 : i32
    %scan3A_67 = arith.constant 4 : i32
    scf.for %scan3A_1868 = %scan3A_64 to %scan3A_66 step %scan3A_67  : i32 {
      %mul3A_1869 = arith.constant 1 : i32
      %mul3A_1870 = arith.muli %scan3A_1868, %mul3A_1869 : i32
      %add3A_1871 = arith.constant 0 : i32
      %add3A_1872 = arith.addi %add3A_1871, %mul3A_1870 : i32
      %mul3A_1873 = arith.constant 16 : i32
      %mul3A_1874 = arith.muli %add3A_1872, %mul3A_1873 : i32
      %get3A_1875 = arith.index_cast %mul3A_1874 : i32 to index
      %get3A_1876 = tpu.vector_load %arg6[%get3A_1875] {strides = array<i32>} : memref<1024xi32, #tpu.memory_space<vmem>>, vector<16xi32>,
      %mul3A_1877 = arith.constant 16 : i32
      %mul3A_1878 = arith.muli %add3A_1872, %mul3A_1877 : i32
      %get3A_1879 = arith.index_cast %mul3A_1878 : i32 to index
      %get3A_1880 = tpu.vector_load %arg7[%get3A_1879] {strides = array<i32>} : memref<1024xf32, #tpu.memory_space<vmem>>, vector<16xf32>,
      %mul3A_1881 = arith.constant 1024 : i32
      %mul3A_1882 = vector.broadcast %mul3A_1881 : i32 to vector<16xi32>
      %mul3A_1883 = arith.muli %iota3A, %mul3A_1882 : vector<16xi32>
      %add3A_1884 = arith.addi %mul3A_1883, %get3A_1876 : vector<16xi32>
      tpu.vector_store_idx %arg13[%add3A_1884], %get3A_1880 {add = true} : memref<16384xf32, #tpu.memory_space<vmem>>[vector<16xi32>], vector<16xf32>,
      %scan3A_1885 = arith.constant 1 : i32
      %scan3A_1886 = arith.addi %scan3A_1868, %scan3A_1885 : i32
      %mul3A_1887 = arith.constant 1 : i32
      %mul3A_1888 = arith.muli %scan3A_1886, %mul3A_1887 : i32
      %add3A_1889 = arith.constant 0 : i32
      %add3A_1890 = arith.addi %add3A_1889, %mul3A_1888 : i32
      %mul3A_1891 = arith.constant 16 : i32
      %mul3A_1892 = arith.muli %add3A_1890, %mul3A_1891 : i32
      %get3A_1893 = arith.index_cast %mul3A_1892 : i32 to index
      %get3A_1894 = tpu.vector_load %arg6[%get3A_1893] {strides = array<i32>} : memref<1024xi32, #tpu.memory_space<vmem>>, vector<16xi32>,
      %mul3A_1895 = arith.constant 16 : i32
      %mul3A_1896 = arith.muli %add3A_1890, %mul3A_1895 : i32
      %get3A_1897 = arith.index_cast %mul3A_1896 : i32 to index
      %get3A_1898 = tpu.vector_load %arg7[%get3A_1897] {strides = array<i32>} : memref<1024xf32, #tpu.memory_space<vmem>>, vector<16xf32>,
      %mul3A_1899 = arith.constant 1024 : i32
      %mul3A_1900 = vector.broadcast %mul3A_1899 : i32 to vector<16xi32>
      %mul3A_1901 = arith.muli %iota3A, %mul3A_1900 : vector<16xi32>
      %add3A_1902 = arith.addi %mul3A_1901, %get3A_1894 : vector<16xi32>
      tpu.vector_store_idx %arg13[%add3A_1902], %get3A_1898 {add = true} : memref<16384xf32, #tpu.memory_space<vmem>>[vector<16xi32>], vector<16xf32>,
      %scan3A_1903 = arith.constant 2 : i32
      %scan3A_1904 = arith.addi %scan3A_1868, %scan3A_1903 : i32
      %mul3A_1905 = arith.constant 1 : i32
      %mul3A_1906 = arith.muli %scan3A_1904, %mul3A_1905 : i32
      %add3A_1907 = arith.constant 0 : i32
      %add3A_1908 = arith.addi %add3A_1907, %mul3A_1906 : i32
      %mul3A_1909 = arith.constant 16 : i32
      %mul3A_1910 = arith.muli %add3A_1908, %mul3A_1909 : i32
      %get3A_1911 = arith.index_cast %mul3A_1910 : i32 to index
      %get3A_1912 = tpu.vector_load %arg6[%get3A_1911] {strides = array<i32>} : memref<1024xi32, #tpu.memory_space<vmem>>, vector<16xi32>,
      %mul3A_1913 = arith.constant 16 : i32
      %mul3A_1914 = arith.muli %add3A_1908, %mul3A_1913 : i32
      %get3A_1915 = arith.index_cast %mul3A_1914 : i32 to index
      %get3A_1916 = tpu.vector_load %arg7[%get3A_1915] {strides = array<i32>} : memref<1024xf32, #tpu.memory_space<vmem>>, vector<16xf32>,
      %mul3A_1917 = arith.constant 1024 : i32
      %mul3A_1918 = vector.broadcast %mul3A_1917 : i32 to vector<16xi32>
      %mul3A_1919 = arith.muli %iota3A, %mul3A_1918 : vector<16xi32>
      %add3A_1920 = arith.addi %mul3A_1919, %get3A_1912 : vector<16xi32>
      tpu.vector_store_idx %arg13[%add3A_1920], %get3A_1916 {add = true} : memref<16384xf32, #tpu.memory_space<vmem>>[vector<16xi32>], vector<16xf32>,
      %scan3A_1921 = arith.constant 3 : i32
      %scan3A_1922 = arith.addi %scan3A_1868, %scan3A_1921 : i32
      %mul3A_1923 = arith.constant 1 : i32
      %mul3A_1924 = arith.muli %scan3A_1922, %mul3A_1923 : i32
      %add3A_1925 = arith.constant 0 : i32
      %add3A_1926 = arith.addi %add3A_1925, %mul3A_1924 : i32
      %mul3A_1927 = arith.constant 16 : i32
      %mul3A_1928 = arith.muli %add3A_1926, %mul3A_1927 : i32
      %get3A_1929 = arith.index_cast %mul3A_1928 : i32 to index
      %get3A_1930 = tpu.vector_load %arg6[%get3A_1929] {strides = array<i32>} : memref<1024xi32, #tpu.memory_space<vmem>>, vector<16xi32>,
      %mul3A_1931 = arith.constant 16 : i32
      %mul3A_1932 = arith.muli %add3A_1926, %mul3A_1931 : i32
      %get3A_1933 = arith.index_cast %mul3A_1932 : i32 to index
      %get3A_1934 = tpu.vector_load %arg7[%get3A_1933] {strides = array<i32>} : memref<1024xf32, #tpu.memory_space<vmem>>, vector<16xf32>,
      %mul3A_1935 = arith.constant 1024 : i32
      %mul3A_1936 = vector.broadcast %mul3A_1935 : i32 to vector<16xi32>
      %mul3A_1937 = arith.muli %iota3A, %mul3A_1936 : vector<16xi32>
      %add3A_1938 = arith.addi %mul3A_1937, %get3A_1930 : vector<16xi32>
      tpu.vector_store_idx %arg13[%add3A_1938], %get3A_1934 {add = true} : memref<16384xf32, #tpu.memory_space<vmem>>[vector<16xi32>], vector<16xf32>,
    }
    %scan3A_68 = arith.constant 64 : i32
    %scan3A_69 = arith.constant 0 : i32
    %scan3A_70 = arith.constant 64 : i32
    %scan3A_71 = arith.addi %scan3A_69, %scan3A_70 : i32
    %scan3A_72 = arith.constant 1 : i32
    scf.for %scan3A_1868 = %scan3A_69 to %scan3A_71 step %scan3A_72  : i32 {
      %mul3A_1869 = arith.constant 1 : i32
      %mul3A_1870 = arith.muli %scan3A_1868, %mul3A_1869 : i32
      %add3A_1871 = arith.constant 0 : i32
      %add3A_1872 = arith.addi %add3A_1871, %mul3A_1870 : i32
      %broadcast_in_dim3A_1873 = arith.constant 0.000000e+00 : f32
      %broadcast_in_dim3A_1874 = vector.broadcast %broadcast_in_dim3A_1873 : f32 to vector<16xf32>
      %mul3A_1875 = arith.constant 16 : i32
      %mul3A_1876 = arith.muli %add3A_1872, %mul3A_1875 : i32
      %add3A_1877 = arith.constant 0 : i32
      %add3A_1878 = arith.addi %add3A_1877, %mul3A_1876 : i32
      %get3A_1879 = arith.index_cast %add3A_1878 : i32 to index
      %get3A_1880 = tpu.vector_load %arg13[%get3A_1879] {strides = array<i32>} : memref<16384xf32, #tpu.memory_space<vmem>>, vector<16xf32>,
      %add3A_1881 = arith.addf %broadcast_in_dim3A_1874, %get3A_1880 : vector<16xf32>
      %mul3A_1882 = arith.constant 16 : i32
      %mul3A_1883 = arith.muli %add3A_1872, %mul3A_1882 : i32
      %add3A_1884 = arith.constant 1024 : i32
      %add3A_1885 = arith.addi %add3A_1884, %mul3A_1883 : i32
      %get3A_1886 = arith.index_cast %add3A_1885 : i32 to index
      %get3A_1887 = tpu.vector_load %arg13[%get3A_1886] {strides = array<i32>} : memref<16384xf32, #tpu.memory_space<vmem>>, vector<16xf32>,
      %add3A_1888 = arith.addf %add3A_1881, %get3A_1887 : vector<16xf32>
      %mul3A_1889 = arith.constant 16 : i32
      %mul3A_1890 = arith.muli %add3A_1872, %mul3A_1889 : i32
      %add3A_1891 = arith.constant 2048 : i32
      %add3A_1892 = arith.addi %add3A_1891, %mul3A_1890 : i32
      %get3A_1893 = arith.index_cast %add3A_1892 : i32 to index
      %get3A_1894 = tpu.vector_load %arg13[%get3A_1893] {strides = array<i32>} : memref<16384xf32, #tpu.memory_space<vmem>>, vector<16xf32>,
      %add3A_1895 = arith.addf %add3A_1888, %get3A_1894 : vector<16xf32>
      %mul3A_1896 = arith.constant 16 : i32
      %mul3A_1897 = arith.muli %add3A_1872, %mul3A_1896 : i32
      %add3A_1898 = arith.constant 3072 : i32
      %add3A_1899 = arith.addi %add3A_1898, %mul3A_1897 : i32
      %get3A_1900 = arith.index_cast %add3A_1899 : i32 to index
      %get3A_1901 = tpu.vector_load %arg13[%get3A_1900] {strides = array<i32>} : memref<16384xf32, #tpu.memory_space<vmem>>, vector<16xf32>,
      %add3A_1902 = arith.addf %add3A_1895, %get3A_1901 : vector<16xf32>
      %mul3A_1903 = arith.constant 16 : i32
      %mul3A_1904 = arith.muli %add3A_1872, %mul3A_1903 : i32
      %add3A_1905 = arith.constant 4096 : i32
      %add3A_1906 = arith.addi %add3A_1905, %mul3A_1904 : i32
      %get3A_1907 = arith.index_cast %add3A_1906 : i32 to index
      %get3A_1908 = tpu.vector_load %arg13[%get3A_1907] {strides = array<i32>} : memref<16384xf32, #tpu.memory_space<vmem>>, vector<16xf32>,
      %add3A_1909 = arith.addf %add3A_1902, %get3A_1908 : vector<16xf32>
      %mul3A_1910 = arith.constant 16 : i32
      %mul3A_1911 = arith.muli %add3A_1872, %mul3A_1910 : i32
      %add3A_1912 = arith.constant 5120 : i32
      %add3A_1913 = arith.addi %add3A_1912, %mul3A_1911 : i32
      %get3A_1914 = arith.index_cast %add3A_1913 : i32 to index
      %get3A_1915 = tpu.vector_load %arg13[%get3A_1914] {strides = array<i32>} : memref<16384xf32, #tpu.memory_space<vmem>>, vector<16xf32>,
      %add3A_1916 = arith.addf %add3A_1909, %get3A_1915 : vector<16xf32>
      %mul3A_1917 = arith.constant 16 : i32
      %mul3A_1918 = arith.muli %add3A_1872, %mul3A_1917 : i32
      %add3A_1919 = arith.constant 6144 : i32
      %add3A_1920 = arith.addi %add3A_1919, %mul3A_1918 : i32
      %get3A_1921 = arith.index_cast %add3A_1920 : i32 to index
      %get3A_1922 = tpu.vector_load %arg13[%get3A_1921] {strides = array<i32>} : memref<16384xf32, #tpu.memory_space<vmem>>, vector<16xf32>,
      %add3A_1923 = arith.addf %add3A_1916, %get3A_1922 : vector<16xf32>
      %mul3A_1924 = arith.constant 16 : i32
      %mul3A_1925 = arith.muli %add3A_1872, %mul3A_1924 : i32
      %add3A_1926 = arith.constant 7168 : i32
      %add3A_1927 = arith.addi %add3A_1926, %mul3A_1925 : i32
      %get3A_1928 = arith.index_cast %add3A_1927 : i32 to index
      %get3A_1929 = tpu.vector_load %arg13[%get3A_1928] {strides = array<i32>} : memref<16384xf32, #tpu.memory_space<vmem>>, vector<16xf32>,
      %add3A_1930 = arith.addf %add3A_1923, %get3A_1929 : vector<16xf32>
      %mul3A_1931 = arith.constant 16 : i32
      %mul3A_1932 = arith.muli %add3A_1872, %mul3A_1931 : i32
      %add3A_1933 = arith.constant 8192 : i32
      %add3A_1934 = arith.addi %add3A_1933, %mul3A_1932 : i32
      %get3A_1935 = arith.index_cast %add3A_1934 : i32 to index
      %get3A_1936 = tpu.vector_load %arg13[%get3A_1935] {strides = array<i32>} : memref<16384xf32, #tpu.memory_space<vmem>>, vector<16xf32>,
      %add3A_1937 = arith.addf %add3A_1930, %get3A_1936 : vector<16xf32>
      %mul3A_1938 = arith.constant 16 : i32
      %mul3A_1939 = arith.muli %add3A_1872, %mul3A_1938 : i32
      %add3A_1940 = arith.constant 9216 : i32
      %add3A_1941 = arith.addi %add3A_1940, %mul3A_1939 : i32
      %get3A_1942 = arith.index_cast %add3A_1941 : i32 to index
      %get3A_1943 = tpu.vector_load %arg13[%get3A_1942] {strides = array<i32>} : memref<16384xf32, #tpu.memory_space<vmem>>, vector<16xf32>,
      %add3A_1944 = arith.addf %add3A_1937, %get3A_1943 : vector<16xf32>
      %mul3A_1945 = arith.constant 16 : i32
      %mul3A_1946 = arith.muli %add3A_1872, %mul3A_1945 : i32
      %add3A_1947 = arith.constant 10240 : i32
      %add3A_1948 = arith.addi %add3A_1947, %mul3A_1946 : i32
      %get3A_1949 = arith.index_cast %add3A_1948 : i32 to index
      %get3A_1950 = tpu.vector_load %arg13[%get3A_1949] {strides = array<i32>} : memref<16384xf32, #tpu.memory_space<vmem>>, vector<16xf32>,
      %add3A_1951 = arith.addf %add3A_1944, %get3A_1950 : vector<16xf32>
      %mul3A_1952 = arith.constant 16 : i32
      %mul3A_1953 = arith.muli %add3A_1872, %mul3A_1952 : i32
      %add3A_1954 = arith.constant 11264 : i32
      %add3A_1955 = arith.addi %add3A_1954, %mul3A_1953 : i32
      %get3A_1956 = arith.index_cast %add3A_1955 : i32 to index
      %get3A_1957 = tpu.vector_load %arg13[%get3A_1956] {strides = array<i32>} : memref<16384xf32, #tpu.memory_space<vmem>>, vector<16xf32>,
      %add3A_1958 = arith.addf %add3A_1951, %get3A_1957 : vector<16xf32>
      %mul3A_1959 = arith.constant 16 : i32
      %mul3A_1960 = arith.muli %add3A_1872, %mul3A_1959 : i32
      %add3A_1961 = arith.constant 12288 : i32
      %add3A_1962 = arith.addi %add3A_1961, %mul3A_1960 : i32
      %get3A_1963 = arith.index_cast %add3A_1962 : i32 to index
      %get3A_1964 = tpu.vector_load %arg13[%get3A_1963] {strides = array<i32>} : memref<16384xf32, #tpu.memory_space<vmem>>, vector<16xf32>,
      %add3A_1965 = arith.addf %add3A_1958, %get3A_1964 : vector<16xf32>
      %mul3A_1966 = arith.constant 16 : i32
      %mul3A_1967 = arith.muli %add3A_1872, %mul3A_1966 : i32
      %add3A_1968 = arith.constant 13312 : i32
      %add3A_1969 = arith.addi %add3A_1968, %mul3A_1967 : i32
      %get3A_1970 = arith.index_cast %add3A_1969 : i32 to index
      %get3A_1971 = tpu.vector_load %arg13[%get3A_1970] {strides = array<i32>} : memref<16384xf32, #tpu.memory_space<vmem>>, vector<16xf32>,
      %add3A_1972 = arith.addf %add3A_1965, %get3A_1971 : vector<16xf32>
      %mul3A_1973 = arith.constant 16 : i32
      %mul3A_1974 = arith.muli %add3A_1872, %mul3A_1973 : i32
      %add3A_1975 = arith.constant 14336 : i32
      %add3A_1976 = arith.addi %add3A_1975, %mul3A_1974 : i32
      %get3A_1977 = arith.index_cast %add3A_1976 : i32 to index
      %get3A_1978 = tpu.vector_load %arg13[%get3A_1977] {strides = array<i32>} : memref<16384xf32, #tpu.memory_space<vmem>>, vector<16xf32>,
      %add3A_1979 = arith.addf %add3A_1972, %get3A_1978 : vector<16xf32>
      %mul3A_1980 = arith.constant 16 : i32
      %mul3A_1981 = arith.muli %add3A_1872, %mul3A_1980 : i32
      %add3A_1982 = arith.constant 15360 : i32
      %add3A_1983 = arith.addi %add3A_1982, %mul3A_1981 : i32
      %get3A_1984 = arith.index_cast %add3A_1983 : i32 to index
      %get3A_1985 = tpu.vector_load %arg13[%get3A_1984] {strides = array<i32>} : memref<16384xf32, #tpu.memory_space<vmem>>, vector<16xf32>,
      %add3A_1986 = arith.addf %add3A_1979, %get3A_1985 : vector<16xf32>
      %mul3A_1987 = arith.constant 16 : i32
      %mul3A_1988 = arith.muli %add3A_1872, %mul3A_1987 : i32
      %swap3A_1989 = arith.index_cast %mul3A_1988 : i32 to index
      %swap3A_1990 = tpu.vector_load %arg14[%swap3A_1989] {strides = array<i32>} : memref<1024xf32, #tpu.memory_space<vmem>>, vector<16xf32>,
      tpu.vector_store %arg14[%swap3A_1989], %add3A_1986 {strides = array<i32>} : memref<1024xf32, #tpu.memory_space<vmem>>, vector<16xf32>,
    }
    %scan3A_73 = arith.constant 64 : i32
    "tpu.region"() ({
      %run_scoped3A = tpu.sem_alloc : memref<!tpu.dma_semaphore, #tpu.memory_space<semaphore_mem>>
      %dma_start3A_1868 = arith.constant 0 : i32
      %dma_start3A_1869 = tpu.memref_slice %arg22[%arg1, %dma_start3A_1868] : memref<32x1024xf32, #tpu.memory_space<vmem_shared>> -> memref<1x1024xf32, #tpu.memory_space<vmem_shared>>
      %dma_start3A_1870 = tpu.memref_squeeze %dma_start3A_1869 : memref<1x1024xf32, #tpu.memory_space<vmem_shared>> -> memref<1024xf32, #tpu.memory_space<vmem_shared>>
      %dma_start3A_1871 = arith.constant 0 : i32
      %dma_start3A_1872 = tpu.memref_slice %arg22[%arg1, %dma_start3A_1871] : memref<32x1024xf32, #tpu.memory_space<vmem_shared>> -> memref<1x1024xf32, #tpu.memory_space<vmem_shared>>
      %dma_start3A_1873 = tpu.memref_squeeze %dma_start3A_1872 : memref<1x1024xf32, #tpu.memory_space<vmem_shared>> -> memref<1024xf32, #tpu.memory_space<vmem_shared>>
      tpu.enqueue_dma source(%arg14 : memref<1024xf32, #tpu.memory_space<vmem>>) target(%dma_start3A_1873 : memref<1024xf32, #tpu.memory_space<vmem_shared>>) target_semaphore(%run_scoped3A : memref<!tpu.dma_semaphore, #tpu.memory_space<semaphore_mem>>)
      %dma_wait3A_1874 = arith.constant 0 : i32
      %dma_wait3A_1875 = tpu.memref_slice %arg22[%arg1, %dma_wait3A_1874] : memref<32x1024xf32, #tpu.memory_space<vmem_shared>> -> memref<1x1024xf32, #tpu.memory_space<vmem_shared>>
      %dma_wait3A_1876 = tpu.memref_squeeze %dma_wait3A_1875 : memref<1x1024xf32, #tpu.memory_space<vmem_shared>> -> memref<1024xf32, #tpu.memory_space<vmem_shared>>
      %dma_wait3A_1877 = arith.constant 0 : i32
      %dma_wait3A_1878 = tpu.memref_slice %arg22[%arg1, %dma_wait3A_1877] : memref<32x1024xf32, #tpu.memory_space<vmem_shared>> -> memref<1x1024xf32, #tpu.memory_space<vmem_shared>>
      %dma_wait3A_1879 = tpu.memref_squeeze %dma_wait3A_1878 : memref<1x1024xf32, #tpu.memory_space<vmem_shared>> -> memref<1024xf32, #tpu.memory_space<vmem_shared>>
      tpu.wait_dma2 semaphore(%run_scoped3A : memref<!tpu.dma_semaphore, #tpu.memory_space<semaphore_mem>>) src(%arg14 : memref<1024xf32, #tpu.memory_space<vmem>>) dst(%dma_wait3A_1879 : memref<1024xf32, #tpu.memory_space<vmem_shared>>)
      tpu.yield
    }) : () -> ()
    %barrier3A = arith.constant 0 : index
    tpu.barrier barrier_id(%barrier3A)
    %mul3A_74 = arith.constant 64 : i32
    %mul3A_75 = arith.muli %arg1, %mul3A_74 : i32
    %dma_start3A_76 = arith.constant 0 : i32
    %dma_start3A_77 = arith.constant 0 : i32
    %dma_start3A_78 = arith.constant 0 : i32
    %dma_start3A_79 = tpu.memref_slice %arg15[%dma_start3A_77, %dma_start3A_78] : memref<16x64xf32, #tpu.memory_space<vmem>> -> memref<1x64xf32, #tpu.memory_space<vmem>>
    %dma_start3A_80 = tpu.memref_squeeze %dma_start3A_79 : memref<1x64xf32, #tpu.memory_space<vmem>> -> memref<64xf32, #tpu.memory_space<vmem>>
    %dma_start3A_81 = tpu.memref_slice %arg22[%dma_start3A_76, %mul3A_75] : memref<32x1024xf32, #tpu.memory_space<vmem_shared>> -> memref<1x64xf32, #tpu.memory_space<vmem_shared>>
    %dma_start3A_82 = tpu.memref_squeeze %dma_start3A_81 : memref<1x64xf32, #tpu.memory_space<vmem_shared>> -> memref<64xf32, #tpu.memory_space<vmem_shared>>
    %dma_start3A_83 = arith.constant 0 : i32
    %dma_start3A_84 = tpu.memref_slice %arg15[%dma_start3A_77, %dma_start3A_83] : memref<16x64xf32, #tpu.memory_space<vmem>> -> memref<1x64xf32, #tpu.memory_space<vmem>>
    %dma_start3A_85 = tpu.memref_squeeze %dma_start3A_84 : memref<1x64xf32, #tpu.memory_space<vmem>> -> memref<64xf32, #tpu.memory_space<vmem>>
    %dma_start3A_86 = tpu.memref_slice %arg22[%dma_start3A_76, %mul3A_75] : memref<32x1024xf32, #tpu.memory_space<vmem_shared>> -> memref<1x64xf32, #tpu.memory_space<vmem_shared>>
    %dma_start3A_87 = tpu.memref_squeeze %dma_start3A_86 : memref<1x64xf32, #tpu.memory_space<vmem_shared>> -> memref<64xf32, #tpu.memory_space<vmem_shared>>
    tpu.enqueue_dma source(%dma_start3A_87 : memref<64xf32, #tpu.memory_space<vmem_shared>>) target(%dma_start3A_85 : memref<64xf32, #tpu.memory_space<vmem>>) target_semaphore(%arg24 : memref<!tpu.dma_semaphore, #tpu.memory_space<semaphore_mem>>)
    %mul3A_88 = arith.constant 64 : i32
    %mul3A_89 = arith.muli %arg1, %mul3A_88 : i32
    %dma_start3A_90 = arith.constant 1 : i32
    %dma_start3A_91 = arith.constant 1 : i32
    %dma_start3A_92 = arith.constant 0 : i32
    %dma_start3A_93 = tpu.memref_slice %arg15[%dma_start3A_91, %dma_start3A_92] : memref<16x64xf32, #tpu.memory_space<vmem>> -> memref<1x64xf32, #tpu.memory_space<vmem>>
    %dma_start3A_94 = tpu.memref_squeeze %dma_start3A_93 : memref<1x64xf32, #tpu.memory_space<vmem>> -> memref<64xf32, #tpu.memory_space<vmem>>
    %dma_start3A_95 = tpu.memref_slice %arg22[%dma_start3A_90, %mul3A_89] : memref<32x1024xf32, #tpu.memory_space<vmem_shared>> -> memref<1x64xf32, #tpu.memory_space<vmem_shared>>
    %dma_start3A_96 = tpu.memref_squeeze %dma_start3A_95 : memref<1x64xf32, #tpu.memory_space<vmem_shared>> -> memref<64xf32, #tpu.memory_space<vmem_shared>>
    %dma_start3A_97 = arith.constant 0 : i32
    %dma_start3A_98 = tpu.memref_slice %arg15[%dma_start3A_91, %dma_start3A_97] : memref<16x64xf32, #tpu.memory_space<vmem>> -> memref<1x64xf32, #tpu.memory_space<vmem>>
    %dma_start3A_99 = tpu.memref_squeeze %dma_start3A_98 : memref<1x64xf32, #tpu.memory_space<vmem>> -> memref<64xf32, #tpu.memory_space<vmem>>
    %dma_start3A_100 = tpu.memref_slice %arg22[%dma_start3A_90, %mul3A_89] : memref<32x1024xf32, #tpu.memory_space<vmem_shared>> -> memref<1x64xf32, #tpu.memory_space<vmem_shared>>
    %dma_start3A_101 = tpu.memref_squeeze %dma_start3A_100 : memref<1x64xf32, #tpu.memory_space<vmem_shared>> -> memref<64xf32, #tpu.memory_space<vmem_shared>>
    tpu.enqueue_dma source(%dma_start3A_101 : memref<64xf32, #tpu.memory_space<vmem_shared>>) target(%dma_start3A_99 : memref<64xf32, #tpu.memory_space<vmem>>) target_semaphore(%arg24 : memref<!tpu.dma_semaphore, #tpu.memory_space<semaphore_mem>>)
    %mul3A_102 = arith.constant 64 : i32
    %mul3A_103 = arith.muli %arg1, %mul3A_102 : i32
    %dma_start3A_104 = arith.constant 2 : i32
    %dma_start3A_105 = arith.constant 2 : i32
    %dma_start3A_106 = arith.constant 0 : i32
    %dma_start3A_107 = tpu.memref_slice %arg15[%dma_start3A_105, %dma_start3A_106] : memref<16x64xf32, #tpu.memory_space<vmem>> -> memref<1x64xf32, #tpu.memory_space<vmem>>
    %dma_start3A_108 = tpu.memref_squeeze %dma_start3A_107 : memref<1x64xf32, #tpu.memory_space<vmem>> -> memref<64xf32, #tpu.memory_space<vmem>>
    %dma_start3A_109 = tpu.memref_slice %arg22[%dma_start3A_104, %mul3A_103] : memref<32x1024xf32, #tpu.memory_space<vmem_shared>> -> memref<1x64xf32, #tpu.memory_space<vmem_shared>>
    %dma_start3A_110 = tpu.memref_squeeze %dma_start3A_109 : memref<1x64xf32, #tpu.memory_space<vmem_shared>> -> memref<64xf32, #tpu.memory_space<vmem_shared>>
    %dma_start3A_111 = arith.constant 0 : i32
    %dma_start3A_112 = tpu.memref_slice %arg15[%dma_start3A_105, %dma_start3A_111] : memref<16x64xf32, #tpu.memory_space<vmem>> -> memref<1x64xf32, #tpu.memory_space<vmem>>
    %dma_start3A_113 = tpu.memref_squeeze %dma_start3A_112 : memref<1x64xf32, #tpu.memory_space<vmem>> -> memref<64xf32, #tpu.memory_space<vmem>>
    %dma_start3A_114 = tpu.memref_slice %arg22[%dma_start3A_104, %mul3A_103] : memref<32x1024xf32, #tpu.memory_space<vmem_shared>> -> memref<1x64xf32, #tpu.memory_space<vmem_shared>>
    %dma_start3A_115 = tpu.memref_squeeze %dma_start3A_114 : memref<1x64xf32, #tpu.memory_space<vmem_shared>> -> memref<64xf32, #tpu.memory_space<vmem_shared>>
    tpu.enqueue_dma source(%dma_start3A_115 : memref<64xf32, #tpu.memory_space<vmem_shared>>) target(%dma_start3A_113 : memref<64xf32, #tpu.memory_space<vmem>>) target_semaphore(%arg24 : memref<!tpu.dma_semaphore, #tpu.memory_space<semaphore_mem>>)
    %mul3A_116 = arith.constant 64 : i32
    %mul3A_117 = arith.muli %arg1, %mul3A_116 : i32
    %dma_start3A_118 = arith.constant 3 : i32
    %dma_start3A_119 = arith.constant 3 : i32
    %dma_start3A_120 = arith.constant 0 : i32
    %dma_start3A_121 = tpu.memref_slice %arg15[%dma_start3A_119, %dma_start3A_120] : memref<16x64xf32, #tpu.memory_space<vmem>> -> memref<1x64xf32, #tpu.memory_space<vmem>>
    %dma_start3A_122 = tpu.memref_squeeze %dma_start3A_121 : memref<1x64xf32, #tpu.memory_space<vmem>> -> memref<64xf32, #tpu.memory_space<vmem>>
    %dma_start3A_123 = tpu.memref_slice %arg22[%dma_start3A_118, %mul3A_117] : memref<32x1024xf32, #tpu.memory_space<vmem_shared>> -> memref<1x64xf32, #tpu.memory_space<vmem_shared>>
    %dma_start3A_124 = tpu.memref_squeeze %dma_start3A_123 : memref<1x64xf32, #tpu.memory_space<vmem_shared>> -> memref<64xf32, #tpu.memory_space<vmem_shared>>
    %dma_start3A_125 = arith.constant 0 : i32
    %dma_start3A_126 = tpu.memref_slice %arg15[%dma_start3A_119, %dma_start3A_125] : memref<16x64xf32, #tpu.memory_space<vmem>> -> memref<1x64xf32, #tpu.memory_space<vmem>>
    %dma_start3A_127 = tpu.memref_squeeze %dma_start3A_126 : memref<1x64xf32, #tpu.memory_space<vmem>> -> memref<64xf32, #tpu.memory_space<vmem>>
    %dma_start3A_128 = tpu.memref_slice %arg22[%dma_start3A_118, %mul3A_117] : memref<32x1024xf32, #tpu.memory_space<vmem_shared>> -> memref<1x64xf32, #tpu.memory_space<vmem_shared>>
    %dma_start3A_129 = tpu.memref_squeeze %dma_start3A_128 : memref<1x64xf32, #tpu.memory_space<vmem_shared>> -> memref<64xf32, #tpu.memory_space<vmem_shared>>
    tpu.enqueue_dma source(%dma_start3A_129 : memref<64xf32, #tpu.memory_space<vmem_shared>>) target(%dma_start3A_127 : memref<64xf32, #tpu.memory_space<vmem>>) target_semaphore(%arg24 : memref<!tpu.dma_semaphore, #tpu.memory_space<semaphore_mem>>)
    %mul3A_130 = arith.constant 64 : i32
    %mul3A_131 = arith.muli %arg1, %mul3A_130 : i32
    %dma_start3A_132 = arith.constant 4 : i32
    %dma_start3A_133 = arith.constant 4 : i32
    %dma_start3A_134 = arith.constant 0 : i32
    %dma_start3A_135 = tpu.memref_slice %arg15[%dma_start3A_133, %dma_start3A_134] : memref<16x64xf32, #tpu.memory_space<vmem>> -> memref<1x64xf32, #tpu.memory_space<vmem>>
    %dma_start3A_136 = tpu.memref_squeeze %dma_start3A_135 : memref<1x64xf32, #tpu.memory_space<vmem>> -> memref<64xf32, #tpu.memory_space<vmem>>
    %dma_start3A_137 = tpu.memref_slice %arg22[%dma_start3A_132, %mul3A_131] : memref<32x1024xf32, #tpu.memory_space<vmem_shared>> -> memref<1x64xf32, #tpu.memory_space<vmem_shared>>
    %dma_start3A_138 = tpu.memref_squeeze %dma_start3A_137 : memref<1x64xf32, #tpu.memory_space<vmem_shared>> -> memref<64xf32, #tpu.memory_space<vmem_shared>>
    %dma_start3A_139 = arith.constant 0 : i32
    %dma_start3A_140 = tpu.memref_slice %arg15[%dma_start3A_133, %dma_start3A_139] : memref<16x64xf32, #tpu.memory_space<vmem>> -> memref<1x64xf32, #tpu.memory_space<vmem>>
    %dma_start3A_141 = tpu.memref_squeeze %dma_start3A_140 : memref<1x64xf32, #tpu.memory_space<vmem>> -> memref<64xf32, #tpu.memory_space<vmem>>
    %dma_start3A_142 = tpu.memref_slice %arg22[%dma_start3A_132, %mul3A_131] : memref<32x1024xf32, #tpu.memory_space<vmem_shared>> -> memref<1x64xf32, #tpu.memory_space<vmem_shared>>
    %dma_start3A_143 = tpu.memref_squeeze %dma_start3A_142 : memref<1x64xf32, #tpu.memory_space<vmem_shared>> -> memref<64xf32, #tpu.memory_space<vmem_shared>>
    tpu.enqueue_dma source(%dma_start3A_143 : memref<64xf32, #tpu.memory_space<vmem_shared>>) target(%dma_start3A_141 : memref<64xf32, #tpu.memory_space<vmem>>) target_semaphore(%arg24 : memref<!tpu.dma_semaphore, #tpu.memory_space<semaphore_mem>>)
    %mul3A_144 = arith.constant 64 : i32
    %mul3A_145 = arith.muli %arg1, %mul3A_144 : i32
    %dma_start3A_146 = arith.constant 5 : i32
    %dma_start3A_147 = arith.constant 5 : i32
    %dma_start3A_148 = arith.constant 0 : i32
    %dma_start3A_149 = tpu.memref_slice %arg15[%dma_start3A_147, %dma_start3A_148] : memref<16x64xf32, #tpu.memory_space<vmem>> -> memref<1x64xf32, #tpu.memory_space<vmem>>
    %dma_start3A_150 = tpu.memref_squeeze %dma_start3A_149 : memref<1x64xf32, #tpu.memory_space<vmem>> -> memref<64xf32, #tpu.memory_space<vmem>>
    %dma_start3A_151 = tpu.memref_slice %arg22[%dma_start3A_146, %mul3A_145] : memref<32x1024xf32, #tpu.memory_space<vmem_shared>> -> memref<1x64xf32, #tpu.memory_space<vmem_shared>>
    %dma_start3A_152 = tpu.memref_squeeze %dma_start3A_151 : memref<1x64xf32, #tpu.memory_space<vmem_shared>> -> memref<64xf32, #tpu.memory_space<vmem_shared>>
    %dma_start3A_153 = arith.constant 0 : i32
    %dma_start3A_154 = tpu.memref_slice %arg15[%dma_start3A_147, %dma_start3A_153] : memref<16x64xf32, #tpu.memory_space<vmem>> -> memref<1x64xf32, #tpu.memory_space<vmem>>
    %dma_start3A_155 = tpu.memref_squeeze %dma_start3A_154 : memref<1x64xf32, #tpu.memory_space<vmem>> -> memref<64xf32, #tpu.memory_space<vmem>>
    %dma_start3A_156 = tpu.memref_slice %arg22[%dma_start3A_146, %mul3A_145] : memref<32x1024xf32, #tpu.memory_space<vmem_shared>> -> memref<1x64xf32, #tpu.memory_space<vmem_shared>>
    %dma_start3A_157 = tpu.memref_squeeze %dma_start3A_156 : memref<1x64xf32, #tpu.memory_space<vmem_shared>> -> memref<64xf32, #tpu.memory_space<vmem_shared>>
    tpu.enqueue_dma source(%dma_start3A_157 : memref<64xf32, #tpu.memory_space<vmem_shared>>) target(%dma_start3A_155 : memref<64xf32, #tpu.memory_space<vmem>>) target_semaphore(%arg24 : memref<!tpu.dma_semaphore, #tpu.memory_space<semaphore_mem>>)
    %mul3A_158 = arith.constant 64 : i32
    %mul3A_159 = arith.muli %arg1, %mul3A_158 : i32
    %dma_start3A_160 = arith.constant 6 : i32
    %dma_start3A_161 = arith.constant 6 : i32
    %dma_start3A_162 = arith.constant 0 : i32
    %dma_start3A_163 = tpu.memref_slice %arg15[%dma_start3A_161, %dma_start3A_162] : memref<16x64xf32, #tpu.memory_space<vmem>> -> memref<1x64xf32, #tpu.memory_space<vmem>>
    %dma_start3A_164 = tpu.memref_squeeze %dma_start3A_163 : memref<1x64xf32, #tpu.memory_space<vmem>> -> memref<64xf32, #tpu.memory_space<vmem>>
    %dma_start3A_165 = tpu.memref_slice %arg22[%dma_start3A_160, %mul3A_159] : memref<32x1024xf32, #tpu.memory_space<vmem_shared>> -> memref<1x64xf32, #tpu.memory_space<vmem_shared>>
    %dma_start3A_166 = tpu.memref_squeeze %dma_start3A_165 : memref<1x64xf32, #tpu.memory_space<vmem_shared>> -> memref<64xf32, #tpu.memory_space<vmem_shared>>
    %dma_start3A_167 = arith.constant 0 : i32
    %dma_start3A_168 = tpu.memref_slice %arg15[%dma_start3A_161, %dma_start3A_167] : memref<16x64xf32, #tpu.memory_space<vmem>> -> memref<1x64xf32, #tpu.memory_space<vmem>>
    %dma_start3A_169 = tpu.memref_squeeze %dma_start3A_168 : memref<1x64xf32, #tpu.memory_space<vmem>> -> memref<64xf32, #tpu.memory_space<vmem>>
    %dma_start3A_170 = tpu.memref_slice %arg22[%dma_start3A_160, %mul3A_159] : memref<32x1024xf32, #tpu.memory_space<vmem_shared>> -> memref<1x64xf32, #tpu.memory_space<vmem_shared>>
    %dma_start3A_171 = tpu.memref_squeeze %dma_start3A_170 : memref<1x64xf32, #tpu.memory_space<vmem_shared>> -> memref<64xf32, #tpu.memory_space<vmem_shared>>
    tpu.enqueue_dma source(%dma_start3A_171 : memref<64xf32, #tpu.memory_space<vmem_shared>>) target(%dma_start3A_169 : memref<64xf32, #tpu.memory_space<vmem>>) target_semaphore(%arg24 : memref<!tpu.dma_semaphore, #tpu.memory_space<semaphore_mem>>)
    %mul3A_172 = arith.constant 64 : i32
    %mul3A_173 = arith.muli %arg1, %mul3A_172 : i32
    %dma_start3A_174 = arith.constant 7 : i32
    %dma_start3A_175 = arith.constant 7 : i32
    %dma_start3A_176 = arith.constant 0 : i32
    %dma_start3A_177 = tpu.memref_slice %arg15[%dma_start3A_175, %dma_start3A_176] : memref<16x64xf32, #tpu.memory_space<vmem>> -> memref<1x64xf32, #tpu.memory_space<vmem>>
    %dma_start3A_178 = tpu.memref_squeeze %dma_start3A_177 : memref<1x64xf32, #tpu.memory_space<vmem>> -> memref<64xf32, #tpu.memory_space<vmem>>
    %dma_start3A_179 = tpu.memref_slice %arg22[%dma_start3A_174, %mul3A_173] : memref<32x1024xf32, #tpu.memory_space<vmem_shared>> -> memref<1x64xf32, #tpu.memory_space<vmem_shared>>
    %dma_start3A_180 = tpu.memref_squeeze %dma_start3A_179 : memref<1x64xf32, #tpu.memory_space<vmem_shared>> -> memref<64xf32, #tpu.memory_space<vmem_shared>>
    %dma_start3A_181 = arith.constant 0 : i32
    %dma_start3A_182 = tpu.memref_slice %arg15[%dma_start3A_175, %dma_start3A_181] : memref<16x64xf32, #tpu.memory_space<vmem>> -> memref<1x64xf32, #tpu.memory_space<vmem>>
    %dma_start3A_183 = tpu.memref_squeeze %dma_start3A_182 : memref<1x64xf32, #tpu.memory_space<vmem>> -> memref<64xf32, #tpu.memory_space<vmem>>
    %dma_start3A_184 = tpu.memref_slice %arg22[%dma_start3A_174, %mul3A_173] : memref<32x1024xf32, #tpu.memory_space<vmem_shared>> -> memref<1x64xf32, #tpu.memory_space<vmem_shared>>
    %dma_start3A_185 = tpu.memref_squeeze %dma_start3A_184 : memref<1x64xf32, #tpu.memory_space<vmem_shared>> -> memref<64xf32, #tpu.memory_space<vmem_shared>>
    tpu.enqueue_dma source(%dma_start3A_185 : memref<64xf32, #tpu.memory_space<vmem_shared>>) target(%dma_start3A_183 : memref<64xf32, #tpu.memory_space<vmem>>) target_semaphore(%arg24 : memref<!tpu.dma_semaphore, #tpu.memory_space<semaphore_mem>>)
    %mul3A_186 = arith.constant 64 : i32
    %mul3A_187 = arith.muli %arg1, %mul3A_186 : i32
    %dma_start3A_188 = arith.constant 8 : i32
    %dma_start3A_189 = arith.constant 8 : i32
    %dma_start3A_190 = arith.constant 0 : i32
    %dma_start3A_191 = tpu.memref_slice %arg15[%dma_start3A_189, %dma_start3A_190] : memref<16x64xf32, #tpu.memory_space<vmem>> -> memref<1x64xf32, #tpu.memory_space<vmem>>
    %dma_start3A_192 = tpu.memref_squeeze %dma_start3A_191 : memref<1x64xf32, #tpu.memory_space<vmem>> -> memref<64xf32, #tpu.memory_space<vmem>>
    %dma_start3A_193 = tpu.memref_slice %arg22[%dma_start3A_188, %mul3A_187] : memref<32x1024xf32, #tpu.memory_space<vmem_shared>> -> memref<1x64xf32, #tpu.memory_space<vmem_shared>>
    %dma_start3A_194 = tpu.memref_squeeze %dma_start3A_193 : memref<1x64xf32, #tpu.memory_space<vmem_shared>> -> memref<64xf32, #tpu.memory_space<vmem_shared>>
    %dma_start3A_195 = arith.constant 0 : i32
    %dma_start3A_196 = tpu.memref_slice %arg15[%dma_start3A_189, %dma_start3A_195] : memref<16x64xf32, #tpu.memory_space<vmem>> -> memref<1x64xf32, #tpu.memory_space<vmem>>
    %dma_start3A_197 = tpu.memref_squeeze %dma_start3A_196 : memref<1x64xf32, #tpu.memory_space<vmem>> -> memref<64xf32, #tpu.memory_space<vmem>>
    %dma_start3A_198 = tpu.memref_slice %arg22[%dma_start3A_188, %mul3A_187] : memref<32x1024xf32, #tpu.memory_space<vmem_shared>> -> memref<1x64xf32, #tpu.memory_space<vmem_shared>>
    %dma_start3A_199 = tpu.memref_squeeze %dma_start3A_198 : memref<1x64xf32, #tpu.memory_space<vmem_shared>> -> memref<64xf32, #tpu.memory_space<vmem_shared>>
    tpu.enqueue_dma source(%dma_start3A_199 : memref<64xf32, #tpu.memory_space<vmem_shared>>) target(%dma_start3A_197 : memref<64xf32, #tpu.memory_space<vmem>>) target_semaphore(%arg24 : memref<!tpu.dma_semaphore, #tpu.memory_space<semaphore_mem>>)
    %mul3A_200 = arith.constant 64 : i32
    %mul3A_201 = arith.muli %arg1, %mul3A_200 : i32
    %dma_start3A_202 = arith.constant 9 : i32
    %dma_start3A_203 = arith.constant 9 : i32
    %dma_start3A_204 = arith.constant 0 : i32
    %dma_start3A_205 = tpu.memref_slice %arg15[%dma_start3A_203, %dma_start3A_204] : memref<16x64xf32, #tpu.memory_space<vmem>> -> memref<1x64xf32, #tpu.memory_space<vmem>>
    %dma_start3A_206 = tpu.memref_squeeze %dma_start3A_205 : memref<1x64xf32, #tpu.memory_space<vmem>> -> memref<64xf32, #tpu.memory_space<vmem>>
    %dma_start3A_207 = tpu.memref_slice %arg22[%dma_start3A_202, %mul3A_201] : memref<32x1024xf32, #tpu.memory_space<vmem_shared>> -> memref<1x64xf32, #tpu.memory_space<vmem_shared>>
    %dma_start3A_208 = tpu.memref_squeeze %dma_start3A_207 : memref<1x64xf32, #tpu.memory_space<vmem_shared>> -> memref<64xf32, #tpu.memory_space<vmem_shared>>
    %dma_start3A_209 = arith.constant 0 : i32
    %dma_start3A_210 = tpu.memref_slice %arg15[%dma_start3A_203, %dma_start3A_209] : memref<16x64xf32, #tpu.memory_space<vmem>> -> memref<1x64xf32, #tpu.memory_space<vmem>>
    %dma_start3A_211 = tpu.memref_squeeze %dma_start3A_210 : memref<1x64xf32, #tpu.memory_space<vmem>> -> memref<64xf32, #tpu.memory_space<vmem>>
    %dma_start3A_212 = tpu.memref_slice %arg22[%dma_start3A_202, %mul3A_201] : memref<32x1024xf32, #tpu.memory_space<vmem_shared>> -> memref<1x64xf32, #tpu.memory_space<vmem_shared>>
    %dma_start3A_213 = tpu.memref_squeeze %dma_start3A_212 : memref<1x64xf32, #tpu.memory_space<vmem_shared>> -> memref<64xf32, #tpu.memory_space<vmem_shared>>
    tpu.enqueue_dma source(%dma_start3A_213 : memref<64xf32, #tpu.memory_space<vmem_shared>>) target(%dma_start3A_211 : memref<64xf32, #tpu.memory_space<vmem>>) target_semaphore(%arg24 : memref<!tpu.dma_semaphore, #tpu.memory_space<semaphore_mem>>)
    %mul3A_214 = arith.constant 64 : i32
    %mul3A_215 = arith.muli %arg1, %mul3A_214 : i32
    %dma_start3A_216 = arith.constant 10 : i32
    %dma_start3A_217 = arith.constant 10 : i32
    %dma_start3A_218 = arith.constant 0 : i32
    %dma_start3A_219 = tpu.memref_slice %arg15[%dma_start3A_217, %dma_start3A_218] : memref<16x64xf32, #tpu.memory_space<vmem>> -> memref<1x64xf32, #tpu.memory_space<vmem>>
    %dma_start3A_220 = tpu.memref_squeeze %dma_start3A_219 : memref<1x64xf32, #tpu.memory_space<vmem>> -> memref<64xf32, #tpu.memory_space<vmem>>
    %dma_start3A_221 = tpu.memref_slice %arg22[%dma_start3A_216, %mul3A_215] : memref<32x1024xf32, #tpu.memory_space<vmem_shared>> -> memref<1x64xf32, #tpu.memory_space<vmem_shared>>
    %dma_start3A_222 = tpu.memref_squeeze %dma_start3A_221 : memref<1x64xf32, #tpu.memory_space<vmem_shared>> -> memref<64xf32, #tpu.memory_space<vmem_shared>>
    %dma_start3A_223 = arith.constant 0 : i32
    %dma_start3A_224 = tpu.memref_slice %arg15[%dma_start3A_217, %dma_start3A_223] : memref<16x64xf32, #tpu.memory_space<vmem>> -> memref<1x64xf32, #tpu.memory_space<vmem>>
    %dma_start3A_225 = tpu.memref_squeeze %dma_start3A_224 : memref<1x64xf32, #tpu.memory_space<vmem>> -> memref<64xf32, #tpu.memory_space<vmem>>
    %dma_start3A_226 = tpu.memref_slice %arg22[%dma_start3A_216, %mul3A_215] : memref<32x1024xf32, #tpu.memory_space<vmem_shared>> -> memref<1x64xf32, #tpu.memory_space<vmem_shared>>
    %dma_start3A_227 = tpu.memref_squeeze %dma_start3A_226 : memref<1x64xf32, #tpu.memory_space<vmem_shared>> -> memref<64xf32, #tpu.memory_space<vmem_shared>>
    tpu.enqueue_dma source(%dma_start3A_227 : memref<64xf32, #tpu.memory_space<vmem_shared>>) target(%dma_start3A_225 : memref<64xf32, #tpu.memory_space<vmem>>) target_semaphore(%arg24 : memref<!tpu.dma_semaphore, #tpu.memory_space<semaphore_mem>>)
    %mul3A_228 = arith.constant 64 : i32
    %mul3A_229 = arith.muli %arg1, %mul3A_228 : i32
    %dma_start3A_230 = arith.constant 11 : i32
    %dma_start3A_231 = arith.constant 11 : i32
    %dma_start3A_232 = arith.constant 0 : i32
    %dma_start3A_233 = tpu.memref_slice %arg15[%dma_start3A_231, %dma_start3A_232] : memref<16x64xf32, #tpu.memory_space<vmem>> -> memref<1x64xf32, #tpu.memory_space<vmem>>
    %dma_start3A_234 = tpu.memref_squeeze %dma_start3A_233 : memref<1x64xf32, #tpu.memory_space<vmem>> -> memref<64xf32, #tpu.memory_space<vmem>>
    %dma_start3A_235 = tpu.memref_slice %arg22[%dma_start3A_230, %mul3A_229] : memref<32x1024xf32, #tpu.memory_space<vmem_shared>> -> memref<1x64xf32, #tpu.memory_space<vmem_shared>>
    %dma_start3A_236 = tpu.memref_squeeze %dma_start3A_235 : memref<1x64xf32, #tpu.memory_space<vmem_shared>> -> memref<64xf32, #tpu.memory_space<vmem_shared>>
    %dma_start3A_237 = arith.constant 0 : i32
    %dma_start3A_238 = tpu.memref_slice %arg15[%dma_start3A_231, %dma_start3A_237] : memref<16x64xf32, #tpu.memory_space<vmem>> -> memref<1x64xf32, #tpu.memory_space<vmem>>
    %dma_start3A_239 = tpu.memref_squeeze %dma_start3A_238 : memref<1x64xf32, #tpu.memory_space<vmem>> -> memref<64xf32, #tpu.memory_space<vmem>>
    %dma_start3A_240 = tpu.memref_slice %arg22[%dma_start3A_230, %mul3A_229] : memref<32x1024xf32, #tpu.memory_space<vmem_shared>> -> memref<1x64xf32, #tpu.memory_space<vmem_shared>>
    %dma_start3A_241 = tpu.memref_squeeze %dma_start3A_240 : memref<1x64xf32, #tpu.memory_space<vmem_shared>> -> memref<64xf32, #tpu.memory_space<vmem_shared>>
    tpu.enqueue_dma source(%dma_start3A_241 : memref<64xf32, #tpu.memory_space<vmem_shared>>) target(%dma_start3A_239 : memref<64xf32, #tpu.memory_space<vmem>>) target_semaphore(%arg24 : memref<!tpu.dma_semaphore, #tpu.memory_space<semaphore_mem>>)
    %mul3A_242 = arith.constant 64 : i32
    %mul3A_243 = arith.muli %arg1, %mul3A_242 : i32
    %dma_start3A_244 = arith.constant 12 : i32
    %dma_start3A_245 = arith.constant 12 : i32
    %dma_start3A_246 = arith.constant 0 : i32
    %dma_start3A_247 = tpu.memref_slice %arg15[%dma_start3A_245, %dma_start3A_246] : memref<16x64xf32, #tpu.memory_space<vmem>> -> memref<1x64xf32, #tpu.memory_space<vmem>>
    %dma_start3A_248 = tpu.memref_squeeze %dma_start3A_247 : memref<1x64xf32, #tpu.memory_space<vmem>> -> memref<64xf32, #tpu.memory_space<vmem>>
    %dma_start3A_249 = tpu.memref_slice %arg22[%dma_start3A_244, %mul3A_243] : memref<32x1024xf32, #tpu.memory_space<vmem_shared>> -> memref<1x64xf32, #tpu.memory_space<vmem_shared>>
    %dma_start3A_250 = tpu.memref_squeeze %dma_start3A_249 : memref<1x64xf32, #tpu.memory_space<vmem_shared>> -> memref<64xf32, #tpu.memory_space<vmem_shared>>
    %dma_start3A_251 = arith.constant 0 : i32
    %dma_start3A_252 = tpu.memref_slice %arg15[%dma_start3A_245, %dma_start3A_251] : memref<16x64xf32, #tpu.memory_space<vmem>> -> memref<1x64xf32, #tpu.memory_space<vmem>>
    %dma_start3A_253 = tpu.memref_squeeze %dma_start3A_252 : memref<1x64xf32, #tpu.memory_space<vmem>> -> memref<64xf32, #tpu.memory_space<vmem>>
    %dma_start3A_254 = tpu.memref_slice %arg22[%dma_start3A_244, %mul3A_243] : memref<32x1024xf32, #tpu.memory_space<vmem_shared>> -> memref<1x64xf32, #tpu.memory_space<vmem_shared>>
    %dma_start3A_255 = tpu.memref_squeeze %dma_start3A_254 : memref<1x64xf32, #tpu.memory_space<vmem_shared>> -> memref<64xf32, #tpu.memory_space<vmem_shared>>
    tpu.enqueue_dma source(%dma_start3A_255 : memref<64xf32, #tpu.memory_space<vmem_shared>>) target(%dma_start3A_253 : memref<64xf32, #tpu.memory_space<vmem>>) target_semaphore(%arg24 : memref<!tpu.dma_semaphore, #tpu.memory_space<semaphore_mem>>)
    %mul3A_256 = arith.constant 64 : i32
    %mul3A_257 = arith.muli %arg1, %mul3A_256 : i32
    %dma_start3A_258 = arith.constant 13 : i32
    %dma_start3A_259 = arith.constant 13 : i32
    %dma_start3A_260 = arith.constant 0 : i32
    %dma_start3A_261 = tpu.memref_slice %arg15[%dma_start3A_259, %dma_start3A_260] : memref<16x64xf32, #tpu.memory_space<vmem>> -> memref<1x64xf32, #tpu.memory_space<vmem>>
    %dma_start3A_262 = tpu.memref_squeeze %dma_start3A_261 : memref<1x64xf32, #tpu.memory_space<vmem>> -> memref<64xf32, #tpu.memory_space<vmem>>
    %dma_start3A_263 = tpu.memref_slice %arg22[%dma_start3A_258, %mul3A_257] : memref<32x1024xf32, #tpu.memory_space<vmem_shared>> -> memref<1x64xf32, #tpu.memory_space<vmem_shared>>
    %dma_start3A_264 = tpu.memref_squeeze %dma_start3A_263 : memref<1x64xf32, #tpu.memory_space<vmem_shared>> -> memref<64xf32, #tpu.memory_space<vmem_shared>>
    %dma_start3A_265 = arith.constant 0 : i32
    %dma_start3A_266 = tpu.memref_slice %arg15[%dma_start3A_259, %dma_start3A_265] : memref<16x64xf32, #tpu.memory_space<vmem>> -> memref<1x64xf32, #tpu.memory_space<vmem>>
    %dma_start3A_267 = tpu.memref_squeeze %dma_start3A_266 : memref<1x64xf32, #tpu.memory_space<vmem>> -> memref<64xf32, #tpu.memory_space<vmem>>
    %dma_start3A_268 = tpu.memref_slice %arg22[%dma_start3A_258, %mul3A_257] : memref<32x1024xf32, #tpu.memory_space<vmem_shared>> -> memref<1x64xf32, #tpu.memory_space<vmem_shared>>
    %dma_start3A_269 = tpu.memref_squeeze %dma_start3A_268 : memref<1x64xf32, #tpu.memory_space<vmem_shared>> -> memref<64xf32, #tpu.memory_space<vmem_shared>>
    tpu.enqueue_dma source(%dma_start3A_269 : memref<64xf32, #tpu.memory_space<vmem_shared>>) target(%dma_start3A_267 : memref<64xf32, #tpu.memory_space<vmem>>) target_semaphore(%arg24 : memref<!tpu.dma_semaphore, #tpu.memory_space<semaphore_mem>>)
    %mul3A_270 = arith.constant 64 : i32
    %mul3A_271 = arith.muli %arg1, %mul3A_270 : i32
    %dma_start3A_272 = arith.constant 14 : i32
    %dma_start3A_273 = arith.constant 14 : i32
    %dma_start3A_274 = arith.constant 0 : i32
    %dma_start3A_275 = tpu.memref_slice %arg15[%dma_start3A_273, %dma_start3A_274] : memref<16x64xf32, #tpu.memory_space<vmem>> -> memref<1x64xf32, #tpu.memory_space<vmem>>
    %dma_start3A_276 = tpu.memref_squeeze %dma_start3A_275 : memref<1x64xf32, #tpu.memory_space<vmem>> -> memref<64xf32, #tpu.memory_space<vmem>>
    %dma_start3A_277 = tpu.memref_slice %arg22[%dma_start3A_272, %mul3A_271] : memref<32x1024xf32, #tpu.memory_space<vmem_shared>> -> memref<1x64xf32, #tpu.memory_space<vmem_shared>>
    %dma_start3A_278 = tpu.memref_squeeze %dma_start3A_277 : memref<1x64xf32, #tpu.memory_space<vmem_shared>> -> memref<64xf32, #tpu.memory_space<vmem_shared>>
    %dma_start3A_279 = arith.constant 0 : i32
    %dma_start3A_280 = tpu.memref_slice %arg15[%dma_start3A_273, %dma_start3A_279] : memref<16x64xf32, #tpu.memory_space<vmem>> -> memref<1x64xf32, #tpu.memory_space<vmem>>
    %dma_start3A_281 = tpu.memref_squeeze %dma_start3A_280 : memref<1x64xf32, #tpu.memory_space<vmem>> -> memref<64xf32, #tpu.memory_space<vmem>>
    %dma_start3A_282 = tpu.memref_slice %arg22[%dma_start3A_272, %mul3A_271] : memref<32x1024xf32, #tpu.memory_space<vmem_shared>> -> memref<1x64xf32, #tpu.memory_space<vmem_shared>>
    %dma_start3A_283 = tpu.memref_squeeze %dma_start3A_282 : memref<1x64xf32, #tpu.memory_space<vmem_shared>> -> memref<64xf32, #tpu.memory_space<vmem_shared>>
    tpu.enqueue_dma source(%dma_start3A_283 : memref<64xf32, #tpu.memory_space<vmem_shared>>) target(%dma_start3A_281 : memref<64xf32, #tpu.memory_space<vmem>>) target_semaphore(%arg24 : memref<!tpu.dma_semaphore, #tpu.memory_space<semaphore_mem>>)
    %mul3A_284 = arith.constant 64 : i32
    %mul3A_285 = arith.muli %arg1, %mul3A_284 : i32
    %dma_start3A_286 = arith.constant 15 : i32
    %dma_start3A_287 = arith.constant 15 : i32
    %dma_start3A_288 = arith.constant 0 : i32
    %dma_start3A_289 = tpu.memref_slice %arg15[%dma_start3A_287, %dma_start3A_288] : memref<16x64xf32, #tpu.memory_space<vmem>> -> memref<1x64xf32, #tpu.memory_space<vmem>>
    %dma_start3A_290 = tpu.memref_squeeze %dma_start3A_289 : memref<1x64xf32, #tpu.memory_space<vmem>> -> memref<64xf32, #tpu.memory_space<vmem>>
    %dma_start3A_291 = tpu.memref_slice %arg22[%dma_start3A_286, %mul3A_285] : memref<32x1024xf32, #tpu.memory_space<vmem_shared>> -> memref<1x64xf32, #tpu.memory_space<vmem_shared>>
    %dma_start3A_292 = tpu.memref_squeeze %dma_start3A_291 : memref<1x64xf32, #tpu.memory_space<vmem_shared>> -> memref<64xf32, #tpu.memory_space<vmem_shared>>
    %dma_start3A_293 = arith.constant 0 : i32
    %dma_start3A_294 = tpu.memref_slice %arg15[%dma_start3A_287, %dma_start3A_293] : memref<16x64xf32, #tpu.memory_space<vmem>> -> memref<1x64xf32, #tpu.memory_space<vmem>>
    %dma_start3A_295 = tpu.memref_squeeze %dma_start3A_294 : memref<1x64xf32, #tpu.memory_space<vmem>> -> memref<64xf32, #tpu.memory_space<vmem>>
    %dma_start3A_296 = tpu.memref_slice %arg22[%dma_start3A_286, %mul3A_285] : memref<32x1024xf32, #tpu.memory_space<vmem_shared>> -> memref<1x64xf32, #tpu.memory_space<vmem_shared>>
    %dma_start3A_297 = tpu.memref_squeeze %dma_start3A_296 : memref<1x64xf32, #tpu.memory_space<vmem_shared>> -> memref<64xf32, #tpu.memory_space<vmem_shared>>
    tpu.enqueue_dma source(%dma_start3A_297 : memref<64xf32, #tpu.memory_space<vmem_shared>>) target(%dma_start3A_295 : memref<64xf32, #tpu.memory_space<vmem>>) target_semaphore(%arg24 : memref<!tpu.dma_semaphore, #tpu.memory_space<semaphore_mem>>)
    %mul3A_298 = arith.constant 64 : i32
    %mul3A_299 = arith.muli %arg1, %mul3A_298 : i32
    %dma_wait3A = arith.constant 0 : i32
    %dma_wait3A_300 = arith.constant 0 : i32
    %dma_wait3A_301 = arith.constant 0 : i32
    %dma_wait3A_302 = tpu.memref_slice %arg15[%dma_wait3A_300, %dma_wait3A_301] : memref<16x64xf32, #tpu.memory_space<vmem>> -> memref<1x64xf32, #tpu.memory_space<vmem>>
    %dma_wait3A_303 = tpu.memref_squeeze %dma_wait3A_302 : memref<1x64xf32, #tpu.memory_space<vmem>> -> memref<64xf32, #tpu.memory_space<vmem>>
    %dma_wait3A_304 = tpu.memref_slice %arg22[%dma_wait3A, %mul3A_299] : memref<32x1024xf32, #tpu.memory_space<vmem_shared>> -> memref<1x64xf32, #tpu.memory_space<vmem_shared>>
    %dma_wait3A_305 = tpu.memref_squeeze %dma_wait3A_304 : memref<1x64xf32, #tpu.memory_space<vmem_shared>> -> memref<64xf32, #tpu.memory_space<vmem_shared>>
    %dma_wait3A_306 = arith.constant 0 : i32
    %dma_wait3A_307 = tpu.memref_slice %arg15[%dma_wait3A_300, %dma_wait3A_306] : memref<16x64xf32, #tpu.memory_space<vmem>> -> memref<1x64xf32, #tpu.memory_space<vmem>>
    %dma_wait3A_308 = tpu.memref_squeeze %dma_wait3A_307 : memref<1x64xf32, #tpu.memory_space<vmem>> -> memref<64xf32, #tpu.memory_space<vmem>>
    %dma_wait3A_309 = tpu.memref_slice %arg22[%dma_wait3A, %mul3A_299] : memref<32x1024xf32, #tpu.memory_space<vmem_shared>> -> memref<1x64xf32, #tpu.memory_space<vmem_shared>>
    %dma_wait3A_310 = tpu.memref_squeeze %dma_wait3A_309 : memref<1x64xf32, #tpu.memory_space<vmem_shared>> -> memref<64xf32, #tpu.memory_space<vmem_shared>>
    tpu.wait_dma2 semaphore(%arg24 : memref<!tpu.dma_semaphore, #tpu.memory_space<semaphore_mem>>) src(%dma_wait3A_310 : memref<64xf32, #tpu.memory_space<vmem_shared>>) dst(%dma_wait3A_308 : memref<64xf32, #tpu.memory_space<vmem>>)
    %mul3A_311 = arith.constant 64 : i32
    %mul3A_312 = arith.muli %arg1, %mul3A_311 : i32
    %dma_wait3A_313 = arith.constant 1 : i32
    %dma_wait3A_314 = arith.constant 1 : i32
    %dma_wait3A_315 = arith.constant 0 : i32
    %dma_wait3A_316 = tpu.memref_slice %arg15[%dma_wait3A_314, %dma_wait3A_315] : memref<16x64xf32, #tpu.memory_space<vmem>> -> memref<1x64xf32, #tpu.memory_space<vmem>>
    %dma_wait3A_317 = tpu.memref_squeeze %dma_wait3A_316 : memref<1x64xf32, #tpu.memory_space<vmem>> -> memref<64xf32, #tpu.memory_space<vmem>>
    %dma_wait3A_318 = tpu.memref_slice %arg22[%dma_wait3A_313, %mul3A_312] : memref<32x1024xf32, #tpu.memory_space<vmem_shared>> -> memref<1x64xf32, #tpu.memory_space<vmem_shared>>
    %dma_wait3A_319 = tpu.memref_squeeze %dma_wait3A_318 : memref<1x64xf32, #tpu.memory_space<vmem_shared>> -> memref<64xf32, #tpu.memory_space<vmem_shared>>
    %dma_wait3A_320 = arith.constant 0 : i32
    %dma_wait3A_321 = tpu.memref_slice %arg15[%dma_wait3A_314, %dma_wait3A_320] : memref<16x64xf32, #tpu.memory_space<vmem>> -> memref<1x64xf32, #tpu.memory_space<vmem>>
    %dma_wait3A_322 = tpu.memref_squeeze %dma_wait3A_321 : memref<1x64xf32, #tpu.memory_space<vmem>> -> memref<64xf32, #tpu.memory_space<vmem>>
    %dma_wait3A_323 = tpu.memref_slice %arg22[%dma_wait3A_313, %mul3A_312] : memref<32x1024xf32, #tpu.memory_space<vmem_shared>> -> memref<1x64xf32, #tpu.memory_space<vmem_shared>>
    %dma_wait3A_324 = tpu.memref_squeeze %dma_wait3A_323 : memref<1x64xf32, #tpu.memory_space<vmem_shared>> -> memref<64xf32, #tpu.memory_space<vmem_shared>>
    tpu.wait_dma2 semaphore(%arg24 : memref<!tpu.dma_semaphore, #tpu.memory_space<semaphore_mem>>) src(%dma_wait3A_324 : memref<64xf32, #tpu.memory_space<vmem_shared>>) dst(%dma_wait3A_322 : memref<64xf32, #tpu.memory_space<vmem>>)
    %mul3A_325 = arith.constant 64 : i32
    %mul3A_326 = arith.muli %arg1, %mul3A_325 : i32
    %dma_wait3A_327 = arith.constant 2 : i32
    %dma_wait3A_328 = arith.constant 2 : i32
    %dma_wait3A_329 = arith.constant 0 : i32
    %dma_wait3A_330 = tpu.memref_slice %arg15[%dma_wait3A_328, %dma_wait3A_329] : memref<16x64xf32, #tpu.memory_space<vmem>> -> memref<1x64xf32, #tpu.memory_space<vmem>>
    %dma_wait3A_331 = tpu.memref_squeeze %dma_wait3A_330 : memref<1x64xf32, #tpu.memory_space<vmem>> -> memref<64xf32, #tpu.memory_space<vmem>>
    %dma_wait3A_332 = tpu.memref_slice %arg22[%dma_wait3A_327, %mul3A_326] : memref<32x1024xf32, #tpu.memory_space<vmem_shared>> -> memref<1x64xf32, #tpu.memory_space<vmem_shared>>
    %dma_wait3A_333 = tpu.memref_squeeze %dma_wait3A_332 : memref<1x64xf32, #tpu.memory_space<vmem_shared>> -> memref<64xf32, #tpu.memory_space<vmem_shared>>
    %dma_wait3A_334 = arith.constant 0 : i32
    %dma_wait3A_335 = tpu.memref_slice %arg15[%dma_wait3A_328, %dma_wait3A_334] : memref<16x64xf32, #tpu.memory_space<vmem>> -> memref<1x64xf32, #tpu.memory_space<vmem>>
    %dma_wait3A_336 = tpu.memref_squeeze %dma_wait3A_335 : memref<1x64xf32, #tpu.memory_space<vmem>> -> memref<64xf32, #tpu.memory_space<vmem>>
    %dma_wait3A_337 = tpu.memref_slice %arg22[%dma_wait3A_327, %mul3A_326] : memref<32x1024xf32, #tpu.memory_space<vmem_shared>> -> memref<1x64xf32, #tpu.memory_space<vmem_shared>>
    %dma_wait3A_338 = tpu.memref_squeeze %dma_wait3A_337 : memref<1x64xf32, #tpu.memory_space<vmem_shared>> -> memref<64xf32, #tpu.memory_space<vmem_shared>>
    tpu.wait_dma2 semaphore(%arg24 : memref<!tpu.dma_semaphore, #tpu.memory_space<semaphore_mem>>) src(%dma_wait3A_338 : memref<64xf32, #tpu.memory_space<vmem_shared>>) dst(%dma_wait3A_336 : memref<64xf32, #tpu.memory_space<vmem>>)
    %mul3A_339 = arith.constant 64 : i32
    %mul3A_340 = arith.muli %arg1, %mul3A_339 : i32
    %dma_wait3A_341 = arith.constant 3 : i32
    %dma_wait3A_342 = arith.constant 3 : i32
    %dma_wait3A_343 = arith.constant 0 : i32
    %dma_wait3A_344 = tpu.memref_slice %arg15[%dma_wait3A_342, %dma_wait3A_343] : memref<16x64xf32, #tpu.memory_space<vmem>> -> memref<1x64xf32, #tpu.memory_space<vmem>>
    %dma_wait3A_345 = tpu.memref_squeeze %dma_wait3A_344 : memref<1x64xf32, #tpu.memory_space<vmem>> -> memref<64xf32, #tpu.memory_space<vmem>>
    %dma_wait3A_346 = tpu.memref_slice %arg22[%dma_wait3A_341, %mul3A_340] : memref<32x1024xf32, #tpu.memory_space<vmem_shared>> -> memref<1x64xf32, #tpu.memory_space<vmem_shared>>
    %dma_wait3A_347 = tpu.memref_squeeze %dma_wait3A_346 : memref<1x64xf32, #tpu.memory_space<vmem_shared>> -> memref<64xf32, #tpu.memory_space<vmem_shared>>
    %dma_wait3A_348 = arith.constant 0 : i32
    %dma_wait3A_349 = tpu.memref_slice %arg15[%dma_wait3A_342, %dma_wait3A_348] : memref<16x64xf32, #tpu.memory_space<vmem>> -> memref<1x64xf32, #tpu.memory_space<vmem>>
    %dma_wait3A_350 = tpu.memref_squeeze %dma_wait3A_349 : memref<1x64xf32, #tpu.memory_space<vmem>> -> memref<64xf32, #tpu.memory_space<vmem>>
    %dma_wait3A_351 = tpu.memref_slice %arg22[%dma_wait3A_341, %mul3A_340] : memref<32x1024xf32, #tpu.memory_space<vmem_shared>> -> memref<1x64xf32, #tpu.memory_space<vmem_shared>>
    %dma_wait3A_352 = tpu.memref_squeeze %dma_wait3A_351 : memref<1x64xf32, #tpu.memory_space<vmem_shared>> -> memref<64xf32, #tpu.memory_space<vmem_shared>>
    tpu.wait_dma2 semaphore(%arg24 : memref<!tpu.dma_semaphore, #tpu.memory_space<semaphore_mem>>) src(%dma_wait3A_352 : memref<64xf32, #tpu.memory_space<vmem_shared>>) dst(%dma_wait3A_350 : memref<64xf32, #tpu.memory_space<vmem>>)
    %mul3A_353 = arith.constant 64 : i32
    %mul3A_354 = arith.muli %arg1, %mul3A_353 : i32
    %dma_wait3A_355 = arith.constant 4 : i32
    %dma_wait3A_356 = arith.constant 4 : i32
    %dma_wait3A_357 = arith.constant 0 : i32
    %dma_wait3A_358 = tpu.memref_slice %arg15[%dma_wait3A_356, %dma_wait3A_357] : memref<16x64xf32, #tpu.memory_space<vmem>> -> memref<1x64xf32, #tpu.memory_space<vmem>>
    %dma_wait3A_359 = tpu.memref_squeeze %dma_wait3A_358 : memref<1x64xf32, #tpu.memory_space<vmem>> -> memref<64xf32, #tpu.memory_space<vmem>>
    %dma_wait3A_360 = tpu.memref_slice %arg22[%dma_wait3A_355, %mul3A_354] : memref<32x1024xf32, #tpu.memory_space<vmem_shared>> -> memref<1x64xf32, #tpu.memory_space<vmem_shared>>
    %dma_wait3A_361 = tpu.memref_squeeze %dma_wait3A_360 : memref<1x64xf32, #tpu.memory_space<vmem_shared>> -> memref<64xf32, #tpu.memory_space<vmem_shared>>
    %dma_wait3A_362 = arith.constant 0 : i32
    %dma_wait3A_363 = tpu.memref_slice %arg15[%dma_wait3A_356, %dma_wait3A_362] : memref<16x64xf32, #tpu.memory_space<vmem>> -> memref<1x64xf32, #tpu.memory_space<vmem>>
    %dma_wait3A_364 = tpu.memref_squeeze %dma_wait3A_363 : memref<1x64xf32, #tpu.memory_space<vmem>> -> memref<64xf32, #tpu.memory_space<vmem>>
    %dma_wait3A_365 = tpu.memref_slice %arg22[%dma_wait3A_355, %mul3A_354] : memref<32x1024xf32, #tpu.memory_space<vmem_shared>> -> memref<1x64xf32, #tpu.memory_space<vmem_shared>>
    %dma_wait3A_366 = tpu.memref_squeeze %dma_wait3A_365 : memref<1x64xf32, #tpu.memory_space<vmem_shared>> -> memref<64xf32, #tpu.memory_space<vmem_shared>>
    tpu.wait_dma2 semaphore(%arg24 : memref<!tpu.dma_semaphore, #tpu.memory_space<semaphore_mem>>) src(%dma_wait3A_366 : memref<64xf32, #tpu.memory_space<vmem_shared>>) dst(%dma_wait3A_364 : memref<64xf32, #tpu.memory_space<vmem>>)
    %mul3A_367 = arith.constant 64 : i32
    %mul3A_368 = arith.muli %arg1, %mul3A_367 : i32
    %dma_wait3A_369 = arith.constant 5 : i32
    %dma_wait3A_370 = arith.constant 5 : i32
    %dma_wait3A_371 = arith.constant 0 : i32
    %dma_wait3A_372 = tpu.memref_slice %arg15[%dma_wait3A_370, %dma_wait3A_371] : memref<16x64xf32, #tpu.memory_space<vmem>> -> memref<1x64xf32, #tpu.memory_space<vmem>>
    %dma_wait3A_373 = tpu.memref_squeeze %dma_wait3A_372 : memref<1x64xf32, #tpu.memory_space<vmem>> -> memref<64xf32, #tpu.memory_space<vmem>>
    %dma_wait3A_374 = tpu.memref_slice %arg22[%dma_wait3A_369, %mul3A_368] : memref<32x1024xf32, #tpu.memory_space<vmem_shared>> -> memref<1x64xf32, #tpu.memory_space<vmem_shared>>
    %dma_wait3A_375 = tpu.memref_squeeze %dma_wait3A_374 : memref<1x64xf32, #tpu.memory_space<vmem_shared>> -> memref<64xf32, #tpu.memory_space<vmem_shared>>
    %dma_wait3A_376 = arith.constant 0 : i32
    %dma_wait3A_377 = tpu.memref_slice %arg15[%dma_wait3A_370, %dma_wait3A_376] : memref<16x64xf32, #tpu.memory_space<vmem>> -> memref<1x64xf32, #tpu.memory_space<vmem>>
    %dma_wait3A_378 = tpu.memref_squeeze %dma_wait3A_377 : memref<1x64xf32, #tpu.memory_space<vmem>> -> memref<64xf32, #tpu.memory_space<vmem>>
    %dma_wait3A_379 = tpu.memref_slice %arg22[%dma_wait3A_369, %mul3A_368] : memref<32x1024xf32, #tpu.memory_space<vmem_shared>> -> memref<1x64xf32, #tpu.memory_space<vmem_shared>>
    %dma_wait3A_380 = tpu.memref_squeeze %dma_wait3A_379 : memref<1x64xf32, #tpu.memory_space<vmem_shared>> -> memref<64xf32, #tpu.memory_space<vmem_shared>>
    tpu.wait_dma2 semaphore(%arg24 : memref<!tpu.dma_semaphore, #tpu.memory_space<semaphore_mem>>) src(%dma_wait3A_380 : memref<64xf32, #tpu.memory_space<vmem_shared>>) dst(%dma_wait3A_378 : memref<64xf32, #tpu.memory_space<vmem>>)
    %mul3A_381 = arith.constant 64 : i32
    %mul3A_382 = arith.muli %arg1, %mul3A_381 : i32
    %dma_wait3A_383 = arith.constant 6 : i32
    %dma_wait3A_384 = arith.constant 6 : i32
    %dma_wait3A_385 = arith.constant 0 : i32
    %dma_wait3A_386 = tpu.memref_slice %arg15[%dma_wait3A_384, %dma_wait3A_385] : memref<16x64xf32, #tpu.memory_space<vmem>> -> memref<1x64xf32, #tpu.memory_space<vmem>>
    %dma_wait3A_387 = tpu.memref_squeeze %dma_wait3A_386 : memref<1x64xf32, #tpu.memory_space<vmem>> -> memref<64xf32, #tpu.memory_space<vmem>>
    %dma_wait3A_388 = tpu.memref_slice %arg22[%dma_wait3A_383, %mul3A_382] : memref<32x1024xf32, #tpu.memory_space<vmem_shared>> -> memref<1x64xf32, #tpu.memory_space<vmem_shared>>
    %dma_wait3A_389 = tpu.memref_squeeze %dma_wait3A_388 : memref<1x64xf32, #tpu.memory_space<vmem_shared>> -> memref<64xf32, #tpu.memory_space<vmem_shared>>
    %dma_wait3A_390 = arith.constant 0 : i32
    %dma_wait3A_391 = tpu.memref_slice %arg15[%dma_wait3A_384, %dma_wait3A_390] : memref<16x64xf32, #tpu.memory_space<vmem>> -> memref<1x64xf32, #tpu.memory_space<vmem>>
    %dma_wait3A_392 = tpu.memref_squeeze %dma_wait3A_391 : memref<1x64xf32, #tpu.memory_space<vmem>> -> memref<64xf32, #tpu.memory_space<vmem>>
    %dma_wait3A_393 = tpu.memref_slice %arg22[%dma_wait3A_383, %mul3A_382] : memref<32x1024xf32, #tpu.memory_space<vmem_shared>> -> memref<1x64xf32, #tpu.memory_space<vmem_shared>>
    %dma_wait3A_394 = tpu.memref_squeeze %dma_wait3A_393 : memref<1x64xf32, #tpu.memory_space<vmem_shared>> -> memref<64xf32, #tpu.memory_space<vmem_shared>>
    tpu.wait_dma2 semaphore(%arg24 : memref<!tpu.dma_semaphore, #tpu.memory_space<semaphore_mem>>) src(%dma_wait3A_394 : memref<64xf32, #tpu.memory_space<vmem_shared>>) dst(%dma_wait3A_392 : memref<64xf32, #tpu.memory_space<vmem>>)
    %mul3A_395 = arith.constant 64 : i32
    %mul3A_396 = arith.muli %arg1, %mul3A_395 : i32
    %dma_wait3A_397 = arith.constant 7 : i32
    %dma_wait3A_398 = arith.constant 7 : i32
    %dma_wait3A_399 = arith.constant 0 : i32
    %dma_wait3A_400 = tpu.memref_slice %arg15[%dma_wait3A_398, %dma_wait3A_399] : memref<16x64xf32, #tpu.memory_space<vmem>> -> memref<1x64xf32, #tpu.memory_space<vmem>>
    %dma_wait3A_401 = tpu.memref_squeeze %dma_wait3A_400 : memref<1x64xf32, #tpu.memory_space<vmem>> -> memref<64xf32, #tpu.memory_space<vmem>>
    %dma_wait3A_402 = tpu.memref_slice %arg22[%dma_wait3A_397, %mul3A_396] : memref<32x1024xf32, #tpu.memory_space<vmem_shared>> -> memref<1x64xf32, #tpu.memory_space<vmem_shared>>
    %dma_wait3A_403 = tpu.memref_squeeze %dma_wait3A_402 : memref<1x64xf32, #tpu.memory_space<vmem_shared>> -> memref<64xf32, #tpu.memory_space<vmem_shared>>
    %dma_wait3A_404 = arith.constant 0 : i32
    %dma_wait3A_405 = tpu.memref_slice %arg15[%dma_wait3A_398, %dma_wait3A_404] : memref<16x64xf32, #tpu.memory_space<vmem>> -> memref<1x64xf32, #tpu.memory_space<vmem>>
    %dma_wait3A_406 = tpu.memref_squeeze %dma_wait3A_405 : memref<1x64xf32, #tpu.memory_space<vmem>> -> memref<64xf32, #tpu.memory_space<vmem>>
    %dma_wait3A_407 = tpu.memref_slice %arg22[%dma_wait3A_397, %mul3A_396] : memref<32x1024xf32, #tpu.memory_space<vmem_shared>> -> memref<1x64xf32, #tpu.memory_space<vmem_shared>>
    %dma_wait3A_408 = tpu.memref_squeeze %dma_wait3A_407 : memref<1x64xf32, #tpu.memory_space<vmem_shared>> -> memref<64xf32, #tpu.memory_space<vmem_shared>>
    tpu.wait_dma2 semaphore(%arg24 : memref<!tpu.dma_semaphore, #tpu.memory_space<semaphore_mem>>) src(%dma_wait3A_408 : memref<64xf32, #tpu.memory_space<vmem_shared>>) dst(%dma_wait3A_406 : memref<64xf32, #tpu.memory_space<vmem>>)
    %mul3A_409 = arith.constant 64 : i32
    %mul3A_410 = arith.muli %arg1, %mul3A_409 : i32
    %dma_wait3A_411 = arith.constant 8 : i32
    %dma_wait3A_412 = arith.constant 8 : i32
    %dma_wait3A_413 = arith.constant 0 : i32
    %dma_wait3A_414 = tpu.memref_slice %arg15[%dma_wait3A_412, %dma_wait3A_413] : memref<16x64xf32, #tpu.memory_space<vmem>> -> memref<1x64xf32, #tpu.memory_space<vmem>>
    %dma_wait3A_415 = tpu.memref_squeeze %dma_wait3A_414 : memref<1x64xf32, #tpu.memory_space<vmem>> -> memref<64xf32, #tpu.memory_space<vmem>>
    %dma_wait3A_416 = tpu.memref_slice %arg22[%dma_wait3A_411, %mul3A_410] : memref<32x1024xf32, #tpu.memory_space<vmem_shared>> -> memref<1x64xf32, #tpu.memory_space<vmem_shared>>
    %dma_wait3A_417 = tpu.memref_squeeze %dma_wait3A_416 : memref<1x64xf32, #tpu.memory_space<vmem_shared>> -> memref<64xf32, #tpu.memory_space<vmem_shared>>
    %dma_wait3A_418 = arith.constant 0 : i32
    %dma_wait3A_419 = tpu.memref_slice %arg15[%dma_wait3A_412, %dma_wait3A_418] : memref<16x64xf32, #tpu.memory_space<vmem>> -> memref<1x64xf32, #tpu.memory_space<vmem>>
    %dma_wait3A_420 = tpu.memref_squeeze %dma_wait3A_419 : memref<1x64xf32, #tpu.memory_space<vmem>> -> memref<64xf32, #tpu.memory_space<vmem>>
    %dma_wait3A_421 = tpu.memref_slice %arg22[%dma_wait3A_411, %mul3A_410] : memref<32x1024xf32, #tpu.memory_space<vmem_shared>> -> memref<1x64xf32, #tpu.memory_space<vmem_shared>>
    %dma_wait3A_422 = tpu.memref_squeeze %dma_wait3A_421 : memref<1x64xf32, #tpu.memory_space<vmem_shared>> -> memref<64xf32, #tpu.memory_space<vmem_shared>>
    tpu.wait_dma2 semaphore(%arg24 : memref<!tpu.dma_semaphore, #tpu.memory_space<semaphore_mem>>) src(%dma_wait3A_422 : memref<64xf32, #tpu.memory_space<vmem_shared>>) dst(%dma_wait3A_420 : memref<64xf32, #tpu.memory_space<vmem>>)
    %mul3A_423 = arith.constant 64 : i32
    %mul3A_424 = arith.muli %arg1, %mul3A_423 : i32
    %dma_wait3A_425 = arith.constant 9 : i32
    %dma_wait3A_426 = arith.constant 9 : i32
    %dma_wait3A_427 = arith.constant 0 : i32
    %dma_wait3A_428 = tpu.memref_slice %arg15[%dma_wait3A_426, %dma_wait3A_427] : memref<16x64xf32, #tpu.memory_space<vmem>> -> memref<1x64xf32, #tpu.memory_space<vmem>>
    %dma_wait3A_429 = tpu.memref_squeeze %dma_wait3A_428 : memref<1x64xf32, #tpu.memory_space<vmem>> -> memref<64xf32, #tpu.memory_space<vmem>>
    %dma_wait3A_430 = tpu.memref_slice %arg22[%dma_wait3A_425, %mul3A_424] : memref<32x1024xf32, #tpu.memory_space<vmem_shared>> -> memref<1x64xf32, #tpu.memory_space<vmem_shared>>
    %dma_wait3A_431 = tpu.memref_squeeze %dma_wait3A_430 : memref<1x64xf32, #tpu.memory_space<vmem_shared>> -> memref<64xf32, #tpu.memory_space<vmem_shared>>
    %dma_wait3A_432 = arith.constant 0 : i32
    %dma_wait3A_433 = tpu.memref_slice %arg15[%dma_wait3A_426, %dma_wait3A_432] : memref<16x64xf32, #tpu.memory_space<vmem>> -> memref<1x64xf32, #tpu.memory_space<vmem>>
    %dma_wait3A_434 = tpu.memref_squeeze %dma_wait3A_433 : memref<1x64xf32, #tpu.memory_space<vmem>> -> memref<64xf32, #tpu.memory_space<vmem>>
    %dma_wait3A_435 = tpu.memref_slice %arg22[%dma_wait3A_425, %mul3A_424] : memref<32x1024xf32, #tpu.memory_space<vmem_shared>> -> memref<1x64xf32, #tpu.memory_space<vmem_shared>>
    %dma_wait3A_436 = tpu.memref_squeeze %dma_wait3A_435 : memref<1x64xf32, #tpu.memory_space<vmem_shared>> -> memref<64xf32, #tpu.memory_space<vmem_shared>>
    tpu.wait_dma2 semaphore(%arg24 : memref<!tpu.dma_semaphore, #tpu.memory_space<semaphore_mem>>) src(%dma_wait3A_436 : memref<64xf32, #tpu.memory_space<vmem_shared>>) dst(%dma_wait3A_434 : memref<64xf32, #tpu.memory_space<vmem>>)
    %mul3A_437 = arith.constant 64 : i32
    %mul3A_438 = arith.muli %arg1, %mul3A_437 : i32
    %dma_wait3A_439 = arith.constant 10 : i32
    %dma_wait3A_440 = arith.constant 10 : i32
    %dma_wait3A_441 = arith.constant 0 : i32
    %dma_wait3A_442 = tpu.memref_slice %arg15[%dma_wait3A_440, %dma_wait3A_441] : memref<16x64xf32, #tpu.memory_space<vmem>> -> memref<1x64xf32, #tpu.memory_space<vmem>>
    %dma_wait3A_443 = tpu.memref_squeeze %dma_wait3A_442 : memref<1x64xf32, #tpu.memory_space<vmem>> -> memref<64xf32, #tpu.memory_space<vmem>>
    %dma_wait3A_444 = tpu.memref_slice %arg22[%dma_wait3A_439, %mul3A_438] : memref<32x1024xf32, #tpu.memory_space<vmem_shared>> -> memref<1x64xf32, #tpu.memory_space<vmem_shared>>
    %dma_wait3A_445 = tpu.memref_squeeze %dma_wait3A_444 : memref<1x64xf32, #tpu.memory_space<vmem_shared>> -> memref<64xf32, #tpu.memory_space<vmem_shared>>
    %dma_wait3A_446 = arith.constant 0 : i32
    %dma_wait3A_447 = tpu.memref_slice %arg15[%dma_wait3A_440, %dma_wait3A_446] : memref<16x64xf32, #tpu.memory_space<vmem>> -> memref<1x64xf32, #tpu.memory_space<vmem>>
    %dma_wait3A_448 = tpu.memref_squeeze %dma_wait3A_447 : memref<1x64xf32, #tpu.memory_space<vmem>> -> memref<64xf32, #tpu.memory_space<vmem>>
    %dma_wait3A_449 = tpu.memref_slice %arg22[%dma_wait3A_439, %mul3A_438] : memref<32x1024xf32, #tpu.memory_space<vmem_shared>> -> memref<1x64xf32, #tpu.memory_space<vmem_shared>>
    %dma_wait3A_450 = tpu.memref_squeeze %dma_wait3A_449 : memref<1x64xf32, #tpu.memory_space<vmem_shared>> -> memref<64xf32, #tpu.memory_space<vmem_shared>>
    tpu.wait_dma2 semaphore(%arg24 : memref<!tpu.dma_semaphore, #tpu.memory_space<semaphore_mem>>) src(%dma_wait3A_450 : memref<64xf32, #tpu.memory_space<vmem_shared>>) dst(%dma_wait3A_448 : memref<64xf32, #tpu.memory_space<vmem>>)
    %mul3A_451 = arith.constant 64 : i32
    %mul3A_452 = arith.muli %arg1, %mul3A_451 : i32
    %dma_wait3A_453 = arith.constant 11 : i32
    %dma_wait3A_454 = arith.constant 11 : i32
    %dma_wait3A_455 = arith.constant 0 : i32
    %dma_wait3A_456 = tpu.memref_slice %arg15[%dma_wait3A_454, %dma_wait3A_455] : memref<16x64xf32, #tpu.memory_space<vmem>> -> memref<1x64xf32, #tpu.memory_space<vmem>>
    %dma_wait3A_457 = tpu.memref_squeeze %dma_wait3A_456 : memref<1x64xf32, #tpu.memory_space<vmem>> -> memref<64xf32, #tpu.memory_space<vmem>>
    %dma_wait3A_458 = tpu.memref_slice %arg22[%dma_wait3A_453, %mul3A_452] : memref<32x1024xf32, #tpu.memory_space<vmem_shared>> -> memref<1x64xf32, #tpu.memory_space<vmem_shared>>
    %dma_wait3A_459 = tpu.memref_squeeze %dma_wait3A_458 : memref<1x64xf32, #tpu.memory_space<vmem_shared>> -> memref<64xf32, #tpu.memory_space<vmem_shared>>
    %dma_wait3A_460 = arith.constant 0 : i32
    %dma_wait3A_461 = tpu.memref_slice %arg15[%dma_wait3A_454, %dma_wait3A_460] : memref<16x64xf32, #tpu.memory_space<vmem>> -> memref<1x64xf32, #tpu.memory_space<vmem>>
    %dma_wait3A_462 = tpu.memref_squeeze %dma_wait3A_461 : memref<1x64xf32, #tpu.memory_space<vmem>> -> memref<64xf32, #tpu.memory_space<vmem>>
    %dma_wait3A_463 = tpu.memref_slice %arg22[%dma_wait3A_453, %mul3A_452] : memref<32x1024xf32, #tpu.memory_space<vmem_shared>> -> memref<1x64xf32, #tpu.memory_space<vmem_shared>>
    %dma_wait3A_464 = tpu.memref_squeeze %dma_wait3A_463 : memref<1x64xf32, #tpu.memory_space<vmem_shared>> -> memref<64xf32, #tpu.memory_space<vmem_shared>>
    tpu.wait_dma2 semaphore(%arg24 : memref<!tpu.dma_semaphore, #tpu.memory_space<semaphore_mem>>) src(%dma_wait3A_464 : memref<64xf32, #tpu.memory_space<vmem_shared>>) dst(%dma_wait3A_462 : memref<64xf32, #tpu.memory_space<vmem>>)
    %mul3A_465 = arith.constant 64 : i32
    %mul3A_466 = arith.muli %arg1, %mul3A_465 : i32
    %dma_wait3A_467 = arith.constant 12 : i32
    %dma_wait3A_468 = arith.constant 12 : i32
    %dma_wait3A_469 = arith.constant 0 : i32
    %dma_wait3A_470 = tpu.memref_slice %arg15[%dma_wait3A_468, %dma_wait3A_469] : memref<16x64xf32, #tpu.memory_space<vmem>> -> memref<1x64xf32, #tpu.memory_space<vmem>>
    %dma_wait3A_471 = tpu.memref_squeeze %dma_wait3A_470 : memref<1x64xf32, #tpu.memory_space<vmem>> -> memref<64xf32, #tpu.memory_space<vmem>>
    %dma_wait3A_472 = tpu.memref_slice %arg22[%dma_wait3A_467, %mul3A_466] : memref<32x1024xf32, #tpu.memory_space<vmem_shared>> -> memref<1x64xf32, #tpu.memory_space<vmem_shared>>
    %dma_wait3A_473 = tpu.memref_squeeze %dma_wait3A_472 : memref<1x64xf32, #tpu.memory_space<vmem_shared>> -> memref<64xf32, #tpu.memory_space<vmem_shared>>
    %dma_wait3A_474 = arith.constant 0 : i32
    %dma_wait3A_475 = tpu.memref_slice %arg15[%dma_wait3A_468, %dma_wait3A_474] : memref<16x64xf32, #tpu.memory_space<vmem>> -> memref<1x64xf32, #tpu.memory_space<vmem>>
    %dma_wait3A_476 = tpu.memref_squeeze %dma_wait3A_475 : memref<1x64xf32, #tpu.memory_space<vmem>> -> memref<64xf32, #tpu.memory_space<vmem>>
    %dma_wait3A_477 = tpu.memref_slice %arg22[%dma_wait3A_467, %mul3A_466] : memref<32x1024xf32, #tpu.memory_space<vmem_shared>> -> memref<1x64xf32, #tpu.memory_space<vmem_shared>>
    %dma_wait3A_478 = tpu.memref_squeeze %dma_wait3A_477 : memref<1x64xf32, #tpu.memory_space<vmem_shared>> -> memref<64xf32, #tpu.memory_space<vmem_shared>>
    tpu.wait_dma2 semaphore(%arg24 : memref<!tpu.dma_semaphore, #tpu.memory_space<semaphore_mem>>) src(%dma_wait3A_478 : memref<64xf32, #tpu.memory_space<vmem_shared>>) dst(%dma_wait3A_476 : memref<64xf32, #tpu.memory_space<vmem>>)
    %mul3A_479 = arith.constant 64 : i32
    %mul3A_480 = arith.muli %arg1, %mul3A_479 : i32
    %dma_wait3A_481 = arith.constant 13 : i32
    %dma_wait3A_482 = arith.constant 13 : i32
    %dma_wait3A_483 = arith.constant 0 : i32
    %dma_wait3A_484 = tpu.memref_slice %arg15[%dma_wait3A_482, %dma_wait3A_483] : memref<16x64xf32, #tpu.memory_space<vmem>> -> memref<1x64xf32, #tpu.memory_space<vmem>>
    %dma_wait3A_485 = tpu.memref_squeeze %dma_wait3A_484 : memref<1x64xf32, #tpu.memory_space<vmem>> -> memref<64xf32, #tpu.memory_space<vmem>>
    %dma_wait3A_486 = tpu.memref_slice %arg22[%dma_wait3A_481, %mul3A_480] : memref<32x1024xf32, #tpu.memory_space<vmem_shared>> -> memref<1x64xf32, #tpu.memory_space<vmem_shared>>
    %dma_wait3A_487 = tpu.memref_squeeze %dma_wait3A_486 : memref<1x64xf32, #tpu.memory_space<vmem_shared>> -> memref<64xf32, #tpu.memory_space<vmem_shared>>
    %dma_wait3A_488 = arith.constant 0 : i32
    %dma_wait3A_489 = tpu.memref_slice %arg15[%dma_wait3A_482, %dma_wait3A_488] : memref<16x64xf32, #tpu.memory_space<vmem>> -> memref<1x64xf32, #tpu.memory_space<vmem>>
    %dma_wait3A_490 = tpu.memref_squeeze %dma_wait3A_489 : memref<1x64xf32, #tpu.memory_space<vmem>> -> memref<64xf32, #tpu.memory_space<vmem>>
    %dma_wait3A_491 = tpu.memref_slice %arg22[%dma_wait3A_481, %mul3A_480] : memref<32x1024xf32, #tpu.memory_space<vmem_shared>> -> memref<1x64xf32, #tpu.memory_space<vmem_shared>>
    %dma_wait3A_492 = tpu.memref_squeeze %dma_wait3A_491 : memref<1x64xf32, #tpu.memory_space<vmem_shared>> -> memref<64xf32, #tpu.memory_space<vmem_shared>>
    tpu.wait_dma2 semaphore(%arg24 : memref<!tpu.dma_semaphore, #tpu.memory_space<semaphore_mem>>) src(%dma_wait3A_492 : memref<64xf32, #tpu.memory_space<vmem_shared>>) dst(%dma_wait3A_490 : memref<64xf32, #tpu.memory_space<vmem>>)
    %mul3A_493 = arith.constant 64 : i32
    %mul3A_494 = arith.muli %arg1, %mul3A_493 : i32
    %dma_wait3A_495 = arith.constant 14 : i32
    %dma_wait3A_496 = arith.constant 14 : i32
    %dma_wait3A_497 = arith.constant 0 : i32
    %dma_wait3A_498 = tpu.memref_slice %arg15[%dma_wait3A_496, %dma_wait3A_497] : memref<16x64xf32, #tpu.memory_space<vmem>> -> memref<1x64xf32, #tpu.memory_space<vmem>>
    %dma_wait3A_499 = tpu.memref_squeeze %dma_wait3A_498 : memref<1x64xf32, #tpu.memory_space<vmem>> -> memref<64xf32, #tpu.memory_space<vmem>>
    %dma_wait3A_500 = tpu.memref_slice %arg22[%dma_wait3A_495, %mul3A_494] : memref<32x1024xf32, #tpu.memory_space<vmem_shared>> -> memref<1x64xf32, #tpu.memory_space<vmem_shared>>
    %dma_wait3A_501 = tpu.memref_squeeze %dma_wait3A_500 : memref<1x64xf32, #tpu.memory_space<vmem_shared>> -> memref<64xf32, #tpu.memory_space<vmem_shared>>
    %dma_wait3A_502 = arith.constant 0 : i32
    %dma_wait3A_503 = tpu.memref_slice %arg15[%dma_wait3A_496, %dma_wait3A_502] : memref<16x64xf32, #tpu.memory_space<vmem>> -> memref<1x64xf32, #tpu.memory_space<vmem>>
    %dma_wait3A_504 = tpu.memref_squeeze %dma_wait3A_503 : memref<1x64xf32, #tpu.memory_space<vmem>> -> memref<64xf32, #tpu.memory_space<vmem>>
    %dma_wait3A_505 = tpu.memref_slice %arg22[%dma_wait3A_495, %mul3A_494] : memref<32x1024xf32, #tpu.memory_space<vmem_shared>> -> memref<1x64xf32, #tpu.memory_space<vmem_shared>>
    %dma_wait3A_506 = tpu.memref_squeeze %dma_wait3A_505 : memref<1x64xf32, #tpu.memory_space<vmem_shared>> -> memref<64xf32, #tpu.memory_space<vmem_shared>>
    tpu.wait_dma2 semaphore(%arg24 : memref<!tpu.dma_semaphore, #tpu.memory_space<semaphore_mem>>) src(%dma_wait3A_506 : memref<64xf32, #tpu.memory_space<vmem_shared>>) dst(%dma_wait3A_504 : memref<64xf32, #tpu.memory_space<vmem>>)
    %mul3A_507 = arith.constant 64 : i32
    %mul3A_508 = arith.muli %arg1, %mul3A_507 : i32
    %dma_wait3A_509 = arith.constant 15 : i32
    %dma_wait3A_510 = arith.constant 15 : i32
    %dma_wait3A_511 = arith.constant 0 : i32
    %dma_wait3A_512 = tpu.memref_slice %arg15[%dma_wait3A_510, %dma_wait3A_511] : memref<16x64xf32, #tpu.memory_space<vmem>> -> memref<1x64xf32, #tpu.memory_space<vmem>>
    %dma_wait3A_513 = tpu.memref_squeeze %dma_wait3A_512 : memref<1x64xf32, #tpu.memory_space<vmem>> -> memref<64xf32, #tpu.memory_space<vmem>>
    %dma_wait3A_514 = tpu.memref_slice %arg22[%dma_wait3A_509, %mul3A_508] : memref<32x1024xf32, #tpu.memory_space<vmem_shared>> -> memref<1x64xf32, #tpu.memory_space<vmem_shared>>
    %dma_wait3A_515 = tpu.memref_squeeze %dma_wait3A_514 : memref<1x64xf32, #tpu.memory_space<vmem_shared>> -> memref<64xf32, #tpu.memory_space<vmem_shared>>
    %dma_wait3A_516 = arith.constant 0 : i32
    %dma_wait3A_517 = tpu.memref_slice %arg15[%dma_wait3A_510, %dma_wait3A_516] : memref<16x64xf32, #tpu.memory_space<vmem>> -> memref<1x64xf32, #tpu.memory_space<vmem>>
    %dma_wait3A_518 = tpu.memref_squeeze %dma_wait3A_517 : memref<1x64xf32, #tpu.memory_space<vmem>> -> memref<64xf32, #tpu.memory_space<vmem>>
    %dma_wait3A_519 = tpu.memref_slice %arg22[%dma_wait3A_509, %mul3A_508] : memref<32x1024xf32, #tpu.memory_space<vmem_shared>> -> memref<1x64xf32, #tpu.memory_space<vmem_shared>>
    %dma_wait3A_520 = tpu.memref_squeeze %dma_wait3A_519 : memref<1x64xf32, #tpu.memory_space<vmem_shared>> -> memref<64xf32, #tpu.memory_space<vmem_shared>>
    tpu.wait_dma2 semaphore(%arg24 : memref<!tpu.dma_semaphore, #tpu.memory_space<semaphore_mem>>) src(%dma_wait3A_520 : memref<64xf32, #tpu.memory_space<vmem_shared>>) dst(%dma_wait3A_518 : memref<64xf32, #tpu.memory_space<vmem>>)
    %broadcast_in_dim3A = arith.constant 0.000000e+00 : f32
    %broadcast_in_dim3A_521 = vector.broadcast %broadcast_in_dim3A : f32 to vector<16xf32>
    %get3A = arith.constant 0 : i32
    %get3A_522 = arith.index_cast %get3A : i32 to index
    %get3A_523 = arith.constant 0 : index
    %get3A_524 = tpu.vector_load %arg15[%get3A_522, %get3A_523] {strides = array<i32>} : memref<16x64xf32, #tpu.memory_space<vmem>>, vector<16xf32>,
    %add3A_525 = arith.addf %broadcast_in_dim3A_521, %get3A_524 : vector<16xf32>
    %get3A_526 = arith.constant 1 : i32
    %get3A_527 = arith.index_cast %get3A_526 : i32 to index
    %get3A_528 = arith.constant 0 : index
    %get3A_529 = tpu.vector_load %arg15[%get3A_527, %get3A_528] {strides = array<i32>} : memref<16x64xf32, #tpu.memory_space<vmem>>, vector<16xf32>,
    %add3A_530 = arith.addf %add3A_525, %get3A_529 : vector<16xf32>
    %get3A_531 = arith.constant 2 : i32
    %get3A_532 = arith.index_cast %get3A_531 : i32 to index
    %get3A_533 = arith.constant 0 : index
    %get3A_534 = tpu.vector_load %arg15[%get3A_532, %get3A_533] {strides = array<i32>} : memref<16x64xf32, #tpu.memory_space<vmem>>, vector<16xf32>,
    %add3A_535 = arith.addf %add3A_530, %get3A_534 : vector<16xf32>
    %get3A_536 = arith.constant 3 : i32
    %get3A_537 = arith.index_cast %get3A_536 : i32 to index
    %get3A_538 = arith.constant 0 : index
    %get3A_539 = tpu.vector_load %arg15[%get3A_537, %get3A_538] {strides = array<i32>} : memref<16x64xf32, #tpu.memory_space<vmem>>, vector<16xf32>,
    %add3A_540 = arith.addf %add3A_535, %get3A_539 : vector<16xf32>
    %get3A_541 = arith.constant 4 : i32
    %get3A_542 = arith.index_cast %get3A_541 : i32 to index
    %get3A_543 = arith.constant 0 : index
    %get3A_544 = tpu.vector_load %arg15[%get3A_542, %get3A_543] {strides = array<i32>} : memref<16x64xf32, #tpu.memory_space<vmem>>, vector<16xf32>,
    %add3A_545 = arith.addf %add3A_540, %get3A_544 : vector<16xf32>
    %get3A_546 = arith.constant 5 : i32
    %get3A_547 = arith.index_cast %get3A_546 : i32 to index
    %get3A_548 = arith.constant 0 : index
    %get3A_549 = tpu.vector_load %arg15[%get3A_547, %get3A_548] {strides = array<i32>} : memref<16x64xf32, #tpu.memory_space<vmem>>, vector<16xf32>,
    %add3A_550 = arith.addf %add3A_545, %get3A_549 : vector<16xf32>
    %get3A_551 = arith.constant 6 : i32
    %get3A_552 = arith.index_cast %get3A_551 : i32 to index
    %get3A_553 = arith.constant 0 : index
    %get3A_554 = tpu.vector_load %arg15[%get3A_552, %get3A_553] {strides = array<i32>} : memref<16x64xf32, #tpu.memory_space<vmem>>, vector<16xf32>,
    %add3A_555 = arith.addf %add3A_550, %get3A_554 : vector<16xf32>
    %get3A_556 = arith.constant 7 : i32
    %get3A_557 = arith.index_cast %get3A_556 : i32 to index
    %get3A_558 = arith.constant 0 : index
    %get3A_559 = tpu.vector_load %arg15[%get3A_557, %get3A_558] {strides = array<i32>} : memref<16x64xf32, #tpu.memory_space<vmem>>, vector<16xf32>,
    %add3A_560 = arith.addf %add3A_555, %get3A_559 : vector<16xf32>
    %get3A_561 = arith.constant 8 : i32
    %get3A_562 = arith.index_cast %get3A_561 : i32 to index
    %get3A_563 = arith.constant 0 : index
    %get3A_564 = tpu.vector_load %arg15[%get3A_562, %get3A_563] {strides = array<i32>} : memref<16x64xf32, #tpu.memory_space<vmem>>, vector<16xf32>,
    %add3A_565 = arith.addf %add3A_560, %get3A_564 : vector<16xf32>
    %get3A_566 = arith.constant 9 : i32
    %get3A_567 = arith.index_cast %get3A_566 : i32 to index
    %get3A_568 = arith.constant 0 : index
    %get3A_569 = tpu.vector_load %arg15[%get3A_567, %get3A_568] {strides = array<i32>} : memref<16x64xf32, #tpu.memory_space<vmem>>, vector<16xf32>,
    %add3A_570 = arith.addf %add3A_565, %get3A_569 : vector<16xf32>
    %get3A_571 = arith.constant 10 : i32
    %get3A_572 = arith.index_cast %get3A_571 : i32 to index
    %get3A_573 = arith.constant 0 : index
    %get3A_574 = tpu.vector_load %arg15[%get3A_572, %get3A_573] {strides = array<i32>} : memref<16x64xf32, #tpu.memory_space<vmem>>, vector<16xf32>,
    %add3A_575 = arith.addf %add3A_570, %get3A_574 : vector<16xf32>
    %get3A_576 = arith.constant 11 : i32
    %get3A_577 = arith.index_cast %get3A_576 : i32 to index
    %get3A_578 = arith.constant 0 : index
    %get3A_579 = tpu.vector_load %arg15[%get3A_577, %get3A_578] {strides = array<i32>} : memref<16x64xf32, #tpu.memory_space<vmem>>, vector<16xf32>,
    %add3A_580 = arith.addf %add3A_575, %get3A_579 : vector<16xf32>
    %get3A_581 = arith.constant 12 : i32
    %get3A_582 = arith.index_cast %get3A_581 : i32 to index
    %get3A_583 = arith.constant 0 : index
    %get3A_584 = tpu.vector_load %arg15[%get3A_582, %get3A_583] {strides = array<i32>} : memref<16x64xf32, #tpu.memory_space<vmem>>, vector<16xf32>,
    %add3A_585 = arith.addf %add3A_580, %get3A_584 : vector<16xf32>
    %get3A_586 = arith.constant 13 : i32
    %get3A_587 = arith.index_cast %get3A_586 : i32 to index
    %get3A_588 = arith.constant 0 : index
    %get3A_589 = tpu.vector_load %arg15[%get3A_587, %get3A_588] {strides = array<i32>} : memref<16x64xf32, #tpu.memory_space<vmem>>, vector<16xf32>,
    %add3A_590 = arith.addf %add3A_585, %get3A_589 : vector<16xf32>
    %get3A_591 = arith.constant 14 : i32
    %get3A_592 = arith.index_cast %get3A_591 : i32 to index
    %get3A_593 = arith.constant 0 : index
    %get3A_594 = tpu.vector_load %arg15[%get3A_592, %get3A_593] {strides = array<i32>} : memref<16x64xf32, #tpu.memory_space<vmem>>, vector<16xf32>,
    %add3A_595 = arith.addf %add3A_590, %get3A_594 : vector<16xf32>
    %get3A_596 = arith.constant 15 : i32
    %get3A_597 = arith.index_cast %get3A_596 : i32 to index
    %get3A_598 = arith.constant 0 : index
    %get3A_599 = tpu.vector_load %arg15[%get3A_597, %get3A_598] {strides = array<i32>} : memref<16x64xf32, #tpu.memory_space<vmem>>, vector<16xf32>,
    %add3A_600 = arith.addf %add3A_595, %get3A_599 : vector<16xf32>
    %swap3A = arith.constant 0 : index
    %swap3A_601 = tpu.vector_load %arg16[%swap3A] {strides = array<i32>} : memref<64xf32, #tpu.memory_space<vmem>>, vector<16xf32>,
    tpu.vector_store %arg16[%swap3A], %add3A_600 {strides = array<i32>} : memref<64xf32, #tpu.memory_space<vmem>>, vector<16xf32>,
    %broadcast_in_dim3A_602 = arith.constant 0.000000e+00 : f32
    %broadcast_in_dim3A_603 = vector.broadcast %broadcast_in_dim3A_602 : f32 to vector<16xf32>
    %get3A_604 = arith.constant 0 : i32
    %get3A_605 = arith.index_cast %get3A_604 : i32 to index
    %get3A_606 = arith.constant 16 : index
    %get3A_607 = tpu.vector_load %arg15[%get3A_605, %get3A_606] {strides = array<i32>} : memref<16x64xf32, #tpu.memory_space<vmem>>, vector<16xf32>,
    %add3A_608 = arith.addf %broadcast_in_dim3A_603, %get3A_607 : vector<16xf32>
    %get3A_609 = arith.constant 1 : i32
    %get3A_610 = arith.index_cast %get3A_609 : i32 to index
    %get3A_611 = arith.constant 16 : index
    %get3A_612 = tpu.vector_load %arg15[%get3A_610, %get3A_611] {strides = array<i32>} : memref<16x64xf32, #tpu.memory_space<vmem>>, vector<16xf32>,
    %add3A_613 = arith.addf %add3A_608, %get3A_612 : vector<16xf32>
    %get3A_614 = arith.constant 2 : i32
    %get3A_615 = arith.index_cast %get3A_614 : i32 to index
    %get3A_616 = arith.constant 16 : index
    %get3A_617 = tpu.vector_load %arg15[%get3A_615, %get3A_616] {strides = array<i32>} : memref<16x64xf32, #tpu.memory_space<vmem>>, vector<16xf32>,
    %add3A_618 = arith.addf %add3A_613, %get3A_617 : vector<16xf32>
    %get3A_619 = arith.constant 3 : i32
    %get3A_620 = arith.index_cast %get3A_619 : i32 to index
    %get3A_621 = arith.constant 16 : index
    %get3A_622 = tpu.vector_load %arg15[%get3A_620, %get3A_621] {strides = array<i32>} : memref<16x64xf32, #tpu.memory_space<vmem>>, vector<16xf32>,
    %add3A_623 = arith.addf %add3A_618, %get3A_622 : vector<16xf32>
    %get3A_624 = arith.constant 4 : i32
    %get3A_625 = arith.index_cast %get3A_624 : i32 to index
    %get3A_626 = arith.constant 16 : index
    %get3A_627 = tpu.vector_load %arg15[%get3A_625, %get3A_626] {strides = array<i32>} : memref<16x64xf32, #tpu.memory_space<vmem>>, vector<16xf32>,
    %add3A_628 = arith.addf %add3A_623, %get3A_627 : vector<16xf32>
    %get3A_629 = arith.constant 5 : i32
    %get3A_630 = arith.index_cast %get3A_629 : i32 to index
    %get3A_631 = arith.constant 16 : index
    %get3A_632 = tpu.vector_load %arg15[%get3A_630, %get3A_631] {strides = array<i32>} : memref<16x64xf32, #tpu.memory_space<vmem>>, vector<16xf32>,
    %add3A_633 = arith.addf %add3A_628, %get3A_632 : vector<16xf32>
    %get3A_634 = arith.constant 6 : i32
    %get3A_635 = arith.index_cast %get3A_634 : i32 to index
    %get3A_636 = arith.constant 16 : index
    %get3A_637 = tpu.vector_load %arg15[%get3A_635, %get3A_636] {strides = array<i32>} : memref<16x64xf32, #tpu.memory_space<vmem>>, vector<16xf32>,
    %add3A_638 = arith.addf %add3A_633, %get3A_637 : vector<16xf32>
    %get3A_639 = arith.constant 7 : i32
    %get3A_640 = arith.index_cast %get3A_639 : i32 to index
    %get3A_641 = arith.constant 16 : index
    %get3A_642 = tpu.vector_load %arg15[%get3A_640, %get3A_641] {strides = array<i32>} : memref<16x64xf32, #tpu.memory_space<vmem>>, vector<16xf32>,
    %add3A_643 = arith.addf %add3A_638, %get3A_642 : vector<16xf32>
    %get3A_644 = arith.constant 8 : i32
    %get3A_645 = arith.index_cast %get3A_644 : i32 to index
    %get3A_646 = arith.constant 16 : index
    %get3A_647 = tpu.vector_load %arg15[%get3A_645, %get3A_646] {strides = array<i32>} : memref<16x64xf32, #tpu.memory_space<vmem>>, vector<16xf32>,
    %add3A_648 = arith.addf %add3A_643, %get3A_647 : vector<16xf32>
    %get3A_649 = arith.constant 9 : i32
    %get3A_650 = arith.index_cast %get3A_649 : i32 to index
    %get3A_651 = arith.constant 16 : index
    %get3A_652 = tpu.vector_load %arg15[%get3A_650, %get3A_651] {strides = array<i32>} : memref<16x64xf32, #tpu.memory_space<vmem>>, vector<16xf32>,
    %add3A_653 = arith.addf %add3A_648, %get3A_652 : vector<16xf32>
    %get3A_654 = arith.constant 10 : i32
    %get3A_655 = arith.index_cast %get3A_654 : i32 to index
    %get3A_656 = arith.constant 16 : index
    %get3A_657 = tpu.vector_load %arg15[%get3A_655, %get3A_656] {strides = array<i32>} : memref<16x64xf32, #tpu.memory_space<vmem>>, vector<16xf32>,
    %add3A_658 = arith.addf %add3A_653, %get3A_657 : vector<16xf32>
    %get3A_659 = arith.constant 11 : i32
    %get3A_660 = arith.index_cast %get3A_659 : i32 to index
    %get3A_661 = arith.constant 16 : index
    %get3A_662 = tpu.vector_load %arg15[%get3A_660, %get3A_661] {strides = array<i32>} : memref<16x64xf32, #tpu.memory_space<vmem>>, vector<16xf32>,
    %add3A_663 = arith.addf %add3A_658, %get3A_662 : vector<16xf32>
    %get3A_664 = arith.constant 12 : i32
    %get3A_665 = arith.index_cast %get3A_664 : i32 to index
    %get3A_666 = arith.constant 16 : index
    %get3A_667 = tpu.vector_load %arg15[%get3A_665, %get3A_666] {strides = array<i32>} : memref<16x64xf32, #tpu.memory_space<vmem>>, vector<16xf32>,
    %add3A_668 = arith.addf %add3A_663, %get3A_667 : vector<16xf32>
    %get3A_669 = arith.constant 13 : i32
    %get3A_670 = arith.index_cast %get3A_669 : i32 to index
    %get3A_671 = arith.constant 16 : index
    %get3A_672 = tpu.vector_load %arg15[%get3A_670, %get3A_671] {strides = array<i32>} : memref<16x64xf32, #tpu.memory_space<vmem>>, vector<16xf32>,
    %add3A_673 = arith.addf %add3A_668, %get3A_672 : vector<16xf32>
    %get3A_674 = arith.constant 14 : i32
    %get3A_675 = arith.index_cast %get3A_674 : i32 to index
    %get3A_676 = arith.constant 16 : index
    %get3A_677 = tpu.vector_load %arg15[%get3A_675, %get3A_676] {strides = array<i32>} : memref<16x64xf32, #tpu.memory_space<vmem>>, vector<16xf32>,
    %add3A_678 = arith.addf %add3A_673, %get3A_677 : vector<16xf32>
    %get3A_679 = arith.constant 15 : i32
    %get3A_680 = arith.index_cast %get3A_679 : i32 to index
    %get3A_681 = arith.constant 16 : index
    %get3A_682 = tpu.vector_load %arg15[%get3A_680, %get3A_681] {strides = array<i32>} : memref<16x64xf32, #tpu.memory_space<vmem>>, vector<16xf32>,
    %add3A_683 = arith.addf %add3A_678, %get3A_682 : vector<16xf32>
    %swap3A_684 = arith.constant 16 : index
    %swap3A_685 = tpu.vector_load %arg16[%swap3A_684] {strides = array<i32>} : memref<64xf32, #tpu.memory_space<vmem>>, vector<16xf32>,
    tpu.vector_store %arg16[%swap3A_684], %add3A_683 {strides = array<i32>} : memref<64xf32, #tpu.memory_space<vmem>>, vector<16xf32>,
    %broadcast_in_dim3A_686 = arith.constant 0.000000e+00 : f32
    %broadcast_in_dim3A_687 = vector.broadcast %broadcast_in_dim3A_686 : f32 to vector<16xf32>
    %get3A_688 = arith.constant 0 : i32
    %get3A_689 = arith.index_cast %get3A_688 : i32 to index
    %get3A_690 = arith.constant 32 : index
    %get3A_691 = tpu.vector_load %arg15[%get3A_689, %get3A_690] {strides = array<i32>} : memref<16x64xf32, #tpu.memory_space<vmem>>, vector<16xf32>,
    %add3A_692 = arith.addf %broadcast_in_dim3A_687, %get3A_691 : vector<16xf32>
    %get3A_693 = arith.constant 1 : i32
    %get3A_694 = arith.index_cast %get3A_693 : i32 to index
    %get3A_695 = arith.constant 32 : index
    %get3A_696 = tpu.vector_load %arg15[%get3A_694, %get3A_695] {strides = array<i32>} : memref<16x64xf32, #tpu.memory_space<vmem>>, vector<16xf32>,
    %add3A_697 = arith.addf %add3A_692, %get3A_696 : vector<16xf32>
    %get3A_698 = arith.constant 2 : i32
    %get3A_699 = arith.index_cast %get3A_698 : i32 to index
    %get3A_700 = arith.constant 32 : index
    %get3A_701 = tpu.vector_load %arg15[%get3A_699, %get3A_700] {strides = array<i32>} : memref<16x64xf32, #tpu.memory_space<vmem>>, vector<16xf32>,
    %add3A_702 = arith.addf %add3A_697, %get3A_701 : vector<16xf32>
    %get3A_703 = arith.constant 3 : i32
    %get3A_704 = arith.index_cast %get3A_703 : i32 to index
    %get3A_705 = arith.constant 32 : index
    %get3A_706 = tpu.vector_load %arg15[%get3A_704, %get3A_705] {strides = array<i32>} : memref<16x64xf32, #tpu.memory_space<vmem>>, vector<16xf32>,
    %add3A_707 = arith.addf %add3A_702, %get3A_706 : vector<16xf32>
    %get3A_708 = arith.constant 4 : i32
    %get3A_709 = arith.index_cast %get3A_708 : i32 to index
    %get3A_710 = arith.constant 32 : index
    %get3A_711 = tpu.vector_load %arg15[%get3A_709, %get3A_710] {strides = array<i32>} : memref<16x64xf32, #tpu.memory_space<vmem>>, vector<16xf32>,
    %add3A_712 = arith.addf %add3A_707, %get3A_711 : vector<16xf32>
    %get3A_713 = arith.constant 5 : i32
    %get3A_714 = arith.index_cast %get3A_713 : i32 to index
    %get3A_715 = arith.constant 32 : index
    %get3A_716 = tpu.vector_load %arg15[%get3A_714, %get3A_715] {strides = array<i32>} : memref<16x64xf32, #tpu.memory_space<vmem>>, vector<16xf32>,
    %add3A_717 = arith.addf %add3A_712, %get3A_716 : vector<16xf32>
    %get3A_718 = arith.constant 6 : i32
    %get3A_719 = arith.index_cast %get3A_718 : i32 to index
    %get3A_720 = arith.constant 32 : index
    %get3A_721 = tpu.vector_load %arg15[%get3A_719, %get3A_720] {strides = array<i32>} : memref<16x64xf32, #tpu.memory_space<vmem>>, vector<16xf32>,
    %add3A_722 = arith.addf %add3A_717, %get3A_721 : vector<16xf32>
    %get3A_723 = arith.constant 7 : i32
    %get3A_724 = arith.index_cast %get3A_723 : i32 to index
    %get3A_725 = arith.constant 32 : index
    %get3A_726 = tpu.vector_load %arg15[%get3A_724, %get3A_725] {strides = array<i32>} : memref<16x64xf32, #tpu.memory_space<vmem>>, vector<16xf32>,
    %add3A_727 = arith.addf %add3A_722, %get3A_726 : vector<16xf32>
    %get3A_728 = arith.constant 8 : i32
    %get3A_729 = arith.index_cast %get3A_728 : i32 to index
    %get3A_730 = arith.constant 32 : index
    %get3A_731 = tpu.vector_load %arg15[%get3A_729, %get3A_730] {strides = array<i32>} : memref<16x64xf32, #tpu.memory_space<vmem>>, vector<16xf32>,
    %add3A_732 = arith.addf %add3A_727, %get3A_731 : vector<16xf32>
    %get3A_733 = arith.constant 9 : i32
    %get3A_734 = arith.index_cast %get3A_733 : i32 to index
    %get3A_735 = arith.constant 32 : index
    %get3A_736 = tpu.vector_load %arg15[%get3A_734, %get3A_735] {strides = array<i32>} : memref<16x64xf32, #tpu.memory_space<vmem>>, vector<16xf32>,
    %add3A_737 = arith.addf %add3A_732, %get3A_736 : vector<16xf32>
    %get3A_738 = arith.constant 10 : i32
    %get3A_739 = arith.index_cast %get3A_738 : i32 to index
    %get3A_740 = arith.constant 32 : index
    %get3A_741 = tpu.vector_load %arg15[%get3A_739, %get3A_740] {strides = array<i32>} : memref<16x64xf32, #tpu.memory_space<vmem>>, vector<16xf32>,
    %add3A_742 = arith.addf %add3A_737, %get3A_741 : vector<16xf32>
    %get3A_743 = arith.constant 11 : i32
    %get3A_744 = arith.index_cast %get3A_743 : i32 to index
    %get3A_745 = arith.constant 32 : index
    %get3A_746 = tpu.vector_load %arg15[%get3A_744, %get3A_745] {strides = array<i32>} : memref<16x64xf32, #tpu.memory_space<vmem>>, vector<16xf32>,
    %add3A_747 = arith.addf %add3A_742, %get3A_746 : vector<16xf32>
    %get3A_748 = arith.constant 12 : i32
    %get3A_749 = arith.index_cast %get3A_748 : i32 to index
    %get3A_750 = arith.constant 32 : index
    %get3A_751 = tpu.vector_load %arg15[%get3A_749, %get3A_750] {strides = array<i32>} : memref<16x64xf32, #tpu.memory_space<vmem>>, vector<16xf32>,
    %add3A_752 = arith.addf %add3A_747, %get3A_751 : vector<16xf32>
    %get3A_753 = arith.constant 13 : i32
    %get3A_754 = arith.index_cast %get3A_753 : i32 to index
    %get3A_755 = arith.constant 32 : index
    %get3A_756 = tpu.vector_load %arg15[%get3A_754, %get3A_755] {strides = array<i32>} : memref<16x64xf32, #tpu.memory_space<vmem>>, vector<16xf32>,
    %add3A_757 = arith.addf %add3A_752, %get3A_756 : vector<16xf32>
    %get3A_758 = arith.constant 14 : i32
    %get3A_759 = arith.index_cast %get3A_758 : i32 to index
    %get3A_760 = arith.constant 32 : index
    %get3A_761 = tpu.vector_load %arg15[%get3A_759, %get3A_760] {strides = array<i32>} : memref<16x64xf32, #tpu.memory_space<vmem>>, vector<16xf32>,
    %add3A_762 = arith.addf %add3A_757, %get3A_761 : vector<16xf32>
    %get3A_763 = arith.constant 15 : i32
    %get3A_764 = arith.index_cast %get3A_763 : i32 to index
    %get3A_765 = arith.constant 32 : index
    %get3A_766 = tpu.vector_load %arg15[%get3A_764, %get3A_765] {strides = array<i32>} : memref<16x64xf32, #tpu.memory_space<vmem>>, vector<16xf32>,
    %add3A_767 = arith.addf %add3A_762, %get3A_766 : vector<16xf32>
    %swap3A_768 = arith.constant 32 : index
    %swap3A_769 = tpu.vector_load %arg16[%swap3A_768] {strides = array<i32>} : memref<64xf32, #tpu.memory_space<vmem>>, vector<16xf32>,
    tpu.vector_store %arg16[%swap3A_768], %add3A_767 {strides = array<i32>} : memref<64xf32, #tpu.memory_space<vmem>>, vector<16xf32>,
    %broadcast_in_dim3A_770 = arith.constant 0.000000e+00 : f32
    %broadcast_in_dim3A_771 = vector.broadcast %broadcast_in_dim3A_770 : f32 to vector<16xf32>
    %get3A_772 = arith.constant 0 : i32
    %get3A_773 = arith.index_cast %get3A_772 : i32 to index
    %get3A_774 = arith.constant 48 : index
    %get3A_775 = tpu.vector_load %arg15[%get3A_773, %get3A_774] {strides = array<i32>} : memref<16x64xf32, #tpu.memory_space<vmem>>, vector<16xf32>,
    %add3A_776 = arith.addf %broadcast_in_dim3A_771, %get3A_775 : vector<16xf32>
    %get3A_777 = arith.constant 1 : i32
    %get3A_778 = arith.index_cast %get3A_777 : i32 to index
    %get3A_779 = arith.constant 48 : index
    %get3A_780 = tpu.vector_load %arg15[%get3A_778, %get3A_779] {strides = array<i32>} : memref<16x64xf32, #tpu.memory_space<vmem>>, vector<16xf32>,
    %add3A_781 = arith.addf %add3A_776, %get3A_780 : vector<16xf32>
    %get3A_782 = arith.constant 2 : i32
    %get3A_783 = arith.index_cast %get3A_782 : i32 to index
    %get3A_784 = arith.constant 48 : index
    %get3A_785 = tpu.vector_load %arg15[%get3A_783, %get3A_784] {strides = array<i32>} : memref<16x64xf32, #tpu.memory_space<vmem>>, vector<16xf32>,
    %add3A_786 = arith.addf %add3A_781, %get3A_785 : vector<16xf32>
    %get3A_787 = arith.constant 3 : i32
    %get3A_788 = arith.index_cast %get3A_787 : i32 to index
    %get3A_789 = arith.constant 48 : index
    %get3A_790 = tpu.vector_load %arg15[%get3A_788, %get3A_789] {strides = array<i32>} : memref<16x64xf32, #tpu.memory_space<vmem>>, vector<16xf32>,
    %add3A_791 = arith.addf %add3A_786, %get3A_790 : vector<16xf32>
    %get3A_792 = arith.constant 4 : i32
    %get3A_793 = arith.index_cast %get3A_792 : i32 to index
    %get3A_794 = arith.constant 48 : index
    %get3A_795 = tpu.vector_load %arg15[%get3A_793, %get3A_794] {strides = array<i32>} : memref<16x64xf32, #tpu.memory_space<vmem>>, vector<16xf32>,
    %add3A_796 = arith.addf %add3A_791, %get3A_795 : vector<16xf32>
    %get3A_797 = arith.constant 5 : i32
    %get3A_798 = arith.index_cast %get3A_797 : i32 to index
    %get3A_799 = arith.constant 48 : index
    %get3A_800 = tpu.vector_load %arg15[%get3A_798, %get3A_799] {strides = array<i32>} : memref<16x64xf32, #tpu.memory_space<vmem>>, vector<16xf32>,
    %add3A_801 = arith.addf %add3A_796, %get3A_800 : vector<16xf32>
    %get3A_802 = arith.constant 6 : i32
    %get3A_803 = arith.index_cast %get3A_802 : i32 to index
    %get3A_804 = arith.constant 48 : index
    %get3A_805 = tpu.vector_load %arg15[%get3A_803, %get3A_804] {strides = array<i32>} : memref<16x64xf32, #tpu.memory_space<vmem>>, vector<16xf32>,
    %add3A_806 = arith.addf %add3A_801, %get3A_805 : vector<16xf32>
    %get3A_807 = arith.constant 7 : i32
    %get3A_808 = arith.index_cast %get3A_807 : i32 to index
    %get3A_809 = arith.constant 48 : index
    %get3A_810 = tpu.vector_load %arg15[%get3A_808, %get3A_809] {strides = array<i32>} : memref<16x64xf32, #tpu.memory_space<vmem>>, vector<16xf32>,
    %add3A_811 = arith.addf %add3A_806, %get3A_810 : vector<16xf32>
    %get3A_812 = arith.constant 8 : i32
    %get3A_813 = arith.index_cast %get3A_812 : i32 to index
    %get3A_814 = arith.constant 48 : index
    %get3A_815 = tpu.vector_load %arg15[%get3A_813, %get3A_814] {strides = array<i32>} : memref<16x64xf32, #tpu.memory_space<vmem>>, vector<16xf32>,
    %add3A_816 = arith.addf %add3A_811, %get3A_815 : vector<16xf32>
    %get3A_817 = arith.constant 9 : i32
    %get3A_818 = arith.index_cast %get3A_817 : i32 to index
    %get3A_819 = arith.constant 48 : index
    %get3A_820 = tpu.vector_load %arg15[%get3A_818, %get3A_819] {strides = array<i32>} : memref<16x64xf32, #tpu.memory_space<vmem>>, vector<16xf32>,
    %add3A_821 = arith.addf %add3A_816, %get3A_820 : vector<16xf32>
    %get3A_822 = arith.constant 10 : i32
    %get3A_823 = arith.index_cast %get3A_822 : i32 to index
    %get3A_824 = arith.constant 48 : index
    %get3A_825 = tpu.vector_load %arg15[%get3A_823, %get3A_824] {strides = array<i32>} : memref<16x64xf32, #tpu.memory_space<vmem>>, vector<16xf32>,
    %add3A_826 = arith.addf %add3A_821, %get3A_825 : vector<16xf32>
    %get3A_827 = arith.constant 11 : i32
    %get3A_828 = arith.index_cast %get3A_827 : i32 to index
    %get3A_829 = arith.constant 48 : index
    %get3A_830 = tpu.vector_load %arg15[%get3A_828, %get3A_829] {strides = array<i32>} : memref<16x64xf32, #tpu.memory_space<vmem>>, vector<16xf32>,
    %add3A_831 = arith.addf %add3A_826, %get3A_830 : vector<16xf32>
    %get3A_832 = arith.constant 12 : i32
    %get3A_833 = arith.index_cast %get3A_832 : i32 to index
    %get3A_834 = arith.constant 48 : index
    %get3A_835 = tpu.vector_load %arg15[%get3A_833, %get3A_834] {strides = array<i32>} : memref<16x64xf32, #tpu.memory_space<vmem>>, vector<16xf32>,
    %add3A_836 = arith.addf %add3A_831, %get3A_835 : vector<16xf32>
    %get3A_837 = arith.constant 13 : i32
    %get3A_838 = arith.index_cast %get3A_837 : i32 to index
    %get3A_839 = arith.constant 48 : index
    %get3A_840 = tpu.vector_load %arg15[%get3A_838, %get3A_839] {strides = array<i32>} : memref<16x64xf32, #tpu.memory_space<vmem>>, vector<16xf32>,
    %add3A_841 = arith.addf %add3A_836, %get3A_840 : vector<16xf32>
    %get3A_842 = arith.constant 14 : i32
    %get3A_843 = arith.index_cast %get3A_842 : i32 to index
    %get3A_844 = arith.constant 48 : index
    %get3A_845 = tpu.vector_load %arg15[%get3A_843, %get3A_844] {strides = array<i32>} : memref<16x64xf32, #tpu.memory_space<vmem>>, vector<16xf32>,
    %add3A_846 = arith.addf %add3A_841, %get3A_845 : vector<16xf32>
    %get3A_847 = arith.constant 15 : i32
    %get3A_848 = arith.index_cast %get3A_847 : i32 to index
    %get3A_849 = arith.constant 48 : index
    %get3A_850 = tpu.vector_load %arg15[%get3A_848, %get3A_849] {strides = array<i32>} : memref<16x64xf32, #tpu.memory_space<vmem>>, vector<16xf32>,
    %add3A_851 = arith.addf %add3A_846, %get3A_850 : vector<16xf32>
    %swap3A_852 = arith.constant 48 : index
    %swap3A_853 = tpu.vector_load %arg16[%swap3A_852] {strides = array<i32>} : memref<64xf32, #tpu.memory_space<vmem>>, vector<16xf32>,
    tpu.vector_store %arg16[%swap3A_852], %add3A_851 {strides = array<i32>} : memref<64xf32, #tpu.memory_space<vmem>>, vector<16xf32>,
    %add3A_854 = arith.constant 16 : i32
    %add3A_855 = arith.addi %add3A_854, %arg1 : i32
    "tpu.region"() ({
      %run_scoped3A = tpu.sem_alloc : memref<!tpu.dma_semaphore, #tpu.memory_space<semaphore_mem>>
      %dma_start3A_1868 = arith.constant 0 : i32
      %dma_start3A_1869 = tpu.memref_slice %arg22[%add3A_855, %dma_start3A_1868] : memref<32x1024xf32, #tpu.memory_space<vmem_shared>> -> memref<1x64xf32, #tpu.memory_space<vmem_shared>>
      %dma_start3A_1870 = tpu.memref_squeeze %dma_start3A_1869 : memref<1x64xf32, #tpu.memory_space<vmem_shared>> -> memref<64xf32, #tpu.memory_space<vmem_shared>>
      %dma_start3A_1871 = arith.constant 0 : i32
      %dma_start3A_1872 = tpu.memref_slice %arg22[%add3A_855, %dma_start3A_1871] : memref<32x1024xf32, #tpu.memory_space<vmem_shared>> -> memref<1x64xf32, #tpu.memory_space<vmem_shared>>
      %dma_start3A_1873 = tpu.memref_squeeze %dma_start3A_1872 : memref<1x64xf32, #tpu.memory_space<vmem_shared>> -> memref<64xf32, #tpu.memory_space<vmem_shared>>
      tpu.enqueue_dma source(%arg16 : memref<64xf32, #tpu.memory_space<vmem>>) target(%dma_start3A_1873 : memref<64xf32, #tpu.memory_space<vmem_shared>>) target_semaphore(%run_scoped3A : memref<!tpu.dma_semaphore, #tpu.memory_space<semaphore_mem>>)
      %dma_wait3A_1874 = arith.constant 0 : i32
      %dma_wait3A_1875 = tpu.memref_slice %arg22[%add3A_855, %dma_wait3A_1874] : memref<32x1024xf32, #tpu.memory_space<vmem_shared>> -> memref<1x64xf32, #tpu.memory_space<vmem_shared>>
      %dma_wait3A_1876 = tpu.memref_squeeze %dma_wait3A_1875 : memref<1x64xf32, #tpu.memory_space<vmem_shared>> -> memref<64xf32, #tpu.memory_space<vmem_shared>>
      %dma_wait3A_1877 = arith.constant 0 : i32
      %dma_wait3A_1878 = tpu.memref_slice %arg22[%add3A_855, %dma_wait3A_1877] : memref<32x1024xf32, #tpu.memory_space<vmem_shared>> -> memref<1x64xf32, #tpu.memory_space<vmem_shared>>
      %dma_wait3A_1879 = tpu.memref_squeeze %dma_wait3A_1878 : memref<1x64xf32, #tpu.memory_space<vmem_shared>> -> memref<64xf32, #tpu.memory_space<vmem_shared>>
      tpu.wait_dma2 semaphore(%run_scoped3A : memref<!tpu.dma_semaphore, #tpu.memory_space<semaphore_mem>>) src(%arg16 : memref<64xf32, #tpu.memory_space<vmem>>) dst(%dma_wait3A_1879 : memref<64xf32, #tpu.memory_space<vmem_shared>>)
      tpu.yield
    }) : () -> ()
    %barrier3A_856 = arith.constant 0 : index
    tpu.barrier barrier_id(%barrier3A_856)
    %dma_start3A_857 = arith.constant 16 : i32
    %dma_start3A_858 = arith.constant 0 : i32
    %dma_start3A_859 = tpu.memref_slice %arg17[%dma_start3A_858] : memref<1024xf32, #tpu.memory_space<vmem>> -> memref<64xf32, #tpu.memory_space<vmem>>
    %dma_start3A_860 = arith.constant 0 : i32
    %dma_start3A_861 = tpu.memref_slice %arg22[%dma_start3A_857, %dma_start3A_860] : memref<32x1024xf32, #tpu.memory_space<vmem_shared>> -> memref<1x64xf32, #tpu.memory_space<vmem_shared>>
    %dma_start3A_862 = tpu.memref_squeeze %dma_start3A_861 : memref<1x64xf32, #tpu.memory_space<vmem_shared>> -> memref<64xf32, #tpu.memory_space<vmem_shared>>
    %dma_start3A_863 = arith.constant 0 : i32
    %dma_start3A_864 = tpu.memref_slice %arg17[%dma_start3A_863] : memref<1024xf32, #tpu.memory_space<vmem>> -> memref<64xf32, #tpu.memory_space<vmem>>
    %dma_start3A_865 = arith.constant 0 : i32
    %dma_start3A_866 = tpu.memref_slice %arg22[%dma_start3A_857, %dma_start3A_865] : memref<32x1024xf32, #tpu.memory_space<vmem_shared>> -> memref<1x64xf32, #tpu.memory_space<vmem_shared>>
    %dma_start3A_867 = tpu.memref_squeeze %dma_start3A_866 : memref<1x64xf32, #tpu.memory_space<vmem_shared>> -> memref<64xf32, #tpu.memory_space<vmem_shared>>
    tpu.enqueue_dma source(%dma_start3A_867 : memref<64xf32, #tpu.memory_space<vmem_shared>>) target(%dma_start3A_864 : memref<64xf32, #tpu.memory_space<vmem>>) target_semaphore(%arg24 : memref<!tpu.dma_semaphore, #tpu.memory_space<semaphore_mem>>)
    %dma_start3A_868 = arith.constant 17 : i32
    %dma_start3A_869 = arith.constant 64 : i32
    %dma_start3A_870 = tpu.memref_slice %arg17[%dma_start3A_869] : memref<1024xf32, #tpu.memory_space<vmem>> -> memref<64xf32, #tpu.memory_space<vmem>>
    %dma_start3A_871 = arith.constant 0 : i32
    %dma_start3A_872 = tpu.memref_slice %arg22[%dma_start3A_868, %dma_start3A_871] : memref<32x1024xf32, #tpu.memory_space<vmem_shared>> -> memref<1x64xf32, #tpu.memory_space<vmem_shared>>
    %dma_start3A_873 = tpu.memref_squeeze %dma_start3A_872 : memref<1x64xf32, #tpu.memory_space<vmem_shared>> -> memref<64xf32, #tpu.memory_space<vmem_shared>>
    %dma_start3A_874 = arith.constant 64 : i32
    %dma_start3A_875 = tpu.memref_slice %arg17[%dma_start3A_874] : memref<1024xf32, #tpu.memory_space<vmem>> -> memref<64xf32, #tpu.memory_space<vmem>>
    %dma_start3A_876 = arith.constant 0 : i32
    %dma_start3A_877 = tpu.memref_slice %arg22[%dma_start3A_868, %dma_start3A_876] : memref<32x1024xf32, #tpu.memory_space<vmem_shared>> -> memref<1x64xf32, #tpu.memory_space<vmem_shared>>
    %dma_start3A_878 = tpu.memref_squeeze %dma_start3A_877 : memref<1x64xf32, #tpu.memory_space<vmem_shared>> -> memref<64xf32, #tpu.memory_space<vmem_shared>>
    tpu.enqueue_dma source(%dma_start3A_878 : memref<64xf32, #tpu.memory_space<vmem_shared>>) target(%dma_start3A_875 : memref<64xf32, #tpu.memory_space<vmem>>) target_semaphore(%arg24 : memref<!tpu.dma_semaphore, #tpu.memory_space<semaphore_mem>>)
    %dma_start3A_879 = arith.constant 18 : i32
    %dma_start3A_880 = arith.constant 128 : i32
    %dma_start3A_881 = tpu.memref_slice %arg17[%dma_start3A_880] : memref<1024xf32, #tpu.memory_space<vmem>> -> memref<64xf32, #tpu.memory_space<vmem>>
    %dma_start3A_882 = arith.constant 0 : i32
    %dma_start3A_883 = tpu.memref_slice %arg22[%dma_start3A_879, %dma_start3A_882] : memref<32x1024xf32, #tpu.memory_space<vmem_shared>> -> memref<1x64xf32, #tpu.memory_space<vmem_shared>>
    %dma_start3A_884 = tpu.memref_squeeze %dma_start3A_883 : memref<1x64xf32, #tpu.memory_space<vmem_shared>> -> memref<64xf32, #tpu.memory_space<vmem_shared>>
    %dma_start3A_885 = arith.constant 128 : i32
    %dma_start3A_886 = tpu.memref_slice %arg17[%dma_start3A_885] : memref<1024xf32, #tpu.memory_space<vmem>> -> memref<64xf32, #tpu.memory_space<vmem>>
    %dma_start3A_887 = arith.constant 0 : i32
    %dma_start3A_888 = tpu.memref_slice %arg22[%dma_start3A_879, %dma_start3A_887] : memref<32x1024xf32, #tpu.memory_space<vmem_shared>> -> memref<1x64xf32, #tpu.memory_space<vmem_shared>>
    %dma_start3A_889 = tpu.memref_squeeze %dma_start3A_888 : memref<1x64xf32, #tpu.memory_space<vmem_shared>> -> memref<64xf32, #tpu.memory_space<vmem_shared>>
    tpu.enqueue_dma source(%dma_start3A_889 : memref<64xf32, #tpu.memory_space<vmem_shared>>) target(%dma_start3A_886 : memref<64xf32, #tpu.memory_space<vmem>>) target_semaphore(%arg24 : memref<!tpu.dma_semaphore, #tpu.memory_space<semaphore_mem>>)
    %dma_start3A_890 = arith.constant 19 : i32
    %dma_start3A_891 = arith.constant 192 : i32
    %dma_start3A_892 = tpu.memref_slice %arg17[%dma_start3A_891] : memref<1024xf32, #tpu.memory_space<vmem>> -> memref<64xf32, #tpu.memory_space<vmem>>
    %dma_start3A_893 = arith.constant 0 : i32
    %dma_start3A_894 = tpu.memref_slice %arg22[%dma_start3A_890, %dma_start3A_893] : memref<32x1024xf32, #tpu.memory_space<vmem_shared>> -> memref<1x64xf32, #tpu.memory_space<vmem_shared>>
    %dma_start3A_895 = tpu.memref_squeeze %dma_start3A_894 : memref<1x64xf32, #tpu.memory_space<vmem_shared>> -> memref<64xf32, #tpu.memory_space<vmem_shared>>
    %dma_start3A_896 = arith.constant 192 : i32
    %dma_start3A_897 = tpu.memref_slice %arg17[%dma_start3A_896] : memref<1024xf32, #tpu.memory_space<vmem>> -> memref<64xf32, #tpu.memory_space<vmem>>
    %dma_start3A_898 = arith.constant 0 : i32
    %dma_start3A_899 = tpu.memref_slice %arg22[%dma_start3A_890, %dma_start3A_898] : memref<32x1024xf32, #tpu.memory_space<vmem_shared>> -> memref<1x64xf32, #tpu.memory_space<vmem_shared>>
    %dma_start3A_900 = tpu.memref_squeeze %dma_start3A_899 : memref<1x64xf32, #tpu.memory_space<vmem_shared>> -> memref<64xf32, #tpu.memory_space<vmem_shared>>
    tpu.enqueue_dma source(%dma_start3A_900 : memref<64xf32, #tpu.memory_space<vmem_shared>>) target(%dma_start3A_897 : memref<64xf32, #tpu.memory_space<vmem>>) target_semaphore(%arg24 : memref<!tpu.dma_semaphore, #tpu.memory_space<semaphore_mem>>)
    %dma_start3A_901 = arith.constant 20 : i32
    %dma_start3A_902 = arith.constant 256 : i32
    %dma_start3A_903 = tpu.memref_slice %arg17[%dma_start3A_902] : memref<1024xf32, #tpu.memory_space<vmem>> -> memref<64xf32, #tpu.memory_space<vmem>>
    %dma_start3A_904 = arith.constant 0 : i32
    %dma_start3A_905 = tpu.memref_slice %arg22[%dma_start3A_901, %dma_start3A_904] : memref<32x1024xf32, #tpu.memory_space<vmem_shared>> -> memref<1x64xf32, #tpu.memory_space<vmem_shared>>
    %dma_start3A_906 = tpu.memref_squeeze %dma_start3A_905 : memref<1x64xf32, #tpu.memory_space<vmem_shared>> -> memref<64xf32, #tpu.memory_space<vmem_shared>>
    %dma_start3A_907 = arith.constant 256 : i32
    %dma_start3A_908 = tpu.memref_slice %arg17[%dma_start3A_907] : memref<1024xf32, #tpu.memory_space<vmem>> -> memref<64xf32, #tpu.memory_space<vmem>>
    %dma_start3A_909 = arith.constant 0 : i32
    %dma_start3A_910 = tpu.memref_slice %arg22[%dma_start3A_901, %dma_start3A_909] : memref<32x1024xf32, #tpu.memory_space<vmem_shared>> -> memref<1x64xf32, #tpu.memory_space<vmem_shared>>
    %dma_start3A_911 = tpu.memref_squeeze %dma_start3A_910 : memref<1x64xf32, #tpu.memory_space<vmem_shared>> -> memref<64xf32, #tpu.memory_space<vmem_shared>>
    tpu.enqueue_dma source(%dma_start3A_911 : memref<64xf32, #tpu.memory_space<vmem_shared>>) target(%dma_start3A_908 : memref<64xf32, #tpu.memory_space<vmem>>) target_semaphore(%arg24 : memref<!tpu.dma_semaphore, #tpu.memory_space<semaphore_mem>>)
    %dma_start3A_912 = arith.constant 21 : i32
    %dma_start3A_913 = arith.constant 320 : i32
    %dma_start3A_914 = tpu.memref_slice %arg17[%dma_start3A_913] : memref<1024xf32, #tpu.memory_space<vmem>> -> memref<64xf32, #tpu.memory_space<vmem>>
    %dma_start3A_915 = arith.constant 0 : i32
    %dma_start3A_916 = tpu.memref_slice %arg22[%dma_start3A_912, %dma_start3A_915] : memref<32x1024xf32, #tpu.memory_space<vmem_shared>> -> memref<1x64xf32, #tpu.memory_space<vmem_shared>>
    %dma_start3A_917 = tpu.memref_squeeze %dma_start3A_916 : memref<1x64xf32, #tpu.memory_space<vmem_shared>> -> memref<64xf32, #tpu.memory_space<vmem_shared>>
    %dma_start3A_918 = arith.constant 320 : i32
    %dma_start3A_919 = tpu.memref_slice %arg17[%dma_start3A_918] : memref<1024xf32, #tpu.memory_space<vmem>> -> memref<64xf32, #tpu.memory_space<vmem>>
    %dma_start3A_920 = arith.constant 0 : i32
    %dma_start3A_921 = tpu.memref_slice %arg22[%dma_start3A_912, %dma_start3A_920] : memref<32x1024xf32, #tpu.memory_space<vmem_shared>> -> memref<1x64xf32, #tpu.memory_space<vmem_shared>>
    %dma_start3A_922 = tpu.memref_squeeze %dma_start3A_921 : memref<1x64xf32, #tpu.memory_space<vmem_shared>> -> memref<64xf32, #tpu.memory_space<vmem_shared>>
    tpu.enqueue_dma source(%dma_start3A_922 : memref<64xf32, #tpu.memory_space<vmem_shared>>) target(%dma_start3A_919 : memref<64xf32, #tpu.memory_space<vmem>>) target_semaphore(%arg24 : memref<!tpu.dma_semaphore, #tpu.memory_space<semaphore_mem>>)
    %dma_start3A_923 = arith.constant 22 : i32
    %dma_start3A_924 = arith.constant 384 : i32
    %dma_start3A_925 = tpu.memref_slice %arg17[%dma_start3A_924] : memref<1024xf32, #tpu.memory_space<vmem>> -> memref<64xf32, #tpu.memory_space<vmem>>
    %dma_start3A_926 = arith.constant 0 : i32
    %dma_start3A_927 = tpu.memref_slice %arg22[%dma_start3A_923, %dma_start3A_926] : memref<32x1024xf32, #tpu.memory_space<vmem_shared>> -> memref<1x64xf32, #tpu.memory_space<vmem_shared>>
    %dma_start3A_928 = tpu.memref_squeeze %dma_start3A_927 : memref<1x64xf32, #tpu.memory_space<vmem_shared>> -> memref<64xf32, #tpu.memory_space<vmem_shared>>
    %dma_start3A_929 = arith.constant 384 : i32
    %dma_start3A_930 = tpu.memref_slice %arg17[%dma_start3A_929] : memref<1024xf32, #tpu.memory_space<vmem>> -> memref<64xf32, #tpu.memory_space<vmem>>
    %dma_start3A_931 = arith.constant 0 : i32
    %dma_start3A_932 = tpu.memref_slice %arg22[%dma_start3A_923, %dma_start3A_931] : memref<32x1024xf32, #tpu.memory_space<vmem_shared>> -> memref<1x64xf32, #tpu.memory_space<vmem_shared>>
    %dma_start3A_933 = tpu.memref_squeeze %dma_start3A_932 : memref<1x64xf32, #tpu.memory_space<vmem_shared>> -> memref<64xf32, #tpu.memory_space<vmem_shared>>
    tpu.enqueue_dma source(%dma_start3A_933 : memref<64xf32, #tpu.memory_space<vmem_shared>>) target(%dma_start3A_930 : memref<64xf32, #tpu.memory_space<vmem>>) target_semaphore(%arg24 : memref<!tpu.dma_semaphore, #tpu.memory_space<semaphore_mem>>)
    %dma_start3A_934 = arith.constant 23 : i32
    %dma_start3A_935 = arith.constant 448 : i32
    %dma_start3A_936 = tpu.memref_slice %arg17[%dma_start3A_935] : memref<1024xf32, #tpu.memory_space<vmem>> -> memref<64xf32, #tpu.memory_space<vmem>>
    %dma_start3A_937 = arith.constant 0 : i32
    %dma_start3A_938 = tpu.memref_slice %arg22[%dma_start3A_934, %dma_start3A_937] : memref<32x1024xf32, #tpu.memory_space<vmem_shared>> -> memref<1x64xf32, #tpu.memory_space<vmem_shared>>
    %dma_start3A_939 = tpu.memref_squeeze %dma_start3A_938 : memref<1x64xf32, #tpu.memory_space<vmem_shared>> -> memref<64xf32, #tpu.memory_space<vmem_shared>>
    %dma_start3A_940 = arith.constant 448 : i32
    %dma_start3A_941 = tpu.memref_slice %arg17[%dma_start3A_940] : memref<1024xf32, #tpu.memory_space<vmem>> -> memref<64xf32, #tpu.memory_space<vmem>>
    %dma_start3A_942 = arith.constant 0 : i32
    %dma_start3A_943 = tpu.memref_slice %arg22[%dma_start3A_934, %dma_start3A_942] : memref<32x1024xf32, #tpu.memory_space<vmem_shared>> -> memref<1x64xf32, #tpu.memory_space<vmem_shared>>
    %dma_start3A_944 = tpu.memref_squeeze %dma_start3A_943 : memref<1x64xf32, #tpu.memory_space<vmem_shared>> -> memref<64xf32, #tpu.memory_space<vmem_shared>>
    tpu.enqueue_dma source(%dma_start3A_944 : memref<64xf32, #tpu.memory_space<vmem_shared>>) target(%dma_start3A_941 : memref<64xf32, #tpu.memory_space<vmem>>) target_semaphore(%arg24 : memref<!tpu.dma_semaphore, #tpu.memory_space<semaphore_mem>>)
    %dma_start3A_945 = arith.constant 24 : i32
    %dma_start3A_946 = arith.constant 512 : i32
    %dma_start3A_947 = tpu.memref_slice %arg17[%dma_start3A_946] : memref<1024xf32, #tpu.memory_space<vmem>> -> memref<64xf32, #tpu.memory_space<vmem>>
    %dma_start3A_948 = arith.constant 0 : i32
    %dma_start3A_949 = tpu.memref_slice %arg22[%dma_start3A_945, %dma_start3A_948] : memref<32x1024xf32, #tpu.memory_space<vmem_shared>> -> memref<1x64xf32, #tpu.memory_space<vmem_shared>>
    %dma_start3A_950 = tpu.memref_squeeze %dma_start3A_949 : memref<1x64xf32, #tpu.memory_space<vmem_shared>> -> memref<64xf32, #tpu.memory_space<vmem_shared>>
    %dma_start3A_951 = arith.constant 512 : i32
    %dma_start3A_952 = tpu.memref_slice %arg17[%dma_start3A_951] : memref<1024xf32, #tpu.memory_space<vmem>> -> memref<64xf32, #tpu.memory_space<vmem>>
    %dma_start3A_953 = arith.constant 0 : i32
    %dma_start3A_954 = tpu.memref_slice %arg22[%dma_start3A_945, %dma_start3A_953] : memref<32x1024xf32, #tpu.memory_space<vmem_shared>> -> memref<1x64xf32, #tpu.memory_space<vmem_shared>>
    %dma_start3A_955 = tpu.memref_squeeze %dma_start3A_954 : memref<1x64xf32, #tpu.memory_space<vmem_shared>> -> memref<64xf32, #tpu.memory_space<vmem_shared>>
    tpu.enqueue_dma source(%dma_start3A_955 : memref<64xf32, #tpu.memory_space<vmem_shared>>) target(%dma_start3A_952 : memref<64xf32, #tpu.memory_space<vmem>>) target_semaphore(%arg24 : memref<!tpu.dma_semaphore, #tpu.memory_space<semaphore_mem>>)
    %dma_start3A_956 = arith.constant 25 : i32
    %dma_start3A_957 = arith.constant 576 : i32
    %dma_start3A_958 = tpu.memref_slice %arg17[%dma_start3A_957] : memref<1024xf32, #tpu.memory_space<vmem>> -> memref<64xf32, #tpu.memory_space<vmem>>
    %dma_start3A_959 = arith.constant 0 : i32
    %dma_start3A_960 = tpu.memref_slice %arg22[%dma_start3A_956, %dma_start3A_959] : memref<32x1024xf32, #tpu.memory_space<vmem_shared>> -> memref<1x64xf32, #tpu.memory_space<vmem_shared>>
    %dma_start3A_961 = tpu.memref_squeeze %dma_start3A_960 : memref<1x64xf32, #tpu.memory_space<vmem_shared>> -> memref<64xf32, #tpu.memory_space<vmem_shared>>
    %dma_start3A_962 = arith.constant 576 : i32
    %dma_start3A_963 = tpu.memref_slice %arg17[%dma_start3A_962] : memref<1024xf32, #tpu.memory_space<vmem>> -> memref<64xf32, #tpu.memory_space<vmem>>
    %dma_start3A_964 = arith.constant 0 : i32
    %dma_start3A_965 = tpu.memref_slice %arg22[%dma_start3A_956, %dma_start3A_964] : memref<32x1024xf32, #tpu.memory_space<vmem_shared>> -> memref<1x64xf32, #tpu.memory_space<vmem_shared>>
    %dma_start3A_966 = tpu.memref_squeeze %dma_start3A_965 : memref<1x64xf32, #tpu.memory_space<vmem_shared>> -> memref<64xf32, #tpu.memory_space<vmem_shared>>
    tpu.enqueue_dma source(%dma_start3A_966 : memref<64xf32, #tpu.memory_space<vmem_shared>>) target(%dma_start3A_963 : memref<64xf32, #tpu.memory_space<vmem>>) target_semaphore(%arg24 : memref<!tpu.dma_semaphore, #tpu.memory_space<semaphore_mem>>)
    %dma_start3A_967 = arith.constant 26 : i32
    %dma_start3A_968 = arith.constant 640 : i32
    %dma_start3A_969 = tpu.memref_slice %arg17[%dma_start3A_968] : memref<1024xf32, #tpu.memory_space<vmem>> -> memref<64xf32, #tpu.memory_space<vmem>>
    %dma_start3A_970 = arith.constant 0 : i32
    %dma_start3A_971 = tpu.memref_slice %arg22[%dma_start3A_967, %dma_start3A_970] : memref<32x1024xf32, #tpu.memory_space<vmem_shared>> -> memref<1x64xf32, #tpu.memory_space<vmem_shared>>
    %dma_start3A_972 = tpu.memref_squeeze %dma_start3A_971 : memref<1x64xf32, #tpu.memory_space<vmem_shared>> -> memref<64xf32, #tpu.memory_space<vmem_shared>>
    %dma_start3A_973 = arith.constant 640 : i32
    %dma_start3A_974 = tpu.memref_slice %arg17[%dma_start3A_973] : memref<1024xf32, #tpu.memory_space<vmem>> -> memref<64xf32, #tpu.memory_space<vmem>>
    %dma_start3A_975 = arith.constant 0 : i32
    %dma_start3A_976 = tpu.memref_slice %arg22[%dma_start3A_967, %dma_start3A_975] : memref<32x1024xf32, #tpu.memory_space<vmem_shared>> -> memref<1x64xf32, #tpu.memory_space<vmem_shared>>
    %dma_start3A_977 = tpu.memref_squeeze %dma_start3A_976 : memref<1x64xf32, #tpu.memory_space<vmem_shared>> -> memref<64xf32, #tpu.memory_space<vmem_shared>>
    tpu.enqueue_dma source(%dma_start3A_977 : memref<64xf32, #tpu.memory_space<vmem_shared>>) target(%dma_start3A_974 : memref<64xf32, #tpu.memory_space<vmem>>) target_semaphore(%arg24 : memref<!tpu.dma_semaphore, #tpu.memory_space<semaphore_mem>>)
    %dma_start3A_978 = arith.constant 27 : i32
    %dma_start3A_979 = arith.constant 704 : i32
    %dma_start3A_980 = tpu.memref_slice %arg17[%dma_start3A_979] : memref<1024xf32, #tpu.memory_space<vmem>> -> memref<64xf32, #tpu.memory_space<vmem>>
    %dma_start3A_981 = arith.constant 0 : i32
    %dma_start3A_982 = tpu.memref_slice %arg22[%dma_start3A_978, %dma_start3A_981] : memref<32x1024xf32, #tpu.memory_space<vmem_shared>> -> memref<1x64xf32, #tpu.memory_space<vmem_shared>>
    %dma_start3A_983 = tpu.memref_squeeze %dma_start3A_982 : memref<1x64xf32, #tpu.memory_space<vmem_shared>> -> memref<64xf32, #tpu.memory_space<vmem_shared>>
    %dma_start3A_984 = arith.constant 704 : i32
    %dma_start3A_985 = tpu.memref_slice %arg17[%dma_start3A_984] : memref<1024xf32, #tpu.memory_space<vmem>> -> memref<64xf32, #tpu.memory_space<vmem>>
    %dma_start3A_986 = arith.constant 0 : i32
    %dma_start3A_987 = tpu.memref_slice %arg22[%dma_start3A_978, %dma_start3A_986] : memref<32x1024xf32, #tpu.memory_space<vmem_shared>> -> memref<1x64xf32, #tpu.memory_space<vmem_shared>>
    %dma_start3A_988 = tpu.memref_squeeze %dma_start3A_987 : memref<1x64xf32, #tpu.memory_space<vmem_shared>> -> memref<64xf32, #tpu.memory_space<vmem_shared>>
    tpu.enqueue_dma source(%dma_start3A_988 : memref<64xf32, #tpu.memory_space<vmem_shared>>) target(%dma_start3A_985 : memref<64xf32, #tpu.memory_space<vmem>>) target_semaphore(%arg24 : memref<!tpu.dma_semaphore, #tpu.memory_space<semaphore_mem>>)
    %dma_start3A_989 = arith.constant 28 : i32
    %dma_start3A_990 = arith.constant 768 : i32
    %dma_start3A_991 = tpu.memref_slice %arg17[%dma_start3A_990] : memref<1024xf32, #tpu.memory_space<vmem>> -> memref<64xf32, #tpu.memory_space<vmem>>
    %dma_start3A_992 = arith.constant 0 : i32
    %dma_start3A_993 = tpu.memref_slice %arg22[%dma_start3A_989, %dma_start3A_992] : memref<32x1024xf32, #tpu.memory_space<vmem_shared>> -> memref<1x64xf32, #tpu.memory_space<vmem_shared>>
    %dma_start3A_994 = tpu.memref_squeeze %dma_start3A_993 : memref<1x64xf32, #tpu.memory_space<vmem_shared>> -> memref<64xf32, #tpu.memory_space<vmem_shared>>
    %dma_start3A_995 = arith.constant 768 : i32
    %dma_start3A_996 = tpu.memref_slice %arg17[%dma_start3A_995] : memref<1024xf32, #tpu.memory_space<vmem>> -> memref<64xf32, #tpu.memory_space<vmem>>
    %dma_start3A_997 = arith.constant 0 : i32
    %dma_start3A_998 = tpu.memref_slice %arg22[%dma_start3A_989, %dma_start3A_997] : memref<32x1024xf32, #tpu.memory_space<vmem_shared>> -> memref<1x64xf32, #tpu.memory_space<vmem_shared>>
    %dma_start3A_999 = tpu.memref_squeeze %dma_start3A_998 : memref<1x64xf32, #tpu.memory_space<vmem_shared>> -> memref<64xf32, #tpu.memory_space<vmem_shared>>
    tpu.enqueue_dma source(%dma_start3A_999 : memref<64xf32, #tpu.memory_space<vmem_shared>>) target(%dma_start3A_996 : memref<64xf32, #tpu.memory_space<vmem>>) target_semaphore(%arg24 : memref<!tpu.dma_semaphore, #tpu.memory_space<semaphore_mem>>)
    %dma_start3A_1000 = arith.constant 29 : i32
    %dma_start3A_1001 = arith.constant 832 : i32
    %dma_start3A_1002 = tpu.memref_slice %arg17[%dma_start3A_1001] : memref<1024xf32, #tpu.memory_space<vmem>> -> memref<64xf32, #tpu.memory_space<vmem>>
    %dma_start3A_1003 = arith.constant 0 : i32
    %dma_start3A_1004 = tpu.memref_slice %arg22[%dma_start3A_1000, %dma_start3A_1003] : memref<32x1024xf32, #tpu.memory_space<vmem_shared>> -> memref<1x64xf32, #tpu.memory_space<vmem_shared>>
    %dma_start3A_1005 = tpu.memref_squeeze %dma_start3A_1004 : memref<1x64xf32, #tpu.memory_space<vmem_shared>> -> memref<64xf32, #tpu.memory_space<vmem_shared>>
    %dma_start3A_1006 = arith.constant 832 : i32
    %dma_start3A_1007 = tpu.memref_slice %arg17[%dma_start3A_1006] : memref<1024xf32, #tpu.memory_space<vmem>> -> memref<64xf32, #tpu.memory_space<vmem>>
    %dma_start3A_1008 = arith.constant 0 : i32
    %dma_start3A_1009 = tpu.memref_slice %arg22[%dma_start3A_1000, %dma_start3A_1008] : memref<32x1024xf32, #tpu.memory_space<vmem_shared>> -> memref<1x64xf32, #tpu.memory_space<vmem_shared>>
    %dma_start3A_1010 = tpu.memref_squeeze %dma_start3A_1009 : memref<1x64xf32, #tpu.memory_space<vmem_shared>> -> memref<64xf32, #tpu.memory_space<vmem_shared>>
    tpu.enqueue_dma source(%dma_start3A_1010 : memref<64xf32, #tpu.memory_space<vmem_shared>>) target(%dma_start3A_1007 : memref<64xf32, #tpu.memory_space<vmem>>) target_semaphore(%arg24 : memref<!tpu.dma_semaphore, #tpu.memory_space<semaphore_mem>>)
    %dma_start3A_1011 = arith.constant 30 : i32
    %dma_start3A_1012 = arith.constant 896 : i32
    %dma_start3A_1013 = tpu.memref_slice %arg17[%dma_start3A_1012] : memref<1024xf32, #tpu.memory_space<vmem>> -> memref<64xf32, #tpu.memory_space<vmem>>
    %dma_start3A_1014 = arith.constant 0 : i32
    %dma_start3A_1015 = tpu.memref_slice %arg22[%dma_start3A_1011, %dma_start3A_1014] : memref<32x1024xf32, #tpu.memory_space<vmem_shared>> -> memref<1x64xf32, #tpu.memory_space<vmem_shared>>
    %dma_start3A_1016 = tpu.memref_squeeze %dma_start3A_1015 : memref<1x64xf32, #tpu.memory_space<vmem_shared>> -> memref<64xf32, #tpu.memory_space<vmem_shared>>
    %dma_start3A_1017 = arith.constant 896 : i32
    %dma_start3A_1018 = tpu.memref_slice %arg17[%dma_start3A_1017] : memref<1024xf32, #tpu.memory_space<vmem>> -> memref<64xf32, #tpu.memory_space<vmem>>
    %dma_start3A_1019 = arith.constant 0 : i32
    %dma_start3A_1020 = tpu.memref_slice %arg22[%dma_start3A_1011, %dma_start3A_1019] : memref<32x1024xf32, #tpu.memory_space<vmem_shared>> -> memref<1x64xf32, #tpu.memory_space<vmem_shared>>
    %dma_start3A_1021 = tpu.memref_squeeze %dma_start3A_1020 : memref<1x64xf32, #tpu.memory_space<vmem_shared>> -> memref<64xf32, #tpu.memory_space<vmem_shared>>
    tpu.enqueue_dma source(%dma_start3A_1021 : memref<64xf32, #tpu.memory_space<vmem_shared>>) target(%dma_start3A_1018 : memref<64xf32, #tpu.memory_space<vmem>>) target_semaphore(%arg24 : memref<!tpu.dma_semaphore, #tpu.memory_space<semaphore_mem>>)
    %dma_start3A_1022 = arith.constant 31 : i32
    %dma_start3A_1023 = arith.constant 960 : i32
    %dma_start3A_1024 = tpu.memref_slice %arg17[%dma_start3A_1023] : memref<1024xf32, #tpu.memory_space<vmem>> -> memref<64xf32, #tpu.memory_space<vmem>>
    %dma_start3A_1025 = arith.constant 0 : i32
    %dma_start3A_1026 = tpu.memref_slice %arg22[%dma_start3A_1022, %dma_start3A_1025] : memref<32x1024xf32, #tpu.memory_space<vmem_shared>> -> memref<1x64xf32, #tpu.memory_space<vmem_shared>>
    %dma_start3A_1027 = tpu.memref_squeeze %dma_start3A_1026 : memref<1x64xf32, #tpu.memory_space<vmem_shared>> -> memref<64xf32, #tpu.memory_space<vmem_shared>>
    %dma_start3A_1028 = arith.constant 960 : i32
    %dma_start3A_1029 = tpu.memref_slice %arg17[%dma_start3A_1028] : memref<1024xf32, #tpu.memory_space<vmem>> -> memref<64xf32, #tpu.memory_space<vmem>>
    %dma_start3A_1030 = arith.constant 0 : i32
    %dma_start3A_1031 = tpu.memref_slice %arg22[%dma_start3A_1022, %dma_start3A_1030] : memref<32x1024xf32, #tpu.memory_space<vmem_shared>> -> memref<1x64xf32, #tpu.memory_space<vmem_shared>>
    %dma_start3A_1032 = tpu.memref_squeeze %dma_start3A_1031 : memref<1x64xf32, #tpu.memory_space<vmem_shared>> -> memref<64xf32, #tpu.memory_space<vmem_shared>>
    tpu.enqueue_dma source(%dma_start3A_1032 : memref<64xf32, #tpu.memory_space<vmem_shared>>) target(%dma_start3A_1029 : memref<64xf32, #tpu.memory_space<vmem>>) target_semaphore(%arg24 : memref<!tpu.dma_semaphore, #tpu.memory_space<semaphore_mem>>)
    %dma_wait3A_1033 = arith.constant 16 : i32
    %dma_wait3A_1034 = arith.constant 0 : i32
    %dma_wait3A_1035 = tpu.memref_slice %arg17[%dma_wait3A_1034] : memref<1024xf32, #tpu.memory_space<vmem>> -> memref<64xf32, #tpu.memory_space<vmem>>
    %dma_wait3A_1036 = arith.constant 0 : i32
    %dma_wait3A_1037 = tpu.memref_slice %arg22[%dma_wait3A_1033, %dma_wait3A_1036] : memref<32x1024xf32, #tpu.memory_space<vmem_shared>> -> memref<1x64xf32, #tpu.memory_space<vmem_shared>>
    %dma_wait3A_1038 = tpu.memref_squeeze %dma_wait3A_1037 : memref<1x64xf32, #tpu.memory_space<vmem_shared>> -> memref<64xf32, #tpu.memory_space<vmem_shared>>
    %dma_wait3A_1039 = arith.constant 0 : i32
    %dma_wait3A_1040 = tpu.memref_slice %arg17[%dma_wait3A_1039] : memref<1024xf32, #tpu.memory_space<vmem>> -> memref<64xf32, #tpu.memory_space<vmem>>
    %dma_wait3A_1041 = arith.constant 0 : i32
    %dma_wait3A_1042 = tpu.memref_slice %arg22[%dma_wait3A_1033, %dma_wait3A_1041] : memref<32x1024xf32, #tpu.memory_space<vmem_shared>> -> memref<1x64xf32, #tpu.memory_space<vmem_shared>>
    %dma_wait3A_1043 = tpu.memref_squeeze %dma_wait3A_1042 : memref<1x64xf32, #tpu.memory_space<vmem_shared>> -> memref<64xf32, #tpu.memory_space<vmem_shared>>
    tpu.wait_dma2 semaphore(%arg24 : memref<!tpu.dma_semaphore, #tpu.memory_space<semaphore_mem>>) src(%dma_wait3A_1043 : memref<64xf32, #tpu.memory_space<vmem_shared>>) dst(%dma_wait3A_1040 : memref<64xf32, #tpu.memory_space<vmem>>)
    %dma_wait3A_1044 = arith.constant 17 : i32
    %dma_wait3A_1045 = arith.constant 64 : i32
    %dma_wait3A_1046 = tpu.memref_slice %arg17[%dma_wait3A_1045] : memref<1024xf32, #tpu.memory_space<vmem>> -> memref<64xf32, #tpu.memory_space<vmem>>
    %dma_wait3A_1047 = arith.constant 0 : i32
    %dma_wait3A_1048 = tpu.memref_slice %arg22[%dma_wait3A_1044, %dma_wait3A_1047] : memref<32x1024xf32, #tpu.memory_space<vmem_shared>> -> memref<1x64xf32, #tpu.memory_space<vmem_shared>>
    %dma_wait3A_1049 = tpu.memref_squeeze %dma_wait3A_1048 : memref<1x64xf32, #tpu.memory_space<vmem_shared>> -> memref<64xf32, #tpu.memory_space<vmem_shared>>
    %dma_wait3A_1050 = arith.constant 64 : i32
    %dma_wait3A_1051 = tpu.memref_slice %arg17[%dma_wait3A_1050] : memref<1024xf32, #tpu.memory_space<vmem>> -> memref<64xf32, #tpu.memory_space<vmem>>
    %dma_wait3A_1052 = arith.constant 0 : i32
    %dma_wait3A_1053 = tpu.memref_slice %arg22[%dma_wait3A_1044, %dma_wait3A_1052] : memref<32x1024xf32, #tpu.memory_space<vmem_shared>> -> memref<1x64xf32, #tpu.memory_space<vmem_shared>>
    %dma_wait3A_1054 = tpu.memref_squeeze %dma_wait3A_1053 : memref<1x64xf32, #tpu.memory_space<vmem_shared>> -> memref<64xf32, #tpu.memory_space<vmem_shared>>
    tpu.wait_dma2 semaphore(%arg24 : memref<!tpu.dma_semaphore, #tpu.memory_space<semaphore_mem>>) src(%dma_wait3A_1054 : memref<64xf32, #tpu.memory_space<vmem_shared>>) dst(%dma_wait3A_1051 : memref<64xf32, #tpu.memory_space<vmem>>)
    %dma_wait3A_1055 = arith.constant 18 : i32
    %dma_wait3A_1056 = arith.constant 128 : i32
    %dma_wait3A_1057 = tpu.memref_slice %arg17[%dma_wait3A_1056] : memref<1024xf32, #tpu.memory_space<vmem>> -> memref<64xf32, #tpu.memory_space<vmem>>
    %dma_wait3A_1058 = arith.constant 0 : i32
    %dma_wait3A_1059 = tpu.memref_slice %arg22[%dma_wait3A_1055, %dma_wait3A_1058] : memref<32x1024xf32, #tpu.memory_space<vmem_shared>> -> memref<1x64xf32, #tpu.memory_space<vmem_shared>>
    %dma_wait3A_1060 = tpu.memref_squeeze %dma_wait3A_1059 : memref<1x64xf32, #tpu.memory_space<vmem_shared>> -> memref<64xf32, #tpu.memory_space<vmem_shared>>
    %dma_wait3A_1061 = arith.constant 128 : i32
    %dma_wait3A_1062 = tpu.memref_slice %arg17[%dma_wait3A_1061] : memref<1024xf32, #tpu.memory_space<vmem>> -> memref<64xf32, #tpu.memory_space<vmem>>
    %dma_wait3A_1063 = arith.constant 0 : i32
    %dma_wait3A_1064 = tpu.memref_slice %arg22[%dma_wait3A_1055, %dma_wait3A_1063] : memref<32x1024xf32, #tpu.memory_space<vmem_shared>> -> memref<1x64xf32, #tpu.memory_space<vmem_shared>>
    %dma_wait3A_1065 = tpu.memref_squeeze %dma_wait3A_1064 : memref<1x64xf32, #tpu.memory_space<vmem_shared>> -> memref<64xf32, #tpu.memory_space<vmem_shared>>
    tpu.wait_dma2 semaphore(%arg24 : memref<!tpu.dma_semaphore, #tpu.memory_space<semaphore_mem>>) src(%dma_wait3A_1065 : memref<64xf32, #tpu.memory_space<vmem_shared>>) dst(%dma_wait3A_1062 : memref<64xf32, #tpu.memory_space<vmem>>)
    %dma_wait3A_1066 = arith.constant 19 : i32
    %dma_wait3A_1067 = arith.constant 192 : i32
    %dma_wait3A_1068 = tpu.memref_slice %arg17[%dma_wait3A_1067] : memref<1024xf32, #tpu.memory_space<vmem>> -> memref<64xf32, #tpu.memory_space<vmem>>
    %dma_wait3A_1069 = arith.constant 0 : i32
    %dma_wait3A_1070 = tpu.memref_slice %arg22[%dma_wait3A_1066, %dma_wait3A_1069] : memref<32x1024xf32, #tpu.memory_space<vmem_shared>> -> memref<1x64xf32, #tpu.memory_space<vmem_shared>>
    %dma_wait3A_1071 = tpu.memref_squeeze %dma_wait3A_1070 : memref<1x64xf32, #tpu.memory_space<vmem_shared>> -> memref<64xf32, #tpu.memory_space<vmem_shared>>
    %dma_wait3A_1072 = arith.constant 192 : i32
    %dma_wait3A_1073 = tpu.memref_slice %arg17[%dma_wait3A_1072] : memref<1024xf32, #tpu.memory_space<vmem>> -> memref<64xf32, #tpu.memory_space<vmem>>
    %dma_wait3A_1074 = arith.constant 0 : i32
    %dma_wait3A_1075 = tpu.memref_slice %arg22[%dma_wait3A_1066, %dma_wait3A_1074] : memref<32x1024xf32, #tpu.memory_space<vmem_shared>> -> memref<1x64xf32, #tpu.memory_space<vmem_shared>>
    %dma_wait3A_1076 = tpu.memref_squeeze %dma_wait3A_1075 : memref<1x64xf32, #tpu.memory_space<vmem_shared>> -> memref<64xf32, #tpu.memory_space<vmem_shared>>
    tpu.wait_dma2 semaphore(%arg24 : memref<!tpu.dma_semaphore, #tpu.memory_space<semaphore_mem>>) src(%dma_wait3A_1076 : memref<64xf32, #tpu.memory_space<vmem_shared>>) dst(%dma_wait3A_1073 : memref<64xf32, #tpu.memory_space<vmem>>)
    %dma_wait3A_1077 = arith.constant 20 : i32
    %dma_wait3A_1078 = arith.constant 256 : i32
    %dma_wait3A_1079 = tpu.memref_slice %arg17[%dma_wait3A_1078] : memref<1024xf32, #tpu.memory_space<vmem>> -> memref<64xf32, #tpu.memory_space<vmem>>
    %dma_wait3A_1080 = arith.constant 0 : i32
    %dma_wait3A_1081 = tpu.memref_slice %arg22[%dma_wait3A_1077, %dma_wait3A_1080] : memref<32x1024xf32, #tpu.memory_space<vmem_shared>> -> memref<1x64xf32, #tpu.memory_space<vmem_shared>>
    %dma_wait3A_1082 = tpu.memref_squeeze %dma_wait3A_1081 : memref<1x64xf32, #tpu.memory_space<vmem_shared>> -> memref<64xf32, #tpu.memory_space<vmem_shared>>
    %dma_wait3A_1083 = arith.constant 256 : i32
    %dma_wait3A_1084 = tpu.memref_slice %arg17[%dma_wait3A_1083] : memref<1024xf32, #tpu.memory_space<vmem>> -> memref<64xf32, #tpu.memory_space<vmem>>
    %dma_wait3A_1085 = arith.constant 0 : i32
    %dma_wait3A_1086 = tpu.memref_slice %arg22[%dma_wait3A_1077, %dma_wait3A_1085] : memref<32x1024xf32, #tpu.memory_space<vmem_shared>> -> memref<1x64xf32, #tpu.memory_space<vmem_shared>>
    %dma_wait3A_1087 = tpu.memref_squeeze %dma_wait3A_1086 : memref<1x64xf32, #tpu.memory_space<vmem_shared>> -> memref<64xf32, #tpu.memory_space<vmem_shared>>
    tpu.wait_dma2 semaphore(%arg24 : memref<!tpu.dma_semaphore, #tpu.memory_space<semaphore_mem>>) src(%dma_wait3A_1087 : memref<64xf32, #tpu.memory_space<vmem_shared>>) dst(%dma_wait3A_1084 : memref<64xf32, #tpu.memory_space<vmem>>)
    %dma_wait3A_1088 = arith.constant 21 : i32
    %dma_wait3A_1089 = arith.constant 320 : i32
    %dma_wait3A_1090 = tpu.memref_slice %arg17[%dma_wait3A_1089] : memref<1024xf32, #tpu.memory_space<vmem>> -> memref<64xf32, #tpu.memory_space<vmem>>
    %dma_wait3A_1091 = arith.constant 0 : i32
    %dma_wait3A_1092 = tpu.memref_slice %arg22[%dma_wait3A_1088, %dma_wait3A_1091] : memref<32x1024xf32, #tpu.memory_space<vmem_shared>> -> memref<1x64xf32, #tpu.memory_space<vmem_shared>>
    %dma_wait3A_1093 = tpu.memref_squeeze %dma_wait3A_1092 : memref<1x64xf32, #tpu.memory_space<vmem_shared>> -> memref<64xf32, #tpu.memory_space<vmem_shared>>
    %dma_wait3A_1094 = arith.constant 320 : i32
    %dma_wait3A_1095 = tpu.memref_slice %arg17[%dma_wait3A_1094] : memref<1024xf32, #tpu.memory_space<vmem>> -> memref<64xf32, #tpu.memory_space<vmem>>
    %dma_wait3A_1096 = arith.constant 0 : i32
    %dma_wait3A_1097 = tpu.memref_slice %arg22[%dma_wait3A_1088, %dma_wait3A_1096] : memref<32x1024xf32, #tpu.memory_space<vmem_shared>> -> memref<1x64xf32, #tpu.memory_space<vmem_shared>>
    %dma_wait3A_1098 = tpu.memref_squeeze %dma_wait3A_1097 : memref<1x64xf32, #tpu.memory_space<vmem_shared>> -> memref<64xf32, #tpu.memory_space<vmem_shared>>
    tpu.wait_dma2 semaphore(%arg24 : memref<!tpu.dma_semaphore, #tpu.memory_space<semaphore_mem>>) src(%dma_wait3A_1098 : memref<64xf32, #tpu.memory_space<vmem_shared>>) dst(%dma_wait3A_1095 : memref<64xf32, #tpu.memory_space<vmem>>)
    %dma_wait3A_1099 = arith.constant 22 : i32
    %dma_wait3A_1100 = arith.constant 384 : i32
    %dma_wait3A_1101 = tpu.memref_slice %arg17[%dma_wait3A_1100] : memref<1024xf32, #tpu.memory_space<vmem>> -> memref<64xf32, #tpu.memory_space<vmem>>
    %dma_wait3A_1102 = arith.constant 0 : i32
    %dma_wait3A_1103 = tpu.memref_slice %arg22[%dma_wait3A_1099, %dma_wait3A_1102] : memref<32x1024xf32, #tpu.memory_space<vmem_shared>> -> memref<1x64xf32, #tpu.memory_space<vmem_shared>>
    %dma_wait3A_1104 = tpu.memref_squeeze %dma_wait3A_1103 : memref<1x64xf32, #tpu.memory_space<vmem_shared>> -> memref<64xf32, #tpu.memory_space<vmem_shared>>
    %dma_wait3A_1105 = arith.constant 384 : i32
    %dma_wait3A_1106 = tpu.memref_slice %arg17[%dma_wait3A_1105] : memref<1024xf32, #tpu.memory_space<vmem>> -> memref<64xf32, #tpu.memory_space<vmem>>
    %dma_wait3A_1107 = arith.constant 0 : i32
    %dma_wait3A_1108 = tpu.memref_slice %arg22[%dma_wait3A_1099, %dma_wait3A_1107] : memref<32x1024xf32, #tpu.memory_space<vmem_shared>> -> memref<1x64xf32, #tpu.memory_space<vmem_shared>>
    %dma_wait3A_1109 = tpu.memref_squeeze %dma_wait3A_1108 : memref<1x64xf32, #tpu.memory_space<vmem_shared>> -> memref<64xf32, #tpu.memory_space<vmem_shared>>
    tpu.wait_dma2 semaphore(%arg24 : memref<!tpu.dma_semaphore, #tpu.memory_space<semaphore_mem>>) src(%dma_wait3A_1109 : memref<64xf32, #tpu.memory_space<vmem_shared>>) dst(%dma_wait3A_1106 : memref<64xf32, #tpu.memory_space<vmem>>)
    %dma_wait3A_1110 = arith.constant 23 : i32
    %dma_wait3A_1111 = arith.constant 448 : i32
    %dma_wait3A_1112 = tpu.memref_slice %arg17[%dma_wait3A_1111] : memref<1024xf32, #tpu.memory_space<vmem>> -> memref<64xf32, #tpu.memory_space<vmem>>
    %dma_wait3A_1113 = arith.constant 0 : i32
    %dma_wait3A_1114 = tpu.memref_slice %arg22[%dma_wait3A_1110, %dma_wait3A_1113] : memref<32x1024xf32, #tpu.memory_space<vmem_shared>> -> memref<1x64xf32, #tpu.memory_space<vmem_shared>>
    %dma_wait3A_1115 = tpu.memref_squeeze %dma_wait3A_1114 : memref<1x64xf32, #tpu.memory_space<vmem_shared>> -> memref<64xf32, #tpu.memory_space<vmem_shared>>
    %dma_wait3A_1116 = arith.constant 448 : i32
    %dma_wait3A_1117 = tpu.memref_slice %arg17[%dma_wait3A_1116] : memref<1024xf32, #tpu.memory_space<vmem>> -> memref<64xf32, #tpu.memory_space<vmem>>
    %dma_wait3A_1118 = arith.constant 0 : i32
    %dma_wait3A_1119 = tpu.memref_slice %arg22[%dma_wait3A_1110, %dma_wait3A_1118] : memref<32x1024xf32, #tpu.memory_space<vmem_shared>> -> memref<1x64xf32, #tpu.memory_space<vmem_shared>>
    %dma_wait3A_1120 = tpu.memref_squeeze %dma_wait3A_1119 : memref<1x64xf32, #tpu.memory_space<vmem_shared>> -> memref<64xf32, #tpu.memory_space<vmem_shared>>
    tpu.wait_dma2 semaphore(%arg24 : memref<!tpu.dma_semaphore, #tpu.memory_space<semaphore_mem>>) src(%dma_wait3A_1120 : memref<64xf32, #tpu.memory_space<vmem_shared>>) dst(%dma_wait3A_1117 : memref<64xf32, #tpu.memory_space<vmem>>)
    %dma_wait3A_1121 = arith.constant 24 : i32
    %dma_wait3A_1122 = arith.constant 512 : i32
    %dma_wait3A_1123 = tpu.memref_slice %arg17[%dma_wait3A_1122] : memref<1024xf32, #tpu.memory_space<vmem>> -> memref<64xf32, #tpu.memory_space<vmem>>
    %dma_wait3A_1124 = arith.constant 0 : i32
    %dma_wait3A_1125 = tpu.memref_slice %arg22[%dma_wait3A_1121, %dma_wait3A_1124] : memref<32x1024xf32, #tpu.memory_space<vmem_shared>> -> memref<1x64xf32, #tpu.memory_space<vmem_shared>>
    %dma_wait3A_1126 = tpu.memref_squeeze %dma_wait3A_1125 : memref<1x64xf32, #tpu.memory_space<vmem_shared>> -> memref<64xf32, #tpu.memory_space<vmem_shared>>
    %dma_wait3A_1127 = arith.constant 512 : i32
    %dma_wait3A_1128 = tpu.memref_slice %arg17[%dma_wait3A_1127] : memref<1024xf32, #tpu.memory_space<vmem>> -> memref<64xf32, #tpu.memory_space<vmem>>
    %dma_wait3A_1129 = arith.constant 0 : i32
    %dma_wait3A_1130 = tpu.memref_slice %arg22[%dma_wait3A_1121, %dma_wait3A_1129] : memref<32x1024xf32, #tpu.memory_space<vmem_shared>> -> memref<1x64xf32, #tpu.memory_space<vmem_shared>>
    %dma_wait3A_1131 = tpu.memref_squeeze %dma_wait3A_1130 : memref<1x64xf32, #tpu.memory_space<vmem_shared>> -> memref<64xf32, #tpu.memory_space<vmem_shared>>
    tpu.wait_dma2 semaphore(%arg24 : memref<!tpu.dma_semaphore, #tpu.memory_space<semaphore_mem>>) src(%dma_wait3A_1131 : memref<64xf32, #tpu.memory_space<vmem_shared>>) dst(%dma_wait3A_1128 : memref<64xf32, #tpu.memory_space<vmem>>)
    %dma_wait3A_1132 = arith.constant 25 : i32
    %dma_wait3A_1133 = arith.constant 576 : i32
    %dma_wait3A_1134 = tpu.memref_slice %arg17[%dma_wait3A_1133] : memref<1024xf32, #tpu.memory_space<vmem>> -> memref<64xf32, #tpu.memory_space<vmem>>
    %dma_wait3A_1135 = arith.constant 0 : i32
    %dma_wait3A_1136 = tpu.memref_slice %arg22[%dma_wait3A_1132, %dma_wait3A_1135] : memref<32x1024xf32, #tpu.memory_space<vmem_shared>> -> memref<1x64xf32, #tpu.memory_space<vmem_shared>>
    %dma_wait3A_1137 = tpu.memref_squeeze %dma_wait3A_1136 : memref<1x64xf32, #tpu.memory_space<vmem_shared>> -> memref<64xf32, #tpu.memory_space<vmem_shared>>
    %dma_wait3A_1138 = arith.constant 576 : i32
    %dma_wait3A_1139 = tpu.memref_slice %arg17[%dma_wait3A_1138] : memref<1024xf32, #tpu.memory_space<vmem>> -> memref<64xf32, #tpu.memory_space<vmem>>
    %dma_wait3A_1140 = arith.constant 0 : i32
    %dma_wait3A_1141 = tpu.memref_slice %arg22[%dma_wait3A_1132, %dma_wait3A_1140] : memref<32x1024xf32, #tpu.memory_space<vmem_shared>> -> memref<1x64xf32, #tpu.memory_space<vmem_shared>>
    %dma_wait3A_1142 = tpu.memref_squeeze %dma_wait3A_1141 : memref<1x64xf32, #tpu.memory_space<vmem_shared>> -> memref<64xf32, #tpu.memory_space<vmem_shared>>
    tpu.wait_dma2 semaphore(%arg24 : memref<!tpu.dma_semaphore, #tpu.memory_space<semaphore_mem>>) src(%dma_wait3A_1142 : memref<64xf32, #tpu.memory_space<vmem_shared>>) dst(%dma_wait3A_1139 : memref<64xf32, #tpu.memory_space<vmem>>)
    %dma_wait3A_1143 = arith.constant 26 : i32
    %dma_wait3A_1144 = arith.constant 640 : i32
    %dma_wait3A_1145 = tpu.memref_slice %arg17[%dma_wait3A_1144] : memref<1024xf32, #tpu.memory_space<vmem>> -> memref<64xf32, #tpu.memory_space<vmem>>
    %dma_wait3A_1146 = arith.constant 0 : i32
    %dma_wait3A_1147 = tpu.memref_slice %arg22[%dma_wait3A_1143, %dma_wait3A_1146] : memref<32x1024xf32, #tpu.memory_space<vmem_shared>> -> memref<1x64xf32, #tpu.memory_space<vmem_shared>>
    %dma_wait3A_1148 = tpu.memref_squeeze %dma_wait3A_1147 : memref<1x64xf32, #tpu.memory_space<vmem_shared>> -> memref<64xf32, #tpu.memory_space<vmem_shared>>
    %dma_wait3A_1149 = arith.constant 640 : i32
    %dma_wait3A_1150 = tpu.memref_slice %arg17[%dma_wait3A_1149] : memref<1024xf32, #tpu.memory_space<vmem>> -> memref<64xf32, #tpu.memory_space<vmem>>
    %dma_wait3A_1151 = arith.constant 0 : i32
    %dma_wait3A_1152 = tpu.memref_slice %arg22[%dma_wait3A_1143, %dma_wait3A_1151] : memref<32x1024xf32, #tpu.memory_space<vmem_shared>> -> memref<1x64xf32, #tpu.memory_space<vmem_shared>>
    %dma_wait3A_1153 = tpu.memref_squeeze %dma_wait3A_1152 : memref<1x64xf32, #tpu.memory_space<vmem_shared>> -> memref<64xf32, #tpu.memory_space<vmem_shared>>
    tpu.wait_dma2 semaphore(%arg24 : memref<!tpu.dma_semaphore, #tpu.memory_space<semaphore_mem>>) src(%dma_wait3A_1153 : memref<64xf32, #tpu.memory_space<vmem_shared>>) dst(%dma_wait3A_1150 : memref<64xf32, #tpu.memory_space<vmem>>)
    %dma_wait3A_1154 = arith.constant 27 : i32
    %dma_wait3A_1155 = arith.constant 704 : i32
    %dma_wait3A_1156 = tpu.memref_slice %arg17[%dma_wait3A_1155] : memref<1024xf32, #tpu.memory_space<vmem>> -> memref<64xf32, #tpu.memory_space<vmem>>
    %dma_wait3A_1157 = arith.constant 0 : i32
    %dma_wait3A_1158 = tpu.memref_slice %arg22[%dma_wait3A_1154, %dma_wait3A_1157] : memref<32x1024xf32, #tpu.memory_space<vmem_shared>> -> memref<1x64xf32, #tpu.memory_space<vmem_shared>>
    %dma_wait3A_1159 = tpu.memref_squeeze %dma_wait3A_1158 : memref<1x64xf32, #tpu.memory_space<vmem_shared>> -> memref<64xf32, #tpu.memory_space<vmem_shared>>
    %dma_wait3A_1160 = arith.constant 704 : i32
    %dma_wait3A_1161 = tpu.memref_slice %arg17[%dma_wait3A_1160] : memref<1024xf32, #tpu.memory_space<vmem>> -> memref<64xf32, #tpu.memory_space<vmem>>
    %dma_wait3A_1162 = arith.constant 0 : i32
    %dma_wait3A_1163 = tpu.memref_slice %arg22[%dma_wait3A_1154, %dma_wait3A_1162] : memref<32x1024xf32, #tpu.memory_space<vmem_shared>> -> memref<1x64xf32, #tpu.memory_space<vmem_shared>>
    %dma_wait3A_1164 = tpu.memref_squeeze %dma_wait3A_1163 : memref<1x64xf32, #tpu.memory_space<vmem_shared>> -> memref<64xf32, #tpu.memory_space<vmem_shared>>
    tpu.wait_dma2 semaphore(%arg24 : memref<!tpu.dma_semaphore, #tpu.memory_space<semaphore_mem>>) src(%dma_wait3A_1164 : memref<64xf32, #tpu.memory_space<vmem_shared>>) dst(%dma_wait3A_1161 : memref<64xf32, #tpu.memory_space<vmem>>)
    %dma_wait3A_1165 = arith.constant 28 : i32
    %dma_wait3A_1166 = arith.constant 768 : i32
    %dma_wait3A_1167 = tpu.memref_slice %arg17[%dma_wait3A_1166] : memref<1024xf32, #tpu.memory_space<vmem>> -> memref<64xf32, #tpu.memory_space<vmem>>
    %dma_wait3A_1168 = arith.constant 0 : i32
    %dma_wait3A_1169 = tpu.memref_slice %arg22[%dma_wait3A_1165, %dma_wait3A_1168] : memref<32x1024xf32, #tpu.memory_space<vmem_shared>> -> memref<1x64xf32, #tpu.memory_space<vmem_shared>>
    %dma_wait3A_1170 = tpu.memref_squeeze %dma_wait3A_1169 : memref<1x64xf32, #tpu.memory_space<vmem_shared>> -> memref<64xf32, #tpu.memory_space<vmem_shared>>
    %dma_wait3A_1171 = arith.constant 768 : i32
    %dma_wait3A_1172 = tpu.memref_slice %arg17[%dma_wait3A_1171] : memref<1024xf32, #tpu.memory_space<vmem>> -> memref<64xf32, #tpu.memory_space<vmem>>
    %dma_wait3A_1173 = arith.constant 0 : i32
    %dma_wait3A_1174 = tpu.memref_slice %arg22[%dma_wait3A_1165, %dma_wait3A_1173] : memref<32x1024xf32, #tpu.memory_space<vmem_shared>> -> memref<1x64xf32, #tpu.memory_space<vmem_shared>>
    %dma_wait3A_1175 = tpu.memref_squeeze %dma_wait3A_1174 : memref<1x64xf32, #tpu.memory_space<vmem_shared>> -> memref<64xf32, #tpu.memory_space<vmem_shared>>
    tpu.wait_dma2 semaphore(%arg24 : memref<!tpu.dma_semaphore, #tpu.memory_space<semaphore_mem>>) src(%dma_wait3A_1175 : memref<64xf32, #tpu.memory_space<vmem_shared>>) dst(%dma_wait3A_1172 : memref<64xf32, #tpu.memory_space<vmem>>)
    %dma_wait3A_1176 = arith.constant 29 : i32
    %dma_wait3A_1177 = arith.constant 832 : i32
    %dma_wait3A_1178 = tpu.memref_slice %arg17[%dma_wait3A_1177] : memref<1024xf32, #tpu.memory_space<vmem>> -> memref<64xf32, #tpu.memory_space<vmem>>
    %dma_wait3A_1179 = arith.constant 0 : i32
    %dma_wait3A_1180 = tpu.memref_slice %arg22[%dma_wait3A_1176, %dma_wait3A_1179] : memref<32x1024xf32, #tpu.memory_space<vmem_shared>> -> memref<1x64xf32, #tpu.memory_space<vmem_shared>>
    %dma_wait3A_1181 = tpu.memref_squeeze %dma_wait3A_1180 : memref<1x64xf32, #tpu.memory_space<vmem_shared>> -> memref<64xf32, #tpu.memory_space<vmem_shared>>
    %dma_wait3A_1182 = arith.constant 832 : i32
    %dma_wait3A_1183 = tpu.memref_slice %arg17[%dma_wait3A_1182] : memref<1024xf32, #tpu.memory_space<vmem>> -> memref<64xf32, #tpu.memory_space<vmem>>
    %dma_wait3A_1184 = arith.constant 0 : i32
    %dma_wait3A_1185 = tpu.memref_slice %arg22[%dma_wait3A_1176, %dma_wait3A_1184] : memref<32x1024xf32, #tpu.memory_space<vmem_shared>> -> memref<1x64xf32, #tpu.memory_space<vmem_shared>>
    %dma_wait3A_1186 = tpu.memref_squeeze %dma_wait3A_1185 : memref<1x64xf32, #tpu.memory_space<vmem_shared>> -> memref<64xf32, #tpu.memory_space<vmem_shared>>
    tpu.wait_dma2 semaphore(%arg24 : memref<!tpu.dma_semaphore, #tpu.memory_space<semaphore_mem>>) src(%dma_wait3A_1186 : memref<64xf32, #tpu.memory_space<vmem_shared>>) dst(%dma_wait3A_1183 : memref<64xf32, #tpu.memory_space<vmem>>)
    %dma_wait3A_1187 = arith.constant 30 : i32
    %dma_wait3A_1188 = arith.constant 896 : i32
    %dma_wait3A_1189 = tpu.memref_slice %arg17[%dma_wait3A_1188] : memref<1024xf32, #tpu.memory_space<vmem>> -> memref<64xf32, #tpu.memory_space<vmem>>
    %dma_wait3A_1190 = arith.constant 0 : i32
    %dma_wait3A_1191 = tpu.memref_slice %arg22[%dma_wait3A_1187, %dma_wait3A_1190] : memref<32x1024xf32, #tpu.memory_space<vmem_shared>> -> memref<1x64xf32, #tpu.memory_space<vmem_shared>>
    %dma_wait3A_1192 = tpu.memref_squeeze %dma_wait3A_1191 : memref<1x64xf32, #tpu.memory_space<vmem_shared>> -> memref<64xf32, #tpu.memory_space<vmem_shared>>
    %dma_wait3A_1193 = arith.constant 896 : i32
    %dma_wait3A_1194 = tpu.memref_slice %arg17[%dma_wait3A_1193] : memref<1024xf32, #tpu.memory_space<vmem>> -> memref<64xf32, #tpu.memory_space<vmem>>
    %dma_wait3A_1195 = arith.constant 0 : i32
    %dma_wait3A_1196 = tpu.memref_slice %arg22[%dma_wait3A_1187, %dma_wait3A_1195] : memref<32x1024xf32, #tpu.memory_space<vmem_shared>> -> memref<1x64xf32, #tpu.memory_space<vmem_shared>>
    %dma_wait3A_1197 = tpu.memref_squeeze %dma_wait3A_1196 : memref<1x64xf32, #tpu.memory_space<vmem_shared>> -> memref<64xf32, #tpu.memory_space<vmem_shared>>
    tpu.wait_dma2 semaphore(%arg24 : memref<!tpu.dma_semaphore, #tpu.memory_space<semaphore_mem>>) src(%dma_wait3A_1197 : memref<64xf32, #tpu.memory_space<vmem_shared>>) dst(%dma_wait3A_1194 : memref<64xf32, #tpu.memory_space<vmem>>)
    %dma_wait3A_1198 = arith.constant 31 : i32
    %dma_wait3A_1199 = arith.constant 960 : i32
    %dma_wait3A_1200 = tpu.memref_slice %arg17[%dma_wait3A_1199] : memref<1024xf32, #tpu.memory_space<vmem>> -> memref<64xf32, #tpu.memory_space<vmem>>
    %dma_wait3A_1201 = arith.constant 0 : i32
    %dma_wait3A_1202 = tpu.memref_slice %arg22[%dma_wait3A_1198, %dma_wait3A_1201] : memref<32x1024xf32, #tpu.memory_space<vmem_shared>> -> memref<1x64xf32, #tpu.memory_space<vmem_shared>>
    %dma_wait3A_1203 = tpu.memref_squeeze %dma_wait3A_1202 : memref<1x64xf32, #tpu.memory_space<vmem_shared>> -> memref<64xf32, #tpu.memory_space<vmem_shared>>
    %dma_wait3A_1204 = arith.constant 960 : i32
    %dma_wait3A_1205 = tpu.memref_slice %arg17[%dma_wait3A_1204] : memref<1024xf32, #tpu.memory_space<vmem>> -> memref<64xf32, #tpu.memory_space<vmem>>
    %dma_wait3A_1206 = arith.constant 0 : i32
    %dma_wait3A_1207 = tpu.memref_slice %arg22[%dma_wait3A_1198, %dma_wait3A_1206] : memref<32x1024xf32, #tpu.memory_space<vmem_shared>> -> memref<1x64xf32, #tpu.memory_space<vmem_shared>>
    %dma_wait3A_1208 = tpu.memref_squeeze %dma_wait3A_1207 : memref<1x64xf32, #tpu.memory_space<vmem_shared>> -> memref<64xf32, #tpu.memory_space<vmem_shared>>
    tpu.wait_dma2 semaphore(%arg24 : memref<!tpu.dma_semaphore, #tpu.memory_space<semaphore_mem>>) src(%dma_wait3A_1208 : memref<64xf32, #tpu.memory_space<vmem_shared>>) dst(%dma_wait3A_1205 : memref<64xf32, #tpu.memory_space<vmem>>)
    %scan3A_1209 = arith.constant 0 : i32
    %scan3A_1210 = arith.constant 64 : i32
    %scan3A_1211 = arith.addi %scan3A_1209, %scan3A_1210 : i32
    %scan3A_1212 = arith.constant 4 : i32
    scf.for %scan3A_1868 = %scan3A_1209 to %scan3A_1211 step %scan3A_1212  : i32 {
      %mul3A_1869 = arith.constant 1 : i32
      %mul3A_1870 = arith.muli %scan3A_1868, %mul3A_1869 : i32
      %add3A_1871 = arith.constant 0 : i32
      %add3A_1872 = arith.addi %add3A_1871, %mul3A_1870 : i32
      %mul3A_1873 = arith.constant 16 : i32
      %mul3A_1874 = arith.muli %add3A_1872, %mul3A_1873 : i32
      %get3A_1875 = arith.index_cast %mul3A_1874 : i32 to index
      %get3A_1876 = tpu.vector_load %arg17[%get3A_1875] {strides = array<i32>} : memref<1024xf32, #tpu.memory_space<vmem>>, vector<16xf32>,
      %mul3A_1877 = arith.constant -0.0100503359 : f32
      %mul3A_1878 = vector.broadcast %mul3A_1877 : f32 to vector<16xf32>
      %mul3A_1879 = arith.mulf %get3A_1876, %mul3A_1878 : vector<16xf32>
      %exp3A = math.exp %mul3A_1879 : vector<16xf32>
      %sub3A_1880 = arith.constant 1.000000e+00 : f32
      %sub3A_1881 = vector.broadcast %sub3A_1880 : f32 to vector<16xf32>
      %sub3A_1882 = arith.subf %sub3A_1881, %exp3A : vector<16xf32>
      %add3A_1883 = arith.constant 9.99999993E-9 : f32
      %add3A_1884 = vector.broadcast %add3A_1883 : f32 to vector<16xf32>
      %add3A_1885 = arith.addf %sub3A_1882, %add3A_1884 : vector<16xf32>
      %div3A_1886 = arith.constant 0.00999999977 : f32
      %div3A_1887 = vector.broadcast %div3A_1886 : f32 to vector<16xf32>
      %div3A_1888 = arith.divf %div3A_1887, %add3A_1885 : vector<16xf32>
      %mul3A_1889 = arith.constant 16 : i32
      %mul3A_1890 = arith.muli %add3A_1872, %mul3A_1889 : i32
      %swap3A_1891 = arith.index_cast %mul3A_1890 : i32 to index
      %swap3A_1892 = tpu.vector_load %arg18[%swap3A_1891] {strides = array<i32>} : memref<1024xf32, #tpu.memory_space<vmem>>, vector<16xf32>,
      tpu.vector_store %arg18[%swap3A_1891], %div3A_1888 {strides = array<i32>} : memref<1024xf32, #tpu.memory_space<vmem>>, vector<16xf32>,
      %scan3A_1893 = arith.constant 1 : i32
      %scan3A_1894 = arith.addi %scan3A_1868, %scan3A_1893 : i32
      %mul3A_1895 = arith.constant 1 : i32
      %mul3A_1896 = arith.muli %scan3A_1894, %mul3A_1895 : i32
      %add3A_1897 = arith.constant 0 : i32
      %add3A_1898 = arith.addi %add3A_1897, %mul3A_1896 : i32
      %mul3A_1899 = arith.constant 16 : i32
      %mul3A_1900 = arith.muli %add3A_1898, %mul3A_1899 : i32
      %get3A_1901 = arith.index_cast %mul3A_1900 : i32 to index
      %get3A_1902 = tpu.vector_load %arg17[%get3A_1901] {strides = array<i32>} : memref<1024xf32, #tpu.memory_space<vmem>>, vector<16xf32>,
      %mul3A_1903 = arith.constant -0.0100503359 : f32
      %mul3A_1904 = vector.broadcast %mul3A_1903 : f32 to vector<16xf32>
      %mul3A_1905 = arith.mulf %get3A_1902, %mul3A_1904 : vector<16xf32>
      %exp3A_1906 = math.exp %mul3A_1905 : vector<16xf32>
      %sub3A_1907 = arith.constant 1.000000e+00 : f32
      %sub3A_1908 = vector.broadcast %sub3A_1907 : f32 to vector<16xf32>
      %sub3A_1909 = arith.subf %sub3A_1908, %exp3A_1906 : vector<16xf32>
      %add3A_1910 = arith.constant 9.99999993E-9 : f32
      %add3A_1911 = vector.broadcast %add3A_1910 : f32 to vector<16xf32>
      %add3A_1912 = arith.addf %sub3A_1909, %add3A_1911 : vector<16xf32>
      %div3A_1913 = arith.constant 0.00999999977 : f32
      %div3A_1914 = vector.broadcast %div3A_1913 : f32 to vector<16xf32>
      %div3A_1915 = arith.divf %div3A_1914, %add3A_1912 : vector<16xf32>
      %mul3A_1916 = arith.constant 16 : i32
      %mul3A_1917 = arith.muli %add3A_1898, %mul3A_1916 : i32
      %swap3A_1918 = arith.index_cast %mul3A_1917 : i32 to index
      %swap3A_1919 = tpu.vector_load %arg18[%swap3A_1918] {strides = array<i32>} : memref<1024xf32, #tpu.memory_space<vmem>>, vector<16xf32>,
      tpu.vector_store %arg18[%swap3A_1918], %div3A_1915 {strides = array<i32>} : memref<1024xf32, #tpu.memory_space<vmem>>, vector<16xf32>,
      %scan3A_1920 = arith.constant 2 : i32
      %scan3A_1921 = arith.addi %scan3A_1868, %scan3A_1920 : i32
      %mul3A_1922 = arith.constant 1 : i32
      %mul3A_1923 = arith.muli %scan3A_1921, %mul3A_1922 : i32
      %add3A_1924 = arith.constant 0 : i32
      %add3A_1925 = arith.addi %add3A_1924, %mul3A_1923 : i32
      %mul3A_1926 = arith.constant 16 : i32
      %mul3A_1927 = arith.muli %add3A_1925, %mul3A_1926 : i32
      %get3A_1928 = arith.index_cast %mul3A_1927 : i32 to index
      %get3A_1929 = tpu.vector_load %arg17[%get3A_1928] {strides = array<i32>} : memref<1024xf32, #tpu.memory_space<vmem>>, vector<16xf32>,
      %mul3A_1930 = arith.constant -0.0100503359 : f32
      %mul3A_1931 = vector.broadcast %mul3A_1930 : f32 to vector<16xf32>
      %mul3A_1932 = arith.mulf %get3A_1929, %mul3A_1931 : vector<16xf32>
      %exp3A_1933 = math.exp %mul3A_1932 : vector<16xf32>
      %sub3A_1934 = arith.constant 1.000000e+00 : f32
      %sub3A_1935 = vector.broadcast %sub3A_1934 : f32 to vector<16xf32>
      %sub3A_1936 = arith.subf %sub3A_1935, %exp3A_1933 : vector<16xf32>
      %add3A_1937 = arith.constant 9.99999993E-9 : f32
      %add3A_1938 = vector.broadcast %add3A_1937 : f32 to vector<16xf32>
      %add3A_1939 = arith.addf %sub3A_1936, %add3A_1938 : vector<16xf32>
      %div3A_1940 = arith.constant 0.00999999977 : f32
      %div3A_1941 = vector.broadcast %div3A_1940 : f32 to vector<16xf32>
      %div3A_1942 = arith.divf %div3A_1941, %add3A_1939 : vector<16xf32>
      %mul3A_1943 = arith.constant 16 : i32
      %mul3A_1944 = arith.muli %add3A_1925, %mul3A_1943 : i32
      %swap3A_1945 = arith.index_cast %mul3A_1944 : i32 to index
      %swap3A_1946 = tpu.vector_load %arg18[%swap3A_1945] {strides = array<i32>} : memref<1024xf32, #tpu.memory_space<vmem>>, vector<16xf32>,
      tpu.vector_store %arg18[%swap3A_1945], %div3A_1942 {strides = array<i32>} : memref<1024xf32, #tpu.memory_space<vmem>>, vector<16xf32>,
      %scan3A_1947 = arith.constant 3 : i32
      %scan3A_1948 = arith.addi %scan3A_1868, %scan3A_1947 : i32
      %mul3A_1949 = arith.constant 1 : i32
      %mul3A_1950 = arith.muli %scan3A_1948, %mul3A_1949 : i32
      %add3A_1951 = arith.constant 0 : i32
      %add3A_1952 = arith.addi %add3A_1951, %mul3A_1950 : i32
      %mul3A_1953 = arith.constant 16 : i32
      %mul3A_1954 = arith.muli %add3A_1952, %mul3A_1953 : i32
      %get3A_1955 = arith.index_cast %mul3A_1954 : i32 to index
      %get3A_1956 = tpu.vector_load %arg17[%get3A_1955] {strides = array<i32>} : memref<1024xf32, #tpu.memory_space<vmem>>, vector<16xf32>,
      %mul3A_1957 = arith.constant -0.0100503359 : f32
      %mul3A_1958 = vector.broadcast %mul3A_1957 : f32 to vector<16xf32>
      %mul3A_1959 = arith.mulf %get3A_1956, %mul3A_1958 : vector<16xf32>
      %exp3A_1960 = math.exp %mul3A_1959 : vector<16xf32>
      %sub3A_1961 = arith.constant 1.000000e+00 : f32
      %sub3A_1962 = vector.broadcast %sub3A_1961 : f32 to vector<16xf32>
      %sub3A_1963 = arith.subf %sub3A_1962, %exp3A_1960 : vector<16xf32>
      %add3A_1964 = arith.constant 9.99999993E-9 : f32
      %add3A_1965 = vector.broadcast %add3A_1964 : f32 to vector<16xf32>
      %add3A_1966 = arith.addf %sub3A_1963, %add3A_1965 : vector<16xf32>
      %div3A_1967 = arith.constant 0.00999999977 : f32
      %div3A_1968 = vector.broadcast %div3A_1967 : f32 to vector<16xf32>
      %div3A_1969 = arith.divf %div3A_1968, %add3A_1966 : vector<16xf32>
      %mul3A_1970 = arith.constant 16 : i32
      %mul3A_1971 = arith.muli %add3A_1952, %mul3A_1970 : i32
      %swap3A_1972 = arith.index_cast %mul3A_1971 : i32 to index
      %swap3A_1973 = tpu.vector_load %arg18[%swap3A_1972] {strides = array<i32>} : memref<1024xf32, #tpu.memory_space<vmem>>, vector<16xf32>,
      tpu.vector_store %arg18[%swap3A_1972], %div3A_1969 {strides = array<i32>} : memref<1024xf32, #tpu.memory_space<vmem>>, vector<16xf32>,
    }
    %scan3A_1213 = arith.constant 64 : i32
    %broadcast_in_dim3A_1214 = arith.constant 0.000000e+00 : f32
    %broadcast_in_dim3A_1215 = vector.broadcast %broadcast_in_dim3A_1214 : f32 to vector<16xf32>
    %multiple_of3A_1216 = tpu.assume_multiple %select_n3A_34, 32 : i32
    %dma_wait3A_1217 = arith.constant 0 : i32
    %dma_wait3A_1218 = tpu.memref_slice %arg2[%select_n3A, %multiple_of3A_1216, %dma_wait3A_1217] : memref<4x4096x1024xf32, #tpu.memory_space<hbm>> -> memref<1x32x1024xf32, #tpu.memory_space<hbm>>
    %dma_wait3A_1219 = tpu.memref_squeeze %dma_wait3A_1218 : memref<1x32x1024xf32, #tpu.memory_space<hbm>> -> memref<32x1024xf32, #tpu.memory_space<hbm>>
    %dma_wait3A_1220 = arith.constant 0 : i32
    %dma_wait3A_1221 = tpu.memref_slice %arg2[%select_n3A, %multiple_of3A_1216, %dma_wait3A_1220] : memref<4x4096x1024xf32, #tpu.memory_space<hbm>> -> memref<1x32x1024xf32, #tpu.memory_space<hbm>>
    %dma_wait3A_1222 = tpu.memref_squeeze %dma_wait3A_1221 : memref<1x32x1024xf32, #tpu.memory_space<hbm>> -> memref<32x1024xf32, #tpu.memory_space<hbm>>
    tpu.wait_dma2 semaphore(%arg23 : memref<!tpu.dma_semaphore, #tpu.memory_space<semaphore_mem>>) src(%dma_wait3A_1222 : memref<32x1024xf32, #tpu.memory_space<hbm>>) dst(%arg10 : memref<32x1024xf32, #tpu.memory_space<vmem>>)
    %get3A_1223 = arith.constant 0 : index
    %get3A_1224 = tpu.vector_load %arg8[%get3A_1223] {strides = array<i32>} : memref<512xi32, #tpu.memory_space<vmem>>, vector<16xi32>,
    %get3A_1225 = arith.constant 0 : index
    %get3A_1226 = tpu.vector_load %arg9[%get3A_1225] {strides = array<i32>} : memref<512xf32, #tpu.memory_space<vmem>>, vector<16xf32>,
    %gather3A = tpu.vector_load_idx %arg18[%get3A_1224] : memref<1024xf32, #tpu.memory_space<vmem>>[vector<16xi32>], vector<16xf32>,
    %mul3A_1227 = arith.mulf %gather3A, %get3A_1226 : vector<16xf32>
    %add3A_1228 = arith.constant 0 : i32
    %add3A_1229 = vector.broadcast %add3A_1228 : i32 to vector<16xi32>
    %add3A_1230 = arith.addi %add3A_1229, %iota3A : vector<16xi32>
    %gather3A_1231 = tpu.vector_load_idx %arg10[%add3A_1230, %get3A_1224] : memref<32x1024xf32, #tpu.memory_space<vmem>>[vector<16xi32>, vector<16xi32>], vector<16xf32>,
    %mul3A_1232 = arith.mulf %gather3A_1231, %mul3A_1227 : vector<16xf32>
    %add3A_1233 = arith.addf %broadcast_in_dim3A_1215, %mul3A_1232 : vector<16xf32>
    %add3A_1234 = arith.addf %broadcast_in_dim3A_1215, %mul3A_1227 : vector<16xf32>
    %get3A_1235 = arith.constant 16 : index
    %get3A_1236 = tpu.vector_load %arg8[%get3A_1235] {strides = array<i32>} : memref<512xi32, #tpu.memory_space<vmem>>, vector<16xi32>,
    %get3A_1237 = arith.constant 16 : index
    %get3A_1238 = tpu.vector_load %arg9[%get3A_1237] {strides = array<i32>} : memref<512xf32, #tpu.memory_space<vmem>>, vector<16xf32>,
    %gather3A_1239 = tpu.vector_load_idx %arg18[%get3A_1236] : memref<1024xf32, #tpu.memory_space<vmem>>[vector<16xi32>], vector<16xf32>,
    %mul3A_1240 = arith.mulf %gather3A_1239, %get3A_1238 : vector<16xf32>
    %add3A_1241 = arith.constant 16 : i32
    %add3A_1242 = vector.broadcast %add3A_1241 : i32 to vector<16xi32>
    %add3A_1243 = arith.addi %add3A_1242, %iota3A : vector<16xi32>
    %gather3A_1244 = tpu.vector_load_idx %arg10[%add3A_1243, %get3A_1236] : memref<32x1024xf32, #tpu.memory_space<vmem>>[vector<16xi32>, vector<16xi32>], vector<16xf32>,
    %mul3A_1245 = arith.mulf %gather3A_1244, %mul3A_1240 : vector<16xf32>
    %add3A_1246 = arith.addf %add3A_1233, %mul3A_1245 : vector<16xf32>
    %add3A_1247 = arith.addf %add3A_1234, %mul3A_1240 : vector<16xf32>
    %add3A_1248 = arith.constant 96 : i32
    %add3A_1249 = arith.addi %select_n3A_34, %add3A_1248 : i32
    %multiple_of3A_1250 = tpu.assume_multiple %add3A_1249, 32 : i32
    %dma_start3A_1251 = arith.constant 0 : i32
    %dma_start3A_1252 = tpu.memref_slice %arg2[%select_n3A, %multiple_of3A_1250, %dma_start3A_1251] : memref<4x4096x1024xf32, #tpu.memory_space<hbm>> -> memref<1x32x1024xf32, #tpu.memory_space<hbm>>
    %dma_start3A_1253 = tpu.memref_squeeze %dma_start3A_1252 : memref<1x32x1024xf32, #tpu.memory_space<hbm>> -> memref<32x1024xf32, #tpu.memory_space<hbm>>
    %dma_start3A_1254 = arith.constant 0 : i32
    %dma_start3A_1255 = tpu.memref_slice %arg2[%select_n3A, %multiple_of3A_1250, %dma_start3A_1254] : memref<4x4096x1024xf32, #tpu.memory_space<hbm>> -> memref<1x32x1024xf32, #tpu.memory_space<hbm>>
    %dma_start3A_1256 = tpu.memref_squeeze %dma_start3A_1255 : memref<1x32x1024xf32, #tpu.memory_space<hbm>> -> memref<32x1024xf32, #tpu.memory_space<hbm>>
    tpu.enqueue_dma source(%dma_start3A_1256 : memref<32x1024xf32, #tpu.memory_space<hbm>>) target(%arg10 : memref<32x1024xf32, #tpu.memory_space<vmem>>) target_semaphore(%arg23 : memref<!tpu.dma_semaphore, #tpu.memory_space<semaphore_mem>>)
    %multiple_of3A_1257 = tpu.assume_multiple %select_n3A_34, 32 : i32
    %dma_wait3A_1258 = arith.constant 0 : i32
    %dma_wait3A_1259 = tpu.memref_slice %arg2[%select_n3A, %multiple_of3A_1257, %dma_wait3A_1258] : memref<4x4096x1024xf32, #tpu.memory_space<hbm>> -> memref<1x32x1024xf32, #tpu.memory_space<hbm>>
    %dma_wait3A_1260 = tpu.memref_squeeze %dma_wait3A_1259 : memref<1x32x1024xf32, #tpu.memory_space<hbm>> -> memref<32x1024xf32, #tpu.memory_space<hbm>>
    %dma_wait3A_1261 = arith.constant 0 : i32
    %dma_wait3A_1262 = tpu.memref_slice %arg2[%select_n3A, %multiple_of3A_1257, %dma_wait3A_1261] : memref<4x4096x1024xf32, #tpu.memory_space<hbm>> -> memref<1x32x1024xf32, #tpu.memory_space<hbm>>
    %dma_wait3A_1263 = tpu.memref_squeeze %dma_wait3A_1262 : memref<1x32x1024xf32, #tpu.memory_space<hbm>> -> memref<32x1024xf32, #tpu.memory_space<hbm>>
    tpu.wait_dma2 semaphore(%arg23 : memref<!tpu.dma_semaphore, #tpu.memory_space<semaphore_mem>>) src(%dma_wait3A_1263 : memref<32x1024xf32, #tpu.memory_space<hbm>>) dst(%arg11 : memref<32x1024xf32, #tpu.memory_space<vmem>>)
    %get3A_1264 = arith.constant 32 : index
    %get3A_1265 = tpu.vector_load %arg8[%get3A_1264] {strides = array<i32>} : memref<512xi32, #tpu.memory_space<vmem>>, vector<16xi32>,
    %get3A_1266 = arith.constant 32 : index
    %get3A_1267 = tpu.vector_load %arg9[%get3A_1266] {strides = array<i32>} : memref<512xf32, #tpu.memory_space<vmem>>, vector<16xf32>,
    %gather3A_1268 = tpu.vector_load_idx %arg18[%get3A_1265] : memref<1024xf32, #tpu.memory_space<vmem>>[vector<16xi32>], vector<16xf32>,
    %mul3A_1269 = arith.mulf %gather3A_1268, %get3A_1267 : vector<16xf32>
    %add3A_1270 = arith.constant 0 : i32
    %add3A_1271 = vector.broadcast %add3A_1270 : i32 to vector<16xi32>
    %add3A_1272 = arith.addi %add3A_1271, %iota3A : vector<16xi32>
    %gather3A_1273 = tpu.vector_load_idx %arg11[%add3A_1272, %get3A_1265] : memref<32x1024xf32, #tpu.memory_space<vmem>>[vector<16xi32>, vector<16xi32>], vector<16xf32>,
    %mul3A_1274 = arith.mulf %gather3A_1273, %mul3A_1269 : vector<16xf32>
    %add3A_1275 = arith.addf %add3A_1246, %mul3A_1274 : vector<16xf32>
    %add3A_1276 = arith.addf %add3A_1247, %mul3A_1269 : vector<16xf32>
    %get3A_1277 = arith.constant 48 : index
    %get3A_1278 = tpu.vector_load %arg8[%get3A_1277] {strides = array<i32>} : memref<512xi32, #tpu.memory_space<vmem>>, vector<16xi32>,
    %get3A_1279 = arith.constant 48 : index
    %get3A_1280 = tpu.vector_load %arg9[%get3A_1279] {strides = array<i32>} : memref<512xf32, #tpu.memory_space<vmem>>, vector<16xf32>,
    %gather3A_1281 = tpu.vector_load_idx %arg18[%get3A_1278] : memref<1024xf32, #tpu.memory_space<vmem>>[vector<16xi32>], vector<16xf32>,
    %mul3A_1282 = arith.mulf %gather3A_1281, %get3A_1280 : vector<16xf32>
    %add3A_1283 = arith.constant 16 : i32
    %add3A_1284 = vector.broadcast %add3A_1283 : i32 to vector<16xi32>
    %add3A_1285 = arith.addi %add3A_1284, %iota3A : vector<16xi32>
    %gather3A_1286 = tpu.vector_load_idx %arg11[%add3A_1285, %get3A_1278] : memref<32x1024xf32, #tpu.memory_space<vmem>>[vector<16xi32>, vector<16xi32>], vector<16xf32>,
    %mul3A_1287 = arith.mulf %gather3A_1286, %mul3A_1282 : vector<16xf32>
    %add3A_1288 = arith.addf %add3A_1275, %mul3A_1287 : vector<16xf32>
    %add3A_1289 = arith.addf %add3A_1276, %mul3A_1282 : vector<16xf32>
    %add3A_1290 = arith.constant 128 : i32
    %add3A_1291 = arith.addi %select_n3A_34, %add3A_1290 : i32
    %multiple_of3A_1292 = tpu.assume_multiple %add3A_1291, 32 : i32
    %dma_start3A_1293 = arith.constant 0 : i32
    %dma_start3A_1294 = tpu.memref_slice %arg2[%select_n3A, %multiple_of3A_1292, %dma_start3A_1293] : memref<4x4096x1024xf32, #tpu.memory_space<hbm>> -> memref<1x32x1024xf32, #tpu.memory_space<hbm>>
    %dma_start3A_1295 = tpu.memref_squeeze %dma_start3A_1294 : memref<1x32x1024xf32, #tpu.memory_space<hbm>> -> memref<32x1024xf32, #tpu.memory_space<hbm>>
    %dma_start3A_1296 = arith.constant 0 : i32
    %dma_start3A_1297 = tpu.memref_slice %arg2[%select_n3A, %multiple_of3A_1292, %dma_start3A_1296] : memref<4x4096x1024xf32, #tpu.memory_space<hbm>> -> memref<1x32x1024xf32, #tpu.memory_space<hbm>>
    %dma_start3A_1298 = tpu.memref_squeeze %dma_start3A_1297 : memref<1x32x1024xf32, #tpu.memory_space<hbm>> -> memref<32x1024xf32, #tpu.memory_space<hbm>>
    tpu.enqueue_dma source(%dma_start3A_1298 : memref<32x1024xf32, #tpu.memory_space<hbm>>) target(%arg11 : memref<32x1024xf32, #tpu.memory_space<vmem>>) target_semaphore(%arg23 : memref<!tpu.dma_semaphore, #tpu.memory_space<semaphore_mem>>)
    %multiple_of3A_1299 = tpu.assume_multiple %select_n3A_34, 32 : i32
    %dma_wait3A_1300 = arith.constant 0 : i32
    %dma_wait3A_1301 = tpu.memref_slice %arg2[%select_n3A, %multiple_of3A_1299, %dma_wait3A_1300] : memref<4x4096x1024xf32, #tpu.memory_space<hbm>> -> memref<1x32x1024xf32, #tpu.memory_space<hbm>>
    %dma_wait3A_1302 = tpu.memref_squeeze %dma_wait3A_1301 : memref<1x32x1024xf32, #tpu.memory_space<hbm>> -> memref<32x1024xf32, #tpu.memory_space<hbm>>
    %dma_wait3A_1303 = arith.constant 0 : i32
    %dma_wait3A_1304 = tpu.memref_slice %arg2[%select_n3A, %multiple_of3A_1299, %dma_wait3A_1303] : memref<4x4096x1024xf32, #tpu.memory_space<hbm>> -> memref<1x32x1024xf32, #tpu.memory_space<hbm>>
    %dma_wait3A_1305 = tpu.memref_squeeze %dma_wait3A_1304 : memref<1x32x1024xf32, #tpu.memory_space<hbm>> -> memref<32x1024xf32, #tpu.memory_space<hbm>>
    tpu.wait_dma2 semaphore(%arg23 : memref<!tpu.dma_semaphore, #tpu.memory_space<semaphore_mem>>) src(%dma_wait3A_1305 : memref<32x1024xf32, #tpu.memory_space<hbm>>) dst(%arg12 : memref<32x1024xf32, #tpu.memory_space<vmem>>)
    %get3A_1306 = arith.constant 64 : index
    %get3A_1307 = tpu.vector_load %arg8[%get3A_1306] {strides = array<i32>} : memref<512xi32, #tpu.memory_space<vmem>>, vector<16xi32>,
    %get3A_1308 = arith.constant 64 : index
    %get3A_1309 = tpu.vector_load %arg9[%get3A_1308] {strides = array<i32>} : memref<512xf32, #tpu.memory_space<vmem>>, vector<16xf32>,
    %gather3A_1310 = tpu.vector_load_idx %arg18[%get3A_1307] : memref<1024xf32, #tpu.memory_space<vmem>>[vector<16xi32>], vector<16xf32>,
    %mul3A_1311 = arith.mulf %gather3A_1310, %get3A_1309 : vector<16xf32>
    %add3A_1312 = arith.constant 0 : i32
    %add3A_1313 = vector.broadcast %add3A_1312 : i32 to vector<16xi32>
    %add3A_1314 = arith.addi %add3A_1313, %iota3A : vector<16xi32>
    %gather3A_1315 = tpu.vector_load_idx %arg12[%add3A_1314, %get3A_1307] : memref<32x1024xf32, #tpu.memory_space<vmem>>[vector<16xi32>, vector<16xi32>], vector<16xf32>,
    %mul3A_1316 = arith.mulf %gather3A_1315, %mul3A_1311 : vector<16xf32>
    %add3A_1317 = arith.addf %add3A_1288, %mul3A_1316 : vector<16xf32>
    %add3A_1318 = arith.addf %add3A_1289, %mul3A_1311 : vector<16xf32>
    %get3A_1319 = arith.constant 80 : index
    %get3A_1320 = tpu.vector_load %arg8[%get3A_1319] {strides = array<i32>} : memref<512xi32, #tpu.memory_space<vmem>>, vector<16xi32>,
    %get3A_1321 = arith.constant 80 : index
    %get3A_1322 = tpu.vector_load %arg9[%get3A_1321] {strides = array<i32>} : memref<512xf32, #tpu.memory_space<vmem>>, vector<16xf32>,
    %gather3A_1323 = tpu.vector_load_idx %arg18[%get3A_1320] : memref<1024xf32, #tpu.memory_space<vmem>>[vector<16xi32>], vector<16xf32>,
    %mul3A_1324 = arith.mulf %gather3A_1323, %get3A_1322 : vector<16xf32>
    %add3A_1325 = arith.constant 16 : i32
    %add3A_1326 = vector.broadcast %add3A_1325 : i32 to vector<16xi32>
    %add3A_1327 = arith.addi %add3A_1326, %iota3A : vector<16xi32>
    %gather3A_1328 = tpu.vector_load_idx %arg12[%add3A_1327, %get3A_1320] : memref<32x1024xf32, #tpu.memory_space<vmem>>[vector<16xi32>, vector<16xi32>], vector<16xf32>,
    %mul3A_1329 = arith.mulf %gather3A_1328, %mul3A_1324 : vector<16xf32>
    %add3A_1330 = arith.addf %add3A_1317, %mul3A_1329 : vector<16xf32>
    %add3A_1331 = arith.addf %add3A_1318, %mul3A_1324 : vector<16xf32>
    %add3A_1332 = arith.constant 160 : i32
    %add3A_1333 = arith.addi %select_n3A_34, %add3A_1332 : i32
    %multiple_of3A_1334 = tpu.assume_multiple %add3A_1333, 32 : i32
    %dma_start3A_1335 = arith.constant 0 : i32
    %dma_start3A_1336 = tpu.memref_slice %arg2[%select_n3A, %multiple_of3A_1334, %dma_start3A_1335] : memref<4x4096x1024xf32, #tpu.memory_space<hbm>> -> memref<1x32x1024xf32, #tpu.memory_space<hbm>>
    %dma_start3A_1337 = tpu.memref_squeeze %dma_start3A_1336 : memref<1x32x1024xf32, #tpu.memory_space<hbm>> -> memref<32x1024xf32, #tpu.memory_space<hbm>>
    %dma_start3A_1338 = arith.constant 0 : i32
    %dma_start3A_1339 = tpu.memref_slice %arg2[%select_n3A, %multiple_of3A_1334, %dma_start3A_1338] : memref<4x4096x1024xf32, #tpu.memory_space<hbm>> -> memref<1x32x1024xf32, #tpu.memory_space<hbm>>
    %dma_start3A_1340 = tpu.memref_squeeze %dma_start3A_1339 : memref<1x32x1024xf32, #tpu.memory_space<hbm>> -> memref<32x1024xf32, #tpu.memory_space<hbm>>
    tpu.enqueue_dma source(%dma_start3A_1340 : memref<32x1024xf32, #tpu.memory_space<hbm>>) target(%arg12 : memref<32x1024xf32, #tpu.memory_space<vmem>>) target_semaphore(%arg23 : memref<!tpu.dma_semaphore, #tpu.memory_space<semaphore_mem>>)
    %multiple_of3A_1341 = tpu.assume_multiple %select_n3A_34, 32 : i32
    %dma_wait3A_1342 = arith.constant 0 : i32
    %dma_wait3A_1343 = tpu.memref_slice %arg2[%select_n3A, %multiple_of3A_1341, %dma_wait3A_1342] : memref<4x4096x1024xf32, #tpu.memory_space<hbm>> -> memref<1x32x1024xf32, #tpu.memory_space<hbm>>
    %dma_wait3A_1344 = tpu.memref_squeeze %dma_wait3A_1343 : memref<1x32x1024xf32, #tpu.memory_space<hbm>> -> memref<32x1024xf32, #tpu.memory_space<hbm>>
    %dma_wait3A_1345 = arith.constant 0 : i32
    %dma_wait3A_1346 = tpu.memref_slice %arg2[%select_n3A, %multiple_of3A_1341, %dma_wait3A_1345] : memref<4x4096x1024xf32, #tpu.memory_space<hbm>> -> memref<1x32x1024xf32, #tpu.memory_space<hbm>>
    %dma_wait3A_1347 = tpu.memref_squeeze %dma_wait3A_1346 : memref<1x32x1024xf32, #tpu.memory_space<hbm>> -> memref<32x1024xf32, #tpu.memory_space<hbm>>
    tpu.wait_dma2 semaphore(%arg23 : memref<!tpu.dma_semaphore, #tpu.memory_space<semaphore_mem>>) src(%dma_wait3A_1347 : memref<32x1024xf32, #tpu.memory_space<hbm>>) dst(%arg10 : memref<32x1024xf32, #tpu.memory_space<vmem>>)
    %get3A_1348 = arith.constant 96 : index
    %get3A_1349 = tpu.vector_load %arg8[%get3A_1348] {strides = array<i32>} : memref<512xi32, #tpu.memory_space<vmem>>, vector<16xi32>,
    %get3A_1350 = arith.constant 96 : index
    %get3A_1351 = tpu.vector_load %arg9[%get3A_1350] {strides = array<i32>} : memref<512xf32, #tpu.memory_space<vmem>>, vector<16xf32>,
    %gather3A_1352 = tpu.vector_load_idx %arg18[%get3A_1349] : memref<1024xf32, #tpu.memory_space<vmem>>[vector<16xi32>], vector<16xf32>,
    %mul3A_1353 = arith.mulf %gather3A_1352, %get3A_1351 : vector<16xf32>
    %add3A_1354 = arith.constant 0 : i32
    %add3A_1355 = vector.broadcast %add3A_1354 : i32 to vector<16xi32>
    %add3A_1356 = arith.addi %add3A_1355, %iota3A : vector<16xi32>
    %gather3A_1357 = tpu.vector_load_idx %arg10[%add3A_1356, %get3A_1349] : memref<32x1024xf32, #tpu.memory_space<vmem>>[vector<16xi32>, vector<16xi32>], vector<16xf32>,
    %mul3A_1358 = arith.mulf %gather3A_1357, %mul3A_1353 : vector<16xf32>
    %add3A_1359 = arith.addf %add3A_1330, %mul3A_1358 : vector<16xf32>
    %add3A_1360 = arith.addf %add3A_1331, %mul3A_1353 : vector<16xf32>
    %get3A_1361 = arith.constant 112 : index
    %get3A_1362 = tpu.vector_load %arg8[%get3A_1361] {strides = array<i32>} : memref<512xi32, #tpu.memory_space<vmem>>, vector<16xi32>,
    %get3A_1363 = arith.constant 112 : index
    %get3A_1364 = tpu.vector_load %arg9[%get3A_1363] {strides = array<i32>} : memref<512xf32, #tpu.memory_space<vmem>>, vector<16xf32>,
    %gather3A_1365 = tpu.vector_load_idx %arg18[%get3A_1362] : memref<1024xf32, #tpu.memory_space<vmem>>[vector<16xi32>], vector<16xf32>,
    %mul3A_1366 = arith.mulf %gather3A_1365, %get3A_1364 : vector<16xf32>
    %add3A_1367 = arith.constant 16 : i32
    %add3A_1368 = vector.broadcast %add3A_1367 : i32 to vector<16xi32>
    %add3A_1369 = arith.addi %add3A_1368, %iota3A : vector<16xi32>
    %gather3A_1370 = tpu.vector_load_idx %arg10[%add3A_1369, %get3A_1362] : memref<32x1024xf32, #tpu.memory_space<vmem>>[vector<16xi32>, vector<16xi32>], vector<16xf32>,
    %mul3A_1371 = arith.mulf %gather3A_1370, %mul3A_1366 : vector<16xf32>
    %add3A_1372 = arith.addf %add3A_1359, %mul3A_1371 : vector<16xf32>
    %add3A_1373 = arith.addf %add3A_1360, %mul3A_1366 : vector<16xf32>
    %add3A_1374 = arith.constant 192 : i32
    %add3A_1375 = arith.addi %select_n3A_34, %add3A_1374 : i32
    %multiple_of3A_1376 = tpu.assume_multiple %add3A_1375, 32 : i32
    %dma_start3A_1377 = arith.constant 0 : i32
    %dma_start3A_1378 = tpu.memref_slice %arg2[%select_n3A, %multiple_of3A_1376, %dma_start3A_1377] : memref<4x4096x1024xf32, #tpu.memory_space<hbm>> -> memref<1x32x1024xf32, #tpu.memory_space<hbm>>
    %dma_start3A_1379 = tpu.memref_squeeze %dma_start3A_1378 : memref<1x32x1024xf32, #tpu.memory_space<hbm>> -> memref<32x1024xf32, #tpu.memory_space<hbm>>
    %dma_start3A_1380 = arith.constant 0 : i32
    %dma_start3A_1381 = tpu.memref_slice %arg2[%select_n3A, %multiple_of3A_1376, %dma_start3A_1380] : memref<4x4096x1024xf32, #tpu.memory_space<hbm>> -> memref<1x32x1024xf32, #tpu.memory_space<hbm>>
    %dma_start3A_1382 = tpu.memref_squeeze %dma_start3A_1381 : memref<1x32x1024xf32, #tpu.memory_space<hbm>> -> memref<32x1024xf32, #tpu.memory_space<hbm>>
    tpu.enqueue_dma source(%dma_start3A_1382 : memref<32x1024xf32, #tpu.memory_space<hbm>>) target(%arg10 : memref<32x1024xf32, #tpu.memory_space<vmem>>) target_semaphore(%arg23 : memref<!tpu.dma_semaphore, #tpu.memory_space<semaphore_mem>>)
    %multiple_of3A_1383 = tpu.assume_multiple %select_n3A_34, 32 : i32
    %dma_wait3A_1384 = arith.constant 0 : i32
    %dma_wait3A_1385 = tpu.memref_slice %arg2[%select_n3A, %multiple_of3A_1383, %dma_wait3A_1384] : memref<4x4096x1024xf32, #tpu.memory_space<hbm>> -> memref<1x32x1024xf32, #tpu.memory_space<hbm>>
    %dma_wait3A_1386 = tpu.memref_squeeze %dma_wait3A_1385 : memref<1x32x1024xf32, #tpu.memory_space<hbm>> -> memref<32x1024xf32, #tpu.memory_space<hbm>>
    %dma_wait3A_1387 = arith.constant 0 : i32
    %dma_wait3A_1388 = tpu.memref_slice %arg2[%select_n3A, %multiple_of3A_1383, %dma_wait3A_1387] : memref<4x4096x1024xf32, #tpu.memory_space<hbm>> -> memref<1x32x1024xf32, #tpu.memory_space<hbm>>
    %dma_wait3A_1389 = tpu.memref_squeeze %dma_wait3A_1388 : memref<1x32x1024xf32, #tpu.memory_space<hbm>> -> memref<32x1024xf32, #tpu.memory_space<hbm>>
    tpu.wait_dma2 semaphore(%arg23 : memref<!tpu.dma_semaphore, #tpu.memory_space<semaphore_mem>>) src(%dma_wait3A_1389 : memref<32x1024xf32, #tpu.memory_space<hbm>>) dst(%arg11 : memref<32x1024xf32, #tpu.memory_space<vmem>>)
    %get3A_1390 = arith.constant 128 : index
    %get3A_1391 = tpu.vector_load %arg8[%get3A_1390] {strides = array<i32>} : memref<512xi32, #tpu.memory_space<vmem>>, vector<16xi32>,
    %get3A_1392 = arith.constant 128 : index
    %get3A_1393 = tpu.vector_load %arg9[%get3A_1392] {strides = array<i32>} : memref<512xf32, #tpu.memory_space<vmem>>, vector<16xf32>,
    %gather3A_1394 = tpu.vector_load_idx %arg18[%get3A_1391] : memref<1024xf32, #tpu.memory_space<vmem>>[vector<16xi32>], vector<16xf32>,
    %mul3A_1395 = arith.mulf %gather3A_1394, %get3A_1393 : vector<16xf32>
    %add3A_1396 = arith.constant 0 : i32
    %add3A_1397 = vector.broadcast %add3A_1396 : i32 to vector<16xi32>
    %add3A_1398 = arith.addi %add3A_1397, %iota3A : vector<16xi32>
    %gather3A_1399 = tpu.vector_load_idx %arg11[%add3A_1398, %get3A_1391] : memref<32x1024xf32, #tpu.memory_space<vmem>>[vector<16xi32>, vector<16xi32>], vector<16xf32>,
    %mul3A_1400 = arith.mulf %gather3A_1399, %mul3A_1395 : vector<16xf32>
    %add3A_1401 = arith.addf %add3A_1372, %mul3A_1400 : vector<16xf32>
    %add3A_1402 = arith.addf %add3A_1373, %mul3A_1395 : vector<16xf32>
    %get3A_1403 = arith.constant 144 : index
    %get3A_1404 = tpu.vector_load %arg8[%get3A_1403] {strides = array<i32>} : memref<512xi32, #tpu.memory_space<vmem>>, vector<16xi32>,
    %get3A_1405 = arith.constant 144 : index
    %get3A_1406 = tpu.vector_load %arg9[%get3A_1405] {strides = array<i32>} : memref<512xf32, #tpu.memory_space<vmem>>, vector<16xf32>,
    %gather3A_1407 = tpu.vector_load_idx %arg18[%get3A_1404] : memref<1024xf32, #tpu.memory_space<vmem>>[vector<16xi32>], vector<16xf32>,
    %mul3A_1408 = arith.mulf %gather3A_1407, %get3A_1406 : vector<16xf32>
    %add3A_1409 = arith.constant 16 : i32
    %add3A_1410 = vector.broadcast %add3A_1409 : i32 to vector<16xi32>
    %add3A_1411 = arith.addi %add3A_1410, %iota3A : vector<16xi32>
    %gather3A_1412 = tpu.vector_load_idx %arg11[%add3A_1411, %get3A_1404] : memref<32x1024xf32, #tpu.memory_space<vmem>>[vector<16xi32>, vector<16xi32>], vector<16xf32>,
    %mul3A_1413 = arith.mulf %gather3A_1412, %mul3A_1408 : vector<16xf32>
    %add3A_1414 = arith.addf %add3A_1401, %mul3A_1413 : vector<16xf32>
    %add3A_1415 = arith.addf %add3A_1402, %mul3A_1408 : vector<16xf32>
    %add3A_1416 = arith.constant 224 : i32
    %add3A_1417 = arith.addi %select_n3A_34, %add3A_1416 : i32
    %multiple_of3A_1418 = tpu.assume_multiple %add3A_1417, 32 : i32
    %dma_start3A_1419 = arith.constant 0 : i32
    %dma_start3A_1420 = tpu.memref_slice %arg2[%select_n3A, %multiple_of3A_1418, %dma_start3A_1419] : memref<4x4096x1024xf32, #tpu.memory_space<hbm>> -> memref<1x32x1024xf32, #tpu.memory_space<hbm>>
    %dma_start3A_1421 = tpu.memref_squeeze %dma_start3A_1420 : memref<1x32x1024xf32, #tpu.memory_space<hbm>> -> memref<32x1024xf32, #tpu.memory_space<hbm>>
    %dma_start3A_1422 = arith.constant 0 : i32
    %dma_start3A_1423 = tpu.memref_slice %arg2[%select_n3A, %multiple_of3A_1418, %dma_start3A_1422] : memref<4x4096x1024xf32, #tpu.memory_space<hbm>> -> memref<1x32x1024xf32, #tpu.memory_space<hbm>>
    %dma_start3A_1424 = tpu.memref_squeeze %dma_start3A_1423 : memref<1x32x1024xf32, #tpu.memory_space<hbm>> -> memref<32x1024xf32, #tpu.memory_space<hbm>>
    tpu.enqueue_dma source(%dma_start3A_1424 : memref<32x1024xf32, #tpu.memory_space<hbm>>) target(%arg11 : memref<32x1024xf32, #tpu.memory_space<vmem>>) target_semaphore(%arg23 : memref<!tpu.dma_semaphore, #tpu.memory_space<semaphore_mem>>)
    %multiple_of3A_1425 = tpu.assume_multiple %select_n3A_34, 32 : i32
    %dma_wait3A_1426 = arith.constant 0 : i32
    %dma_wait3A_1427 = tpu.memref_slice %arg2[%select_n3A, %multiple_of3A_1425, %dma_wait3A_1426] : memref<4x4096x1024xf32, #tpu.memory_space<hbm>> -> memref<1x32x1024xf32, #tpu.memory_space<hbm>>
    %dma_wait3A_1428 = tpu.memref_squeeze %dma_wait3A_1427 : memref<1x32x1024xf32, #tpu.memory_space<hbm>> -> memref<32x1024xf32, #tpu.memory_space<hbm>>
    %dma_wait3A_1429 = arith.constant 0 : i32
    %dma_wait3A_1430 = tpu.memref_slice %arg2[%select_n3A, %multiple_of3A_1425, %dma_wait3A_1429] : memref<4x4096x1024xf32, #tpu.memory_space<hbm>> -> memref<1x32x1024xf32, #tpu.memory_space<hbm>>
    %dma_wait3A_1431 = tpu.memref_squeeze %dma_wait3A_1430 : memref<1x32x1024xf32, #tpu.memory_space<hbm>> -> memref<32x1024xf32, #tpu.memory_space<hbm>>
    tpu.wait_dma2 semaphore(%arg23 : memref<!tpu.dma_semaphore, #tpu.memory_space<semaphore_mem>>) src(%dma_wait3A_1431 : memref<32x1024xf32, #tpu.memory_space<hbm>>) dst(%arg12 : memref<32x1024xf32, #tpu.memory_space<vmem>>)
    %get3A_1432 = arith.constant 160 : index
    %get3A_1433 = tpu.vector_load %arg8[%get3A_1432] {strides = array<i32>} : memref<512xi32, #tpu.memory_space<vmem>>, vector<16xi32>,
    %get3A_1434 = arith.constant 160 : index
    %get3A_1435 = tpu.vector_load %arg9[%get3A_1434] {strides = array<i32>} : memref<512xf32, #tpu.memory_space<vmem>>, vector<16xf32>,
    %gather3A_1436 = tpu.vector_load_idx %arg18[%get3A_1433] : memref<1024xf32, #tpu.memory_space<vmem>>[vector<16xi32>], vector<16xf32>,
    %mul3A_1437 = arith.mulf %gather3A_1436, %get3A_1435 : vector<16xf32>
    %add3A_1438 = arith.constant 0 : i32
    %add3A_1439 = vector.broadcast %add3A_1438 : i32 to vector<16xi32>
    %add3A_1440 = arith.addi %add3A_1439, %iota3A : vector<16xi32>
    %gather3A_1441 = tpu.vector_load_idx %arg12[%add3A_1440, %get3A_1433] : memref<32x1024xf32, #tpu.memory_space<vmem>>[vector<16xi32>, vector<16xi32>], vector<16xf32>,
    %mul3A_1442 = arith.mulf %gather3A_1441, %mul3A_1437 : vector<16xf32>
    %add3A_1443 = arith.addf %add3A_1414, %mul3A_1442 : vector<16xf32>
    %add3A_1444 = arith.addf %add3A_1415, %mul3A_1437 : vector<16xf32>
    %get3A_1445 = arith.constant 176 : index
    %get3A_1446 = tpu.vector_load %arg8[%get3A_1445] {strides = array<i32>} : memref<512xi32, #tpu.memory_space<vmem>>, vector<16xi32>,
    %get3A_1447 = arith.constant 176 : index
    %get3A_1448 = tpu.vector_load %arg9[%get3A_1447] {strides = array<i32>} : memref<512xf32, #tpu.memory_space<vmem>>, vector<16xf32>,
    %gather3A_1449 = tpu.vector_load_idx %arg18[%get3A_1446] : memref<1024xf32, #tpu.memory_space<vmem>>[vector<16xi32>], vector<16xf32>,
    %mul3A_1450 = arith.mulf %gather3A_1449, %get3A_1448 : vector<16xf32>
    %add3A_1451 = arith.constant 16 : i32
    %add3A_1452 = vector.broadcast %add3A_1451 : i32 to vector<16xi32>
    %add3A_1453 = arith.addi %add3A_1452, %iota3A : vector<16xi32>
    %gather3A_1454 = tpu.vector_load_idx %arg12[%add3A_1453, %get3A_1446] : memref<32x1024xf32, #tpu.memory_space<vmem>>[vector<16xi32>, vector<16xi32>], vector<16xf32>,
    %mul3A_1455 = arith.mulf %gather3A_1454, %mul3A_1450 : vector<16xf32>
    %add3A_1456 = arith.addf %add3A_1443, %mul3A_1455 : vector<16xf32>
    %add3A_1457 = arith.addf %add3A_1444, %mul3A_1450 : vector<16xf32>
    %add3A_1458 = arith.constant 256 : i32
    %add3A_1459 = arith.addi %select_n3A_34, %add3A_1458 : i32
    %multiple_of3A_1460 = tpu.assume_multiple %add3A_1459, 32 : i32
    %dma_start3A_1461 = arith.constant 0 : i32
    %dma_start3A_1462 = tpu.memref_slice %arg2[%select_n3A, %multiple_of3A_1460, %dma_start3A_1461] : memref<4x4096x1024xf32, #tpu.memory_space<hbm>> -> memref<1x32x1024xf32, #tpu.memory_space<hbm>>
    %dma_start3A_1463 = tpu.memref_squeeze %dma_start3A_1462 : memref<1x32x1024xf32, #tpu.memory_space<hbm>> -> memref<32x1024xf32, #tpu.memory_space<hbm>>
    %dma_start3A_1464 = arith.constant 0 : i32
    %dma_start3A_1465 = tpu.memref_slice %arg2[%select_n3A, %multiple_of3A_1460, %dma_start3A_1464] : memref<4x4096x1024xf32, #tpu.memory_space<hbm>> -> memref<1x32x1024xf32, #tpu.memory_space<hbm>>
    %dma_start3A_1466 = tpu.memref_squeeze %dma_start3A_1465 : memref<1x32x1024xf32, #tpu.memory_space<hbm>> -> memref<32x1024xf32, #tpu.memory_space<hbm>>
    tpu.enqueue_dma source(%dma_start3A_1466 : memref<32x1024xf32, #tpu.memory_space<hbm>>) target(%arg12 : memref<32x1024xf32, #tpu.memory_space<vmem>>) target_semaphore(%arg23 : memref<!tpu.dma_semaphore, #tpu.memory_space<semaphore_mem>>)
    %multiple_of3A_1467 = tpu.assume_multiple %select_n3A_34, 32 : i32
    %dma_wait3A_1468 = arith.constant 0 : i32
    %dma_wait3A_1469 = tpu.memref_slice %arg2[%select_n3A, %multiple_of3A_1467, %dma_wait3A_1468] : memref<4x4096x1024xf32, #tpu.memory_space<hbm>> -> memref<1x32x1024xf32, #tpu.memory_space<hbm>>
    %dma_wait3A_1470 = tpu.memref_squeeze %dma_wait3A_1469 : memref<1x32x1024xf32, #tpu.memory_space<hbm>> -> memref<32x1024xf32, #tpu.memory_space<hbm>>
    %dma_wait3A_1471 = arith.constant 0 : i32
    %dma_wait3A_1472 = tpu.memref_slice %arg2[%select_n3A, %multiple_of3A_1467, %dma_wait3A_1471] : memref<4x4096x1024xf32, #tpu.memory_space<hbm>> -> memref<1x32x1024xf32, #tpu.memory_space<hbm>>
    %dma_wait3A_1473 = tpu.memref_squeeze %dma_wait3A_1472 : memref<1x32x1024xf32, #tpu.memory_space<hbm>> -> memref<32x1024xf32, #tpu.memory_space<hbm>>
    tpu.wait_dma2 semaphore(%arg23 : memref<!tpu.dma_semaphore, #tpu.memory_space<semaphore_mem>>) src(%dma_wait3A_1473 : memref<32x1024xf32, #tpu.memory_space<hbm>>) dst(%arg10 : memref<32x1024xf32, #tpu.memory_space<vmem>>)
    %get3A_1474 = arith.constant 192 : index
    %get3A_1475 = tpu.vector_load %arg8[%get3A_1474] {strides = array<i32>} : memref<512xi32, #tpu.memory_space<vmem>>, vector<16xi32>,
    %get3A_1476 = arith.constant 192 : index
    %get3A_1477 = tpu.vector_load %arg9[%get3A_1476] {strides = array<i32>} : memref<512xf32, #tpu.memory_space<vmem>>, vector<16xf32>,
    %gather3A_1478 = tpu.vector_load_idx %arg18[%get3A_1475] : memref<1024xf32, #tpu.memory_space<vmem>>[vector<16xi32>], vector<16xf32>,
    %mul3A_1479 = arith.mulf %gather3A_1478, %get3A_1477 : vector<16xf32>
    %add3A_1480 = arith.constant 0 : i32
    %add3A_1481 = vector.broadcast %add3A_1480 : i32 to vector<16xi32>
    %add3A_1482 = arith.addi %add3A_1481, %iota3A : vector<16xi32>
    %gather3A_1483 = tpu.vector_load_idx %arg10[%add3A_1482, %get3A_1475] : memref<32x1024xf32, #tpu.memory_space<vmem>>[vector<16xi32>, vector<16xi32>], vector<16xf32>,
    %mul3A_1484 = arith.mulf %gather3A_1483, %mul3A_1479 : vector<16xf32>
    %add3A_1485 = arith.addf %add3A_1456, %mul3A_1484 : vector<16xf32>
    %add3A_1486 = arith.addf %add3A_1457, %mul3A_1479 : vector<16xf32>
    %get3A_1487 = arith.constant 208 : index
    %get3A_1488 = tpu.vector_load %arg8[%get3A_1487] {strides = array<i32>} : memref<512xi32, #tpu.memory_space<vmem>>, vector<16xi32>,
    %get3A_1489 = arith.constant 208 : index
    %get3A_1490 = tpu.vector_load %arg9[%get3A_1489] {strides = array<i32>} : memref<512xf32, #tpu.memory_space<vmem>>, vector<16xf32>,
    %gather3A_1491 = tpu.vector_load_idx %arg18[%get3A_1488] : memref<1024xf32, #tpu.memory_space<vmem>>[vector<16xi32>], vector<16xf32>,
    %mul3A_1492 = arith.mulf %gather3A_1491, %get3A_1490 : vector<16xf32>
    %add3A_1493 = arith.constant 16 : i32
    %add3A_1494 = vector.broadcast %add3A_1493 : i32 to vector<16xi32>
    %add3A_1495 = arith.addi %add3A_1494, %iota3A : vector<16xi32>
    %gather3A_1496 = tpu.vector_load_idx %arg10[%add3A_1495, %get3A_1488] : memref<32x1024xf32, #tpu.memory_space<vmem>>[vector<16xi32>, vector<16xi32>], vector<16xf32>,
    %mul3A_1497 = arith.mulf %gather3A_1496, %mul3A_1492 : vector<16xf32>
    %add3A_1498 = arith.addf %add3A_1485, %mul3A_1497 : vector<16xf32>
    %add3A_1499 = arith.addf %add3A_1486, %mul3A_1492 : vector<16xf32>
    %add3A_1500 = arith.constant 288 : i32
    %add3A_1501 = arith.addi %select_n3A_34, %add3A_1500 : i32
    %multiple_of3A_1502 = tpu.assume_multiple %add3A_1501, 32 : i32
    %dma_start3A_1503 = arith.constant 0 : i32
    %dma_start3A_1504 = tpu.memref_slice %arg2[%select_n3A, %multiple_of3A_1502, %dma_start3A_1503] : memref<4x4096x1024xf32, #tpu.memory_space<hbm>> -> memref<1x32x1024xf32, #tpu.memory_space<hbm>>
    %dma_start3A_1505 = tpu.memref_squeeze %dma_start3A_1504 : memref<1x32x1024xf32, #tpu.memory_space<hbm>> -> memref<32x1024xf32, #tpu.memory_space<hbm>>
    %dma_start3A_1506 = arith.constant 0 : i32
    %dma_start3A_1507 = tpu.memref_slice %arg2[%select_n3A, %multiple_of3A_1502, %dma_start3A_1506] : memref<4x4096x1024xf32, #tpu.memory_space<hbm>> -> memref<1x32x1024xf32, #tpu.memory_space<hbm>>
    %dma_start3A_1508 = tpu.memref_squeeze %dma_start3A_1507 : memref<1x32x1024xf32, #tpu.memory_space<hbm>> -> memref<32x1024xf32, #tpu.memory_space<hbm>>
    tpu.enqueue_dma source(%dma_start3A_1508 : memref<32x1024xf32, #tpu.memory_space<hbm>>) target(%arg10 : memref<32x1024xf32, #tpu.memory_space<vmem>>) target_semaphore(%arg23 : memref<!tpu.dma_semaphore, #tpu.memory_space<semaphore_mem>>)
    %multiple_of3A_1509 = tpu.assume_multiple %select_n3A_34, 32 : i32
    %dma_wait3A_1510 = arith.constant 0 : i32
    %dma_wait3A_1511 = tpu.memref_slice %arg2[%select_n3A, %multiple_of3A_1509, %dma_wait3A_1510] : memref<4x4096x1024xf32, #tpu.memory_space<hbm>> -> memref<1x32x1024xf32, #tpu.memory_space<hbm>>
    %dma_wait3A_1512 = tpu.memref_squeeze %dma_wait3A_1511 : memref<1x32x1024xf32, #tpu.memory_space<hbm>> -> memref<32x1024xf32, #tpu.memory_space<hbm>>
    %dma_wait3A_1513 = arith.constant 0 : i32
    %dma_wait3A_1514 = tpu.memref_slice %arg2[%select_n3A, %multiple_of3A_1509, %dma_wait3A_1513] : memref<4x4096x1024xf32, #tpu.memory_space<hbm>> -> memref<1x32x1024xf32, #tpu.memory_space<hbm>>
    %dma_wait3A_1515 = tpu.memref_squeeze %dma_wait3A_1514 : memref<1x32x1024xf32, #tpu.memory_space<hbm>> -> memref<32x1024xf32, #tpu.memory_space<hbm>>
    tpu.wait_dma2 semaphore(%arg23 : memref<!tpu.dma_semaphore, #tpu.memory_space<semaphore_mem>>) src(%dma_wait3A_1515 : memref<32x1024xf32, #tpu.memory_space<hbm>>) dst(%arg11 : memref<32x1024xf32, #tpu.memory_space<vmem>>)
    %get3A_1516 = arith.constant 224 : index
    %get3A_1517 = tpu.vector_load %arg8[%get3A_1516] {strides = array<i32>} : memref<512xi32, #tpu.memory_space<vmem>>, vector<16xi32>,
    %get3A_1518 = arith.constant 224 : index
    %get3A_1519 = tpu.vector_load %arg9[%get3A_1518] {strides = array<i32>} : memref<512xf32, #tpu.memory_space<vmem>>, vector<16xf32>,
    %gather3A_1520 = tpu.vector_load_idx %arg18[%get3A_1517] : memref<1024xf32, #tpu.memory_space<vmem>>[vector<16xi32>], vector<16xf32>,
    %mul3A_1521 = arith.mulf %gather3A_1520, %get3A_1519 : vector<16xf32>
    %add3A_1522 = arith.constant 0 : i32
    %add3A_1523 = vector.broadcast %add3A_1522 : i32 to vector<16xi32>
    %add3A_1524 = arith.addi %add3A_1523, %iota3A : vector<16xi32>
    %gather3A_1525 = tpu.vector_load_idx %arg11[%add3A_1524, %get3A_1517] : memref<32x1024xf32, #tpu.memory_space<vmem>>[vector<16xi32>, vector<16xi32>], vector<16xf32>,
    %mul3A_1526 = arith.mulf %gather3A_1525, %mul3A_1521 : vector<16xf32>
    %add3A_1527 = arith.addf %add3A_1498, %mul3A_1526 : vector<16xf32>
    %add3A_1528 = arith.addf %add3A_1499, %mul3A_1521 : vector<16xf32>
    %get3A_1529 = arith.constant 240 : index
    %get3A_1530 = tpu.vector_load %arg8[%get3A_1529] {strides = array<i32>} : memref<512xi32, #tpu.memory_space<vmem>>, vector<16xi32>,
    %get3A_1531 = arith.constant 240 : index
    %get3A_1532 = tpu.vector_load %arg9[%get3A_1531] {strides = array<i32>} : memref<512xf32, #tpu.memory_space<vmem>>, vector<16xf32>,
    %gather3A_1533 = tpu.vector_load_idx %arg18[%get3A_1530] : memref<1024xf32, #tpu.memory_space<vmem>>[vector<16xi32>], vector<16xf32>,
    %mul3A_1534 = arith.mulf %gather3A_1533, %get3A_1532 : vector<16xf32>
    %add3A_1535 = arith.constant 16 : i32
    %add3A_1536 = vector.broadcast %add3A_1535 : i32 to vector<16xi32>
    %add3A_1537 = arith.addi %add3A_1536, %iota3A : vector<16xi32>
    %gather3A_1538 = tpu.vector_load_idx %arg11[%add3A_1537, %get3A_1530] : memref<32x1024xf32, #tpu.memory_space<vmem>>[vector<16xi32>, vector<16xi32>], vector<16xf32>,
    %mul3A_1539 = arith.mulf %gather3A_1538, %mul3A_1534 : vector<16xf32>
    %add3A_1540 = arith.addf %add3A_1527, %mul3A_1539 : vector<16xf32>
    %add3A_1541 = arith.addf %add3A_1528, %mul3A_1534 : vector<16xf32>
    %add3A_1542 = arith.constant 320 : i32
    %add3A_1543 = arith.addi %select_n3A_34, %add3A_1542 : i32
    %multiple_of3A_1544 = tpu.assume_multiple %add3A_1543, 32 : i32
    %dma_start3A_1545 = arith.constant 0 : i32
    %dma_start3A_1546 = tpu.memref_slice %arg2[%select_n3A, %multiple_of3A_1544, %dma_start3A_1545] : memref<4x4096x1024xf32, #tpu.memory_space<hbm>> -> memref<1x32x1024xf32, #tpu.memory_space<hbm>>
    %dma_start3A_1547 = tpu.memref_squeeze %dma_start3A_1546 : memref<1x32x1024xf32, #tpu.memory_space<hbm>> -> memref<32x1024xf32, #tpu.memory_space<hbm>>
    %dma_start3A_1548 = arith.constant 0 : i32
    %dma_start3A_1549 = tpu.memref_slice %arg2[%select_n3A, %multiple_of3A_1544, %dma_start3A_1548] : memref<4x4096x1024xf32, #tpu.memory_space<hbm>> -> memref<1x32x1024xf32, #tpu.memory_space<hbm>>
    %dma_start3A_1550 = tpu.memref_squeeze %dma_start3A_1549 : memref<1x32x1024xf32, #tpu.memory_space<hbm>> -> memref<32x1024xf32, #tpu.memory_space<hbm>>
    tpu.enqueue_dma source(%dma_start3A_1550 : memref<32x1024xf32, #tpu.memory_space<hbm>>) target(%arg11 : memref<32x1024xf32, #tpu.memory_space<vmem>>) target_semaphore(%arg23 : memref<!tpu.dma_semaphore, #tpu.memory_space<semaphore_mem>>)
    %multiple_of3A_1551 = tpu.assume_multiple %select_n3A_34, 32 : i32
    %dma_wait3A_1552 = arith.constant 0 : i32
    %dma_wait3A_1553 = tpu.memref_slice %arg2[%select_n3A, %multiple_of3A_1551, %dma_wait3A_1552] : memref<4x4096x1024xf32, #tpu.memory_space<hbm>> -> memref<1x32x1024xf32, #tpu.memory_space<hbm>>
    %dma_wait3A_1554 = tpu.memref_squeeze %dma_wait3A_1553 : memref<1x32x1024xf32, #tpu.memory_space<hbm>> -> memref<32x1024xf32, #tpu.memory_space<hbm>>
    %dma_wait3A_1555 = arith.constant 0 : i32
    %dma_wait3A_1556 = tpu.memref_slice %arg2[%select_n3A, %multiple_of3A_1551, %dma_wait3A_1555] : memref<4x4096x1024xf32, #tpu.memory_space<hbm>> -> memref<1x32x1024xf32, #tpu.memory_space<hbm>>
    %dma_wait3A_1557 = tpu.memref_squeeze %dma_wait3A_1556 : memref<1x32x1024xf32, #tpu.memory_space<hbm>> -> memref<32x1024xf32, #tpu.memory_space<hbm>>
    tpu.wait_dma2 semaphore(%arg23 : memref<!tpu.dma_semaphore, #tpu.memory_space<semaphore_mem>>) src(%dma_wait3A_1557 : memref<32x1024xf32, #tpu.memory_space<hbm>>) dst(%arg12 : memref<32x1024xf32, #tpu.memory_space<vmem>>)
    %get3A_1558 = arith.constant 256 : index
    %get3A_1559 = tpu.vector_load %arg8[%get3A_1558] {strides = array<i32>} : memref<512xi32, #tpu.memory_space<vmem>>, vector<16xi32>,
    %get3A_1560 = arith.constant 256 : index
    %get3A_1561 = tpu.vector_load %arg9[%get3A_1560] {strides = array<i32>} : memref<512xf32, #tpu.memory_space<vmem>>, vector<16xf32>,
    %gather3A_1562 = tpu.vector_load_idx %arg18[%get3A_1559] : memref<1024xf32, #tpu.memory_space<vmem>>[vector<16xi32>], vector<16xf32>,
    %mul3A_1563 = arith.mulf %gather3A_1562, %get3A_1561 : vector<16xf32>
    %add3A_1564 = arith.constant 0 : i32
    %add3A_1565 = vector.broadcast %add3A_1564 : i32 to vector<16xi32>
    %add3A_1566 = arith.addi %add3A_1565, %iota3A : vector<16xi32>
    %gather3A_1567 = tpu.vector_load_idx %arg12[%add3A_1566, %get3A_1559] : memref<32x1024xf32, #tpu.memory_space<vmem>>[vector<16xi32>, vector<16xi32>], vector<16xf32>,
    %mul3A_1568 = arith.mulf %gather3A_1567, %mul3A_1563 : vector<16xf32>
    %add3A_1569 = arith.addf %add3A_1540, %mul3A_1568 : vector<16xf32>
    %add3A_1570 = arith.addf %add3A_1541, %mul3A_1563 : vector<16xf32>
    %get3A_1571 = arith.constant 272 : index
    %get3A_1572 = tpu.vector_load %arg8[%get3A_1571] {strides = array<i32>} : memref<512xi32, #tpu.memory_space<vmem>>, vector<16xi32>,
    %get3A_1573 = arith.constant 272 : index
    %get3A_1574 = tpu.vector_load %arg9[%get3A_1573] {strides = array<i32>} : memref<512xf32, #tpu.memory_space<vmem>>, vector<16xf32>,
    %gather3A_1575 = tpu.vector_load_idx %arg18[%get3A_1572] : memref<1024xf32, #tpu.memory_space<vmem>>[vector<16xi32>], vector<16xf32>,
    %mul3A_1576 = arith.mulf %gather3A_1575, %get3A_1574 : vector<16xf32>
    %add3A_1577 = arith.constant 16 : i32
    %add3A_1578 = vector.broadcast %add3A_1577 : i32 to vector<16xi32>
    %add3A_1579 = arith.addi %add3A_1578, %iota3A : vector<16xi32>
    %gather3A_1580 = tpu.vector_load_idx %arg12[%add3A_1579, %get3A_1572] : memref<32x1024xf32, #tpu.memory_space<vmem>>[vector<16xi32>, vector<16xi32>], vector<16xf32>,
    %mul3A_1581 = arith.mulf %gather3A_1580, %mul3A_1576 : vector<16xf32>
    %add3A_1582 = arith.addf %add3A_1569, %mul3A_1581 : vector<16xf32>
    %add3A_1583 = arith.addf %add3A_1570, %mul3A_1576 : vector<16xf32>
    %add3A_1584 = arith.constant 352 : i32
    %add3A_1585 = arith.addi %select_n3A_34, %add3A_1584 : i32
    %multiple_of3A_1586 = tpu.assume_multiple %add3A_1585, 32 : i32
    %dma_start3A_1587 = arith.constant 0 : i32
    %dma_start3A_1588 = tpu.memref_slice %arg2[%select_n3A, %multiple_of3A_1586, %dma_start3A_1587] : memref<4x4096x1024xf32, #tpu.memory_space<hbm>> -> memref<1x32x1024xf32, #tpu.memory_space<hbm>>
    %dma_start3A_1589 = tpu.memref_squeeze %dma_start3A_1588 : memref<1x32x1024xf32, #tpu.memory_space<hbm>> -> memref<32x1024xf32, #tpu.memory_space<hbm>>
    %dma_start3A_1590 = arith.constant 0 : i32
    %dma_start3A_1591 = tpu.memref_slice %arg2[%select_n3A, %multiple_of3A_1586, %dma_start3A_1590] : memref<4x4096x1024xf32, #tpu.memory_space<hbm>> -> memref<1x32x1024xf32, #tpu.memory_space<hbm>>
    %dma_start3A_1592 = tpu.memref_squeeze %dma_start3A_1591 : memref<1x32x1024xf32, #tpu.memory_space<hbm>> -> memref<32x1024xf32, #tpu.memory_space<hbm>>
    tpu.enqueue_dma source(%dma_start3A_1592 : memref<32x1024xf32, #tpu.memory_space<hbm>>) target(%arg12 : memref<32x1024xf32, #tpu.memory_space<vmem>>) target_semaphore(%arg23 : memref<!tpu.dma_semaphore, #tpu.memory_space<semaphore_mem>>)
    %multiple_of3A_1593 = tpu.assume_multiple %select_n3A_34, 32 : i32
    %dma_wait3A_1594 = arith.constant 0 : i32
    %dma_wait3A_1595 = tpu.memref_slice %arg2[%select_n3A, %multiple_of3A_1593, %dma_wait3A_1594] : memref<4x4096x1024xf32, #tpu.memory_space<hbm>> -> memref<1x32x1024xf32, #tpu.memory_space<hbm>>
    %dma_wait3A_1596 = tpu.memref_squeeze %dma_wait3A_1595 : memref<1x32x1024xf32, #tpu.memory_space<hbm>> -> memref<32x1024xf32, #tpu.memory_space<hbm>>
    %dma_wait3A_1597 = arith.constant 0 : i32
    %dma_wait3A_1598 = tpu.memref_slice %arg2[%select_n3A, %multiple_of3A_1593, %dma_wait3A_1597] : memref<4x4096x1024xf32, #tpu.memory_space<hbm>> -> memref<1x32x1024xf32, #tpu.memory_space<hbm>>
    %dma_wait3A_1599 = tpu.memref_squeeze %dma_wait3A_1598 : memref<1x32x1024xf32, #tpu.memory_space<hbm>> -> memref<32x1024xf32, #tpu.memory_space<hbm>>
    tpu.wait_dma2 semaphore(%arg23 : memref<!tpu.dma_semaphore, #tpu.memory_space<semaphore_mem>>) src(%dma_wait3A_1599 : memref<32x1024xf32, #tpu.memory_space<hbm>>) dst(%arg10 : memref<32x1024xf32, #tpu.memory_space<vmem>>)
    %get3A_1600 = arith.constant 288 : index
    %get3A_1601 = tpu.vector_load %arg8[%get3A_1600] {strides = array<i32>} : memref<512xi32, #tpu.memory_space<vmem>>, vector<16xi32>,
    %get3A_1602 = arith.constant 288 : index
    %get3A_1603 = tpu.vector_load %arg9[%get3A_1602] {strides = array<i32>} : memref<512xf32, #tpu.memory_space<vmem>>, vector<16xf32>,
    %gather3A_1604 = tpu.vector_load_idx %arg18[%get3A_1601] : memref<1024xf32, #tpu.memory_space<vmem>>[vector<16xi32>], vector<16xf32>,
    %mul3A_1605 = arith.mulf %gather3A_1604, %get3A_1603 : vector<16xf32>
    %add3A_1606 = arith.constant 0 : i32
    %add3A_1607 = vector.broadcast %add3A_1606 : i32 to vector<16xi32>
    %add3A_1608 = arith.addi %add3A_1607, %iota3A : vector<16xi32>
    %gather3A_1609 = tpu.vector_load_idx %arg10[%add3A_1608, %get3A_1601] : memref<32x1024xf32, #tpu.memory_space<vmem>>[vector<16xi32>, vector<16xi32>], vector<16xf32>,
    %mul3A_1610 = arith.mulf %gather3A_1609, %mul3A_1605 : vector<16xf32>
    %add3A_1611 = arith.addf %add3A_1582, %mul3A_1610 : vector<16xf32>
    %add3A_1612 = arith.addf %add3A_1583, %mul3A_1605 : vector<16xf32>
    %get3A_1613 = arith.constant 304 : index
    %get3A_1614 = tpu.vector_load %arg8[%get3A_1613] {strides = array<i32>} : memref<512xi32, #tpu.memory_space<vmem>>, vector<16xi32>,
    %get3A_1615 = arith.constant 304 : index
    %get3A_1616 = tpu.vector_load %arg9[%get3A_1615] {strides = array<i32>} : memref<512xf32, #tpu.memory_space<vmem>>, vector<16xf32>,
    %gather3A_1617 = tpu.vector_load_idx %arg18[%get3A_1614] : memref<1024xf32, #tpu.memory_space<vmem>>[vector<16xi32>], vector<16xf32>,
    %mul3A_1618 = arith.mulf %gather3A_1617, %get3A_1616 : vector<16xf32>
    %add3A_1619 = arith.constant 16 : i32
    %add3A_1620 = vector.broadcast %add3A_1619 : i32 to vector<16xi32>
    %add3A_1621 = arith.addi %add3A_1620, %iota3A : vector<16xi32>
    %gather3A_1622 = tpu.vector_load_idx %arg10[%add3A_1621, %get3A_1614] : memref<32x1024xf32, #tpu.memory_space<vmem>>[vector<16xi32>, vector<16xi32>], vector<16xf32>,
    %mul3A_1623 = arith.mulf %gather3A_1622, %mul3A_1618 : vector<16xf32>
    %add3A_1624 = arith.addf %add3A_1611, %mul3A_1623 : vector<16xf32>
    %add3A_1625 = arith.addf %add3A_1612, %mul3A_1618 : vector<16xf32>
    %add3A_1626 = arith.constant 384 : i32
    %add3A_1627 = arith.addi %select_n3A_34, %add3A_1626 : i32
    %multiple_of3A_1628 = tpu.assume_multiple %add3A_1627, 32 : i32
    %dma_start3A_1629 = arith.constant 0 : i32
    %dma_start3A_1630 = tpu.memref_slice %arg2[%select_n3A, %multiple_of3A_1628, %dma_start3A_1629] : memref<4x4096x1024xf32, #tpu.memory_space<hbm>> -> memref<1x32x1024xf32, #tpu.memory_space<hbm>>
    %dma_start3A_1631 = tpu.memref_squeeze %dma_start3A_1630 : memref<1x32x1024xf32, #tpu.memory_space<hbm>> -> memref<32x1024xf32, #tpu.memory_space<hbm>>
    %dma_start3A_1632 = arith.constant 0 : i32
    %dma_start3A_1633 = tpu.memref_slice %arg2[%select_n3A, %multiple_of3A_1628, %dma_start3A_1632] : memref<4x4096x1024xf32, #tpu.memory_space<hbm>> -> memref<1x32x1024xf32, #tpu.memory_space<hbm>>
    %dma_start3A_1634 = tpu.memref_squeeze %dma_start3A_1633 : memref<1x32x1024xf32, #tpu.memory_space<hbm>> -> memref<32x1024xf32, #tpu.memory_space<hbm>>
    tpu.enqueue_dma source(%dma_start3A_1634 : memref<32x1024xf32, #tpu.memory_space<hbm>>) target(%arg10 : memref<32x1024xf32, #tpu.memory_space<vmem>>) target_semaphore(%arg23 : memref<!tpu.dma_semaphore, #tpu.memory_space<semaphore_mem>>)
    %multiple_of3A_1635 = tpu.assume_multiple %select_n3A_34, 32 : i32
    %dma_wait3A_1636 = arith.constant 0 : i32
    %dma_wait3A_1637 = tpu.memref_slice %arg2[%select_n3A, %multiple_of3A_1635, %dma_wait3A_1636] : memref<4x4096x1024xf32, #tpu.memory_space<hbm>> -> memref<1x32x1024xf32, #tpu.memory_space<hbm>>
    %dma_wait3A_1638 = tpu.memref_squeeze %dma_wait3A_1637 : memref<1x32x1024xf32, #tpu.memory_space<hbm>> -> memref<32x1024xf32, #tpu.memory_space<hbm>>
    %dma_wait3A_1639 = arith.constant 0 : i32
    %dma_wait3A_1640 = tpu.memref_slice %arg2[%select_n3A, %multiple_of3A_1635, %dma_wait3A_1639] : memref<4x4096x1024xf32, #tpu.memory_space<hbm>> -> memref<1x32x1024xf32, #tpu.memory_space<hbm>>
    %dma_wait3A_1641 = tpu.memref_squeeze %dma_wait3A_1640 : memref<1x32x1024xf32, #tpu.memory_space<hbm>> -> memref<32x1024xf32, #tpu.memory_space<hbm>>
    tpu.wait_dma2 semaphore(%arg23 : memref<!tpu.dma_semaphore, #tpu.memory_space<semaphore_mem>>) src(%dma_wait3A_1641 : memref<32x1024xf32, #tpu.memory_space<hbm>>) dst(%arg11 : memref<32x1024xf32, #tpu.memory_space<vmem>>)
    %get3A_1642 = arith.constant 320 : index
    %get3A_1643 = tpu.vector_load %arg8[%get3A_1642] {strides = array<i32>} : memref<512xi32, #tpu.memory_space<vmem>>, vector<16xi32>,
    %get3A_1644 = arith.constant 320 : index
    %get3A_1645 = tpu.vector_load %arg9[%get3A_1644] {strides = array<i32>} : memref<512xf32, #tpu.memory_space<vmem>>, vector<16xf32>,
    %gather3A_1646 = tpu.vector_load_idx %arg18[%get3A_1643] : memref<1024xf32, #tpu.memory_space<vmem>>[vector<16xi32>], vector<16xf32>,
    %mul3A_1647 = arith.mulf %gather3A_1646, %get3A_1645 : vector<16xf32>
    %add3A_1648 = arith.constant 0 : i32
    %add3A_1649 = vector.broadcast %add3A_1648 : i32 to vector<16xi32>
    %add3A_1650 = arith.addi %add3A_1649, %iota3A : vector<16xi32>
    %gather3A_1651 = tpu.vector_load_idx %arg11[%add3A_1650, %get3A_1643] : memref<32x1024xf32, #tpu.memory_space<vmem>>[vector<16xi32>, vector<16xi32>], vector<16xf32>,
    %mul3A_1652 = arith.mulf %gather3A_1651, %mul3A_1647 : vector<16xf32>
    %add3A_1653 = arith.addf %add3A_1624, %mul3A_1652 : vector<16xf32>
    %add3A_1654 = arith.addf %add3A_1625, %mul3A_1647 : vector<16xf32>
    %get3A_1655 = arith.constant 336 : index
    %get3A_1656 = tpu.vector_load %arg8[%get3A_1655] {strides = array<i32>} : memref<512xi32, #tpu.memory_space<vmem>>, vector<16xi32>,
    %get3A_1657 = arith.constant 336 : index
    %get3A_1658 = tpu.vector_load %arg9[%get3A_1657] {strides = array<i32>} : memref<512xf32, #tpu.memory_space<vmem>>, vector<16xf32>,
    %gather3A_1659 = tpu.vector_load_idx %arg18[%get3A_1656] : memref<1024xf32, #tpu.memory_space<vmem>>[vector<16xi32>], vector<16xf32>,
    %mul3A_1660 = arith.mulf %gather3A_1659, %get3A_1658 : vector<16xf32>
    %add3A_1661 = arith.constant 16 : i32
    %add3A_1662 = vector.broadcast %add3A_1661 : i32 to vector<16xi32>
    %add3A_1663 = arith.addi %add3A_1662, %iota3A : vector<16xi32>
    %gather3A_1664 = tpu.vector_load_idx %arg11[%add3A_1663, %get3A_1656] : memref<32x1024xf32, #tpu.memory_space<vmem>>[vector<16xi32>, vector<16xi32>], vector<16xf32>,
    %mul3A_1665 = arith.mulf %gather3A_1664, %mul3A_1660 : vector<16xf32>
    %add3A_1666 = arith.addf %add3A_1653, %mul3A_1665 : vector<16xf32>
    %add3A_1667 = arith.addf %add3A_1654, %mul3A_1660 : vector<16xf32>
    %add3A_1668 = arith.constant 416 : i32
    %add3A_1669 = arith.addi %select_n3A_34, %add3A_1668 : i32
    %multiple_of3A_1670 = tpu.assume_multiple %add3A_1669, 32 : i32
    %dma_start3A_1671 = arith.constant 0 : i32
    %dma_start3A_1672 = tpu.memref_slice %arg2[%select_n3A, %multiple_of3A_1670, %dma_start3A_1671] : memref<4x4096x1024xf32, #tpu.memory_space<hbm>> -> memref<1x32x1024xf32, #tpu.memory_space<hbm>>
    %dma_start3A_1673 = tpu.memref_squeeze %dma_start3A_1672 : memref<1x32x1024xf32, #tpu.memory_space<hbm>> -> memref<32x1024xf32, #tpu.memory_space<hbm>>
    %dma_start3A_1674 = arith.constant 0 : i32
    %dma_start3A_1675 = tpu.memref_slice %arg2[%select_n3A, %multiple_of3A_1670, %dma_start3A_1674] : memref<4x4096x1024xf32, #tpu.memory_space<hbm>> -> memref<1x32x1024xf32, #tpu.memory_space<hbm>>
    %dma_start3A_1676 = tpu.memref_squeeze %dma_start3A_1675 : memref<1x32x1024xf32, #tpu.memory_space<hbm>> -> memref<32x1024xf32, #tpu.memory_space<hbm>>
    tpu.enqueue_dma source(%dma_start3A_1676 : memref<32x1024xf32, #tpu.memory_space<hbm>>) target(%arg11 : memref<32x1024xf32, #tpu.memory_space<vmem>>) target_semaphore(%arg23 : memref<!tpu.dma_semaphore, #tpu.memory_space<semaphore_mem>>)
    %multiple_of3A_1677 = tpu.assume_multiple %select_n3A_34, 32 : i32
    %dma_wait3A_1678 = arith.constant 0 : i32
    %dma_wait3A_1679 = tpu.memref_slice %arg2[%select_n3A, %multiple_of3A_1677, %dma_wait3A_1678] : memref<4x4096x1024xf32, #tpu.memory_space<hbm>> -> memref<1x32x1024xf32, #tpu.memory_space<hbm>>
    %dma_wait3A_1680 = tpu.memref_squeeze %dma_wait3A_1679 : memref<1x32x1024xf32, #tpu.memory_space<hbm>> -> memref<32x1024xf32, #tpu.memory_space<hbm>>
    %dma_wait3A_1681 = arith.constant 0 : i32
    %dma_wait3A_1682 = tpu.memref_slice %arg2[%select_n3A, %multiple_of3A_1677, %dma_wait3A_1681] : memref<4x4096x1024xf32, #tpu.memory_space<hbm>> -> memref<1x32x1024xf32, #tpu.memory_space<hbm>>
    %dma_wait3A_1683 = tpu.memref_squeeze %dma_wait3A_1682 : memref<1x32x1024xf32, #tpu.memory_space<hbm>> -> memref<32x1024xf32, #tpu.memory_space<hbm>>
    tpu.wait_dma2 semaphore(%arg23 : memref<!tpu.dma_semaphore, #tpu.memory_space<semaphore_mem>>) src(%dma_wait3A_1683 : memref<32x1024xf32, #tpu.memory_space<hbm>>) dst(%arg12 : memref<32x1024xf32, #tpu.memory_space<vmem>>)
    %get3A_1684 = arith.constant 352 : index
    %get3A_1685 = tpu.vector_load %arg8[%get3A_1684] {strides = array<i32>} : memref<512xi32, #tpu.memory_space<vmem>>, vector<16xi32>,
    %get3A_1686 = arith.constant 352 : index
    %get3A_1687 = tpu.vector_load %arg9[%get3A_1686] {strides = array<i32>} : memref<512xf32, #tpu.memory_space<vmem>>, vector<16xf32>,
    %gather3A_1688 = tpu.vector_load_idx %arg18[%get3A_1685] : memref<1024xf32, #tpu.memory_space<vmem>>[vector<16xi32>], vector<16xf32>,
    %mul3A_1689 = arith.mulf %gather3A_1688, %get3A_1687 : vector<16xf32>
    %add3A_1690 = arith.constant 0 : i32
    %add3A_1691 = vector.broadcast %add3A_1690 : i32 to vector<16xi32>
    %add3A_1692 = arith.addi %add3A_1691, %iota3A : vector<16xi32>
    %gather3A_1693 = tpu.vector_load_idx %arg12[%add3A_1692, %get3A_1685] : memref<32x1024xf32, #tpu.memory_space<vmem>>[vector<16xi32>, vector<16xi32>], vector<16xf32>,
    %mul3A_1694 = arith.mulf %gather3A_1693, %mul3A_1689 : vector<16xf32>
    %add3A_1695 = arith.addf %add3A_1666, %mul3A_1694 : vector<16xf32>
    %add3A_1696 = arith.addf %add3A_1667, %mul3A_1689 : vector<16xf32>
    %get3A_1697 = arith.constant 368 : index
    %get3A_1698 = tpu.vector_load %arg8[%get3A_1697] {strides = array<i32>} : memref<512xi32, #tpu.memory_space<vmem>>, vector<16xi32>,
    %get3A_1699 = arith.constant 368 : index
    %get3A_1700 = tpu.vector_load %arg9[%get3A_1699] {strides = array<i32>} : memref<512xf32, #tpu.memory_space<vmem>>, vector<16xf32>,
    %gather3A_1701 = tpu.vector_load_idx %arg18[%get3A_1698] : memref<1024xf32, #tpu.memory_space<vmem>>[vector<16xi32>], vector<16xf32>,
    %mul3A_1702 = arith.mulf %gather3A_1701, %get3A_1700 : vector<16xf32>
    %add3A_1703 = arith.constant 16 : i32
    %add3A_1704 = vector.broadcast %add3A_1703 : i32 to vector<16xi32>
    %add3A_1705 = arith.addi %add3A_1704, %iota3A : vector<16xi32>
    %gather3A_1706 = tpu.vector_load_idx %arg12[%add3A_1705, %get3A_1698] : memref<32x1024xf32, #tpu.memory_space<vmem>>[vector<16xi32>, vector<16xi32>], vector<16xf32>,
    %mul3A_1707 = arith.mulf %gather3A_1706, %mul3A_1702 : vector<16xf32>
    %add3A_1708 = arith.addf %add3A_1695, %mul3A_1707 : vector<16xf32>
    %add3A_1709 = arith.addf %add3A_1696, %mul3A_1702 : vector<16xf32>
    %add3A_1710 = arith.constant 448 : i32
    %add3A_1711 = arith.addi %select_n3A_34, %add3A_1710 : i32
    %multiple_of3A_1712 = tpu.assume_multiple %add3A_1711, 32 : i32
    %dma_start3A_1713 = arith.constant 0 : i32
    %dma_start3A_1714 = tpu.memref_slice %arg2[%select_n3A, %multiple_of3A_1712, %dma_start3A_1713] : memref<4x4096x1024xf32, #tpu.memory_space<hbm>> -> memref<1x32x1024xf32, #tpu.memory_space<hbm>>
    %dma_start3A_1715 = tpu.memref_squeeze %dma_start3A_1714 : memref<1x32x1024xf32, #tpu.memory_space<hbm>> -> memref<32x1024xf32, #tpu.memory_space<hbm>>
    %dma_start3A_1716 = arith.constant 0 : i32
    %dma_start3A_1717 = tpu.memref_slice %arg2[%select_n3A, %multiple_of3A_1712, %dma_start3A_1716] : memref<4x4096x1024xf32, #tpu.memory_space<hbm>> -> memref<1x32x1024xf32, #tpu.memory_space<hbm>>
    %dma_start3A_1718 = tpu.memref_squeeze %dma_start3A_1717 : memref<1x32x1024xf32, #tpu.memory_space<hbm>> -> memref<32x1024xf32, #tpu.memory_space<hbm>>
    tpu.enqueue_dma source(%dma_start3A_1718 : memref<32x1024xf32, #tpu.memory_space<hbm>>) target(%arg12 : memref<32x1024xf32, #tpu.memory_space<vmem>>) target_semaphore(%arg23 : memref<!tpu.dma_semaphore, #tpu.memory_space<semaphore_mem>>)
    %multiple_of3A_1719 = tpu.assume_multiple %select_n3A_34, 32 : i32
    %dma_wait3A_1720 = arith.constant 0 : i32
    %dma_wait3A_1721 = tpu.memref_slice %arg2[%select_n3A, %multiple_of3A_1719, %dma_wait3A_1720] : memref<4x4096x1024xf32, #tpu.memory_space<hbm>> -> memref<1x32x1024xf32, #tpu.memory_space<hbm>>
    %dma_wait3A_1722 = tpu.memref_squeeze %dma_wait3A_1721 : memref<1x32x1024xf32, #tpu.memory_space<hbm>> -> memref<32x1024xf32, #tpu.memory_space<hbm>>
    %dma_wait3A_1723 = arith.constant 0 : i32
    %dma_wait3A_1724 = tpu.memref_slice %arg2[%select_n3A, %multiple_of3A_1719, %dma_wait3A_1723] : memref<4x4096x1024xf32, #tpu.memory_space<hbm>> -> memref<1x32x1024xf32, #tpu.memory_space<hbm>>
    %dma_wait3A_1725 = tpu.memref_squeeze %dma_wait3A_1724 : memref<1x32x1024xf32, #tpu.memory_space<hbm>> -> memref<32x1024xf32, #tpu.memory_space<hbm>>
    tpu.wait_dma2 semaphore(%arg23 : memref<!tpu.dma_semaphore, #tpu.memory_space<semaphore_mem>>) src(%dma_wait3A_1725 : memref<32x1024xf32, #tpu.memory_space<hbm>>) dst(%arg10 : memref<32x1024xf32, #tpu.memory_space<vmem>>)
    %get3A_1726 = arith.constant 384 : index
    %get3A_1727 = tpu.vector_load %arg8[%get3A_1726] {strides = array<i32>} : memref<512xi32, #tpu.memory_space<vmem>>, vector<16xi32>,
    %get3A_1728 = arith.constant 384 : index
    %get3A_1729 = tpu.vector_load %arg9[%get3A_1728] {strides = array<i32>} : memref<512xf32, #tpu.memory_space<vmem>>, vector<16xf32>,
    %gather3A_1730 = tpu.vector_load_idx %arg18[%get3A_1727] : memref<1024xf32, #tpu.memory_space<vmem>>[vector<16xi32>], vector<16xf32>,
    %mul3A_1731 = arith.mulf %gather3A_1730, %get3A_1729 : vector<16xf32>
    %add3A_1732 = arith.constant 0 : i32
    %add3A_1733 = vector.broadcast %add3A_1732 : i32 to vector<16xi32>
    %add3A_1734 = arith.addi %add3A_1733, %iota3A : vector<16xi32>
    %gather3A_1735 = tpu.vector_load_idx %arg10[%add3A_1734, %get3A_1727] : memref<32x1024xf32, #tpu.memory_space<vmem>>[vector<16xi32>, vector<16xi32>], vector<16xf32>,
    %mul3A_1736 = arith.mulf %gather3A_1735, %mul3A_1731 : vector<16xf32>
    %add3A_1737 = arith.addf %add3A_1708, %mul3A_1736 : vector<16xf32>
    %add3A_1738 = arith.addf %add3A_1709, %mul3A_1731 : vector<16xf32>
    %get3A_1739 = arith.constant 400 : index
    %get3A_1740 = tpu.vector_load %arg8[%get3A_1739] {strides = array<i32>} : memref<512xi32, #tpu.memory_space<vmem>>, vector<16xi32>,
    %get3A_1741 = arith.constant 400 : index
    %get3A_1742 = tpu.vector_load %arg9[%get3A_1741] {strides = array<i32>} : memref<512xf32, #tpu.memory_space<vmem>>, vector<16xf32>,
    %gather3A_1743 = tpu.vector_load_idx %arg18[%get3A_1740] : memref<1024xf32, #tpu.memory_space<vmem>>[vector<16xi32>], vector<16xf32>,
    %mul3A_1744 = arith.mulf %gather3A_1743, %get3A_1742 : vector<16xf32>
    %add3A_1745 = arith.constant 16 : i32
    %add3A_1746 = vector.broadcast %add3A_1745 : i32 to vector<16xi32>
    %add3A_1747 = arith.addi %add3A_1746, %iota3A : vector<16xi32>
    %gather3A_1748 = tpu.vector_load_idx %arg10[%add3A_1747, %get3A_1740] : memref<32x1024xf32, #tpu.memory_space<vmem>>[vector<16xi32>, vector<16xi32>], vector<16xf32>,
    %mul3A_1749 = arith.mulf %gather3A_1748, %mul3A_1744 : vector<16xf32>
    %add3A_1750 = arith.addf %add3A_1737, %mul3A_1749 : vector<16xf32>
    %add3A_1751 = arith.addf %add3A_1738, %mul3A_1744 : vector<16xf32>
    %add3A_1752 = arith.constant 480 : i32
    %add3A_1753 = arith.addi %select_n3A_34, %add3A_1752 : i32
    %multiple_of3A_1754 = tpu.assume_multiple %add3A_1753, 32 : i32
    %dma_start3A_1755 = arith.constant 0 : i32
    %dma_start3A_1756 = tpu.memref_slice %arg2[%select_n3A, %multiple_of3A_1754, %dma_start3A_1755] : memref<4x4096x1024xf32, #tpu.memory_space<hbm>> -> memref<1x32x1024xf32, #tpu.memory_space<hbm>>
    %dma_start3A_1757 = tpu.memref_squeeze %dma_start3A_1756 : memref<1x32x1024xf32, #tpu.memory_space<hbm>> -> memref<32x1024xf32, #tpu.memory_space<hbm>>
    %dma_start3A_1758 = arith.constant 0 : i32
    %dma_start3A_1759 = tpu.memref_slice %arg2[%select_n3A, %multiple_of3A_1754, %dma_start3A_1758] : memref<4x4096x1024xf32, #tpu.memory_space<hbm>> -> memref<1x32x1024xf32, #tpu.memory_space<hbm>>
    %dma_start3A_1760 = tpu.memref_squeeze %dma_start3A_1759 : memref<1x32x1024xf32, #tpu.memory_space<hbm>> -> memref<32x1024xf32, #tpu.memory_space<hbm>>
    tpu.enqueue_dma source(%dma_start3A_1760 : memref<32x1024xf32, #tpu.memory_space<hbm>>) target(%arg10 : memref<32x1024xf32, #tpu.memory_space<vmem>>) target_semaphore(%arg23 : memref<!tpu.dma_semaphore, #tpu.memory_space<semaphore_mem>>)
    %multiple_of3A_1761 = tpu.assume_multiple %select_n3A_34, 32 : i32
    %dma_wait3A_1762 = arith.constant 0 : i32
    %dma_wait3A_1763 = tpu.memref_slice %arg2[%select_n3A, %multiple_of3A_1761, %dma_wait3A_1762] : memref<4x4096x1024xf32, #tpu.memory_space<hbm>> -> memref<1x32x1024xf32, #tpu.memory_space<hbm>>
    %dma_wait3A_1764 = tpu.memref_squeeze %dma_wait3A_1763 : memref<1x32x1024xf32, #tpu.memory_space<hbm>> -> memref<32x1024xf32, #tpu.memory_space<hbm>>
    %dma_wait3A_1765 = arith.constant 0 : i32
    %dma_wait3A_1766 = tpu.memref_slice %arg2[%select_n3A, %multiple_of3A_1761, %dma_wait3A_1765] : memref<4x4096x1024xf32, #tpu.memory_space<hbm>> -> memref<1x32x1024xf32, #tpu.memory_space<hbm>>
    %dma_wait3A_1767 = tpu.memref_squeeze %dma_wait3A_1766 : memref<1x32x1024xf32, #tpu.memory_space<hbm>> -> memref<32x1024xf32, #tpu.memory_space<hbm>>
    tpu.wait_dma2 semaphore(%arg23 : memref<!tpu.dma_semaphore, #tpu.memory_space<semaphore_mem>>) src(%dma_wait3A_1767 : memref<32x1024xf32, #tpu.memory_space<hbm>>) dst(%arg11 : memref<32x1024xf32, #tpu.memory_space<vmem>>)
    %get3A_1768 = arith.constant 416 : index
    %get3A_1769 = tpu.vector_load %arg8[%get3A_1768] {strides = array<i32>} : memref<512xi32, #tpu.memory_space<vmem>>, vector<16xi32>,
    %get3A_1770 = arith.constant 416 : index
    %get3A_1771 = tpu.vector_load %arg9[%get3A_1770] {strides = array<i32>} : memref<512xf32, #tpu.memory_space<vmem>>, vector<16xf32>,
    %gather3A_1772 = tpu.vector_load_idx %arg18[%get3A_1769] : memref<1024xf32, #tpu.memory_space<vmem>>[vector<16xi32>], vector<16xf32>,
    %mul3A_1773 = arith.mulf %gather3A_1772, %get3A_1771 : vector<16xf32>
    %add3A_1774 = arith.constant 0 : i32
    %add3A_1775 = vector.broadcast %add3A_1774 : i32 to vector<16xi32>
    %add3A_1776 = arith.addi %add3A_1775, %iota3A : vector<16xi32>
    %gather3A_1777 = tpu.vector_load_idx %arg11[%add3A_1776, %get3A_1769] : memref<32x1024xf32, #tpu.memory_space<vmem>>[vector<16xi32>, vector<16xi32>], vector<16xf32>,
    %mul3A_1778 = arith.mulf %gather3A_1777, %mul3A_1773 : vector<16xf32>
    %add3A_1779 = arith.addf %add3A_1750, %mul3A_1778 : vector<16xf32>
    %add3A_1780 = arith.addf %add3A_1751, %mul3A_1773 : vector<16xf32>
    %get3A_1781 = arith.constant 432 : index
    %get3A_1782 = tpu.vector_load %arg8[%get3A_1781] {strides = array<i32>} : memref<512xi32, #tpu.memory_space<vmem>>, vector<16xi32>,
    %get3A_1783 = arith.constant 432 : index
    %get3A_1784 = tpu.vector_load %arg9[%get3A_1783] {strides = array<i32>} : memref<512xf32, #tpu.memory_space<vmem>>, vector<16xf32>,
    %gather3A_1785 = tpu.vector_load_idx %arg18[%get3A_1782] : memref<1024xf32, #tpu.memory_space<vmem>>[vector<16xi32>], vector<16xf32>,
    %mul3A_1786 = arith.mulf %gather3A_1785, %get3A_1784 : vector<16xf32>
    %add3A_1787 = arith.constant 16 : i32
    %add3A_1788 = vector.broadcast %add3A_1787 : i32 to vector<16xi32>
    %add3A_1789 = arith.addi %add3A_1788, %iota3A : vector<16xi32>
    %gather3A_1790 = tpu.vector_load_idx %arg11[%add3A_1789, %get3A_1782] : memref<32x1024xf32, #tpu.memory_space<vmem>>[vector<16xi32>, vector<16xi32>], vector<16xf32>,
    %mul3A_1791 = arith.mulf %gather3A_1790, %mul3A_1786 : vector<16xf32>
    %add3A_1792 = arith.addf %add3A_1779, %mul3A_1791 : vector<16xf32>
    %add3A_1793 = arith.addf %add3A_1780, %mul3A_1786 : vector<16xf32>
    %multiple_of3A_1794 = tpu.assume_multiple %select_n3A_34, 32 : i32
    %dma_wait3A_1795 = arith.constant 0 : i32
    %dma_wait3A_1796 = tpu.memref_slice %arg2[%select_n3A, %multiple_of3A_1794, %dma_wait3A_1795] : memref<4x4096x1024xf32, #tpu.memory_space<hbm>> -> memref<1x32x1024xf32, #tpu.memory_space<hbm>>
    %dma_wait3A_1797 = tpu.memref_squeeze %dma_wait3A_1796 : memref<1x32x1024xf32, #tpu.memory_space<hbm>> -> memref<32x1024xf32, #tpu.memory_space<hbm>>
    %dma_wait3A_1798 = arith.constant 0 : i32
    %dma_wait3A_1799 = tpu.memref_slice %arg2[%select_n3A, %multiple_of3A_1794, %dma_wait3A_1798] : memref<4x4096x1024xf32, #tpu.memory_space<hbm>> -> memref<1x32x1024xf32, #tpu.memory_space<hbm>>
    %dma_wait3A_1800 = tpu.memref_squeeze %dma_wait3A_1799 : memref<1x32x1024xf32, #tpu.memory_space<hbm>> -> memref<32x1024xf32, #tpu.memory_space<hbm>>
    tpu.wait_dma2 semaphore(%arg23 : memref<!tpu.dma_semaphore, #tpu.memory_space<semaphore_mem>>) src(%dma_wait3A_1800 : memref<32x1024xf32, #tpu.memory_space<hbm>>) dst(%arg12 : memref<32x1024xf32, #tpu.memory_space<vmem>>)
    %get3A_1801 = arith.constant 448 : index
    %get3A_1802 = tpu.vector_load %arg8[%get3A_1801] {strides = array<i32>} : memref<512xi32, #tpu.memory_space<vmem>>, vector<16xi32>,
    %get3A_1803 = arith.constant 448 : index
    %get3A_1804 = tpu.vector_load %arg9[%get3A_1803] {strides = array<i32>} : memref<512xf32, #tpu.memory_space<vmem>>, vector<16xf32>,
    %gather3A_1805 = tpu.vector_load_idx %arg18[%get3A_1802] : memref<1024xf32, #tpu.memory_space<vmem>>[vector<16xi32>], vector<16xf32>,
    %mul3A_1806 = arith.mulf %gather3A_1805, %get3A_1804 : vector<16xf32>
    %add3A_1807 = arith.constant 0 : i32
    %add3A_1808 = vector.broadcast %add3A_1807 : i32 to vector<16xi32>
    %add3A_1809 = arith.addi %add3A_1808, %iota3A : vector<16xi32>
    %gather3A_1810 = tpu.vector_load_idx %arg12[%add3A_1809, %get3A_1802] : memref<32x1024xf32, #tpu.memory_space<vmem>>[vector<16xi32>, vector<16xi32>], vector<16xf32>,
    %mul3A_1811 = arith.mulf %gather3A_1810, %mul3A_1806 : vector<16xf32>
    %add3A_1812 = arith.addf %add3A_1792, %mul3A_1811 : vector<16xf32>
    %add3A_1813 = arith.addf %add3A_1793, %mul3A_1806 : vector<16xf32>
    %get3A_1814 = arith.constant 464 : index
    %get3A_1815 = tpu.vector_load %arg8[%get3A_1814] {strides = array<i32>} : memref<512xi32, #tpu.memory_space<vmem>>, vector<16xi32>,
    %get3A_1816 = arith.constant 464 : index
    %get3A_1817 = tpu.vector_load %arg9[%get3A_1816] {strides = array<i32>} : memref<512xf32, #tpu.memory_space<vmem>>, vector<16xf32>,
    %gather3A_1818 = tpu.vector_load_idx %arg18[%get3A_1815] : memref<1024xf32, #tpu.memory_space<vmem>>[vector<16xi32>], vector<16xf32>,
    %mul3A_1819 = arith.mulf %gather3A_1818, %get3A_1817 : vector<16xf32>
    %add3A_1820 = arith.constant 16 : i32
    %add3A_1821 = vector.broadcast %add3A_1820 : i32 to vector<16xi32>
    %add3A_1822 = arith.addi %add3A_1821, %iota3A : vector<16xi32>
    %gather3A_1823 = tpu.vector_load_idx %arg12[%add3A_1822, %get3A_1815] : memref<32x1024xf32, #tpu.memory_space<vmem>>[vector<16xi32>, vector<16xi32>], vector<16xf32>,
    %mul3A_1824 = arith.mulf %gather3A_1823, %mul3A_1819 : vector<16xf32>
    %add3A_1825 = arith.addf %add3A_1812, %mul3A_1824 : vector<16xf32>
    %add3A_1826 = arith.addf %add3A_1813, %mul3A_1819 : vector<16xf32>
    %multiple_of3A_1827 = tpu.assume_multiple %select_n3A_34, 32 : i32
    %dma_wait3A_1828 = arith.constant 0 : i32
    %dma_wait3A_1829 = tpu.memref_slice %arg2[%select_n3A, %multiple_of3A_1827, %dma_wait3A_1828] : memref<4x4096x1024xf32, #tpu.memory_space<hbm>> -> memref<1x32x1024xf32, #tpu.memory_space<hbm>>
    %dma_wait3A_1830 = tpu.memref_squeeze %dma_wait3A_1829 : memref<1x32x1024xf32, #tpu.memory_space<hbm>> -> memref<32x1024xf32, #tpu.memory_space<hbm>>
    %dma_wait3A_1831 = arith.constant 0 : i32
    %dma_wait3A_1832 = tpu.memref_slice %arg2[%select_n3A, %multiple_of3A_1827, %dma_wait3A_1831] : memref<4x4096x1024xf32, #tpu.memory_space<hbm>> -> memref<1x32x1024xf32, #tpu.memory_space<hbm>>
    %dma_wait3A_1833 = tpu.memref_squeeze %dma_wait3A_1832 : memref<1x32x1024xf32, #tpu.memory_space<hbm>> -> memref<32x1024xf32, #tpu.memory_space<hbm>>
    tpu.wait_dma2 semaphore(%arg23 : memref<!tpu.dma_semaphore, #tpu.memory_space<semaphore_mem>>) src(%dma_wait3A_1833 : memref<32x1024xf32, #tpu.memory_space<hbm>>) dst(%arg10 : memref<32x1024xf32, #tpu.memory_space<vmem>>)
    %get3A_1834 = arith.constant 480 : index
    %get3A_1835 = tpu.vector_load %arg8[%get3A_1834] {strides = array<i32>} : memref<512xi32, #tpu.memory_space<vmem>>, vector<16xi32>,
    %get3A_1836 = arith.constant 480 : index
    %get3A_1837 = tpu.vector_load %arg9[%get3A_1836] {strides = array<i32>} : memref<512xf32, #tpu.memory_space<vmem>>, vector<16xf32>,
    %gather3A_1838 = tpu.vector_load_idx %arg18[%get3A_1835] : memref<1024xf32, #tpu.memory_space<vmem>>[vector<16xi32>], vector<16xf32>,
    %mul3A_1839 = arith.mulf %gather3A_1838, %get3A_1837 : vector<16xf32>
    %add3A_1840 = arith.constant 0 : i32
    %add3A_1841 = vector.broadcast %add3A_1840 : i32 to vector<16xi32>
    %add3A_1842 = arith.addi %add3A_1841, %iota3A : vector<16xi32>
    %gather3A_1843 = tpu.vector_load_idx %arg10[%add3A_1842, %get3A_1835] : memref<32x1024xf32, #tpu.memory_space<vmem>>[vector<16xi32>, vector<16xi32>], vector<16xf32>,
    %mul3A_1844 = arith.mulf %gather3A_1843, %mul3A_1839 : vector<16xf32>
    %add3A_1845 = arith.addf %add3A_1825, %mul3A_1844 : vector<16xf32>
    %add3A_1846 = arith.addf %add3A_1826, %mul3A_1839 : vector<16xf32>
    %get3A_1847 = arith.constant 496 : index
    %get3A_1848 = tpu.vector_load %arg8[%get3A_1847] {strides = array<i32>} : memref<512xi32, #tpu.memory_space<vmem>>, vector<16xi32>,
    %get3A_1849 = arith.constant 496 : index
    %get3A_1850 = tpu.vector_load %arg9[%get3A_1849] {strides = array<i32>} : memref<512xf32, #tpu.memory_space<vmem>>, vector<16xf32>,
    %gather3A_1851 = tpu.vector_load_idx %arg18[%get3A_1848] : memref<1024xf32, #tpu.memory_space<vmem>>[vector<16xi32>], vector<16xf32>,
    %mul3A_1852 = arith.mulf %gather3A_1851, %get3A_1850 : vector<16xf32>
    %add3A_1853 = arith.constant 16 : i32
    %add3A_1854 = vector.broadcast %add3A_1853 : i32 to vector<16xi32>
    %add3A_1855 = arith.addi %add3A_1854, %iota3A : vector<16xi32>
    %gather3A_1856 = tpu.vector_load_idx %arg10[%add3A_1855, %get3A_1848] : memref<32x1024xf32, #tpu.memory_space<vmem>>[vector<16xi32>, vector<16xi32>], vector<16xf32>,
    %mul3A_1857 = arith.mulf %gather3A_1856, %mul3A_1852 : vector<16xf32>
    %add3A_1858 = arith.addf %add3A_1845, %mul3A_1857 : vector<16xf32>
    %add3A_1859 = arith.addf %add3A_1846, %mul3A_1852 : vector<16xf32>
    %swap3A_1860 = arith.constant 0 : index
    %swap3A_1861 = tpu.vector_load %arg19[%swap3A_1860] {strides = array<i32>} : memref<32xf32, #tpu.memory_space<vmem>>, vector<16xf32>,
    tpu.vector_store %arg19[%swap3A_1860], %add3A_1858 {strides = array<i32>} : memref<32xf32, #tpu.memory_space<vmem>>, vector<16xf32>,
    %swap3A_1862 = arith.constant 16 : index
    %swap3A_1863 = tpu.vector_load %arg19[%swap3A_1862] {strides = array<i32>} : memref<32xf32, #tpu.memory_space<vmem>>, vector<16xf32>,
    tpu.vector_store %arg19[%swap3A_1862], %add3A_1859 {strides = array<i32>} : memref<32xf32, #tpu.memory_space<vmem>>, vector<16xf32>,
    "tpu.region"() ({
      %run_scoped3A = tpu.sem_alloc : memref<!tpu.dma_semaphore, #tpu.memory_space<semaphore_mem>>
      %dma_start3A_1868 = arith.constant 0 : i32
      %dma_start3A_1869 = tpu.memref_slice %arg22[%arg1, %dma_start3A_1868] : memref<32x1024xf32, #tpu.memory_space<vmem_shared>> -> memref<1x32xf32, #tpu.memory_space<vmem_shared>>
      %dma_start3A_1870 = tpu.memref_squeeze %dma_start3A_1869 : memref<1x32xf32, #tpu.memory_space<vmem_shared>> -> memref<32xf32, #tpu.memory_space<vmem_shared>>
      %dma_start3A_1871 = arith.constant 0 : i32
      %dma_start3A_1872 = tpu.memref_slice %arg22[%arg1, %dma_start3A_1871] : memref<32x1024xf32, #tpu.memory_space<vmem_shared>> -> memref<1x32xf32, #tpu.memory_space<vmem_shared>>
      %dma_start3A_1873 = tpu.memref_squeeze %dma_start3A_1872 : memref<1x32xf32, #tpu.memory_space<vmem_shared>> -> memref<32xf32, #tpu.memory_space<vmem_shared>>
      tpu.enqueue_dma source(%arg19 : memref<32xf32, #tpu.memory_space<vmem>>) target(%dma_start3A_1873 : memref<32xf32, #tpu.memory_space<vmem_shared>>) target_semaphore(%run_scoped3A : memref<!tpu.dma_semaphore, #tpu.memory_space<semaphore_mem>>)
      %dma_wait3A_1874 = arith.constant 0 : i32
      %dma_wait3A_1875 = tpu.memref_slice %arg22[%arg1, %dma_wait3A_1874] : memref<32x1024xf32, #tpu.memory_space<vmem_shared>> -> memref<1x32xf32, #tpu.memory_space<vmem_shared>>
      %dma_wait3A_1876 = tpu.memref_squeeze %dma_wait3A_1875 : memref<1x32xf32, #tpu.memory_space<vmem_shared>> -> memref<32xf32, #tpu.memory_space<vmem_shared>>
      %dma_wait3A_1877 = arith.constant 0 : i32
      %dma_wait3A_1878 = tpu.memref_slice %arg22[%arg1, %dma_wait3A_1877] : memref<32x1024xf32, #tpu.memory_space<vmem_shared>> -> memref<1x32xf32, #tpu.memory_space<vmem_shared>>
      %dma_wait3A_1879 = tpu.memref_squeeze %dma_wait3A_1878 : memref<1x32xf32, #tpu.memory_space<vmem_shared>> -> memref<32xf32, #tpu.memory_space<vmem_shared>>
      tpu.wait_dma2 semaphore(%run_scoped3A : memref<!tpu.dma_semaphore, #tpu.memory_space<semaphore_mem>>) src(%arg19 : memref<32xf32, #tpu.memory_space<vmem>>) dst(%dma_wait3A_1879 : memref<32xf32, #tpu.memory_space<vmem_shared>>)
      tpu.yield
    }) : () -> ()
    %barrier3A_1864 = arith.constant 0 : index
    tpu.barrier barrier_id(%barrier3A_1864)
    %eq3A_1865 = arith.constant 0 : i32
    %eq3A_1866 = arith.cmpi eq, %arg1, %eq3A_1865 : i32
    %convert_element_type3A = arith.extui %eq3A_1866 : i1 to i32
    %cond3A = arith.constant 0 : i32
    %cond3A_1867 = arith.cmpi ne, %convert_element_type3A, %cond3A : i32
    scf.if %cond3A_1867 {
      %dma_start3A_1868 = arith.constant 0 : i32
      %dma_start3A_1869 = arith.constant 0 : i32
      %dma_start3A_1870 = tpu.memref_slice %arg20[%dma_start3A_1869] : memref<512xf32, #tpu.memory_space<vmem>> -> memref<32xf32, #tpu.memory_space<vmem>>
      %dma_start3A_1871 = arith.constant 0 : i32
      %dma_start3A_1872 = tpu.memref_slice %arg22[%dma_start3A_1868, %dma_start3A_1871] : memref<32x1024xf32, #tpu.memory_space<vmem_shared>> -> memref<1x32xf32, #tpu.memory_space<vmem_shared>>
      %dma_start3A_1873 = tpu.memref_squeeze %dma_start3A_1872 : memref<1x32xf32, #tpu.memory_space<vmem_shared>> -> memref<32xf32, #tpu.memory_space<vmem_shared>>
      %dma_start3A_1874 = arith.constant 0 : i32
      %dma_start3A_1875 = tpu.memref_slice %arg20[%dma_start3A_1874] : memref<512xf32, #tpu.memory_space<vmem>> -> memref<32xf32, #tpu.memory_space<vmem>>
      %dma_start3A_1876 = arith.constant 0 : i32
      %dma_start3A_1877 = tpu.memref_slice %arg22[%dma_start3A_1868, %dma_start3A_1876] : memref<32x1024xf32, #tpu.memory_space<vmem_shared>> -> memref<1x32xf32, #tpu.memory_space<vmem_shared>>
      %dma_start3A_1878 = tpu.memref_squeeze %dma_start3A_1877 : memref<1x32xf32, #tpu.memory_space<vmem_shared>> -> memref<32xf32, #tpu.memory_space<vmem_shared>>
      tpu.enqueue_dma source(%dma_start3A_1878 : memref<32xf32, #tpu.memory_space<vmem_shared>>) target(%dma_start3A_1875 : memref<32xf32, #tpu.memory_space<vmem>>) target_semaphore(%arg24 : memref<!tpu.dma_semaphore, #tpu.memory_space<semaphore_mem>>)
      %dma_start3A_1879 = arith.constant 1 : i32
      %dma_start3A_1880 = arith.constant 32 : i32
      %dma_start3A_1881 = tpu.memref_slice %arg20[%dma_start3A_1880] : memref<512xf32, #tpu.memory_space<vmem>> -> memref<32xf32, #tpu.memory_space<vmem>>
      %dma_start3A_1882 = arith.constant 0 : i32
      %dma_start3A_1883 = tpu.memref_slice %arg22[%dma_start3A_1879, %dma_start3A_1882] : memref<32x1024xf32, #tpu.memory_space<vmem_shared>> -> memref<1x32xf32, #tpu.memory_space<vmem_shared>>
      %dma_start3A_1884 = tpu.memref_squeeze %dma_start3A_1883 : memref<1x32xf32, #tpu.memory_space<vmem_shared>> -> memref<32xf32, #tpu.memory_space<vmem_shared>>
      %dma_start3A_1885 = arith.constant 32 : i32
      %dma_start3A_1886 = tpu.memref_slice %arg20[%dma_start3A_1885] : memref<512xf32, #tpu.memory_space<vmem>> -> memref<32xf32, #tpu.memory_space<vmem>>
      %dma_start3A_1887 = arith.constant 0 : i32
      %dma_start3A_1888 = tpu.memref_slice %arg22[%dma_start3A_1879, %dma_start3A_1887] : memref<32x1024xf32, #tpu.memory_space<vmem_shared>> -> memref<1x32xf32, #tpu.memory_space<vmem_shared>>
      %dma_start3A_1889 = tpu.memref_squeeze %dma_start3A_1888 : memref<1x32xf32, #tpu.memory_space<vmem_shared>> -> memref<32xf32, #tpu.memory_space<vmem_shared>>
      tpu.enqueue_dma source(%dma_start3A_1889 : memref<32xf32, #tpu.memory_space<vmem_shared>>) target(%dma_start3A_1886 : memref<32xf32, #tpu.memory_space<vmem>>) target_semaphore(%arg24 : memref<!tpu.dma_semaphore, #tpu.memory_space<semaphore_mem>>)
      %dma_start3A_1890 = arith.constant 2 : i32
      %dma_start3A_1891 = arith.constant 64 : i32
      %dma_start3A_1892 = tpu.memref_slice %arg20[%dma_start3A_1891] : memref<512xf32, #tpu.memory_space<vmem>> -> memref<32xf32, #tpu.memory_space<vmem>>
      %dma_start3A_1893 = arith.constant 0 : i32
      %dma_start3A_1894 = tpu.memref_slice %arg22[%dma_start3A_1890, %dma_start3A_1893] : memref<32x1024xf32, #tpu.memory_space<vmem_shared>> -> memref<1x32xf32, #tpu.memory_space<vmem_shared>>
      %dma_start3A_1895 = tpu.memref_squeeze %dma_start3A_1894 : memref<1x32xf32, #tpu.memory_space<vmem_shared>> -> memref<32xf32, #tpu.memory_space<vmem_shared>>
      %dma_start3A_1896 = arith.constant 64 : i32
      %dma_start3A_1897 = tpu.memref_slice %arg20[%dma_start3A_1896] : memref<512xf32, #tpu.memory_space<vmem>> -> memref<32xf32, #tpu.memory_space<vmem>>
      %dma_start3A_1898 = arith.constant 0 : i32
      %dma_start3A_1899 = tpu.memref_slice %arg22[%dma_start3A_1890, %dma_start3A_1898] : memref<32x1024xf32, #tpu.memory_space<vmem_shared>> -> memref<1x32xf32, #tpu.memory_space<vmem_shared>>
      %dma_start3A_1900 = tpu.memref_squeeze %dma_start3A_1899 : memref<1x32xf32, #tpu.memory_space<vmem_shared>> -> memref<32xf32, #tpu.memory_space<vmem_shared>>
      tpu.enqueue_dma source(%dma_start3A_1900 : memref<32xf32, #tpu.memory_space<vmem_shared>>) target(%dma_start3A_1897 : memref<32xf32, #tpu.memory_space<vmem>>) target_semaphore(%arg24 : memref<!tpu.dma_semaphore, #tpu.memory_space<semaphore_mem>>)
      %dma_start3A_1901 = arith.constant 3 : i32
      %dma_start3A_1902 = arith.constant 96 : i32
      %dma_start3A_1903 = tpu.memref_slice %arg20[%dma_start3A_1902] : memref<512xf32, #tpu.memory_space<vmem>> -> memref<32xf32, #tpu.memory_space<vmem>>
      %dma_start3A_1904 = arith.constant 0 : i32
      %dma_start3A_1905 = tpu.memref_slice %arg22[%dma_start3A_1901, %dma_start3A_1904] : memref<32x1024xf32, #tpu.memory_space<vmem_shared>> -> memref<1x32xf32, #tpu.memory_space<vmem_shared>>
      %dma_start3A_1906 = tpu.memref_squeeze %dma_start3A_1905 : memref<1x32xf32, #tpu.memory_space<vmem_shared>> -> memref<32xf32, #tpu.memory_space<vmem_shared>>
      %dma_start3A_1907 = arith.constant 96 : i32
      %dma_start3A_1908 = tpu.memref_slice %arg20[%dma_start3A_1907] : memref<512xf32, #tpu.memory_space<vmem>> -> memref<32xf32, #tpu.memory_space<vmem>>
      %dma_start3A_1909 = arith.constant 0 : i32
      %dma_start3A_1910 = tpu.memref_slice %arg22[%dma_start3A_1901, %dma_start3A_1909] : memref<32x1024xf32, #tpu.memory_space<vmem_shared>> -> memref<1x32xf32, #tpu.memory_space<vmem_shared>>
      %dma_start3A_1911 = tpu.memref_squeeze %dma_start3A_1910 : memref<1x32xf32, #tpu.memory_space<vmem_shared>> -> memref<32xf32, #tpu.memory_space<vmem_shared>>
      tpu.enqueue_dma source(%dma_start3A_1911 : memref<32xf32, #tpu.memory_space<vmem_shared>>) target(%dma_start3A_1908 : memref<32xf32, #tpu.memory_space<vmem>>) target_semaphore(%arg24 : memref<!tpu.dma_semaphore, #tpu.memory_space<semaphore_mem>>)
      %dma_start3A_1912 = arith.constant 4 : i32
      %dma_start3A_1913 = arith.constant 128 : i32
      %dma_start3A_1914 = tpu.memref_slice %arg20[%dma_start3A_1913] : memref<512xf32, #tpu.memory_space<vmem>> -> memref<32xf32, #tpu.memory_space<vmem>>
      %dma_start3A_1915 = arith.constant 0 : i32
      %dma_start3A_1916 = tpu.memref_slice %arg22[%dma_start3A_1912, %dma_start3A_1915] : memref<32x1024xf32, #tpu.memory_space<vmem_shared>> -> memref<1x32xf32, #tpu.memory_space<vmem_shared>>
      %dma_start3A_1917 = tpu.memref_squeeze %dma_start3A_1916 : memref<1x32xf32, #tpu.memory_space<vmem_shared>> -> memref<32xf32, #tpu.memory_space<vmem_shared>>
      %dma_start3A_1918 = arith.constant 128 : i32
      %dma_start3A_1919 = tpu.memref_slice %arg20[%dma_start3A_1918] : memref<512xf32, #tpu.memory_space<vmem>> -> memref<32xf32, #tpu.memory_space<vmem>>
      %dma_start3A_1920 = arith.constant 0 : i32
      %dma_start3A_1921 = tpu.memref_slice %arg22[%dma_start3A_1912, %dma_start3A_1920] : memref<32x1024xf32, #tpu.memory_space<vmem_shared>> -> memref<1x32xf32, #tpu.memory_space<vmem_shared>>
      %dma_start3A_1922 = tpu.memref_squeeze %dma_start3A_1921 : memref<1x32xf32, #tpu.memory_space<vmem_shared>> -> memref<32xf32, #tpu.memory_space<vmem_shared>>
      tpu.enqueue_dma source(%dma_start3A_1922 : memref<32xf32, #tpu.memory_space<vmem_shared>>) target(%dma_start3A_1919 : memref<32xf32, #tpu.memory_space<vmem>>) target_semaphore(%arg24 : memref<!tpu.dma_semaphore, #tpu.memory_space<semaphore_mem>>)
      %dma_start3A_1923 = arith.constant 5 : i32
      %dma_start3A_1924 = arith.constant 160 : i32
      %dma_start3A_1925 = tpu.memref_slice %arg20[%dma_start3A_1924] : memref<512xf32, #tpu.memory_space<vmem>> -> memref<32xf32, #tpu.memory_space<vmem>>
      %dma_start3A_1926 = arith.constant 0 : i32
      %dma_start3A_1927 = tpu.memref_slice %arg22[%dma_start3A_1923, %dma_start3A_1926] : memref<32x1024xf32, #tpu.memory_space<vmem_shared>> -> memref<1x32xf32, #tpu.memory_space<vmem_shared>>
      %dma_start3A_1928 = tpu.memref_squeeze %dma_start3A_1927 : memref<1x32xf32, #tpu.memory_space<vmem_shared>> -> memref<32xf32, #tpu.memory_space<vmem_shared>>
      %dma_start3A_1929 = arith.constant 160 : i32
      %dma_start3A_1930 = tpu.memref_slice %arg20[%dma_start3A_1929] : memref<512xf32, #tpu.memory_space<vmem>> -> memref<32xf32, #tpu.memory_space<vmem>>
      %dma_start3A_1931 = arith.constant 0 : i32
      %dma_start3A_1932 = tpu.memref_slice %arg22[%dma_start3A_1923, %dma_start3A_1931] : memref<32x1024xf32, #tpu.memory_space<vmem_shared>> -> memref<1x32xf32, #tpu.memory_space<vmem_shared>>
      %dma_start3A_1933 = tpu.memref_squeeze %dma_start3A_1932 : memref<1x32xf32, #tpu.memory_space<vmem_shared>> -> memref<32xf32, #tpu.memory_space<vmem_shared>>
      tpu.enqueue_dma source(%dma_start3A_1933 : memref<32xf32, #tpu.memory_space<vmem_shared>>) target(%dma_start3A_1930 : memref<32xf32, #tpu.memory_space<vmem>>) target_semaphore(%arg24 : memref<!tpu.dma_semaphore, #tpu.memory_space<semaphore_mem>>)
      %dma_start3A_1934 = arith.constant 6 : i32
      %dma_start3A_1935 = arith.constant 192 : i32
      %dma_start3A_1936 = tpu.memref_slice %arg20[%dma_start3A_1935] : memref<512xf32, #tpu.memory_space<vmem>> -> memref<32xf32, #tpu.memory_space<vmem>>
      %dma_start3A_1937 = arith.constant 0 : i32
      %dma_start3A_1938 = tpu.memref_slice %arg22[%dma_start3A_1934, %dma_start3A_1937] : memref<32x1024xf32, #tpu.memory_space<vmem_shared>> -> memref<1x32xf32, #tpu.memory_space<vmem_shared>>
      %dma_start3A_1939 = tpu.memref_squeeze %dma_start3A_1938 : memref<1x32xf32, #tpu.memory_space<vmem_shared>> -> memref<32xf32, #tpu.memory_space<vmem_shared>>
      %dma_start3A_1940 = arith.constant 192 : i32
      %dma_start3A_1941 = tpu.memref_slice %arg20[%dma_start3A_1940] : memref<512xf32, #tpu.memory_space<vmem>> -> memref<32xf32, #tpu.memory_space<vmem>>
      %dma_start3A_1942 = arith.constant 0 : i32
      %dma_start3A_1943 = tpu.memref_slice %arg22[%dma_start3A_1934, %dma_start3A_1942] : memref<32x1024xf32, #tpu.memory_space<vmem_shared>> -> memref<1x32xf32, #tpu.memory_space<vmem_shared>>
      %dma_start3A_1944 = tpu.memref_squeeze %dma_start3A_1943 : memref<1x32xf32, #tpu.memory_space<vmem_shared>> -> memref<32xf32, #tpu.memory_space<vmem_shared>>
      tpu.enqueue_dma source(%dma_start3A_1944 : memref<32xf32, #tpu.memory_space<vmem_shared>>) target(%dma_start3A_1941 : memref<32xf32, #tpu.memory_space<vmem>>) target_semaphore(%arg24 : memref<!tpu.dma_semaphore, #tpu.memory_space<semaphore_mem>>)
      %dma_start3A_1945 = arith.constant 7 : i32
      %dma_start3A_1946 = arith.constant 224 : i32
      %dma_start3A_1947 = tpu.memref_slice %arg20[%dma_start3A_1946] : memref<512xf32, #tpu.memory_space<vmem>> -> memref<32xf32, #tpu.memory_space<vmem>>
      %dma_start3A_1948 = arith.constant 0 : i32
      %dma_start3A_1949 = tpu.memref_slice %arg22[%dma_start3A_1945, %dma_start3A_1948] : memref<32x1024xf32, #tpu.memory_space<vmem_shared>> -> memref<1x32xf32, #tpu.memory_space<vmem_shared>>
      %dma_start3A_1950 = tpu.memref_squeeze %dma_start3A_1949 : memref<1x32xf32, #tpu.memory_space<vmem_shared>> -> memref<32xf32, #tpu.memory_space<vmem_shared>>
      %dma_start3A_1951 = arith.constant 224 : i32
      %dma_start3A_1952 = tpu.memref_slice %arg20[%dma_start3A_1951] : memref<512xf32, #tpu.memory_space<vmem>> -> memref<32xf32, #tpu.memory_space<vmem>>
      %dma_start3A_1953 = arith.constant 0 : i32
      %dma_start3A_1954 = tpu.memref_slice %arg22[%dma_start3A_1945, %dma_start3A_1953] : memref<32x1024xf32, #tpu.memory_space<vmem_shared>> -> memref<1x32xf32, #tpu.memory_space<vmem_shared>>
      %dma_start3A_1955 = tpu.memref_squeeze %dma_start3A_1954 : memref<1x32xf32, #tpu.memory_space<vmem_shared>> -> memref<32xf32, #tpu.memory_space<vmem_shared>>
      tpu.enqueue_dma source(%dma_start3A_1955 : memref<32xf32, #tpu.memory_space<vmem_shared>>) target(%dma_start3A_1952 : memref<32xf32, #tpu.memory_space<vmem>>) target_semaphore(%arg24 : memref<!tpu.dma_semaphore, #tpu.memory_space<semaphore_mem>>)
      %dma_start3A_1956 = arith.constant 8 : i32
      %dma_start3A_1957 = arith.constant 256 : i32
      %dma_start3A_1958 = tpu.memref_slice %arg20[%dma_start3A_1957] : memref<512xf32, #tpu.memory_space<vmem>> -> memref<32xf32, #tpu.memory_space<vmem>>
      %dma_start3A_1959 = arith.constant 0 : i32
      %dma_start3A_1960 = tpu.memref_slice %arg22[%dma_start3A_1956, %dma_start3A_1959] : memref<32x1024xf32, #tpu.memory_space<vmem_shared>> -> memref<1x32xf32, #tpu.memory_space<vmem_shared>>
      %dma_start3A_1961 = tpu.memref_squeeze %dma_start3A_1960 : memref<1x32xf32, #tpu.memory_space<vmem_shared>> -> memref<32xf32, #tpu.memory_space<vmem_shared>>
      %dma_start3A_1962 = arith.constant 256 : i32
      %dma_start3A_1963 = tpu.memref_slice %arg20[%dma_start3A_1962] : memref<512xf32, #tpu.memory_space<vmem>> -> memref<32xf32, #tpu.memory_space<vmem>>
      %dma_start3A_1964 = arith.constant 0 : i32
      %dma_start3A_1965 = tpu.memref_slice %arg22[%dma_start3A_1956, %dma_start3A_1964] : memref<32x1024xf32, #tpu.memory_space<vmem_shared>> -> memref<1x32xf32, #tpu.memory_space<vmem_shared>>
      %dma_start3A_1966 = tpu.memref_squeeze %dma_start3A_1965 : memref<1x32xf32, #tpu.memory_space<vmem_shared>> -> memref<32xf32, #tpu.memory_space<vmem_shared>>
      tpu.enqueue_dma source(%dma_start3A_1966 : memref<32xf32, #tpu.memory_space<vmem_shared>>) target(%dma_start3A_1963 : memref<32xf32, #tpu.memory_space<vmem>>) target_semaphore(%arg24 : memref<!tpu.dma_semaphore, #tpu.memory_space<semaphore_mem>>)
      %dma_start3A_1967 = arith.constant 9 : i32
      %dma_start3A_1968 = arith.constant 288 : i32
      %dma_start3A_1969 = tpu.memref_slice %arg20[%dma_start3A_1968] : memref<512xf32, #tpu.memory_space<vmem>> -> memref<32xf32, #tpu.memory_space<vmem>>
      %dma_start3A_1970 = arith.constant 0 : i32
      %dma_start3A_1971 = tpu.memref_slice %arg22[%dma_start3A_1967, %dma_start3A_1970] : memref<32x1024xf32, #tpu.memory_space<vmem_shared>> -> memref<1x32xf32, #tpu.memory_space<vmem_shared>>
      %dma_start3A_1972 = tpu.memref_squeeze %dma_start3A_1971 : memref<1x32xf32, #tpu.memory_space<vmem_shared>> -> memref<32xf32, #tpu.memory_space<vmem_shared>>
      %dma_start3A_1973 = arith.constant 288 : i32
      %dma_start3A_1974 = tpu.memref_slice %arg20[%dma_start3A_1973] : memref<512xf32, #tpu.memory_space<vmem>> -> memref<32xf32, #tpu.memory_space<vmem>>
      %dma_start3A_1975 = arith.constant 0 : i32
      %dma_start3A_1976 = tpu.memref_slice %arg22[%dma_start3A_1967, %dma_start3A_1975] : memref<32x1024xf32, #tpu.memory_space<vmem_shared>> -> memref<1x32xf32, #tpu.memory_space<vmem_shared>>
      %dma_start3A_1977 = tpu.memref_squeeze %dma_start3A_1976 : memref<1x32xf32, #tpu.memory_space<vmem_shared>> -> memref<32xf32, #tpu.memory_space<vmem_shared>>
      tpu.enqueue_dma source(%dma_start3A_1977 : memref<32xf32, #tpu.memory_space<vmem_shared>>) target(%dma_start3A_1974 : memref<32xf32, #tpu.memory_space<vmem>>) target_semaphore(%arg24 : memref<!tpu.dma_semaphore, #tpu.memory_space<semaphore_mem>>)
      %dma_start3A_1978 = arith.constant 10 : i32
      %dma_start3A_1979 = arith.constant 320 : i32
      %dma_start3A_1980 = tpu.memref_slice %arg20[%dma_start3A_1979] : memref<512xf32, #tpu.memory_space<vmem>> -> memref<32xf32, #tpu.memory_space<vmem>>
      %dma_start3A_1981 = arith.constant 0 : i32
      %dma_start3A_1982 = tpu.memref_slice %arg22[%dma_start3A_1978, %dma_start3A_1981] : memref<32x1024xf32, #tpu.memory_space<vmem_shared>> -> memref<1x32xf32, #tpu.memory_space<vmem_shared>>
      %dma_start3A_1983 = tpu.memref_squeeze %dma_start3A_1982 : memref<1x32xf32, #tpu.memory_space<vmem_shared>> -> memref<32xf32, #tpu.memory_space<vmem_shared>>
      %dma_start3A_1984 = arith.constant 320 : i32
      %dma_start3A_1985 = tpu.memref_slice %arg20[%dma_start3A_1984] : memref<512xf32, #tpu.memory_space<vmem>> -> memref<32xf32, #tpu.memory_space<vmem>>
      %dma_start3A_1986 = arith.constant 0 : i32
      %dma_start3A_1987 = tpu.memref_slice %arg22[%dma_start3A_1978, %dma_start3A_1986] : memref<32x1024xf32, #tpu.memory_space<vmem_shared>> -> memref<1x32xf32, #tpu.memory_space<vmem_shared>>
      %dma_start3A_1988 = tpu.memref_squeeze %dma_start3A_1987 : memref<1x32xf32, #tpu.memory_space<vmem_shared>> -> memref<32xf32, #tpu.memory_space<vmem_shared>>
      tpu.enqueue_dma source(%dma_start3A_1988 : memref<32xf32, #tpu.memory_space<vmem_shared>>) target(%dma_start3A_1985 : memref<32xf32, #tpu.memory_space<vmem>>) target_semaphore(%arg24 : memref<!tpu.dma_semaphore, #tpu.memory_space<semaphore_mem>>)
      %dma_start3A_1989 = arith.constant 11 : i32
      %dma_start3A_1990 = arith.constant 352 : i32
      %dma_start3A_1991 = tpu.memref_slice %arg20[%dma_start3A_1990] : memref<512xf32, #tpu.memory_space<vmem>> -> memref<32xf32, #tpu.memory_space<vmem>>
      %dma_start3A_1992 = arith.constant 0 : i32
      %dma_start3A_1993 = tpu.memref_slice %arg22[%dma_start3A_1989, %dma_start3A_1992] : memref<32x1024xf32, #tpu.memory_space<vmem_shared>> -> memref<1x32xf32, #tpu.memory_space<vmem_shared>>
      %dma_start3A_1994 = tpu.memref_squeeze %dma_start3A_1993 : memref<1x32xf32, #tpu.memory_space<vmem_shared>> -> memref<32xf32, #tpu.memory_space<vmem_shared>>
      %dma_start3A_1995 = arith.constant 352 : i32
      %dma_start3A_1996 = tpu.memref_slice %arg20[%dma_start3A_1995] : memref<512xf32, #tpu.memory_space<vmem>> -> memref<32xf32, #tpu.memory_space<vmem>>
      %dma_start3A_1997 = arith.constant 0 : i32
      %dma_start3A_1998 = tpu.memref_slice %arg22[%dma_start3A_1989, %dma_start3A_1997] : memref<32x1024xf32, #tpu.memory_space<vmem_shared>> -> memref<1x32xf32, #tpu.memory_space<vmem_shared>>
      %dma_start3A_1999 = tpu.memref_squeeze %dma_start3A_1998 : memref<1x32xf32, #tpu.memory_space<vmem_shared>> -> memref<32xf32, #tpu.memory_space<vmem_shared>>
      tpu.enqueue_dma source(%dma_start3A_1999 : memref<32xf32, #tpu.memory_space<vmem_shared>>) target(%dma_start3A_1996 : memref<32xf32, #tpu.memory_space<vmem>>) target_semaphore(%arg24 : memref<!tpu.dma_semaphore, #tpu.memory_space<semaphore_mem>>)
      %dma_start3A_2000 = arith.constant 12 : i32
      %dma_start3A_2001 = arith.constant 384 : i32
      %dma_start3A_2002 = tpu.memref_slice %arg20[%dma_start3A_2001] : memref<512xf32, #tpu.memory_space<vmem>> -> memref<32xf32, #tpu.memory_space<vmem>>
      %dma_start3A_2003 = arith.constant 0 : i32
      %dma_start3A_2004 = tpu.memref_slice %arg22[%dma_start3A_2000, %dma_start3A_2003] : memref<32x1024xf32, #tpu.memory_space<vmem_shared>> -> memref<1x32xf32, #tpu.memory_space<vmem_shared>>
      %dma_start3A_2005 = tpu.memref_squeeze %dma_start3A_2004 : memref<1x32xf32, #tpu.memory_space<vmem_shared>> -> memref<32xf32, #tpu.memory_space<vmem_shared>>
      %dma_start3A_2006 = arith.constant 384 : i32
      %dma_start3A_2007 = tpu.memref_slice %arg20[%dma_start3A_2006] : memref<512xf32, #tpu.memory_space<vmem>> -> memref<32xf32, #tpu.memory_space<vmem>>
      %dma_start3A_2008 = arith.constant 0 : i32
      %dma_start3A_2009 = tpu.memref_slice %arg22[%dma_start3A_2000, %dma_start3A_2008] : memref<32x1024xf32, #tpu.memory_space<vmem_shared>> -> memref<1x32xf32, #tpu.memory_space<vmem_shared>>
      %dma_start3A_2010 = tpu.memref_squeeze %dma_start3A_2009 : memref<1x32xf32, #tpu.memory_space<vmem_shared>> -> memref<32xf32, #tpu.memory_space<vmem_shared>>
      tpu.enqueue_dma source(%dma_start3A_2010 : memref<32xf32, #tpu.memory_space<vmem_shared>>) target(%dma_start3A_2007 : memref<32xf32, #tpu.memory_space<vmem>>) target_semaphore(%arg24 : memref<!tpu.dma_semaphore, #tpu.memory_space<semaphore_mem>>)
      %dma_start3A_2011 = arith.constant 13 : i32
      %dma_start3A_2012 = arith.constant 416 : i32
      %dma_start3A_2013 = tpu.memref_slice %arg20[%dma_start3A_2012] : memref<512xf32, #tpu.memory_space<vmem>> -> memref<32xf32, #tpu.memory_space<vmem>>
      %dma_start3A_2014 = arith.constant 0 : i32
      %dma_start3A_2015 = tpu.memref_slice %arg22[%dma_start3A_2011, %dma_start3A_2014] : memref<32x1024xf32, #tpu.memory_space<vmem_shared>> -> memref<1x32xf32, #tpu.memory_space<vmem_shared>>
      %dma_start3A_2016 = tpu.memref_squeeze %dma_start3A_2015 : memref<1x32xf32, #tpu.memory_space<vmem_shared>> -> memref<32xf32, #tpu.memory_space<vmem_shared>>
      %dma_start3A_2017 = arith.constant 416 : i32
      %dma_start3A_2018 = tpu.memref_slice %arg20[%dma_start3A_2017] : memref<512xf32, #tpu.memory_space<vmem>> -> memref<32xf32, #tpu.memory_space<vmem>>
      %dma_start3A_2019 = arith.constant 0 : i32
      %dma_start3A_2020 = tpu.memref_slice %arg22[%dma_start3A_2011, %dma_start3A_2019] : memref<32x1024xf32, #tpu.memory_space<vmem_shared>> -> memref<1x32xf32, #tpu.memory_space<vmem_shared>>
      %dma_start3A_2021 = tpu.memref_squeeze %dma_start3A_2020 : memref<1x32xf32, #tpu.memory_space<vmem_shared>> -> memref<32xf32, #tpu.memory_space<vmem_shared>>
      tpu.enqueue_dma source(%dma_start3A_2021 : memref<32xf32, #tpu.memory_space<vmem_shared>>) target(%dma_start3A_2018 : memref<32xf32, #tpu.memory_space<vmem>>) target_semaphore(%arg24 : memref<!tpu.dma_semaphore, #tpu.memory_space<semaphore_mem>>)
      %dma_start3A_2022 = arith.constant 14 : i32
      %dma_start3A_2023 = arith.constant 448 : i32
      %dma_start3A_2024 = tpu.memref_slice %arg20[%dma_start3A_2023] : memref<512xf32, #tpu.memory_space<vmem>> -> memref<32xf32, #tpu.memory_space<vmem>>
      %dma_start3A_2025 = arith.constant 0 : i32
      %dma_start3A_2026 = tpu.memref_slice %arg22[%dma_start3A_2022, %dma_start3A_2025] : memref<32x1024xf32, #tpu.memory_space<vmem_shared>> -> memref<1x32xf32, #tpu.memory_space<vmem_shared>>
      %dma_start3A_2027 = tpu.memref_squeeze %dma_start3A_2026 : memref<1x32xf32, #tpu.memory_space<vmem_shared>> -> memref<32xf32, #tpu.memory_space<vmem_shared>>
      %dma_start3A_2028 = arith.constant 448 : i32
      %dma_start3A_2029 = tpu.memref_slice %arg20[%dma_start3A_2028] : memref<512xf32, #tpu.memory_space<vmem>> -> memref<32xf32, #tpu.memory_space<vmem>>
      %dma_start3A_2030 = arith.constant 0 : i32
      %dma_start3A_2031 = tpu.memref_slice %arg22[%dma_start3A_2022, %dma_start3A_2030] : memref<32x1024xf32, #tpu.memory_space<vmem_shared>> -> memref<1x32xf32, #tpu.memory_space<vmem_shared>>
      %dma_start3A_2032 = tpu.memref_squeeze %dma_start3A_2031 : memref<1x32xf32, #tpu.memory_space<vmem_shared>> -> memref<32xf32, #tpu.memory_space<vmem_shared>>
      tpu.enqueue_dma source(%dma_start3A_2032 : memref<32xf32, #tpu.memory_space<vmem_shared>>) target(%dma_start3A_2029 : memref<32xf32, #tpu.memory_space<vmem>>) target_semaphore(%arg24 : memref<!tpu.dma_semaphore, #tpu.memory_space<semaphore_mem>>)
      %dma_start3A_2033 = arith.constant 15 : i32
      %dma_start3A_2034 = arith.constant 480 : i32
      %dma_start3A_2035 = tpu.memref_slice %arg20[%dma_start3A_2034] : memref<512xf32, #tpu.memory_space<vmem>> -> memref<32xf32, #tpu.memory_space<vmem>>
      %dma_start3A_2036 = arith.constant 0 : i32
      %dma_start3A_2037 = tpu.memref_slice %arg22[%dma_start3A_2033, %dma_start3A_2036] : memref<32x1024xf32, #tpu.memory_space<vmem_shared>> -> memref<1x32xf32, #tpu.memory_space<vmem_shared>>
      %dma_start3A_2038 = tpu.memref_squeeze %dma_start3A_2037 : memref<1x32xf32, #tpu.memory_space<vmem_shared>> -> memref<32xf32, #tpu.memory_space<vmem_shared>>
      %dma_start3A_2039 = arith.constant 480 : i32
      %dma_start3A_2040 = tpu.memref_slice %arg20[%dma_start3A_2039] : memref<512xf32, #tpu.memory_space<vmem>> -> memref<32xf32, #tpu.memory_space<vmem>>
      %dma_start3A_2041 = arith.constant 0 : i32
      %dma_start3A_2042 = tpu.memref_slice %arg22[%dma_start3A_2033, %dma_start3A_2041] : memref<32x1024xf32, #tpu.memory_space<vmem_shared>> -> memref<1x32xf32, #tpu.memory_space<vmem_shared>>
      %dma_start3A_2043 = tpu.memref_squeeze %dma_start3A_2042 : memref<1x32xf32, #tpu.memory_space<vmem_shared>> -> memref<32xf32, #tpu.memory_space<vmem_shared>>
      tpu.enqueue_dma source(%dma_start3A_2043 : memref<32xf32, #tpu.memory_space<vmem_shared>>) target(%dma_start3A_2040 : memref<32xf32, #tpu.memory_space<vmem>>) target_semaphore(%arg24 : memref<!tpu.dma_semaphore, #tpu.memory_space<semaphore_mem>>)
      %dma_wait3A_2044 = arith.constant 0 : i32
      %dma_wait3A_2045 = arith.constant 0 : i32
      %dma_wait3A_2046 = tpu.memref_slice %arg20[%dma_wait3A_2045] : memref<512xf32, #tpu.memory_space<vmem>> -> memref<32xf32, #tpu.memory_space<vmem>>
      %dma_wait3A_2047 = arith.constant 0 : i32
      %dma_wait3A_2048 = tpu.memref_slice %arg22[%dma_wait3A_2044, %dma_wait3A_2047] : memref<32x1024xf32, #tpu.memory_space<vmem_shared>> -> memref<1x32xf32, #tpu.memory_space<vmem_shared>>
      %dma_wait3A_2049 = tpu.memref_squeeze %dma_wait3A_2048 : memref<1x32xf32, #tpu.memory_space<vmem_shared>> -> memref<32xf32, #tpu.memory_space<vmem_shared>>
      %dma_wait3A_2050 = arith.constant 0 : i32
      %dma_wait3A_2051 = tpu.memref_slice %arg20[%dma_wait3A_2050] : memref<512xf32, #tpu.memory_space<vmem>> -> memref<32xf32, #tpu.memory_space<vmem>>
      %dma_wait3A_2052 = arith.constant 0 : i32
      %dma_wait3A_2053 = tpu.memref_slice %arg22[%dma_wait3A_2044, %dma_wait3A_2052] : memref<32x1024xf32, #tpu.memory_space<vmem_shared>> -> memref<1x32xf32, #tpu.memory_space<vmem_shared>>
      %dma_wait3A_2054 = tpu.memref_squeeze %dma_wait3A_2053 : memref<1x32xf32, #tpu.memory_space<vmem_shared>> -> memref<32xf32, #tpu.memory_space<vmem_shared>>
      tpu.wait_dma2 semaphore(%arg24 : memref<!tpu.dma_semaphore, #tpu.memory_space<semaphore_mem>>) src(%dma_wait3A_2054 : memref<32xf32, #tpu.memory_space<vmem_shared>>) dst(%dma_wait3A_2051 : memref<32xf32, #tpu.memory_space<vmem>>)
      %dma_wait3A_2055 = arith.constant 1 : i32
      %dma_wait3A_2056 = arith.constant 32 : i32
      %dma_wait3A_2057 = tpu.memref_slice %arg20[%dma_wait3A_2056] : memref<512xf32, #tpu.memory_space<vmem>> -> memref<32xf32, #tpu.memory_space<vmem>>
      %dma_wait3A_2058 = arith.constant 0 : i32
      %dma_wait3A_2059 = tpu.memref_slice %arg22[%dma_wait3A_2055, %dma_wait3A_2058] : memref<32x1024xf32, #tpu.memory_space<vmem_shared>> -> memref<1x32xf32, #tpu.memory_space<vmem_shared>>
      %dma_wait3A_2060 = tpu.memref_squeeze %dma_wait3A_2059 : memref<1x32xf32, #tpu.memory_space<vmem_shared>> -> memref<32xf32, #tpu.memory_space<vmem_shared>>
      %dma_wait3A_2061 = arith.constant 32 : i32
      %dma_wait3A_2062 = tpu.memref_slice %arg20[%dma_wait3A_2061] : memref<512xf32, #tpu.memory_space<vmem>> -> memref<32xf32, #tpu.memory_space<vmem>>
      %dma_wait3A_2063 = arith.constant 0 : i32
      %dma_wait3A_2064 = tpu.memref_slice %arg22[%dma_wait3A_2055, %dma_wait3A_2063] : memref<32x1024xf32, #tpu.memory_space<vmem_shared>> -> memref<1x32xf32, #tpu.memory_space<vmem_shared>>
      %dma_wait3A_2065 = tpu.memref_squeeze %dma_wait3A_2064 : memref<1x32xf32, #tpu.memory_space<vmem_shared>> -> memref<32xf32, #tpu.memory_space<vmem_shared>>
      tpu.wait_dma2 semaphore(%arg24 : memref<!tpu.dma_semaphore, #tpu.memory_space<semaphore_mem>>) src(%dma_wait3A_2065 : memref<32xf32, #tpu.memory_space<vmem_shared>>) dst(%dma_wait3A_2062 : memref<32xf32, #tpu.memory_space<vmem>>)
      %dma_wait3A_2066 = arith.constant 2 : i32
      %dma_wait3A_2067 = arith.constant 64 : i32
      %dma_wait3A_2068 = tpu.memref_slice %arg20[%dma_wait3A_2067] : memref<512xf32, #tpu.memory_space<vmem>> -> memref<32xf32, #tpu.memory_space<vmem>>
      %dma_wait3A_2069 = arith.constant 0 : i32
      %dma_wait3A_2070 = tpu.memref_slice %arg22[%dma_wait3A_2066, %dma_wait3A_2069] : memref<32x1024xf32, #tpu.memory_space<vmem_shared>> -> memref<1x32xf32, #tpu.memory_space<vmem_shared>>
      %dma_wait3A_2071 = tpu.memref_squeeze %dma_wait3A_2070 : memref<1x32xf32, #tpu.memory_space<vmem_shared>> -> memref<32xf32, #tpu.memory_space<vmem_shared>>
      %dma_wait3A_2072 = arith.constant 64 : i32
      %dma_wait3A_2073 = tpu.memref_slice %arg20[%dma_wait3A_2072] : memref<512xf32, #tpu.memory_space<vmem>> -> memref<32xf32, #tpu.memory_space<vmem>>
      %dma_wait3A_2074 = arith.constant 0 : i32
      %dma_wait3A_2075 = tpu.memref_slice %arg22[%dma_wait3A_2066, %dma_wait3A_2074] : memref<32x1024xf32, #tpu.memory_space<vmem_shared>> -> memref<1x32xf32, #tpu.memory_space<vmem_shared>>
      %dma_wait3A_2076 = tpu.memref_squeeze %dma_wait3A_2075 : memref<1x32xf32, #tpu.memory_space<vmem_shared>> -> memref<32xf32, #tpu.memory_space<vmem_shared>>
      tpu.wait_dma2 semaphore(%arg24 : memref<!tpu.dma_semaphore, #tpu.memory_space<semaphore_mem>>) src(%dma_wait3A_2076 : memref<32xf32, #tpu.memory_space<vmem_shared>>) dst(%dma_wait3A_2073 : memref<32xf32, #tpu.memory_space<vmem>>)
      %dma_wait3A_2077 = arith.constant 3 : i32
      %dma_wait3A_2078 = arith.constant 96 : i32
      %dma_wait3A_2079 = tpu.memref_slice %arg20[%dma_wait3A_2078] : memref<512xf32, #tpu.memory_space<vmem>> -> memref<32xf32, #tpu.memory_space<vmem>>
      %dma_wait3A_2080 = arith.constant 0 : i32
      %dma_wait3A_2081 = tpu.memref_slice %arg22[%dma_wait3A_2077, %dma_wait3A_2080] : memref<32x1024xf32, #tpu.memory_space<vmem_shared>> -> memref<1x32xf32, #tpu.memory_space<vmem_shared>>
      %dma_wait3A_2082 = tpu.memref_squeeze %dma_wait3A_2081 : memref<1x32xf32, #tpu.memory_space<vmem_shared>> -> memref<32xf32, #tpu.memory_space<vmem_shared>>
      %dma_wait3A_2083 = arith.constant 96 : i32
      %dma_wait3A_2084 = tpu.memref_slice %arg20[%dma_wait3A_2083] : memref<512xf32, #tpu.memory_space<vmem>> -> memref<32xf32, #tpu.memory_space<vmem>>
      %dma_wait3A_2085 = arith.constant 0 : i32
      %dma_wait3A_2086 = tpu.memref_slice %arg22[%dma_wait3A_2077, %dma_wait3A_2085] : memref<32x1024xf32, #tpu.memory_space<vmem_shared>> -> memref<1x32xf32, #tpu.memory_space<vmem_shared>>
      %dma_wait3A_2087 = tpu.memref_squeeze %dma_wait3A_2086 : memref<1x32xf32, #tpu.memory_space<vmem_shared>> -> memref<32xf32, #tpu.memory_space<vmem_shared>>
      tpu.wait_dma2 semaphore(%arg24 : memref<!tpu.dma_semaphore, #tpu.memory_space<semaphore_mem>>) src(%dma_wait3A_2087 : memref<32xf32, #tpu.memory_space<vmem_shared>>) dst(%dma_wait3A_2084 : memref<32xf32, #tpu.memory_space<vmem>>)
      %dma_wait3A_2088 = arith.constant 4 : i32
      %dma_wait3A_2089 = arith.constant 128 : i32
      %dma_wait3A_2090 = tpu.memref_slice %arg20[%dma_wait3A_2089] : memref<512xf32, #tpu.memory_space<vmem>> -> memref<32xf32, #tpu.memory_space<vmem>>
      %dma_wait3A_2091 = arith.constant 0 : i32
      %dma_wait3A_2092 = tpu.memref_slice %arg22[%dma_wait3A_2088, %dma_wait3A_2091] : memref<32x1024xf32, #tpu.memory_space<vmem_shared>> -> memref<1x32xf32, #tpu.memory_space<vmem_shared>>
      %dma_wait3A_2093 = tpu.memref_squeeze %dma_wait3A_2092 : memref<1x32xf32, #tpu.memory_space<vmem_shared>> -> memref<32xf32, #tpu.memory_space<vmem_shared>>
      %dma_wait3A_2094 = arith.constant 128 : i32
      %dma_wait3A_2095 = tpu.memref_slice %arg20[%dma_wait3A_2094] : memref<512xf32, #tpu.memory_space<vmem>> -> memref<32xf32, #tpu.memory_space<vmem>>
      %dma_wait3A_2096 = arith.constant 0 : i32
      %dma_wait3A_2097 = tpu.memref_slice %arg22[%dma_wait3A_2088, %dma_wait3A_2096] : memref<32x1024xf32, #tpu.memory_space<vmem_shared>> -> memref<1x32xf32, #tpu.memory_space<vmem_shared>>
      %dma_wait3A_2098 = tpu.memref_squeeze %dma_wait3A_2097 : memref<1x32xf32, #tpu.memory_space<vmem_shared>> -> memref<32xf32, #tpu.memory_space<vmem_shared>>
      tpu.wait_dma2 semaphore(%arg24 : memref<!tpu.dma_semaphore, #tpu.memory_space<semaphore_mem>>) src(%dma_wait3A_2098 : memref<32xf32, #tpu.memory_space<vmem_shared>>) dst(%dma_wait3A_2095 : memref<32xf32, #tpu.memory_space<vmem>>)
      %dma_wait3A_2099 = arith.constant 5 : i32
      %dma_wait3A_2100 = arith.constant 160 : i32
      %dma_wait3A_2101 = tpu.memref_slice %arg20[%dma_wait3A_2100] : memref<512xf32, #tpu.memory_space<vmem>> -> memref<32xf32, #tpu.memory_space<vmem>>
      %dma_wait3A_2102 = arith.constant 0 : i32
      %dma_wait3A_2103 = tpu.memref_slice %arg22[%dma_wait3A_2099, %dma_wait3A_2102] : memref<32x1024xf32, #tpu.memory_space<vmem_shared>> -> memref<1x32xf32, #tpu.memory_space<vmem_shared>>
      %dma_wait3A_2104 = tpu.memref_squeeze %dma_wait3A_2103 : memref<1x32xf32, #tpu.memory_space<vmem_shared>> -> memref<32xf32, #tpu.memory_space<vmem_shared>>
      %dma_wait3A_2105 = arith.constant 160 : i32
      %dma_wait3A_2106 = tpu.memref_slice %arg20[%dma_wait3A_2105] : memref<512xf32, #tpu.memory_space<vmem>> -> memref<32xf32, #tpu.memory_space<vmem>>
      %dma_wait3A_2107 = arith.constant 0 : i32
      %dma_wait3A_2108 = tpu.memref_slice %arg22[%dma_wait3A_2099, %dma_wait3A_2107] : memref<32x1024xf32, #tpu.memory_space<vmem_shared>> -> memref<1x32xf32, #tpu.memory_space<vmem_shared>>
      %dma_wait3A_2109 = tpu.memref_squeeze %dma_wait3A_2108 : memref<1x32xf32, #tpu.memory_space<vmem_shared>> -> memref<32xf32, #tpu.memory_space<vmem_shared>>
      tpu.wait_dma2 semaphore(%arg24 : memref<!tpu.dma_semaphore, #tpu.memory_space<semaphore_mem>>) src(%dma_wait3A_2109 : memref<32xf32, #tpu.memory_space<vmem_shared>>) dst(%dma_wait3A_2106 : memref<32xf32, #tpu.memory_space<vmem>>)
      %dma_wait3A_2110 = arith.constant 6 : i32
      %dma_wait3A_2111 = arith.constant 192 : i32
      %dma_wait3A_2112 = tpu.memref_slice %arg20[%dma_wait3A_2111] : memref<512xf32, #tpu.memory_space<vmem>> -> memref<32xf32, #tpu.memory_space<vmem>>
      %dma_wait3A_2113 = arith.constant 0 : i32
      %dma_wait3A_2114 = tpu.memref_slice %arg22[%dma_wait3A_2110, %dma_wait3A_2113] : memref<32x1024xf32, #tpu.memory_space<vmem_shared>> -> memref<1x32xf32, #tpu.memory_space<vmem_shared>>
      %dma_wait3A_2115 = tpu.memref_squeeze %dma_wait3A_2114 : memref<1x32xf32, #tpu.memory_space<vmem_shared>> -> memref<32xf32, #tpu.memory_space<vmem_shared>>
      %dma_wait3A_2116 = arith.constant 192 : i32
      %dma_wait3A_2117 = tpu.memref_slice %arg20[%dma_wait3A_2116] : memref<512xf32, #tpu.memory_space<vmem>> -> memref<32xf32, #tpu.memory_space<vmem>>
      %dma_wait3A_2118 = arith.constant 0 : i32
      %dma_wait3A_2119 = tpu.memref_slice %arg22[%dma_wait3A_2110, %dma_wait3A_2118] : memref<32x1024xf32, #tpu.memory_space<vmem_shared>> -> memref<1x32xf32, #tpu.memory_space<vmem_shared>>
      %dma_wait3A_2120 = tpu.memref_squeeze %dma_wait3A_2119 : memref<1x32xf32, #tpu.memory_space<vmem_shared>> -> memref<32xf32, #tpu.memory_space<vmem_shared>>
      tpu.wait_dma2 semaphore(%arg24 : memref<!tpu.dma_semaphore, #tpu.memory_space<semaphore_mem>>) src(%dma_wait3A_2120 : memref<32xf32, #tpu.memory_space<vmem_shared>>) dst(%dma_wait3A_2117 : memref<32xf32, #tpu.memory_space<vmem>>)
      %dma_wait3A_2121 = arith.constant 7 : i32
      %dma_wait3A_2122 = arith.constant 224 : i32
      %dma_wait3A_2123 = tpu.memref_slice %arg20[%dma_wait3A_2122] : memref<512xf32, #tpu.memory_space<vmem>> -> memref<32xf32, #tpu.memory_space<vmem>>
      %dma_wait3A_2124 = arith.constant 0 : i32
      %dma_wait3A_2125 = tpu.memref_slice %arg22[%dma_wait3A_2121, %dma_wait3A_2124] : memref<32x1024xf32, #tpu.memory_space<vmem_shared>> -> memref<1x32xf32, #tpu.memory_space<vmem_shared>>
      %dma_wait3A_2126 = tpu.memref_squeeze %dma_wait3A_2125 : memref<1x32xf32, #tpu.memory_space<vmem_shared>> -> memref<32xf32, #tpu.memory_space<vmem_shared>>
      %dma_wait3A_2127 = arith.constant 224 : i32
      %dma_wait3A_2128 = tpu.memref_slice %arg20[%dma_wait3A_2127] : memref<512xf32, #tpu.memory_space<vmem>> -> memref<32xf32, #tpu.memory_space<vmem>>
      %dma_wait3A_2129 = arith.constant 0 : i32
      %dma_wait3A_2130 = tpu.memref_slice %arg22[%dma_wait3A_2121, %dma_wait3A_2129] : memref<32x1024xf32, #tpu.memory_space<vmem_shared>> -> memref<1x32xf32, #tpu.memory_space<vmem_shared>>
      %dma_wait3A_2131 = tpu.memref_squeeze %dma_wait3A_2130 : memref<1x32xf32, #tpu.memory_space<vmem_shared>> -> memref<32xf32, #tpu.memory_space<vmem_shared>>
      tpu.wait_dma2 semaphore(%arg24 : memref<!tpu.dma_semaphore, #tpu.memory_space<semaphore_mem>>) src(%dma_wait3A_2131 : memref<32xf32, #tpu.memory_space<vmem_shared>>) dst(%dma_wait3A_2128 : memref<32xf32, #tpu.memory_space<vmem>>)
      %dma_wait3A_2132 = arith.constant 8 : i32
      %dma_wait3A_2133 = arith.constant 256 : i32
      %dma_wait3A_2134 = tpu.memref_slice %arg20[%dma_wait3A_2133] : memref<512xf32, #tpu.memory_space<vmem>> -> memref<32xf32, #tpu.memory_space<vmem>>
      %dma_wait3A_2135 = arith.constant 0 : i32
      %dma_wait3A_2136 = tpu.memref_slice %arg22[%dma_wait3A_2132, %dma_wait3A_2135] : memref<32x1024xf32, #tpu.memory_space<vmem_shared>> -> memref<1x32xf32, #tpu.memory_space<vmem_shared>>
      %dma_wait3A_2137 = tpu.memref_squeeze %dma_wait3A_2136 : memref<1x32xf32, #tpu.memory_space<vmem_shared>> -> memref<32xf32, #tpu.memory_space<vmem_shared>>
      %dma_wait3A_2138 = arith.constant 256 : i32
      %dma_wait3A_2139 = tpu.memref_slice %arg20[%dma_wait3A_2138] : memref<512xf32, #tpu.memory_space<vmem>> -> memref<32xf32, #tpu.memory_space<vmem>>
      %dma_wait3A_2140 = arith.constant 0 : i32
      %dma_wait3A_2141 = tpu.memref_slice %arg22[%dma_wait3A_2132, %dma_wait3A_2140] : memref<32x1024xf32, #tpu.memory_space<vmem_shared>> -> memref<1x32xf32, #tpu.memory_space<vmem_shared>>
      %dma_wait3A_2142 = tpu.memref_squeeze %dma_wait3A_2141 : memref<1x32xf32, #tpu.memory_space<vmem_shared>> -> memref<32xf32, #tpu.memory_space<vmem_shared>>
      tpu.wait_dma2 semaphore(%arg24 : memref<!tpu.dma_semaphore, #tpu.memory_space<semaphore_mem>>) src(%dma_wait3A_2142 : memref<32xf32, #tpu.memory_space<vmem_shared>>) dst(%dma_wait3A_2139 : memref<32xf32, #tpu.memory_space<vmem>>)
      %dma_wait3A_2143 = arith.constant 9 : i32
      %dma_wait3A_2144 = arith.constant 288 : i32
      %dma_wait3A_2145 = tpu.memref_slice %arg20[%dma_wait3A_2144] : memref<512xf32, #tpu.memory_space<vmem>> -> memref<32xf32, #tpu.memory_space<vmem>>
      %dma_wait3A_2146 = arith.constant 0 : i32
      %dma_wait3A_2147 = tpu.memref_slice %arg22[%dma_wait3A_2143, %dma_wait3A_2146] : memref<32x1024xf32, #tpu.memory_space<vmem_shared>> -> memref<1x32xf32, #tpu.memory_space<vmem_shared>>
      %dma_wait3A_2148 = tpu.memref_squeeze %dma_wait3A_2147 : memref<1x32xf32, #tpu.memory_space<vmem_shared>> -> memref<32xf32, #tpu.memory_space<vmem_shared>>
      %dma_wait3A_2149 = arith.constant 288 : i32
      %dma_wait3A_2150 = tpu.memref_slice %arg20[%dma_wait3A_2149] : memref<512xf32, #tpu.memory_space<vmem>> -> memref<32xf32, #tpu.memory_space<vmem>>
      %dma_wait3A_2151 = arith.constant 0 : i32
      %dma_wait3A_2152 = tpu.memref_slice %arg22[%dma_wait3A_2143, %dma_wait3A_2151] : memref<32x1024xf32, #tpu.memory_space<vmem_shared>> -> memref<1x32xf32, #tpu.memory_space<vmem_shared>>
      %dma_wait3A_2153 = tpu.memref_squeeze %dma_wait3A_2152 : memref<1x32xf32, #tpu.memory_space<vmem_shared>> -> memref<32xf32, #tpu.memory_space<vmem_shared>>
      tpu.wait_dma2 semaphore(%arg24 : memref<!tpu.dma_semaphore, #tpu.memory_space<semaphore_mem>>) src(%dma_wait3A_2153 : memref<32xf32, #tpu.memory_space<vmem_shared>>) dst(%dma_wait3A_2150 : memref<32xf32, #tpu.memory_space<vmem>>)
      %dma_wait3A_2154 = arith.constant 10 : i32
      %dma_wait3A_2155 = arith.constant 320 : i32
      %dma_wait3A_2156 = tpu.memref_slice %arg20[%dma_wait3A_2155] : memref<512xf32, #tpu.memory_space<vmem>> -> memref<32xf32, #tpu.memory_space<vmem>>
      %dma_wait3A_2157 = arith.constant 0 : i32
      %dma_wait3A_2158 = tpu.memref_slice %arg22[%dma_wait3A_2154, %dma_wait3A_2157] : memref<32x1024xf32, #tpu.memory_space<vmem_shared>> -> memref<1x32xf32, #tpu.memory_space<vmem_shared>>
      %dma_wait3A_2159 = tpu.memref_squeeze %dma_wait3A_2158 : memref<1x32xf32, #tpu.memory_space<vmem_shared>> -> memref<32xf32, #tpu.memory_space<vmem_shared>>
      %dma_wait3A_2160 = arith.constant 320 : i32
      %dma_wait3A_2161 = tpu.memref_slice %arg20[%dma_wait3A_2160] : memref<512xf32, #tpu.memory_space<vmem>> -> memref<32xf32, #tpu.memory_space<vmem>>
      %dma_wait3A_2162 = arith.constant 0 : i32
      %dma_wait3A_2163 = tpu.memref_slice %arg22[%dma_wait3A_2154, %dma_wait3A_2162] : memref<32x1024xf32, #tpu.memory_space<vmem_shared>> -> memref<1x32xf32, #tpu.memory_space<vmem_shared>>
      %dma_wait3A_2164 = tpu.memref_squeeze %dma_wait3A_2163 : memref<1x32xf32, #tpu.memory_space<vmem_shared>> -> memref<32xf32, #tpu.memory_space<vmem_shared>>
      tpu.wait_dma2 semaphore(%arg24 : memref<!tpu.dma_semaphore, #tpu.memory_space<semaphore_mem>>) src(%dma_wait3A_2164 : memref<32xf32, #tpu.memory_space<vmem_shared>>) dst(%dma_wait3A_2161 : memref<32xf32, #tpu.memory_space<vmem>>)
      %dma_wait3A_2165 = arith.constant 11 : i32
      %dma_wait3A_2166 = arith.constant 352 : i32
      %dma_wait3A_2167 = tpu.memref_slice %arg20[%dma_wait3A_2166] : memref<512xf32, #tpu.memory_space<vmem>> -> memref<32xf32, #tpu.memory_space<vmem>>
      %dma_wait3A_2168 = arith.constant 0 : i32
      %dma_wait3A_2169 = tpu.memref_slice %arg22[%dma_wait3A_2165, %dma_wait3A_2168] : memref<32x1024xf32, #tpu.memory_space<vmem_shared>> -> memref<1x32xf32, #tpu.memory_space<vmem_shared>>
      %dma_wait3A_2170 = tpu.memref_squeeze %dma_wait3A_2169 : memref<1x32xf32, #tpu.memory_space<vmem_shared>> -> memref<32xf32, #tpu.memory_space<vmem_shared>>
      %dma_wait3A_2171 = arith.constant 352 : i32
      %dma_wait3A_2172 = tpu.memref_slice %arg20[%dma_wait3A_2171] : memref<512xf32, #tpu.memory_space<vmem>> -> memref<32xf32, #tpu.memory_space<vmem>>
      %dma_wait3A_2173 = arith.constant 0 : i32
      %dma_wait3A_2174 = tpu.memref_slice %arg22[%dma_wait3A_2165, %dma_wait3A_2173] : memref<32x1024xf32, #tpu.memory_space<vmem_shared>> -> memref<1x32xf32, #tpu.memory_space<vmem_shared>>
      %dma_wait3A_2175 = tpu.memref_squeeze %dma_wait3A_2174 : memref<1x32xf32, #tpu.memory_space<vmem_shared>> -> memref<32xf32, #tpu.memory_space<vmem_shared>>
      tpu.wait_dma2 semaphore(%arg24 : memref<!tpu.dma_semaphore, #tpu.memory_space<semaphore_mem>>) src(%dma_wait3A_2175 : memref<32xf32, #tpu.memory_space<vmem_shared>>) dst(%dma_wait3A_2172 : memref<32xf32, #tpu.memory_space<vmem>>)
      %dma_wait3A_2176 = arith.constant 12 : i32
      %dma_wait3A_2177 = arith.constant 384 : i32
      %dma_wait3A_2178 = tpu.memref_slice %arg20[%dma_wait3A_2177] : memref<512xf32, #tpu.memory_space<vmem>> -> memref<32xf32, #tpu.memory_space<vmem>>
      %dma_wait3A_2179 = arith.constant 0 : i32
      %dma_wait3A_2180 = tpu.memref_slice %arg22[%dma_wait3A_2176, %dma_wait3A_2179] : memref<32x1024xf32, #tpu.memory_space<vmem_shared>> -> memref<1x32xf32, #tpu.memory_space<vmem_shared>>
      %dma_wait3A_2181 = tpu.memref_squeeze %dma_wait3A_2180 : memref<1x32xf32, #tpu.memory_space<vmem_shared>> -> memref<32xf32, #tpu.memory_space<vmem_shared>>
      %dma_wait3A_2182 = arith.constant 384 : i32
      %dma_wait3A_2183 = tpu.memref_slice %arg20[%dma_wait3A_2182] : memref<512xf32, #tpu.memory_space<vmem>> -> memref<32xf32, #tpu.memory_space<vmem>>
      %dma_wait3A_2184 = arith.constant 0 : i32
      %dma_wait3A_2185 = tpu.memref_slice %arg22[%dma_wait3A_2176, %dma_wait3A_2184] : memref<32x1024xf32, #tpu.memory_space<vmem_shared>> -> memref<1x32xf32, #tpu.memory_space<vmem_shared>>
      %dma_wait3A_2186 = tpu.memref_squeeze %dma_wait3A_2185 : memref<1x32xf32, #tpu.memory_space<vmem_shared>> -> memref<32xf32, #tpu.memory_space<vmem_shared>>
      tpu.wait_dma2 semaphore(%arg24 : memref<!tpu.dma_semaphore, #tpu.memory_space<semaphore_mem>>) src(%dma_wait3A_2186 : memref<32xf32, #tpu.memory_space<vmem_shared>>) dst(%dma_wait3A_2183 : memref<32xf32, #tpu.memory_space<vmem>>)
      %dma_wait3A_2187 = arith.constant 13 : i32
      %dma_wait3A_2188 = arith.constant 416 : i32
      %dma_wait3A_2189 = tpu.memref_slice %arg20[%dma_wait3A_2188] : memref<512xf32, #tpu.memory_space<vmem>> -> memref<32xf32, #tpu.memory_space<vmem>>
      %dma_wait3A_2190 = arith.constant 0 : i32
      %dma_wait3A_2191 = tpu.memref_slice %arg22[%dma_wait3A_2187, %dma_wait3A_2190] : memref<32x1024xf32, #tpu.memory_space<vmem_shared>> -> memref<1x32xf32, #tpu.memory_space<vmem_shared>>
      %dma_wait3A_2192 = tpu.memref_squeeze %dma_wait3A_2191 : memref<1x32xf32, #tpu.memory_space<vmem_shared>> -> memref<32xf32, #tpu.memory_space<vmem_shared>>
      %dma_wait3A_2193 = arith.constant 416 : i32
      %dma_wait3A_2194 = tpu.memref_slice %arg20[%dma_wait3A_2193] : memref<512xf32, #tpu.memory_space<vmem>> -> memref<32xf32, #tpu.memory_space<vmem>>
      %dma_wait3A_2195 = arith.constant 0 : i32
      %dma_wait3A_2196 = tpu.memref_slice %arg22[%dma_wait3A_2187, %dma_wait3A_2195] : memref<32x1024xf32, #tpu.memory_space<vmem_shared>> -> memref<1x32xf32, #tpu.memory_space<vmem_shared>>
      %dma_wait3A_2197 = tpu.memref_squeeze %dma_wait3A_2196 : memref<1x32xf32, #tpu.memory_space<vmem_shared>> -> memref<32xf32, #tpu.memory_space<vmem_shared>>
      tpu.wait_dma2 semaphore(%arg24 : memref<!tpu.dma_semaphore, #tpu.memory_space<semaphore_mem>>) src(%dma_wait3A_2197 : memref<32xf32, #tpu.memory_space<vmem_shared>>) dst(%dma_wait3A_2194 : memref<32xf32, #tpu.memory_space<vmem>>)
      %dma_wait3A_2198 = arith.constant 14 : i32
      %dma_wait3A_2199 = arith.constant 448 : i32
      %dma_wait3A_2200 = tpu.memref_slice %arg20[%dma_wait3A_2199] : memref<512xf32, #tpu.memory_space<vmem>> -> memref<32xf32, #tpu.memory_space<vmem>>
      %dma_wait3A_2201 = arith.constant 0 : i32
      %dma_wait3A_2202 = tpu.memref_slice %arg22[%dma_wait3A_2198, %dma_wait3A_2201] : memref<32x1024xf32, #tpu.memory_space<vmem_shared>> -> memref<1x32xf32, #tpu.memory_space<vmem_shared>>
      %dma_wait3A_2203 = tpu.memref_squeeze %dma_wait3A_2202 : memref<1x32xf32, #tpu.memory_space<vmem_shared>> -> memref<32xf32, #tpu.memory_space<vmem_shared>>
      %dma_wait3A_2204 = arith.constant 448 : i32
      %dma_wait3A_2205 = tpu.memref_slice %arg20[%dma_wait3A_2204] : memref<512xf32, #tpu.memory_space<vmem>> -> memref<32xf32, #tpu.memory_space<vmem>>
      %dma_wait3A_2206 = arith.constant 0 : i32
      %dma_wait3A_2207 = tpu.memref_slice %arg22[%dma_wait3A_2198, %dma_wait3A_2206] : memref<32x1024xf32, #tpu.memory_space<vmem_shared>> -> memref<1x32xf32, #tpu.memory_space<vmem_shared>>
      %dma_wait3A_2208 = tpu.memref_squeeze %dma_wait3A_2207 : memref<1x32xf32, #tpu.memory_space<vmem_shared>> -> memref<32xf32, #tpu.memory_space<vmem_shared>>
      tpu.wait_dma2 semaphore(%arg24 : memref<!tpu.dma_semaphore, #tpu.memory_space<semaphore_mem>>) src(%dma_wait3A_2208 : memref<32xf32, #tpu.memory_space<vmem_shared>>) dst(%dma_wait3A_2205 : memref<32xf32, #tpu.memory_space<vmem>>)
      %dma_wait3A_2209 = arith.constant 15 : i32
      %dma_wait3A_2210 = arith.constant 480 : i32
      %dma_wait3A_2211 = tpu.memref_slice %arg20[%dma_wait3A_2210] : memref<512xf32, #tpu.memory_space<vmem>> -> memref<32xf32, #tpu.memory_space<vmem>>
      %dma_wait3A_2212 = arith.constant 0 : i32
      %dma_wait3A_2213 = tpu.memref_slice %arg22[%dma_wait3A_2209, %dma_wait3A_2212] : memref<32x1024xf32, #tpu.memory_space<vmem_shared>> -> memref<1x32xf32, #tpu.memory_space<vmem_shared>>
      %dma_wait3A_2214 = tpu.memref_squeeze %dma_wait3A_2213 : memref<1x32xf32, #tpu.memory_space<vmem_shared>> -> memref<32xf32, #tpu.memory_space<vmem_shared>>
      %dma_wait3A_2215 = arith.constant 480 : i32
      %dma_wait3A_2216 = tpu.memref_slice %arg20[%dma_wait3A_2215] : memref<512xf32, #tpu.memory_space<vmem>> -> memref<32xf32, #tpu.memory_space<vmem>>
      %dma_wait3A_2217 = arith.constant 0 : i32
      %dma_wait3A_2218 = tpu.memref_slice %arg22[%dma_wait3A_2209, %dma_wait3A_2217] : memref<32x1024xf32, #tpu.memory_space<vmem_shared>> -> memref<1x32xf32, #tpu.memory_space<vmem_shared>>
      %dma_wait3A_2219 = tpu.memref_squeeze %dma_wait3A_2218 : memref<1x32xf32, #tpu.memory_space<vmem_shared>> -> memref<32xf32, #tpu.memory_space<vmem_shared>>
      tpu.wait_dma2 semaphore(%arg24 : memref<!tpu.dma_semaphore, #tpu.memory_space<semaphore_mem>>) src(%dma_wait3A_2219 : memref<32xf32, #tpu.memory_space<vmem_shared>>) dst(%dma_wait3A_2216 : memref<32xf32, #tpu.memory_space<vmem>>)
      %scan3A_2220 = arith.constant 0 : i32
      %scan3A_2221 = arith.constant 16 : i32
      %scan3A_2222 = arith.addi %scan3A_2220, %scan3A_2221 : i32
      %scan3A_2223 = arith.constant 1 : i32
      %scan3A_2224:2 = scf.for %scan3A_2239 = %scan3A_2220 to %scan3A_2222 step %scan3A_2223 iter_args(%scan3A_2240 = %broadcast_in_dim3A_1215, %scan3A_2241 = %broadcast_in_dim3A_1215) -> (vector<16xf32>, vector<16xf32>)  : i32 {
        %mul3A_2242 = arith.constant 2 : i32
        %mul3A_2243 = arith.muli %scan3A_2239, %mul3A_2242 : i32
        %mul3A_2244 = arith.constant 16 : i32
        %mul3A_2245 = arith.muli %mul3A_2243, %mul3A_2244 : i32
        %get3A_2246 = arith.index_cast %mul3A_2245 : i32 to index
        %get3A_2247 = tpu.vector_load %arg20[%get3A_2246] {strides = array<i32>} : memref<512xf32, #tpu.memory_space<vmem>>, vector<16xf32>,
        %add3A_2248 = arith.addf %scan3A_2240, %get3A_2247 : vector<16xf32>
        %mul3A_2249 = arith.constant 2 : i32
        %mul3A_2250 = arith.muli %scan3A_2239, %mul3A_2249 : i32
        %mul3A_2251 = arith.constant 16 : i32
        %mul3A_2252 = arith.muli %mul3A_2250, %mul3A_2251 : i32
        %add3A_2253 = arith.constant 16 : i32
        %add3A_2254 = arith.addi %mul3A_2252, %add3A_2253 : i32
        %get3A_2255 = arith.index_cast %add3A_2254 : i32 to index
        %get3A_2256 = tpu.vector_load %arg20[%get3A_2255] {strides = array<i32>} : memref<512xf32, #tpu.memory_space<vmem>>, vector<16xf32>,
        %add3A_2257 = arith.addf %scan3A_2241, %get3A_2256 : vector<16xf32>
        scf.yield %add3A_2248, %add3A_2257 : vector<16xf32>, vector<16xf32>
      }
      %scan3A_2225 = arith.constant 16 : i32
      %reduce_sum3A = arith.constant true
      %reduce_sum3A_2226 = vector.broadcast %reduce_sum3A : i1 to vector<16xi1>
      %reduce_sum3A_2227 = tpu.scan <sum>, %scan3A_2224#0 masked %reduce_sum3A_2226 : vector<16xf32>, vector<16xi1> -> vector<16xf32>
      %reduce_sum3A_2228 = vector.extract %reduce_sum3A_2227[15] : f32 from vector<16xf32>
      %broadcast_in_dim3A_2229 = vector.broadcast %reduce_sum3A_2228 : f32 to vector<16xf32>
      %reduce_sum3A_2230 = arith.constant true
      %reduce_sum3A_2231 = vector.broadcast %reduce_sum3A_2230 : i1 to vector<16xi1>
      %reduce_sum3A_2232 = tpu.scan <sum>, %scan3A_2224#1 masked %reduce_sum3A_2231 : vector<16xf32>, vector<16xi1> -> vector<16xf32>
      %reduce_sum3A_2233 = vector.extract %reduce_sum3A_2232[15] : f32 from vector<16xf32>
      %broadcast_in_dim3A_2234 = vector.broadcast %reduce_sum3A_2233 : f32 to vector<16xf32>
      %swap3A_2235 = arith.constant 0 : index
      %swap3A_2236 = tpu.vector_load %arg21[%swap3A_2235] {strides = array<i32>} : memref<32xf32, #tpu.memory_space<vmem>>, vector<16xf32>,
      tpu.vector_store %arg21[%swap3A_2235], %broadcast_in_dim3A_2229 {strides = array<i32>} : memref<32xf32, #tpu.memory_space<vmem>>, vector<16xf32>,
      %swap3A_2237 = arith.constant 16 : index
      %swap3A_2238 = tpu.vector_load %arg21[%swap3A_2237] {strides = array<i32>} : memref<32xf32, #tpu.memory_space<vmem>>, vector<16xf32>,
      tpu.vector_store %arg21[%swap3A_2237], %broadcast_in_dim3A_2234 {strides = array<i32>} : memref<32xf32, #tpu.memory_space<vmem>>, vector<16xf32>,
      "tpu.region"() ({
        %run_scoped3A = tpu.sem_alloc : memref<!tpu.dma_semaphore, #tpu.memory_space<semaphore_mem>>
        %dma_start3A_2239 = arith.constant 0 : i32
        %dma_start3A_2240 = tpu.memref_slice %arg5[%arg0, %dma_start3A_2239] : memref<2x32xf32, #tpu.memory_space<hbm>> -> memref<1x32xf32, #tpu.memory_space<hbm>>
        %dma_start3A_2241 = tpu.memref_squeeze %dma_start3A_2240 : memref<1x32xf32, #tpu.memory_space<hbm>> -> memref<32xf32, #tpu.memory_space<hbm>>
        %dma_start3A_2242 = arith.constant 0 : i32
        %dma_start3A_2243 = tpu.memref_slice %arg5[%arg0, %dma_start3A_2242] : memref<2x32xf32, #tpu.memory_space<hbm>> -> memref<1x32xf32, #tpu.memory_space<hbm>>
        %dma_start3A_2244 = tpu.memref_squeeze %dma_start3A_2243 : memref<1x32xf32, #tpu.memory_space<hbm>> -> memref<32xf32, #tpu.memory_space<hbm>>
        tpu.enqueue_dma source(%arg21 : memref<32xf32, #tpu.memory_space<vmem>>) target(%dma_start3A_2244 : memref<32xf32, #tpu.memory_space<hbm>>) target_semaphore(%run_scoped3A : memref<!tpu.dma_semaphore, #tpu.memory_space<semaphore_mem>>)
        %dma_wait3A_2245 = arith.constant 0 : i32
        %dma_wait3A_2246 = tpu.memref_slice %arg5[%arg0, %dma_wait3A_2245] : memref<2x32xf32, #tpu.memory_space<hbm>> -> memref<1x32xf32, #tpu.memory_space<hbm>>
        %dma_wait3A_2247 = tpu.memref_squeeze %dma_wait3A_2246 : memref<1x32xf32, #tpu.memory_space<hbm>> -> memref<32xf32, #tpu.memory_space<hbm>>
        %dma_wait3A_2248 = arith.constant 0 : i32
        %dma_wait3A_2249 = tpu.memref_slice %arg5[%arg0, %dma_wait3A_2248] : memref<2x32xf32, #tpu.memory_space<hbm>> -> memref<1x32xf32, #tpu.memory_space<hbm>>
        %dma_wait3A_2250 = tpu.memref_squeeze %dma_wait3A_2249 : memref<1x32xf32, #tpu.memory_space<hbm>> -> memref<32xf32, #tpu.memory_space<hbm>>
        tpu.wait_dma2 semaphore(%run_scoped3A : memref<!tpu.dma_semaphore, #tpu.memory_space<semaphore_mem>>) src(%arg21 : memref<32xf32, #tpu.memory_space<vmem>>) dst(%dma_wait3A_2250 : memref<32xf32, #tpu.memory_space<hbm>>)
        tpu.yield
      }) : () -> ()
    } else {
    }
    return
  }
}

</mosaic_0001>

<sc_bundles>
// kernel: kernel.3.cloned.1.call-start
scs
__scs_entry_jumppad:
0x0: {  	(pc) =	sbr.rel $0x88, $3  }
0x1: {  	(tag) =	ssettag $0x0;
	lr =	simm.s32 $0x1  }
0x2: {  	[smem:$0x3F9E] =	sst lr;
	_ =	strace $0xD0000000  }
0x3: {  	_ = 	snop  }
0x4: {  	_ = 	snop  }
0x5: {  	_ = 	snop  }
0x6: {  	_ = 	snop  }
0x7: {  	_ = 	snop  }
__scs_overlays_trampoline_lowered:
0x8: {  	[smem:$0x3FAD] =	sst s0  }
0x9: {  	[smem:$0x3FAE] =	sst s1  }
0xa: {  	[smem:$0x3FAF] =	sst s2  }
0xb: {  	[smem:$0x3FB0] =	sst s3  }
0xc: {  	[smem:$0x3FB1] =	sst s4  }
0xd: {  	[smem:$0x3FB2] =	sst s5  }
0xe: {  	[smem:$0x3FB3] =	sst s6  }
0xf: {  	[smem:$0x3FB4] =	sst s7  }
0x10: {  	[smem:$0x3FB5] =	sst s8  }
0x11: {  	[smem:$0x3FB6] =	sst s9;
	s0 =	simm.s32 @!p0 $0x0  }
0x12: {  	s1 =	sld [smem:$0x3F9C];
	s0 =	simm.s32 @p0 $0x1  }
0x13: {  	[smem:$0x3FB7] =	sst s0;
	s0 =	simm.s32 @!p1 $0x0  }
0x14: {  	s2 =	sld [smem:$0x3F9B];
	s0 =	simm.s32 @p1 $0x1  }
0x15: {  	[smem:$0x3FB8] =	sst s0;
	s0 =	simm.s32 @!p2 $0x0  }
0x16: {  	s3 =	sld [smem:$0x3FDB];
	s0 =	simm.s32 @p2 $0x1  }
0x17: {  	s4 =	simm.s32 $0x1BF5;
	[smem:$0x3FBA] =	sst s0  }
0x18: {  	s0 =	sld [smem:$0x3F9D];
	_ =	swait.ge [sflag:s4], $0x0  }
0x19: {  	s7 =	sld [smem:$0x3F9E]  }
0x1a: {  	s8 =	sadd.s32 $0xFFFFE003, lr  }
0x1b: {  	s9 =	sadd.s32 $0xFFFFFEF7, lr;
	s5 =	simm.s32 $0xFFFFFFFF;
	p2 =	slt.u32 s8, $0xFFFFF086  }
0x1c: {  	p1 =	slt.u32 s9, $0xF7A;
	s5 =	simm.s32 @!p2 $0x0  }
0x1d: {  	s5 =	simm.s32 @p1 $0x1;
	p0 =	seq.s32 s7, s2  }
0x1e: {  	s7 =	smul.u32 @!p0 $0xF7A, s2;
	p2 =	seq.s32 @!p0 s5, $0x0  }
0x1f: {  	s9 =	smul.u32 $0xF7A, s1;
	s8 =	simm.s32 @!p0 $0x1BF5;
	p2 =	por !p2, p0  }
0x20: {  	[sflag:s8] =	ssyncset.s32 @!p0 $0xFFFFF086;
	s6 =	sadd.s32 @!p0 s3, s7;
	s7 =	simm.s32 @!p0 $0x108  }
0x21: {  	s3 =	sadd.s32 s3, s9;
	s6 =	sadd.s32 @!p0 $0x88, s6;
	s7 =	simm.s32 @p2 $0x1082  }
0x22: {  	[simem:s7], [sflag:s8] =	dma.local @!p0 [hbm:s6], $0xF7A  }
0x23: {  	s9 =	sor.u32 $0xD0000000, s2;
	s6 =	simm.s32 $0x108;
	_ =	swait.ge @!p0 [sflag:s8], $0x0  }
0x24: {  	s3 =	sadd.s32 $0x88, s3;
	s6 =	simm.s32 @!p1 $0x1082;
	[sflag:s4] =	ssyncset.s32 $0xFFFFF086  }
0x25: {  	[simem:s6], [sflag:s4] =	dma.local [hbm:s3], $0xF7A  }
0x26: {  	[smem:$0x3F9E] =	sst s1;
	(tag) =	ssettag s2;
	_ =	strace s9  }
0x27: {  	s1 =	sld [smem:$0x3FAE]  }
0x28: {  	s2 =	sld [smem:$0x3FAF]  }
0x29: {  	s4 =	sld [smem:$0x3FB1]  }
0x2a: {  	p0 =	seq.s32 s5, $0x0;
	s5 =	sld [smem:$0x3FB2]  }
0x2b: {  	s6 =	sld [smem:$0x3FB3]  }
0x2c: {  	s7 =	sld [smem:$0x3FB4]  }
0x2d: {  	s3 =	simm.s32 $0x108;
	s8 =	sld [smem:$0x3FB5]  }
0x2e: {  	s3 =	simm.s32 @!p0 $0x1082;
	s9 =	sld [smem:$0x3FB6]  }
0x2f: {  	lr =	sadd.s32 s0, s3;
	s0 =	sld [smem:$0x3FAD]  }
0x30: {  	s3 =	sld [smem:$0x3FB0]  }
0x31: {  	[smem:$0x3FB9] =	sst s10  }
0x32: {  	s10 =	sld [smem:$0x3FB7];
	_ =	sdelay $0x3  }
0x33: {  	p0 =	seq.s32 s10, $0x1;
	s10 =	sld [smem:$0x3FB9];
	_ =	sdelay $0x3  }
0x34: {  	[smem:$0x3FB9] =	sst s10  }
0x35: {  	s10 =	sld [smem:$0x3FB8];
	_ =	sdelay $0x3  }
0x36: {  	p1 =	seq.s32 s10, $0x1;
	s10 =	sld [smem:$0x3FB9];
	_ =	sdelay $0x3  }
0x37: {  	[smem:$0x3FB9] =	sst s10  }
0x38: {  	s10 =	sld [smem:$0x3FBA]  }
0x39: {  	_ = 	snop;
	(pc) =	sbr.ind lr, $3  }
0x3a: {  	_ = 	snop  }
0x3b: {  	_ = 	snop  }
0x3c: {  	p2 =	seq.s32 s10, $0x1;
	s10 =	sld [smem:$0x3FB9]  }
0x3d: {  	_ =	shalt  }
0x3e: {  	_ =	shalt  }
0x3f: {  	_ =	shalt  }
0x40: {  	_ =	shalt  }
0x41: {  	_ =	shalt  }
0x42: {  	_ =	shalt  }
0x43: {  	_ =	shalt  }
0x44: {  	_ =	shalt  }
0x45: {  	_ =	shalt  }
0x46: {  	_ =	shalt  }
0x47: {  	_ =	shalt  }
0x48: {  	_ =	shalt  }
0x49: {  	_ =	shalt  }
0x4a: {  	_ =	shalt  }
0x4b: {  	_ =	shalt  }
0x4c: {  	_ =	shalt  }
0x4d: {  	_ =	shalt  }
0x4e: {  	_ =	shalt  }
0x4f: {  	_ =	shalt  }
0x50: {  	_ =	shalt  }
0x51: {  	_ =	shalt  }
0x52: {  	_ =	shalt  }
0x53: {  	_ =	shalt  }
0x54: {  	_ =	shalt  }
0x55: {  	_ =	shalt  }
0x56: {  	_ =	shalt  }
0x57: {  	_ =	shalt  }
0x58: {  	_ =	shalt  }
0x59: {  	_ =	shalt  }
0x5a: {  	_ =	shalt  }
0x5b: {  	_ =	shalt  }
0x5c: {  	_ =	shalt  }
0x5d: {  	_ =	shalt  }
0x5e: {  	_ =	shalt  }
0x5f: {  	_ =	shalt  }
0x60: {  	_ =	shalt  }
0x61: {  	_ =	shalt  }
0x62: {  	_ =	shalt  }
0x63: {  	_ =	shalt  }
0x64: {  	_ =	shalt  }
0x65: {  	_ =	shalt  }
0x66: {  	_ =	shalt  }
0x67: {  	_ =	shalt  }
0x68: {  	_ =	shalt  }
0x69: {  	_ =	shalt  }
0x6a: {  	_ =	shalt  }
0x6b: {  	_ =	shalt  }
0x6c: {  	_ =	shalt  }
0x6d: {  	_ =	shalt  }
0x6e: {  	_ =	shalt  }
0x6f: {  	_ =	shalt  }
0x70: {  	_ =	shalt  }
0x71: {  	_ =	shalt  }
0x72: {  	_ =	shalt  }
0x73: {  	_ =	shalt  }
0x74: {  	_ =	shalt  }
0x75: {  	_ =	shalt  }
0x76: {  	_ =	shalt  }
0x77: {  	_ =	shalt  }
0x78: {  	_ =	shalt  }
0x79: {  	_ =	shalt  }
0x7a: {  	_ =	shalt  }
0x7b: {  	_ =	shalt  }
0x7c: {  	_ =	shalt  }
0x7d: {  	_ =	shalt  }
0x7e: {  	_ =	shalt  }
0x7f: {  	_ =	shalt  }
0x80: {  	_ =	shalt  }
0x81: {  	_ =	shalt  }
0x82: {  	_ =	shalt  }
0x83: {  	_ =	shalt  }
0x84: {  	_ =	shalt  }
0x85: {  	_ =	shalt  }
0x86: {  	_ =	shalt  }
0x87: {  	_ =	shalt  }
.Lfunc_end0:
.L_simem_size_0:
called_computation_lowered:
.L_overlay_start_0:
0x88: {  	s2 =	sld [smem:$0x3FD9]  }
0x89: {  	s3 =	sld [smem:$0x3FFE];
	_ =	sdelay $0x1  }
0x8a: {  	s1 =	srdreg.scid  }
0x8b: {  	s0 =	sand.u32 $0x1, s1  }
0x8c: {  	s17 =	sshll.u32 s0, $0xA;
	s2 =	sadd.s32 s3, s2  }
0x8d: {  	s2 =	sadd.s32 s2, s17  }
0x8e: {  	[smem:$0x3FC5] =	sst s2  }
0x8f: {  	_ = 	snop  }
0x90: {  	s2 =	sld [smem:$0x3FC9];
	(tm) =	ssettm $0x1  }
0x91: {  	s18 =	sld [smem:$0x3FFB];
	_ =	sdelay $0x3  }
0x92: {  	_ =	strace s18  }
0x93: {  	s3 =	sld [smem:$0x3FFC];
	_ =	sdelay $0x3  }
0x94: {  	_ =	strace s3  }
0x95: {  	s3 =	sld [smem:$0x3FFD];
	_ =	sdelay $0x3  }
0x96: {  	_ =	strace s3  }
0x97: {  	_ =	strace $0x8FFFFFFF  }
0x98: {  	s19 =	sld [smem:$0x3FDB];
	_ =	sdelay $0x1  }
0x99: {  	s4 =	simm.s32 $_scs_section_size  }
0x9a: {  	s5 =	simm.s32 $_size__tile_overlayer_lowered;
	s6 =	simm.s32 $_tile_overlayer_lowered  }
0x9b: {  	s22 =	simm.s32 $0x1BFF;
	s21 =	sshll.u32 s6, $0x1;
	s3 =	sadd.s32 s4, s19  }
0x9c: {  	s7 =	simm.s32 $0x0;
	s20 =	sshll.u32 s5, $0x1;
	s5 =	sadd.s32 s21, s3  }
0x9d: {  	[timem:s7], [sflag:s22] =	dma.local [hbm:s5], s20  }
0x9e: {  	_ =	swait.ge [sflag:s22], s20  }
0x9f: {  	s4 =	ssub.s32 $0x0, s20;
	[sflag:s22] =	ssyncset.done $0x0  }
0xa0: {  	[sflag:s22] =	ssyncadd.s32 s4;
	_ =	sdelay $0x1  }
0xa1: {  	s23 =	simm.s32 $0x1B8B  }
0xa2: {  	_ =	swait.ge [sflag:s23], $0x1  }
0xa3: {  	[sflag:s23] =	ssyncset.done $0x0  }
0xa4: {  	s25 =	simm.s32 $0x1B8E;
	s24 =	sld [smem:$0x3FFE];
	[sflag:s23] =	ssyncadd.s32 $0xFFFFFFFF  }
0xa5: {  	s26 =	simm.s32 $execute0_lowered;
	[smem:$0x3FD2] =	sst s25  }
0xa6: {  	s5 =	sshll.u32 s26, $0x1;
	_ =	strace $0x80000046;
	[dreg:$0x1] =	wrdreg $0xFFFFFFFF  }
0xa7: {  	s28 =	simm.s32 $_size_execute0_lowered;
	s3 =	sadd.s32 s3, s5;
	[dreg:$0x0] =	wrdreg $0x0  }
0xa8: {  	s5 =	sshll.u32 s28, $0x1;
	[dreg:$0x2] =	wrdreg s3  }
0xa9: {  	[dreg:$0x3] =	wrdreg s5  }
0xaa: {  	[dreg:$0x4] =	wrdreg $0xC0  }
0xab: {  	_ =	task [dreg:s7], $0x5FFFF  }
0xac: {  	[dreg:$0x1] =	wrdreg $0xFFFFFFFF  }
0xad: {  	[dreg:$0x0] =	wrdreg $0x60  }
0xae: {  	[dreg:$0x2] =	wrdreg s2  }
0xaf: {  	[dreg:$0x3] =	wrdreg s24  }
0xb0: {  	[dreg:$0x4] =	wrdreg $0x1E3800  }
0xb1: {  	[dreg:$0x5] =	wrdreg $0x9  }
0xb2: {  	_ =	task.clear_ibuf [dreg:s7], $0x6FFFF;
	_ =	strace $0x90000046  }
0xb3: {  	s29 =	simm.s32 $0x9;
	_ =	strace $0x80000048  }
0xb4: {  	_ =	swait.ge [sflag:s29], $0x1  }
0xb5: {  	[sflag:s29] =	ssyncadd.s32 $0xFFFFFFFF  }
0xb6: {  	_ =	strace $0x90000048  }
0xb7: {  	_ =	sfence  }
0xb8: {  	s30 =	sld [smem:$0x0];
	_ =	sdelay $0x2  }
0xb9: {  	s31 =	sshll.u32 s1, $0xD;
	s1 =	sshrl.u32 s1, $0x2  }
0xba: {  	s3 =	sand.u32 $0x4000, s31;
	s1 =	sadd.s32 s1, s30  }
0xbb: {  	s0 =	sor.u32 s3, s0;
	s1 =	sshll.u32 s1, $0x11  }
0xbc: {  	s0 =	sor.u32 s1, s0  }
0xbd: {  	s0 =	sadd.s32 $0x8F2B, s0  }
0xbe: {  	[sflag:s0] =	ssyncadd.remote.s32 $0x1  }
0xbf: {  	_ =	sfence.sel $0xFFFF  }
0xc0: {  	[dreg:$0x0] =	wrdreg $0xFFFFFFFF;
	(pc) =	sbr.abs _section_cstart, $3  }
0xc1: {  	[dreg:$0x1] =	wrdreg $0xFFFFFFFF  }
0xc2: {  	_ =	task.clear_ibuf [dreg:s7], $0x2FFFF;
	_ =	strace $0x9FFFFFFF  }
0xc3: {  	(tm) =	ssettm $0x7FFFFFFF  }
tec
execute0_lowered:
.L_overlay_start_1:
0x0: {  	(tag) =	ssettag $0x1  }
0x1: {  	s3 =	rddreg [dreg:$0x0]  }
0x2: {  	s4 =	rddreg [dreg:$0x1]  }
0x3: {  	s0 =	srdreg.scid;
	s13 =	rddreg [dreg:$0x2]  }
0x4: {  	s8 =	simm.s32 $0x1;
	s1 =	sand.u32 $0x1, s0;
	s0 =	stileid.u32  }
0x5: {  	s25 =	sadd.s32 $0xE00, s4;
	s10 =	sadd.s32 $0x600, s4;
	s2 =	sshll.u32 s1, $0xD  }
0x6: {  	s5 =	sshll.u32 s0, $0x9;
	s11 =	ssub.s32 $0x2, s1;
	s12 =	sshll.u32 s0, $0x7  }
0x7: {  	s18 =	sshll.u32 s0, $0x6;
	s6 =	sor.u32 s5, s2;
	s7 =	sand.u32 $0xE00, s5  }
0x8: {  	s2 =	simm.s32 $0x0;
	s26 =	sshrl.u32 s11, $0x1;
	s15 =	sadd.s32 s25, s12  }
0x9: {  	s16 =	sadd.s32 s10, s12;
	p0 =	seq.s32 s6, $0x0;
	p1 =	sne.s32 s7, $0x0  }
0xa: {  	s19 =	sand.u32 $0x1C00, s5;
	[smem:$0x7FF] =	sst s2;
	p0 =	por !p0, !p1  }
0xb: {  	s9 =	sshrl.u32 s6, $0xC;
	s7 =	sshll.u32 s7, $0xA;
	p0 =	por !p0, !p0  }
0xc: {  	_ =	strace $0x80000047;
	[dreg:$0x6] =	wrdreg s15;
	s8 =	simm.s32 @!p0 $0x0  }
0xd: {  	s6 =	sshrl.u32 s6, $0x3;
	[dreg:$0x7] =	wrdreg s16;
	s8 =	ssub.s32 s9, s8  }
0xe: {  	s9 =	sadd.s32 s25, s6;
	s6 =	sadd.s32 s10, s6;
	s10 =	sadd.s32 s19, s13  }
0xf: {  	s8 =	sshll.u32 s8, $0x16;
	[dreg:$0x8] =	wrdreg s9;
	s9 =	sand.u32 $0x40, s18  }
0x10: {  	s7 =	sor.u32 s7, s8;
	s8 =	ssub.s32 s11, s26;
	s11 =	sadd.s32 s9, s10  }
0x11: {  	[dreg:$0x9] =	wrdreg s6;
	s20 =	sadd.s32 $0x80, s11  }
0x12: {  	s21 =	sadd.s32 $0x100, s11;
	[dreg:$0xa] =	wrdreg s20  }
0x13: {  	s22 =	sadd.s32 $0x180, s11;
	[dreg:$0xb] =	wrdreg s21  }
0x14: {  	s5 =	sor.u32 s5, s9;
	s9 =	sadd.s32 $0x2100, s11;
	[dreg:$0xc] =	wrdreg s22  }
0x15: {  	s10 =	sadd.s32 $0x2180, s11;
	[dreg:$0x13] =	wrdreg s9  }
0x16: {  	s15 =	smax.u32 s8, $0x1;
	[dreg:$0x14] =	wrdreg s10  }
0x17: {  	s17 =	sshll.u32 s0, $0xA;
	s16 =	sadd.s32 $0x2200, s11;
	[dreg:$0x16] =	wrdreg s15  }
0x18: {  	s6 =	sand.u32 $0x2000, s17;
	s17 =	sadd.s32 $0x2280, s11;
	[dreg:$0x17] =	wrdreg s16  }
0x19: {  	s23 =	sor.u32 $0x200, s5;
	s18 =	sadd.s32 $0x2300, s11;
	[dreg:$0x18] =	wrdreg s17  }
0x1a: {  	s24 =	sor.u32 $0x280, s5;
	s19 =	sadd.s32 $0x2380, s11;
	[dreg:$0x19] =	wrdreg s18  }
0x1b: {  	s25 =	sor.u32 $0x300, s5;
	s8 =	sadd.s32 $0x6100, s13;
	[dreg:$0x1a] =	wrdreg s19  }
0x1c: {  	s5 =	sor.u32 $0x380, s5;
	s26 =	sadd.s32 s25, s13;
	[smem:$0x7E8] =	sst s8  }
0x1d: {  	s5 =	sadd.s32 s5, s13;
	[dreg:$0xf] =	wrdreg s26  }
0x1e: {  	s21 =	sadd.s32 $0x4000, s13;
	[dreg:$0x10] =	wrdreg s5  }
0x1f: {  	s22 =	sadd.s32 $0x4080, s13;
	[dreg:$0x1c] =	wrdreg s21  }
0x20: {  	s25 =	sadd.s32 $0x4200, s13;
	[dreg:$0x1d] =	wrdreg s22  }
0x21: {  	s9 =	sadd.s32 $0x6180, s13;
	[smem:$0x7E2] =	sst s25  }
0x22: {  	s10 =	sadd.s32 $0x6200, s13;
	[smem:$0x7E9] =	sst s9  }
0x23: {  	s15 =	sadd.s32 $0x6300, s13;
	[smem:$0x7EA] =	sst s10  }
0x24: {  	s16 =	sadd.s32 $0x6380, s13;
	[smem:$0x7EC] =	sst s15  }
0x25: {  	s18 =	sadd.s32 $0x80, s13;
	[smem:$0x7ED] =	sst s16  }
0x26: {  	s7 =	sshrl.u32 s7, $0x3;
	s19 =	sadd.s32 $0x100, s13;
	[smem:$0x7EF] =	sst s18  }
0x27: {  	s3 =	sadd.s32 s3, s7;
	s8 =	sadd.s32 $0x300, s13;
	[smem:$0x7F0] =	sst s19  }
0x28: {  	s7 =	sadd.s32 $0x1000, s3;
	[smem:$0x7F4] =	sst s8  }
0x29: {  	s14 =	sadd.s32 $0x2000, s3;
	[dreg:$0x4] =	wrdreg s7  }
0x2a: {  	s1 =	sshll.u32 s1, $0x4;
	s26 =	sadd.s32 $0x4280, s13;
	[dreg:$0x5] =	wrdreg s14  }
0x2b: {  	s1 =	sadd.s32 s1, s4;
	s5 =	sadd.s32 $0x4380, s13;
	[smem:$0x7E3] =	sst s26  }
0x2c: {  	s4 =	simm.s32 $0x1;
	s17 =	sadd.s32 $0x3000, s3;
	[smem:$0x7E5] =	sst s5  }
0x2d: {  	p0 =	sne.s32 s0, $0x0;
	s9 =	sadd.s32 $0x380, s13;
	[smem:$0x7EE] =	sst s17  }
0x2e: {  	s6 =	sadd.s32 s6, s13;
	s10 =	sadd.s32 $0x2000, s13;
	[smem:$0x7F5] =	sst s9  }
0x2f: {  	s21 =	sadd.s32 $0x4000, s3;
	s15 =	sadd.s32 $0x2100, s13;
	[smem:$0x7F6] =	sst s10  }
0x30: {  	s22 =	sadd.s32 $0x5000, s3;
	s16 =	sadd.s32 $0x2180, s13;
	[smem:$0x7F8] =	sst s15  }
0x31: {  	s25 =	sadd.s32 $0x7000, s3;
	s18 =	sadd.s32 $0x2280, s13;
	[smem:$0x7F9] =	sst s16  }
0x32: {  	s28 =	sadd.s32 $0x9000, s3;
	s19 =	sadd.s32 $0x2300, s13;
	[smem:$0x7FB] =	sst s18  }
0x33: {  	s29 =	sadd.s32 $0xA000, s3;
	s14 =	sadd.s32 $0x1600, s1;
	[smem:$0x7FC] =	sst s19  }
0x34: {  	s30 =	sadd.s32 $0xB000, s3;
	s1 =	sadd.s32 $0x4300, s13;
	[dreg:$0x15] =	wrdreg s14  }
0x35: {  	v0 =	vimm.f32 $0.0e+00;
	v1 =	vlaneseq.u32;
	s7 =	sand.u32 $0x380, s12;
	s17 =	sadd.s32 $0x2200, s13;
	[smem:$0x7E4] =	sst s1  }
0x36: {  	v2 =	vimm.s32 $0x2380;
	vm0 =	vcmask $0x300;
	v3 =	vimm.s32 $0x6380;
	s12 =	sadd.s32 s7, s6;
	s6 =	sadd.s32 s23, s13;
	[smem:$0x7FA] =	sst s17  }
0x37: {  	vm1 =	vcmask $0x704;
	v2 =	vsel vm0, $0x0, v2;
	v3 =	vsel vm0, $0x4000, v3;
	s31 =	sadd.s32 $0xC000, s3;
	s7 =	sadd.s32 $0x2080, s11;
	[dreg:$0xd] =	wrdreg s6  }
0x38: {  	vm15 =	vcmask $0xB08;
	v2 =	vsel vm1, $0x80, v2;
	v3 =	vsel vm1, $0x4080, v3;
	s0 =	sadd.s32 $0xD000, s3;
	s23 =	sadd.s32 $0x4100, s13;
	[dreg:$0x12] =	wrdreg s7  }
0x39: {  	vm4 =	vcmask $0xF0C;
	v2 =	vsel vm15, $0x100, v2;
	v3 =	vsel vm15, $0x4100, v3;
	s8 =	simm.s32 $0x3;
	s14 =	sadd.s32 $0x6280, s13;
	[dreg:$0x1e] =	wrdreg s23  }
0x3a: {  	vm5 =	vcmask $0x1310;
	v2 =	vsel vm4, $0x180, v2;
	v3 =	vsel vm4, $0x4180, v3;
	s26 =	sadd.s32 $0x8000, s3;
	s6 =	sadd.s32 s24, s13;
	[smem:$0x7EB] =	sst s14  }
0x3b: {  	vm6 =	vcmask $0x1714;
	v2 =	vsel vm5, $0x200, v2;
	v3 =	vsel vm5, $0x4200, v3;
	s5 =	simm.s32 $0xC00;
	s20 =	sadd.s32 $0x4000, s12;
	[dreg:$0xe] =	wrdreg s6  }
0x3c: {  	vm7 =	vcmask $0x1B18;
	v2 =	vsel vm6, $0x280, v2;
	v3 =	vsel vm6, $0x4280, v3;
	s9 =	simm.s32 $0x400;
	s24 =	sadd.s32 $0x4180, s13;
	[dreg:$0x1b] =	wrdreg s20  }
0x3d: {  	vm8 =	vcmask $0x1F1C;
	v2 =	vsel vm7, $0x300, v2;
	v3 =	vsel vm7, $0x4300, v3;
	s10 =	simm.s32 $0x2;
	s7 =	sadd.s32 $0x6080, s13;
	[dreg:$0x1f] =	wrdreg s24  }
0x3e: {  	vm9 =	vcmask $0x2320;
	v2 =	vsel vm8, $0x380, v2;
	v3 =	vsel vm8, $0x4380, v3;
	s1 =	sadd.s32 $0xF000, s3;
	s14 =	sadd.s32 $0x2080, s13;
	[smem:$0x7E7] =	sst s7  }
0x3f: {  	vm10 =	vcmask $0x2724;
	v2 =	vsel vm9, $0x2000, v2;
	v3 =	vsel vm9, $0x6000, v3;
	s23 =	sadd.s32 $0x6000, s3;
	s6 =	sadd.s32 $0x2000, s11;
	[smem:$0x7F7] =	sst s14  }
0x40: {  	vm11 =	vcmask $0x2B28;
	v2 =	vsel vm10, $0x2080, v2;
	v3 =	vsel vm10, $0x6080, v3;
	s24 =	sadd.s32 $0xE000, s3;
	s20 =	sadd.s32 $0x180, s13;
	[dreg:$0x11] =	wrdreg s6  }
.Ltmp0:
0x41: {  	vm12 =	vcmask $0x2F2C;
	v2 =	vsel vm11, $0x2100, v2;
	v3 =	vsel vm11, $0x6100, v3;
	s7 =	sadd.s32 $0x280, s13;
	[smem:$0x7F1] =	sst s20;
	(pc) =	sbr.rel .LBB2_1-.Ltmp0, $4  }
0x42: {  	vm13 =	vcmask $0x3330;
	v2 =	vsel vm12, $0x2180, v2;
	v3 =	vsel vm12, $0x6180, v3;
	s14 =	simm.s32 $0x0;
	s6 =	sadd.s32 $0x6000, s13;
	[smem:$0x7F3] =	sst s7  }
0x43: {  	vm14 =	vcmask $0x3734;
	v2 =	vsel vm13, $0x2200, v2;
	v3 =	vsel vm13, $0x6200, v3;
	s20 =	sadd.s32 $0x2380, s13;
	s7 =	simm.s32 $0x10C00;
	[smem:$0x7E6] =	sst s6  }
0x44: {  	vm15 =	vcmask $0x3B38;
	v2 =	vsel vm14, $0x2280, v2;
	v3 =	vsel vm14, $0x6280, v3;
	s6 =	sadd.s32 $0x200, s13;
	[smem:$0x7FD] =	sst s20;
	s13 =	simm.s32 $0x1DC80  }
0x45: {  	v1 =	vmul.u32 $0x400, v1;
	v47 =	vsel vm15, $0x2300, v2;
	v3 =	vsel vm15, $0x6300, v3;
	s20 =	simm.s32 $0x0;
	[smem:$0x7F2] =	sst s6;
	s6 =	simm.s32 $0x8C00  }
.LBB2_11:
0x46: {  	s14 =	sadd.s32 $0x1, s14;
	s15 =	rddreg [dreg:$0x16]  }
0x47: {  	p1 =	sne.s32 s14, s15  }
.Ltmp1:
0x48: {  	_ = 	snop;
	(pc) =	sbr.rel @!p1 .LBB2_12-.Ltmp1, $1  }
0x49: {  	_ =	sdelay $0x3  }
.LBB2_1:
0x4a: {  	[tilespmem:s5], [sflag:$0x1] =	stream.linear.gather [hbm4b:s3+s2], $0x8000, $0x38;
	[tilespmem:$0x1EB80] =	vst v63  }
0x4b: {  	s15 =	rddreg [dreg:$0x4]  }
0x4c: {  	[tilespmem:s6], [sflag:$0x1] =	stream.linear.gather [hbm4b:s15+s2], $0x8000, $0x38;
	[tilespmem:$0x1EB80] =	vst v63  }
0x4d: {  	s18 =	rddreg [dreg:$0x5]  }
0x4e: {  	[tilespmem:s7], [sflag:$0x1] =	stream.linear.gather [hbm4b:s18+s2], $0x8000, $0x38;
	[tilespmem:$0x1EB80] =	vst v63  }
0x4f: {  	s19 =	rddreg [dreg:$0x6]  }
0x50: {  	[tilespmem:s2], [sflag:$0x3] =	stream.linear.gather [hbm4b:s19+s2], $0x400, $0x38;
	[tilespmem:$0x1EB80] =	vst v63  }
0x51: {  	_ =	swait.ge [sflag:s8], $0x400  }
0x52: {  	[sflag:s8] =	ssyncset.done $0x0  }
0x53: {  	s16 =	rddreg [dreg:$0x7];
	[sflag:s8] =	ssyncadd.s32 $0xFFFFFC00  }
0x54: {  	[tilespmem:s9], [sflag:$0x3] =	stream.linear.gather [hbm4b:s16+s2], $0x400, $0x38;
	[tilespmem:$0x1EB80] =	vst v63  }
0x55: {  	_ =	swait.ge [sflag:s8], $0x400  }
0x56: {  	[sflag:s8] =	ssyncset.done $0x0  }
0x57: {  	s16 =	simm.s32 $0x800;
	s17 =	rddreg [dreg:$0x8];
	[sflag:s8] =	ssyncadd.s32 $0xFFFFFC00  }
0x58: {  	[tilespmem:s16], [sflag:$0x3] =	stream.linear.gather [hbm4b:s17+s2], $0x200, $0x38;
	[tilespmem:$0x1EB80] =	vst v63  }
0x59: {  	_ =	swait.ge [sflag:s8], $0x200  }
0x5a: {  	[sflag:s8] =	ssyncset.done $0x0  }
0x5b: {  	s19 =	simm.s32 $0xA00;
	s18 =	rddreg [dreg:$0x9];
	[sflag:s8] =	ssyncadd.s32 $0xFFFFFE00  }
0x5c: {  	[tilespmem:s19], [sflag:$0x3] =	stream.linear.gather [hbm4b:s18+s2], $0x200, $0x38;
	[tilespmem:$0x1EB80] =	vst v63  }
0x5d: {  	_ =	swait.ge [sflag:s8], $0x200  }
0x5e: {  	[sflag:s8] =	ssyncset.done $0x0  }
0x5f: {  	s15 =	simm.s32 $0x18C40;
	[sflag:s8] =	ssyncadd.s32 $0xFFFFFE00  }
0x60: {  	[tilespmem:s15+$0xFFFFFFC0] =	vst v0  }
0x61: {  	[tilespmem:s15+$0x30] =	vst v0  }
0x62: {  	[tilespmem:s15+$0x20] =	vst v0  }
0x63: {  	[tilespmem:s15+$0x10] =	vst v0  }
0x64: {  	[tilespmem:s15+$0x0] =	vst v0  }
0x65: {  	[tilespmem:s15+$0xFFFFFFF0] =	vst v0  }
0x66: {  	s16 =	simm.s32 $0x420;
	s17 =	simm.s32 $0x20;
	s19 =	simm.s32 $0x0;
	[tilespmem:s15+$0xFFFFFFE0] =	vst v0  }
.LBB2_2:
0x67: {  	s19 =	sadd.s32 $0x8, s19;
	[tilespmem:s15+$0xFFFFFFD0] =	vst v0;
	s15 =	sadd.s32 $0x80, s15;
	s18 =	simm.s32 $0xFFFFFFFC  }
0x68: {  	[tilespmem:s15+$0xFFFFFFC0] =	vst v0;
	p1 =	slt.u32 s19, $0x3F8  }
0x69: {  	[tilespmem:s15+$0x30] =	vst v0  }
.Ltmp2:
0x6a: {  	[tilespmem:s15+$0x20] =	vst v0;
	(pc) =	sbr.rel @p1 .LBB2_2-.Ltmp2, $4  }
0x6b: {  	[tilespmem:s15+$0x10] =	vst v0  }
0x6c: {  	[tilespmem:s15+$0x0] =	vst v0  }
0x6d: {  	[tilespmem:s15+$0xFFFFFFF0] =	vst v0  }
0x6e: {  	[tilespmem:s15+$0xFFFFFFE0] =	vst v0  }
0x6f: {  	[tilespmem:s15+$0xFFFFFFD0] =	vst v0  }
.LBB2_4:
0x70: {  	v2 =	vld [tilespmem:s17+$0xFFFFFFE0];
	_ =	sdelay $0x4  }
0x71: {  	v4 =	vld [tilespmem:s16+$0xFFFFFFE0];
	v2 =	vadd.s32 v1, v2;
	_ =	sdelay $0x3  }
0x72: {  	s19 =	simm.s32 $0x18C00  }
0x73: {  	[tilespmem:v2+s19+$0x0] =	vst.idx.add.f32.msk $0xffff, v4  }
0x74: {  	v2 =	vld [tilespmem:s17+$0xFFFFFFF0];
	_ =	sdelay $0x4  }
0x75: {  	v4 =	vld [tilespmem:s16+$0xFFFFFFF0];
	v2 =	vadd.s32 v1, v2;
	_ =	sdelay $0x4  }
0x76: {  	[tilespmem:v2+s19+$0x0] =	vst.idx.add.f32.msk $0xffff, v4  }
0x77: {  	v2 =	vld [tilespmem:s17+$0x0];
	_ =	sdelay $0x4  }
0x78: {  	v4 =	vld [tilespmem:s16+$0x0];
	v2 =	vadd.s32 v1, v2;
	_ =	sdelay $0x4  }
0x79: {  	[tilespmem:v2+s19+$0x0] =	vst.idx.add.f32.msk $0xffff, v4  }
0x7a: {  	v2 =	vld [tilespmem:s17+$0x10];
	_ =	sdelay $0x3  }
0x7b: {  	s18 =	sadd.s32 $0x4, s18  }
0x7c: {  	p1 =	slt.u32 s18, $0x3C;
	v4 =	vld [tilespmem:s16+$0x10];
	v2 =	vadd.s32 v1, v2  }
.Ltmp3:
0x7d: {  	_ = 	snop;
	(pc) =	sbr.rel @p1 .LBB2_4-.Ltmp3, $2  }
0x7e: {  	_ =	sdelay $0x2  }
0x7f: {  	s15 =	simm.s32 $0x1CC00;
	s16 =	sadd.s32 $0x40, s16;
	s17 =	sadd.s32 $0x40, s17;
	[tilespmem:v2+s19+$0x0] =	vst.idx.add.f32.msk $0xffff, v4  }
0x80: {  	v2 =	vld [tilespmem:s19+$0x0]  }
0x81: {  	s16 =	sand.u32 $0x3F0, s20  }
0x82: {  	v4 =	vld [tilespmem:s16+$0x19000];
	_ =	sdelay $0x1  }
0x83: {  	v5 =	vld [tilespmem:s16+$0x19400]  }
0x84: {  	v2 =	vadd.f32 $0.0e+00, v2  }
0x85: {  	v6 =	vld [tilespmem:s16+$0x19800]  }
0x86: {  	v2 =	vadd.f32 v4, v2  }
0x87: {  	v4 =	vld [tilespmem:s16+$0x19C00]  }
0x88: {  	v2 =	vadd.f32 v5, v2  }
0x89: {  	v5 =	vld [tilespmem:s16+$0x1A000]  }
0x8a: {  	v2 =	vadd.f32 v6, v2  }
0x8b: {  	v60 =	vld [tilespmem:s16+$0x1A400]  }
0x8c: {  	v2 =	vadd.f32 v4, v2  }
0x8d: {  	v4 =	vld [tilespmem:s16+$0x1A800]  }
0x8e: {  	v2 =	vadd.f32 v5, v2  }
0x8f: {  	v5 =	vld [tilespmem:s16+$0x1AC00]  }
0x90: {  	v2 =	vadd.f32 v60, v2  }
0x91: {  	v61 =	vld [tilespmem:s16+$0x1B000]  }
0x92: {  	v2 =	vadd.f32 v4, v2  }
0x93: {  	v4 =	vld [tilespmem:s16+$0x1B400]  }
0x94: {  	v2 =	vadd.f32 v5, v2  }
0x95: {  	v5 =	vld [tilespmem:s16+$0x1B800]  }
0x96: {  	v2 =	vadd.f32 v61, v2  }
0x97: {  	v62 =	vld [tilespmem:s16+$0x1BC00]  }
0x98: {  	v2 =	vadd.f32 v4, v2  }
0x99: {  	v4 =	vld [tilespmem:s16+$0x1C000]  }
0x9a: {  	v2 =	vadd.f32 v5, v2  }
0x9b: {  	v5 =	vld [tilespmem:s16+$0x1C400]  }
0x9c: {  	v2 =	vadd.f32 v62, v2  }
0x9d: {  	v63 =	vld [tilespmem:s16+$0x1C800]  }
0x9e: {  	v2 =	vadd.f32 v4, v2;
	_ =	sdelay $0x1  }
0x9f: {  	v2 =	vadd.f32 v5, v2;
	_ =	sdelay $0x1  }
0xa0: {  	v2 =	vadd.f32 v63, v2;
	_ =	sdelay $0x1  }
0xa1: {  	s16 =	simm.s32 $0x18C10;
	[tilespmem:s15+$0x0] =	vst v2  }
0xa2: {  	s17 =	simm.s32 $0x10;
	s18 =	simm.s32 $0x20;
	v2 =	vld [tilespmem:s16+$0x0]  }
.LBB2_6:
0xa3: {  	p1 =	sne.s32 s18, $0x3F0;
	s19 =	sand.u32 $0x3F0, s17;
	s17 =	smov.u32 s18  }
0xa4: {  	v4 =	vld [tilespmem:s19+$0x19000];
	_ =	sdelay $0x1  }
0xa5: {  	v5 =	vld [tilespmem:s19+$0x19400]  }
0xa6: {  	v2 =	vadd.f32 $0.0e+00, v2  }
0xa7: {  	v6 =	vld [tilespmem:s19+$0x19800]  }
0xa8: {  	v2 =	vadd.f32 v4, v2  }
0xa9: {  	v4 =	vld [tilespmem:s19+$0x19C00]  }
0xaa: {  	v2 =	vadd.f32 v5, v2  }
0xab: {  	v5 =	vld [tilespmem:s19+$0x1A000]  }
0xac: {  	v2 =	vadd.f32 v6, v2  }
0xad: {  	v6 =	vld [tilespmem:s19+$0x1A400]  }
0xae: {  	v2 =	vadd.f32 v4, v2  }
0xaf: {  	v4 =	vld [tilespmem:s19+$0x1A800]  }
0xb0: {  	v2 =	vadd.f32 v5, v2  }
0xb1: {  	v5 =	vld [tilespmem:s19+$0x1AC00]  }
0xb2: {  	v2 =	vadd.f32 v6, v2  }
0xb3: {  	v6 =	vld [tilespmem:s19+$0x1B000]  }
0xb4: {  	v2 =	vadd.f32 v4, v2  }
0xb5: {  	v4 =	vld [tilespmem:s19+$0x1B400]  }
0xb6: {  	v2 =	vadd.f32 v5, v2  }
0xb7: {  	v5 =	vld [tilespmem:s19+$0x1B800]  }
0xb8: {  	v2 =	vadd.f32 v6, v2  }
0xb9: {  	v6 =	vld [tilespmem:s19+$0x1BC00]  }
0xba: {  	v2 =	vadd.f32 v4, v2  }
0xbb: {  	v4 =	vld [tilespmem:s19+$0x1C000]  }
0xbc: {  	v2 =	vadd.f32 v5, v2  }
0xbd: {  	v5 =	vld [tilespmem:s19+$0x1C400]  }
0xbe: {  	v2 =	vadd.f32 v6, v2  }
0xbf: {  	v6 =	vld [tilespmem:s19+$0x1C800]  }
0xc0: {  	v2 =	vadd.f32 v4, v2;
	_ =	sdelay $0x1  }
0xc1: {  	v2 =	vadd.f32 v5, v2  }
.Ltmp4:
0xc2: {  	(pc) =	sbr.rel @p1 .LBB2_6-.Ltmp4, $4  }
0xc3: {  	v2 =	vadd.f32 v6, v2  }
0xc4: {  	s15 =	sadd.s32 $0x10, s15  }
0xc5: {  	s16 =	sadd.s32 $0x10, s16;
	[tilespmem:s15+$0x0] =	vst v2  }
0xc6: {  	s18 =	sadd.s32 $0x10, s18;
	v2 =	vld [tilespmem:s16+$0x0]  }
0xc7: {  	s16 =	sand.u32 $0x3F0, s17  }
0xc8: {  	v4 =	vld [tilespmem:s16+$0x19000];
	_ =	sdelay $0x1  }
0xc9: {  	v5 =	vld [tilespmem:s16+$0x19400]  }
0xca: {  	v2 =	vadd.f32 $0.0e+00, v2  }
0xcb: {  	v6 =	vld [tilespmem:s16+$0x19800]  }
0xcc: {  	v2 =	vadd.f32 v4, v2  }
0xcd: {  	v4 =	vld [tilespmem:s16+$0x19C00]  }
0xce: {  	v2 =	vadd.f32 v5, v2  }
0xcf: {  	v5 =	vld [tilespmem:s16+$0x1A000]  }
0xd0: {  	v2 =	vadd.f32 v6, v2  }
0xd1: {  	v55 =	vld [tilespmem:s16+$0x1A400]  }
0xd2: {  	v2 =	vadd.f32 v4, v2  }
0xd3: {  	v4 =	vld [tilespmem:s16+$0x1A800]  }
0xd4: {  	v2 =	vadd.f32 v5, v2  }
0xd5: {  	v5 =	vld [tilespmem:s16+$0x1AC00]  }
0xd6: {  	v2 =	vadd.f32 v55, v2  }
0xd7: {  	v56 =	vld [tilespmem:s16+$0x1B000]  }
0xd8: {  	v2 =	vadd.f32 v4, v2  }
0xd9: {  	v4 =	vld [tilespmem:s16+$0x1B400]  }
0xda: {  	v2 =	vadd.f32 v5, v2  }
0xdb: {  	v5 =	vld [tilespmem:s16+$0x1B800]  }
0xdc: {  	v2 =	vadd.f32 v56, v2  }
0xdd: {  	v57 =	vld [tilespmem:s16+$0x1BC00]  }
0xde: {  	v2 =	vadd.f32 v4, v2  }
0xdf: {  	v4 =	vld [tilespmem:s16+$0x1C000]  }
0xe0: {  	v2 =	vadd.f32 v5, v2  }
0xe1: {  	v5 =	vld [tilespmem:s16+$0x1C400]  }
0xe2: {  	v2 =	vadd.f32 v57, v2  }
0xe3: {  	v58 =	vld [tilespmem:s16+$0x1C800]  }
0xe4: {  	v2 =	vadd.f32 v4, v2;
	_ =	sdelay $0x1  }
0xe5: {  	v2 =	vadd.f32 v5, v2;
	_ =	sdelay $0x1  }
0xe6: {  	v2 =	vadd.f32 v58, v2  }
0xe7: {  	s15 =	sadd.s32 $0x10, s15  }
0xe8: {  	s18 =	simm.s32 $0x80;
	s19 =	simm.s32 $0x1CC00;
	[tilespmem:s15+$0x0] =	vst v2  }
0xe9: {  	[spmem:s12] =	stream.strided.scatter [tilespmem:s19], [sflag:$0x3], $0x400, s9, s18, $0x38;
	[tilespmem:$0x1EB80] =	vst v63  }
0xea: {  	_ =	swait.ge [sflag:s8], $0x400  }
0xeb: {  	[sflag:s8] =	ssyncset.done $0x0  }
0xec: {  	[sflag:s8] =	ssyncadd.s32 $0xFFFFFC00  }
0xed: {  	s17 =	simm.s32 $0x1D000;
	[bflag:$0x0] =	sbarrier.arrive $0xFFFF  }
0xee: {  	[tilespmem:s17], [sflag:$0x2] =	stream.linear.gather [spmem:s11], $0x40, $0x38;
	[tilespmem:$0x1EB80] =	vst v63  }
0xef: {  	s19 =	simm.s32 $0x1D080;
	s18 =	rddreg [dreg:$0xa]  }
0xf0: {  	[tilespmem:s19], [sflag:$0x2] =	stream.linear.gather [spmem:s18], $0x40, $0x38;
	[tilespmem:$0x1EB80] =	vst v63  }
0xf1: {  	s16 =	rddreg [dreg:$0xb];
	s17 =	simm.s32 $0x1D100  }
0xf2: {  	[tilespmem:s17], [sflag:$0x2] =	stream.linear.gather [spmem:s16], $0x40, $0x38;
	[tilespmem:$0x1EB80] =	vst v63  }
0xf3: {  	s18 =	rddreg [dreg:$0xc];
	s19 =	simm.s32 $0x1D180  }
0xf4: {  	[tilespmem:s19], [sflag:$0x2] =	stream.linear.gather [spmem:s18], $0x40, $0x38;
	[tilespmem:$0x1EB80] =	vst v63  }
0xf5: {  	s16 =	rddreg [dreg:$0xd];
	s17 =	simm.s32 $0x1D200  }
0xf6: {  	[tilespmem:s17], [sflag:$0x2] =	stream.linear.gather [spmem:s16], $0x40, $0x38;
	[tilespmem:$0x1EB80] =	vst v63  }
0xf7: {  	s18 =	rddreg [dreg:$0xe];
	s19 =	simm.s32 $0x1D280  }
0xf8: {  	[tilespmem:s19], [sflag:$0x2] =	stream.linear.gather [spmem:s18], $0x40, $0x38;
	[tilespmem:$0x1EB80] =	vst v63  }
0xf9: {  	s16 =	rddreg [dreg:$0xf];
	s17 =	simm.s32 $0x1D300  }
0xfa: {  	[tilespmem:s17], [sflag:$0x2] =	stream.linear.gather [spmem:s16], $0x40, $0x38;
	[tilespmem:$0x1EB80] =	vst v63  }
0xfb: {  	s18 =	rddreg [dreg:$0x10];
	s19 =	simm.s32 $0x1D380  }
0xfc: {  	[tilespmem:s19], [sflag:$0x2] =	stream.linear.gather [spmem:s18], $0x40, $0x38;
	[tilespmem:$0x1EB80] =	vst v63  }
0xfd: {  	s16 =	rddreg [dreg:$0x11];
	s17 =	simm.s32 $0x1D400  }
0xfe: {  	[tilespmem:s17], [sflag:$0x2] =	stream.linear.gather [spmem:s16], $0x40, $0x38;
	[tilespmem:$0x1EB80] =	vst v63  }
0xff: {  	s18 =	rddreg [dreg:$0x12];
	s19 =	simm.s32 $0x1D480  }
0x100: {  	[tilespmem:s19], [sflag:$0x2] =	stream.linear.gather [spmem:s18], $0x40, $0x38;
	[tilespmem:$0x1EB80] =	vst v63  }
0x101: {  	s16 =	rddreg [dreg:$0x13];
	s17 =	simm.s32 $0x1D500  }
0x102: {  	[tilespmem:s17], [sflag:$0x2] =	stream.linear.gather [spmem:s16], $0x40, $0x38;
	[tilespmem:$0x1EB80] =	vst v63  }
0x103: {  	s18 =	rddreg [dreg:$0x14];
	s19 =	simm.s32 $0x1D580  }
0x104: {  	[tilespmem:s19], [sflag:$0x2] =	stream.linear.gather [spmem:s18], $0x40, $0x38;
	[tilespmem:$0x1EB80] =	vst v63  }
0x105: {  	s16 =	rddreg [dreg:$0x17];
	s17 =	simm.s32 $0x1D600  }
0x106: {  	[tilespmem:s17], [sflag:$0x2] =	stream.linear.gather [spmem:s16], $0x40, $0x38;
	[tilespmem:$0x1EB80] =	vst v63  }
0x107: {  	s18 =	rddreg [dreg:$0x18];
	s19 =	simm.s32 $0x1D680  }
0x108: {  	[tilespmem:s19], [sflag:$0x2] =	stream.linear.gather [spmem:s18], $0x40, $0x38;
	[tilespmem:$0x1EB80] =	vst v63  }
0x109: {  	s16 =	rddreg [dreg:$0x19];
	s17 =	simm.s32 $0x1D700  }
0x10a: {  	[tilespmem:s17], [sflag:$0x2] =	stream.linear.gather [spmem:s16], $0x40, $0x38;
	[tilespmem:$0x1EB80] =	vst v63  }
0x10b: {  	s18 =	rddreg [dreg:$0x1a];
	s19 =	simm.s32 $0x1D780  }
0x10c: {  	[tilespmem:s19], [sflag:$0x2] =	stream.linear.gather [spmem:s18], $0x40, $0x38;
	[tilespmem:$0x1EB80] =	vst v63  }
0x10d: {  	_ =	swait.ge [sflag:s10], $0x40  }
0x10e: {  	[sflag:s10] =	ssyncset.done $0x0  }
0x10f: {  	[sflag:s10] =	ssyncadd.s32 $0xFFFFFFC0  }
0x110: {  	_ =	swait.ge [sflag:s10], $0x40  }
0x111: {  	[sflag:s10] =	ssyncset.done $0x0  }
0x112: {  	[sflag:s10] =	ssyncadd.s32 $0xFFFFFFC0  }
0x113: {  	_ =	swait.ge [sflag:s10], $0x40  }
0x114: {  	[sflag:s10] =	ssyncset.done $0x0  }
0x115: {  	[sflag:s10] =	ssyncadd.s32 $0xFFFFFFC0  }
0x116: {  	_ =	swait.ge [sflag:s10], $0x40  }
0x117: {  	[sflag:s10] =	ssyncset.done $0x0  }
0x118: {  	[sflag:s10] =	ssyncadd.s32 $0xFFFFFFC0  }
0x119: {  	_ =	swait.ge [sflag:s10], $0x40  }
0x11a: {  	[sflag:s10] =	ssyncset.done $0x0  }
0x11b: {  	[sflag:s10] =	ssyncadd.s32 $0xFFFFFFC0  }
0x11c: {  	_ =	swait.ge [sflag:s10], $0x40  }
0x11d: {  	[sflag:s10] =	ssyncset.done $0x0  }
0x11e: {  	[sflag:s10] =	ssyncadd.s32 $0xFFFFFFC0  }
0x11f: {  	_ =	swait.ge [sflag:s10], $0x40  }
0x120: {  	[sflag:s10] =	ssyncset.done $0x0  }
0x121: {  	[sflag:s10] =	ssyncadd.s32 $0xFFFFFFC0  }
0x122: {  	_ =	swait.ge [sflag:s10], $0x40  }
0x123: {  	[sflag:s10] =	ssyncset.done $0x0  }
0x124: {  	[sflag:s10] =	ssyncadd.s32 $0xFFFFFFC0  }
0x125: {  	_ =	swait.ge [sflag:s10], $0x40  }
0x126: {  	[sflag:s10] =	ssyncset.done $0x0  }
0x127: {  	[sflag:s10] =	ssyncadd.s32 $0xFFFFFFC0  }
0x128: {  	_ =	swait.ge [sflag:s10], $0x40  }
0x129: {  	[sflag:s10] =	ssyncset.done $0x0  }
0x12a: {  	[sflag:s10] =	ssyncadd.s32 $0xFFFFFFC0  }
0x12b: {  	_ =	swait.ge [sflag:s10], $0x40  }
0x12c: {  	[sflag:s10] =	ssyncset.done $0x0  }
0x12d: {  	[sflag:s10] =	ssyncadd.s32 $0xFFFFFFC0  }
0x12e: {  	_ =	swait.ge [sflag:s10], $0x40  }
0x12f: {  	[sflag:s10] =	ssyncset.done $0x0  }
0x130: {  	[sflag:s10] =	ssyncadd.s32 $0xFFFFFFC0  }
0x131: {  	_ =	swait.ge [sflag:s10], $0x40  }
0x132: {  	[sflag:s10] =	ssyncset.done $0x0  }
0x133: {  	[sflag:s10] =	ssyncadd.s32 $0xFFFFFFC0  }
0x134: {  	_ =	swait.ge [sflag:s10], $0x40  }
0x135: {  	[sflag:s10] =	ssyncset.done $0x0  }
0x136: {  	[sflag:s10] =	ssyncadd.s32 $0xFFFFFFC0  }
0x137: {  	_ =	swait.ge [sflag:s10], $0x40  }
0x138: {  	[sflag:s10] =	ssyncset.done $0x0  }
0x139: {  	[sflag:s10] =	ssyncadd.s32 $0xFFFFFFC0  }
0x13a: {  	_ =	swait.ge [sflag:s10], $0x40  }
0x13b: {  	[sflag:s10] =	ssyncset.done $0x0  }
0x13c: {  	[sflag:s10] =	ssyncadd.s32 $0xFFFFFFC0  }
0x13d: {  	v2 =	vld [tilespmem:$0x1D000]  }
0x13e: {  	v4 =	vld [tilespmem:$0x1D080]  }
0x13f: {  	v5 =	vld [tilespmem:$0x1D100]  }
0x140: {  	v59 =	vld [tilespmem:$0x1D180]  }
0x141: {  	v7 =	vld [tilespmem:$0x1D200]  }
0x142: {  	v8 =	vld [tilespmem:$0x1D280]  }
0x143: {  	v9 =	vld [tilespmem:$0x1D300]  }
0x144: {  	v10 =	vld [tilespmem:$0x1D380]  }
0x145: {  	v11 =	vld [tilespmem:$0x1D400]  }
0x146: {  	v12 =	vld [tilespmem:$0x1D480]  }
0x147: {  	v13 =	vld [tilespmem:$0x1D500]  }
0x148: {  	v14 =	vld [tilespmem:$0x1D580]  }
0x149: {  	v15 =	vld [tilespmem:$0x1D600]  }
0x14a: {  	v16 =	vld [tilespmem:$0x1D680]  }
0x14b: {  	v17 =	vld [tilespmem:$0x1D700]  }
0x14c: {  	v18 =	vld [tilespmem:$0x1D780]  }
0x14d: {  	v19 =	vld [tilespmem:$0x1D010]  }
0x14e: {  	v20 =	vld [tilespmem:$0x1D090]  }
0x14f: {  	v22 =	vld [tilespmem:$0x1D110]  }
0x150: {  	v23 =	vld [tilespmem:$0x1D190]  }
0x151: {  	v24 =	vld [tilespmem:$0x1D210]  }
0x152: {  	v25 =	vld [tilespmem:$0x1D290]  }
0x153: {  	v26 =	vld [tilespmem:$0x1D310]  }
0x154: {  	v27 =	vld [tilespmem:$0x1D390]  }
0x155: {  	v28 =	vld [tilespmem:$0x1D410]  }
0x156: {  	v29 =	vld [tilespmem:$0x1D490]  }
0x157: {  	v30 =	vld [tilespmem:$0x1D510]  }
0x158: {  	v31 =	vld [tilespmem:$0x1D590]  }
0x159: {  	v32 =	vld [tilespmem:$0x1D610]  }
0x15a: {  	v33 =	vld [tilespmem:$0x1D690]  }
0x15b: {  	v34 =	vld [tilespmem:$0x1D710]  }
0x15c: {  	v35 =	vld [tilespmem:$0x1D790]  }
0x15d: {  	v36 =	vld [tilespmem:$0x1D020]  }
0x15e: {  	v37 =	vld [tilespmem:$0x1D030]  }
0x15f: {  	v38 =	vld [tilespmem:$0x1D0A0]  }
0x160: {  	v39 =	vld [tilespmem:$0x1D0B0];
	v2 =	vadd.f32 $0.0e+00, v2  }
0x161: {  	v40 =	vld [tilespmem:$0x1D120];
	v19 =	vadd.f32 $0.0e+00, v19  }
0x162: {  	v60 =	vld [tilespmem:$0x1D130];
	v2 =	vadd.f32 v4, v2;
	v4 =	vadd.f32 $0.0e+00, v36  }
0x163: {  	v61 =	vld [tilespmem:$0x1D1A0];
	v37 =	vadd.f32 $0.0e+00, v37;
	v19 =	vadd.f32 v20, v19  }
0x164: {  	v2 =	vadd.f32 v5, v2;
	v4 =	vadd.f32 v38, v4;
	v5 =	vld [tilespmem:$0x1D1B0]  }
0x165: {  	v63 =	vld [tilespmem:$0x1D220];
	v62 =	vadd.f32 v39, v37;
	v19 =	vadd.f32 v22, v19  }
0x166: {  	v38 =	vld [tilespmem:$0x1D230];
	v2 =	vadd.f32 v59, v2;
	v4 =	vadd.f32 v40, v4  }
0x167: {  	v39 =	vld [tilespmem:$0x1D2A0];
	v22 =	vadd.f32 v60, v62;
	v19 =	vadd.f32 v23, v19  }
0x168: {  	v40 =	vld [tilespmem:$0x1D2B0];
	v2 =	vadd.f32 v7, v2;
	v4 =	vadd.f32 v61, v4  }
0x169: {  	v41 =	vld [tilespmem:$0x1D320];
	v19 =	vadd.f32 v24, v19;
	v5 =	vadd.f32 v5, v22  }
0x16a: {  	v42 =	vld [tilespmem:$0x1D330];
	v2 =	vadd.f32 v8, v2;
	v4 =	vadd.f32 v63, v4  }
0x16b: {  	v43 =	vld [tilespmem:$0x1D3A0];
	v19 =	vadd.f32 v25, v19;
	v5 =	vadd.f32 v38, v5  }
0x16c: {  	v44 =	vld [tilespmem:$0x1D3B0];
	v2 =	vadd.f32 v9, v2;
	v4 =	vadd.f32 v39, v4  }
0x16d: {  	v45 =	vld [tilespmem:$0x1D420];
	v19 =	vadd.f32 v26, v19;
	v5 =	vadd.f32 v40, v5  }
0x16e: {  	v46 =	vld [tilespmem:$0x1D430];
	v2 =	vadd.f32 v10, v2;
	v4 =	vadd.f32 v41, v4  }
0x16f: {  	v48 =	vld [tilespmem:$0x1D4A0];
	v19 =	vadd.f32 v27, v19;
	v5 =	vadd.f32 v42, v5  }
0x170: {  	v49 =	vld [tilespmem:$0x1D4B0];
	v2 =	vadd.f32 v11, v2;
	v4 =	vadd.f32 v43, v4  }
0x171: {  	v51 =	vld [tilespmem:$0x1D520];
	v50 =	vadd.f32 v28, v19;
	v5 =	vadd.f32 v44, v5  }
0x172: {  	v52 =	vld [tilespmem:$0x1D530];
	v2 =	vadd.f32 v12, v2;
	v4 =	vadd.f32 v45, v4  }
0x173: {  	v53 =	vld [tilespmem:$0x1D5A0];
	v11 =	vadd.f32 v29, v50;
	v5 =	vadd.f32 v46, v5  }
0x174: {  	v54 =	vld [tilespmem:$0x1D5B0];
	v2 =	vadd.f32 v13, v2;
	v4 =	vadd.f32 v48, v4  }
0x175: {  	v55 =	vld [tilespmem:$0x1D620];
	v11 =	vadd.f32 v30, v11;
	v5 =	vadd.f32 v49, v5  }
0x176: {  	v56 =	vld [tilespmem:$0x1D630];
	v2 =	vadd.f32 v14, v2;
	v4 =	vadd.f32 v51, v4  }
0x177: {  	v57 =	vld [tilespmem:$0x1D6A0];
	v11 =	vadd.f32 v31, v11;
	v5 =	vadd.f32 v52, v5  }
0x178: {  	v58 =	vld [tilespmem:$0x1D6B0];
	v2 =	vadd.f32 v15, v2;
	v4 =	vadd.f32 v53, v4  }
0x179: {  	v59 =	vld [tilespmem:$0x1D720];
	v11 =	vadd.f32 v32, v11;
	v5 =	vadd.f32 v54, v5  }
0x17a: {  	v60 =	vld [tilespmem:$0x1D730];
	v2 =	vadd.f32 v16, v2;
	v4 =	vadd.f32 v55, v4  }
0x17b: {  	v61 =	vld [tilespmem:$0x1D7A0];
	v11 =	vadd.f32 v33, v11;
	v5 =	vadd.f32 v56, v5  }
0x17c: {  	v62 =	vld [tilespmem:$0x1D7B0];
	v2 =	vadd.f32 v17, v2;
	v4 =	vadd.f32 v57, v4  }
0x17d: {  	v11 =	vadd.f32 v34, v11;
	v5 =	vadd.f32 v58, v5  }
0x17e: {  	v2 =	vadd.f32 v18, v2;
	v4 =	vadd.f32 v59, v4  }
0x17f: {  	v63 =	vadd.f32 v35, v11;
	v5 =	vadd.f32 v60, v5  }
0x180: {  	[tilespmem:$0x1D800] =	vst v2;
	v2 =	vadd.f32 v61, v4  }
0x181: {  	[tilespmem:$0x1D810] =	vst v63;
	v4 =	vadd.f32 v62, v5  }
0x182: {  	[tilespmem:$0x1D820] =	vst v2  }
0x183: {  	s17 =	simm.s32 $0x1D800;
	s16 =	rddreg [dreg:$0x1b];
	[tilespmem:$0x1D830] =	vst v4  }
0x184: {  	[spmem:s16] =	stream.linear.scatter [tilespmem:s17], [sflag:$0x3], $0x40, $0x38;
	[tilespmem:$0x1EB80] =	vst v63  }
0x185: {  	_ =	swait.ge [sflag:s8], $0x40  }
0x186: {  	[sflag:s8] =	ssyncset.done $0x0  }
0x187: {  	[sflag:s8] =	ssyncadd.s32 $0xFFFFFFC0  }
0x188: {  	[bflag:$0x0] =	sbarrier.arrive $0xFFFF  }
0x189: {  	s18 =	rddreg [dreg:$0x1c]  }
0x18a: {  	s19 =	simm.s32 $0x1D880;
	s16 =	rddreg [dreg:$0x1d]  }
0x18b: {  	[tilespmem:s19], [sflag:$0x2] =	stream.linear.gather [spmem:s18], $0x40, $0x38;
	[tilespmem:$0x1EB80] =	vst v63  }
0x18c: {  	s17 =	simm.s32 $0x1D8C0;
	s18 =	rddreg [dreg:$0x1e]  }
0x18d: {  	[tilespmem:s17], [sflag:$0x2] =	stream.linear.gather [spmem:s16], $0x40, $0x38;
	[tilespmem:$0x1EB80] =	vst v63  }
0x18e: {  	s19 =	simm.s32 $0x1D900;
	s16 =	rddreg [dreg:$0x1f]  }
0x18f: {  	[tilespmem:s19], [sflag:$0x2] =	stream.linear.gather [spmem:s18], $0x40, $0x38;
	[tilespmem:$0x1EB80] =	vst v63  }
0x190: {  	s17 =	simm.s32 $0x1D940;
	s18 =	sld [smem:$0x7E2]  }
0x191: {  	[tilespmem:s17], [sflag:$0x2] =	stream.linear.gather [spmem:s16], $0x40, $0x38;
	[tilespmem:$0x1EB80] =	vst v63  }
0x192: {  	s19 =	simm.s32 $0x1D980;
	s16 =	sld [smem:$0x7E3]  }
0x193: {  	[tilespmem:s19], [sflag:$0x2] =	stream.linear.gather [spmem:s18], $0x40, $0x38;
	[tilespmem:$0x1EB80] =	vst v63  }
0x194: {  	s17 =	simm.s32 $0x1D9C0;
	s18 =	sld [smem:$0x7E4]  }
0x195: {  	[tilespmem:s17], [sflag:$0x2] =	stream.linear.gather [spmem:s16], $0x40, $0x38;
	[tilespmem:$0x1EB80] =	vst v63  }
0x196: {  	s19 =	simm.s32 $0x1DA00;
	s16 =	sld [smem:$0x7E5]  }
0x197: {  	[tilespmem:s19], [sflag:$0x2] =	stream.linear.gather [spmem:s18], $0x40, $0x38;
	[tilespmem:$0x1EB80] =	vst v63  }
0x198: {  	s17 =	simm.s32 $0x1DA40;
	s18 =	sld [smem:$0x7E6]  }
0x199: {  	[tilespmem:s17], [sflag:$0x2] =	stream.linear.gather [spmem:s16], $0x40, $0x38;
	[tilespmem:$0x1EB80] =	vst v63  }
0x19a: {  	s19 =	simm.s32 $0x1DA80;
	s16 =	sld [smem:$0x7E7]  }
0x19b: {  	[tilespmem:s19], [sflag:$0x2] =	stream.linear.gather [spmem:s18], $0x40, $0x38;
	[tilespmem:$0x1EB80] =	vst v63  }
0x19c: {  	s17 =	simm.s32 $0x1DAC0;
	s18 =	sld [smem:$0x7E8]  }
0x19d: {  	[tilespmem:s17], [sflag:$0x2] =	stream.linear.gather [spmem:s16], $0x40, $0x38;
	[tilespmem:$0x1EB80] =	vst v63  }
0x19e: {  	s19 =	simm.s32 $0x1DB00;
	s16 =	sld [smem:$0x7E9]  }
0x19f: {  	[tilespmem:s19], [sflag:$0x2] =	stream.linear.gather [spmem:s18], $0x40, $0x38;
	[tilespmem:$0x1EB80] =	vst v63  }
0x1a0: {  	s17 =	simm.s32 $0x1DB40;
	s18 =	sld [smem:$0x7EA]  }
0x1a1: {  	[tilespmem:s17], [sflag:$0x2] =	stream.linear.gather [spmem:s16], $0x40, $0x38;
	[tilespmem:$0x1EB80] =	vst v63  }
0x1a2: {  	s19 =	simm.s32 $0x1DB80;
	s16 =	sld [smem:$0x7EB]  }
0x1a3: {  	[tilespmem:s19], [sflag:$0x2] =	stream.linear.gather [spmem:s18], $0x40, $0x38;
	[tilespmem:$0x1EB80] =	vst v63  }
0x1a4: {  	s17 =	simm.s32 $0x1DBC0;
	s18 =	sld [smem:$0x7EC]  }
0x1a5: {  	[tilespmem:s17], [sflag:$0x2] =	stream.linear.gather [spmem:s16], $0x40, $0x38;
	[tilespmem:$0x1EB80] =	vst v63  }
0x1a6: {  	s19 =	simm.s32 $0x1DC00;
	s17 =	sld [smem:$0x7ED]  }
0x1a7: {  	[tilespmem:s19], [sflag:$0x2] =	stream.linear.gather [spmem:s18], $0x40, $0x38;
	[tilespmem:$0x1EB80] =	vst v63  }
0x1a8: {  	s18 =	simm.s32 $0x1DC40  }
0x1a9: {  	[tilespmem:s18], [sflag:$0x2] =	stream.linear.gather [spmem:s17], $0x40, $0x38;
	[tilespmem:$0x1EB80] =	vst v63  }
0x1aa: {  	_ =	swait.ge [sflag:s10], $0x40  }
0x1ab: {  	[sflag:s10] =	ssyncset.done $0x0  }
0x1ac: {  	[sflag:s10] =	ssyncadd.s32 $0xFFFFFFC0  }
0x1ad: {  	_ =	swait.ge [sflag:s10], $0x40  }
0x1ae: {  	[sflag:s10] =	ssyncset.done $0x0  }
0x1af: {  	[sflag:s10] =	ssyncadd.s32 $0xFFFFFFC0  }
0x1b0: {  	_ =	swait.ge [sflag:s10], $0x40  }
0x1b1: {  	[sflag:s10] =	ssyncset.done $0x0  }
0x1b2: {  	[sflag:s10] =	ssyncadd.s32 $0xFFFFFFC0  }
0x1b3: {  	_ =	swait.ge [sflag:s10], $0x40  }
0x1b4: {  	[sflag:s10] =	ssyncset.done $0x0  }
0x1b5: {  	[sflag:s10] =	ssyncadd.s32 $0xFFFFFFC0  }
0x1b6: {  	_ =	swait.ge [sflag:s10], $0x40  }
0x1b7: {  	[sflag:s10] =	ssyncset.done $0x0  }
0x1b8: {  	[sflag:s10] =	ssyncadd.s32 $0xFFFFFFC0  }
0x1b9: {  	_ =	swait.ge [sflag:s10], $0x40  }
0x1ba: {  	[sflag:s10] =	ssyncset.done $0x0  }
0x1bb: {  	[sflag:s10] =	ssyncadd.s32 $0xFFFFFFC0  }
0x1bc: {  	_ =	swait.ge [sflag:s10], $0x40  }
0x1bd: {  	[sflag:s10] =	ssyncset.done $0x0  }
0x1be: {  	[sflag:s10] =	ssyncadd.s32 $0xFFFFFFC0  }
0x1bf: {  	_ =	swait.ge [sflag:s10], $0x40  }
0x1c0: {  	[sflag:s10] =	ssyncset.done $0x0  }
0x1c1: {  	[sflag:s10] =	ssyncadd.s32 $0xFFFFFFC0  }
0x1c2: {  	_ =	swait.ge [sflag:s10], $0x40  }
0x1c3: {  	[sflag:s10] =	ssyncset.done $0x0  }
0x1c4: {  	[sflag:s10] =	ssyncadd.s32 $0xFFFFFFC0  }
0x1c5: {  	_ =	swait.ge [sflag:s10], $0x40  }
0x1c6: {  	[sflag:s10] =	ssyncset.done $0x0  }
0x1c7: {  	[sflag:s10] =	ssyncadd.s32 $0xFFFFFFC0  }
0x1c8: {  	_ =	swait.ge [sflag:s10], $0x40  }
0x1c9: {  	[sflag:s10] =	ssyncset.done $0x0  }
0x1ca: {  	[sflag:s10] =	ssyncadd.s32 $0xFFFFFFC0  }
0x1cb: {  	_ =	swait.ge [sflag:s10], $0x40  }
0x1cc: {  	[sflag:s10] =	ssyncset.done $0x0  }
0x1cd: {  	[sflag:s10] =	ssyncadd.s32 $0xFFFFFFC0  }
0x1ce: {  	_ =	swait.ge [sflag:s10], $0x40  }
0x1cf: {  	[sflag:s10] =	ssyncset.done $0x0  }
0x1d0: {  	[sflag:s10] =	ssyncadd.s32 $0xFFFFFFC0  }
0x1d1: {  	_ =	swait.ge [sflag:s10], $0x40  }
0x1d2: {  	[sflag:s10] =	ssyncset.done $0x0  }
0x1d3: {  	[sflag:s10] =	ssyncadd.s32 $0xFFFFFFC0  }
0x1d4: {  	_ =	swait.ge [sflag:s10], $0x40  }
0x1d5: {  	[sflag:s10] =	ssyncset.done $0x0  }
0x1d6: {  	[sflag:s10] =	ssyncadd.s32 $0xFFFFFFC0  }
0x1d7: {  	_ =	swait.ge [sflag:s10], $0x40  }
0x1d8: {  	[sflag:s10] =	ssyncset.done $0x0  }
0x1d9: {  	s19 =	simm.s32 $0x1D8A0;
	[sflag:s10] =	ssyncadd.s32 $0xFFFFFFC0  }
0x1da: {  	v2 =	vld [tilespmem:s19+$0xFFFFFFE0];
	_ =	sdelay $0x4  }
0x1db: {  	v2 =	vmul.f32 $-1.005033590e-02, v2;
	_ =	sdelay $0x1  }
0x1dc: {  	v2 =	vmul.f32 $1.442695020e+00, v2;
	_ =	sdelay $0x1  }
0x1dd: {  	(erf) = vpow2.f32 v2;
	_ =	sdelay $0x8  }
0x1de: {  	v2 =	vpop (erf)  }
0x1df: {  	v2 =	vsub.f32 $1.000000000e+00, v2;
	_ =	sdelay $0x1  }
0x1e0: {  	v2 =	vadd.f32 $9.999999930e-09, v2;
	_ =	sdelay $0x1  }
0x1e1: {  	(erf) = vrcp.f32 v2;
	_ =	sdelay $0x8  }
0x1e2: {  	v2 =	vpop (erf)  }
0x1e3: {  	v2 =	vmul.f32 $9.999999770e-03, v2  }
0x1e4: {  	s15 =	simm.s32 $0x1DCA0  }
0x1e5: {  	[tilespmem:s15+$0xFFFFFFE0] =	vst v2  }
0x1e6: {  	v2 =	vld [tilespmem:s19+$0xFFFFFFF0];
	_ =	sdelay $0x4  }
0x1e7: {  	v2 =	vmul.f32 $-1.005033590e-02, v2;
	_ =	sdelay $0x1  }
0x1e8: {  	v2 =	vmul.f32 $1.442695020e+00, v2;
	_ =	sdelay $0x1  }
0x1e9: {  	(erf) = vpow2.f32 v2;
	_ =	sdelay $0x8  }
0x1ea: {  	v2 =	vpop (erf)  }
0x1eb: {  	v2 =	vsub.f32 $1.000000000e+00, v2;
	_ =	sdelay $0x1  }
0x1ec: {  	v2 =	vadd.f32 $9.999999930e-09, v2;
	_ =	sdelay $0x1  }
0x1ed: {  	(erf) = vrcp.f32 v2;
	_ =	sdelay $0x8  }
0x1ee: {  	v2 =	vpop (erf)  }
0x1ef: {  	v2 =	vmul.f32 $9.999999770e-03, v2;
	_ =	sdelay $0x1  }
0x1f0: {  	[tilespmem:s15+$0xFFFFFFF0] =	vst v2  }
0x1f1: {  	v2 =	vld [tilespmem:s19+$0x0];
	_ =	sdelay $0x4  }
0x1f2: {  	v2 =	vmul.f32 $-1.005033590e-02, v2;
	_ =	sdelay $0x1  }
0x1f3: {  	v2 =	vmul.f32 $1.442695020e+00, v2;
	_ =	sdelay $0x1  }
0x1f4: {  	(erf) = vpow2.f32 v2;
	_ =	sdelay $0x8  }
0x1f5: {  	v2 =	vpop (erf)  }
0x1f6: {  	v2 =	vsub.f32 $1.000000000e+00, v2;
	_ =	sdelay $0x1  }
0x1f7: {  	v2 =	vadd.f32 $9.999999930e-09, v2;
	_ =	sdelay $0x1  }
0x1f8: {  	(erf) = vrcp.f32 v2;
	_ =	sdelay $0x8  }
0x1f9: {  	v2 =	vpop (erf)  }
0x1fa: {  	v2 =	vmul.f32 $9.999999770e-03, v2;
	_ =	sdelay $0x1  }
0x1fb: {  	[tilespmem:s15+$0x0] =	vst v2  }
0x1fc: {  	v2 =	vld [tilespmem:s19+$0x10];
	_ =	sdelay $0x4  }
0x1fd: {  	v2 =	vmul.f32 $-1.005033590e-02, v2;
	_ =	sdelay $0x1  }
0x1fe: {  	v2 =	vmul.f32 $1.442695020e+00, v2;
	_ =	sdelay $0x1  }
0x1ff: {  	(erf) = vpow2.f32 v2;
	_ =	sdelay $0x8  }
0x200: {  	v2 =	vpop (erf)  }
0x201: {  	v2 =	vsub.f32 $1.000000000e+00, v2;
	_ =	sdelay $0x1  }
0x202: {  	v2 =	vadd.f32 $9.999999930e-09, v2;
	_ =	sdelay $0x1  }
0x203: {  	(erf) = vrcp.f32 v2;
	_ =	sdelay $0x8  }
0x204: {  	v2 =	vpop (erf)  }
0x205: {  	v2 =	vmul.f32 $9.999999770e-03, v2;
	_ =	sdelay $0x1  }
0x206: {  	s16 =	simm.s32 $0x0;
	s17 =	simm.s32 $0x1D8E0;
	[tilespmem:s15+$0x10] =	vst v2  }
.LBB2_8:
0x207: {  	v2 =	vld [tilespmem:s17+$0xFFFFFFE0];
	s16 =	sadd.s32 $0x4, s16  }
0x208: {  	p1 =	slt.u32 s16, $0x3C;
	_ =	sdelay $0x3  }
0x209: {  	v2 =	vmul.f32 $-1.005033590e-02, v2;
	_ =	sdelay $0x1  }
0x20a: {  	v2 =	vmul.f32 $1.442695020e+00, v2;
	_ =	sdelay $0x1  }
0x20b: {  	(erf) = vpow2.f32 v2;
	_ =	sdelay $0x8  }
0x20c: {  	v2 =	vpop (erf)  }
0x20d: {  	v2 =	vsub.f32 $1.000000000e+00, v2;
	_ =	sdelay $0x1  }
0x20e: {  	v2 =	vadd.f32 $9.999999930e-09, v2;
	_ =	sdelay $0x1  }
0x20f: {  	(erf) = vrcp.f32 v2;
	_ =	sdelay $0x8  }
0x210: {  	v2 =	vpop (erf)  }
0x211: {  	v2 =	vmul.f32 $9.999999770e-03, v2  }
0x212: {  	s15 =	sadd.s32 $0x40, s15  }
0x213: {  	[tilespmem:s15+$0xFFFFFFE0] =	vst v2  }
0x214: {  	v2 =	vld [tilespmem:s17+$0xFFFFFFF0];
	_ =	sdelay $0x4  }
0x215: {  	v2 =	vmul.f32 $-1.005033590e-02, v2;
	_ =	sdelay $0x1  }
0x216: {  	v2 =	vmul.f32 $1.442695020e+00, v2;
	_ =	sdelay $0x1  }
0x217: {  	(erf) = vpow2.f32 v2;
	_ =	sdelay $0x8  }
0x218: {  	v2 =	vpop (erf)  }
0x219: {  	v2 =	vsub.f32 $1.000000000e+00, v2;
	_ =	sdelay $0x1  }
0x21a: {  	v2 =	vadd.f32 $9.999999930e-09, v2;
	_ =	sdelay $0x1  }
0x21b: {  	(erf) = vrcp.f32 v2;
	_ =	sdelay $0x8  }
0x21c: {  	v2 =	vpop (erf)  }
0x21d: {  	v2 =	vmul.f32 $9.999999770e-03, v2;
	_ =	sdelay $0x1  }
0x21e: {  	[tilespmem:s15+$0xFFFFFFF0] =	vst v2  }
0x21f: {  	v2 =	vld [tilespmem:s17+$0x0];
	_ =	sdelay $0x4  }
0x220: {  	v2 =	vmul.f32 $-1.005033590e-02, v2;
	_ =	sdelay $0x1  }
0x221: {  	v2 =	vmul.f32 $1.442695020e+00, v2;
	_ =	sdelay $0x1  }
0x222: {  	(erf) = vpow2.f32 v2;
	_ =	sdelay $0x8  }
0x223: {  	v2 =	vpop (erf)  }
0x224: {  	v2 =	vsub.f32 $1.000000000e+00, v2;
	_ =	sdelay $0x1  }
0x225: {  	v2 =	vadd.f32 $9.999999930e-09, v2;
	_ =	sdelay $0x1  }
0x226: {  	(erf) = vrcp.f32 v2;
	_ =	sdelay $0x8  }
0x227: {  	v2 =	vpop (erf)  }
0x228: {  	v2 =	vmul.f32 $9.999999770e-03, v2;
	_ =	sdelay $0x1  }
0x229: {  	[tilespmem:s15+$0x0] =	vst v2  }
0x22a: {  	v2 =	vld [tilespmem:s17+$0x10];
	_ =	sdelay $0x4  }
0x22b: {  	v2 =	vmul.f32 $-1.005033590e-02, v2;
	_ =	sdelay $0x1  }
0x22c: {  	v2 =	vmul.f32 $1.442695020e+00, v2;
	_ =	sdelay $0x1  }
0x22d: {  	(erf) = vpow2.f32 v2;
	_ =	sdelay $0x8  }
0x22e: {  	v2 =	vpop (erf)  }
0x22f: {  	v2 =	vsub.f32 $1.000000000e+00, v2;
	_ =	sdelay $0x1  }
0x230: {  	v2 =	vadd.f32 $9.999999930e-09, v2;
	_ =	sdelay $0x1  }
0x231: {  	(erf) = vrcp.f32 v2;
	_ =	sdelay $0x7  }
.Ltmp5:
0x232: {  	(pc) =	sbr.rel @p1 .LBB2_8-.Ltmp5, $3  }
0x233: {  	v2 =	vpop (erf)  }
0x234: {  	v2 =	vmul.f32 $9.999999770e-03, v2;
	_ =	sdelay $0x1  }
0x235: {  	s17 =	sadd.s32 $0x40, s17;
	[tilespmem:s15+$0x10] =	vst v2  }
0x236: {  	_ =	swait.ge [sflag:s4], $0x8000  }
0x237: {  	[sflag:s4] =	ssyncset.done $0x0  }
0x238: {  	[sflag:s4] =	ssyncadd.s32 $0xFFFF8000  }
0x239: {  	v2 =	vld [tilespmem:$0x800]  }
0x23a: {  	v4 =	vld [tilespmem:$0x810];
	_ =	sdelay $0x3  }
0x23b: {  	v5 =	vshll.u32 v2, $0x3  }
0x23c: {  	v6 =	vand.u32 $0x7F, v2;
	v29 =	vshll.u32 v4, $0x3;
	v5 =	vand.u32 $0xFFFFFC00, v5  }
0x23d: {  	v7 =	vand.u32 $0x7F, v4;
	v5 =	vor.u32 v6, v5;
	v6 =	vand.u32 $0xFFFFFC00, v29  }
0x23e: {  	v5 =	vadd.s32 v47, v5;
	v6 =	vor.u32 v7, v6  }
0x23f: {  	v43 =	vld [tilespmem:$0xA00];
	v6 =	vadd.s32 v3, v6  }
0x240: {  	v42 =	vld [tilespmem:$0xA10]  }
0x241: {  	s15 =	sld [smem:$0x7EE];
	v21 =	vld.idx.msk [tilespmem:v2+s13+$0x0], $0xffff  }
0x242: {  	v41 =	vld.idx.msk [tilespmem:v4+s13+$0x0], $0xffff  }
0x243: {  	v20 =	vld.idx.msk [tilespmem:v5+s5+$0x0], $0xffff  }
0x244: {  	v44 =	vld.idx.msk [tilespmem:v6+s5+$0x0], $0xffff;
	[tilespmem:s5], [sflag:$0x1] =	stream.linear.gather [hbm4b:s15+s2], $0x8000, $0x38  }
0x245: {  	_ =	swait.ge [sflag:s4], $0x8000  }
0x246: {  	[sflag:s4] =	ssyncset.done $0x0  }
0x247: {  	[sflag:s4] =	ssyncadd.s32 $0xFFFF8000  }
0x248: {  	v2 =	vld [tilespmem:$0x820]  }
0x249: {  	v4 =	vld [tilespmem:$0x830];
	_ =	sdelay $0x4  }
0x24a: {  	v31 =	vshll.u32 v4, $0x3  }
0x24b: {  	v32 =	vand.u32 $0x7F, v4;
	v6 =	vand.u32 $0xFFFFFC00, v31  }
0x24c: {  	v6 =	vor.u32 v32, v6;
	v45 =	vld.idx.msk [tilespmem:v2+s13+$0x0], $0xffff  }
0x24d: {  	v5 =	vshll.u32 v2, $0x3;
	v30 =	vand.u32 $0x7F, v2;
	v6 =	vadd.s32 v3, v6;
	v2 =	vld.idx.msk [tilespmem:v4+s13+$0x0], $0xffff;
	_ =	sdelay $0x4  }
0x24e: {  	[tilespmem:$0x1FF00] =	vst v2;
	v2 =	vld.idx.msk [tilespmem:v6+s6+$0x0], $0xffff;
	_ =	sdelay $0x4  }
0x24f: {  	[tilespmem:$0x1FF40] =	vst v2;
	v2 =	vld [tilespmem:$0xA20];
	_ =	sdelay $0x1  }
0x250: {  	v5 =	vand.u32 $0xFFFFFC00, v5  }
0x251: {  	v5 =	vor.u32 v30, v5  }
0x252: {  	v5 =	vadd.s32 v47, v5  }
0x253: {  	[tilespmem:$0x1FEF0] =	vst v2;
	v2 =	vld [tilespmem:$0xA30];
	_ =	sdelay $0x3  }
0x254: {  	v46 =	vld.idx.msk [tilespmem:v5+s6+$0x0], $0xffff;
	[tilespmem:s6], [sflag:$0x1] =	stream.linear.gather [hbm4b:s21+s2], $0x8000, $0x38  }
0x255: {  	[tilespmem:$0x1FF10] =	vst v2  }
0x256: {  	_ =	swait.ge [sflag:s4], $0x8000  }
0x257: {  	[sflag:s4] =	ssyncset.done $0x0  }
0x258: {  	[sflag:s4] =	ssyncadd.s32 $0xFFFF8000  }
0x259: {  	v2 =	vld [tilespmem:$0x840];
	_ =	sdelay $0x4  }
0x25a: {  	v5 =	vshll.u32 v2, $0x3  }
0x25b: {  	v33 =	vand.u32 $0x7F, v2;
	v5 =	vand.u32 $0xFFFFFC00, v5  }
0x25c: {  	v5 =	vor.u32 v33, v5  }
0x25d: {  	v5 =	vadd.s32 v47, v5;
	v2 =	vld.idx.msk [tilespmem:v2+s13+$0x0], $0xffff;
	_ =	sdelay $0x1  }
0x25e: {  	v4 =	vld [tilespmem:$0x850];
	_ =	sdelay $0x2  }
0x25f: {  	[tilespmem:$0x1FF20] =	vst v2;
	v2 =	vld.idx.msk [tilespmem:v5+s7+$0x0], $0xffff;
	_ =	sdelay $0x1  }
0x260: {  	v34 =	vshll.u32 v4, $0x3  }
0x261: {  	v35 =	vand.u32 $0x7F, v4;
	v6 =	vand.u32 $0xFFFFFC00, v34  }
0x262: {  	v6 =	vor.u32 v35, v6  }
0x263: {  	v6 =	vadd.s32 v3, v6;
	[tilespmem:$0x1FF50] =	vst v2;
	v2 =	vld.idx.msk [tilespmem:v4+s13+$0x0], $0xffff;
	_ =	sdelay $0x4  }
0x264: {  	[tilespmem:$0x1FF60] =	vst v2;
	v2 =	vld.idx.msk [tilespmem:v6+s7+$0x0], $0xffff;
	_ =	sdelay $0x4  }
0x265: {  	[tilespmem:$0x1FF80] =	vst v2;
	v2 =	vld [tilespmem:$0xA40];
	_ =	sdelay $0x4  }
0x266: {  	[tilespmem:$0x1FF30] =	vst v2;
	v2 =	vld [tilespmem:$0xA50];
	_ =	sdelay $0x3  }
0x267: {  	[tilespmem:s7], [sflag:$0x1] =	stream.linear.gather [hbm4b:s22+s2], $0x8000, $0x38;
	[tilespmem:$0x1EB80] =	vst v63  }
0x268: {  	[tilespmem:$0x1FF70] =	vst v2  }
0x269: {  	_ =	swait.ge [sflag:s4], $0x8000  }
0x26a: {  	[sflag:s4] =	ssyncset.done $0x0  }
0x26b: {  	[sflag:s4] =	ssyncadd.s32 $0xFFFF8000  }
0x26c: {  	v2 =	vld [tilespmem:$0x860];
	_ =	sdelay $0x4  }
0x26d: {  	v5 =	vshll.u32 v2, $0x3  }
0x26e: {  	v36 =	vand.u32 $0x7F, v2;
	v5 =	vand.u32 $0xFFFFFC00, v5  }
0x26f: {  	v5 =	vor.u32 v36, v5  }
0x270: {  	v5 =	vadd.s32 v47, v5;
	_ =	sdelay $0x1  }
0x271: {  	v4 =	vld [tilespmem:$0x870];
	_ =	sdelay $0x1  }
0x272: {  	v28 =	vld.idx.msk [tilespmem:v2+s13+$0x0], $0xffff  }
0x273: {  	v2 =	vld.idx.msk [tilespmem:v5+s5+$0x0], $0xffff;
	_ =	sdelay $0x1  }
0x274: {  	v37 =	vshll.u32 v4, $0x3  }
0x275: {  	v38 =	vand.u32 $0x7F, v4;
	v6 =	vand.u32 $0xFFFFFC00, v37  }
0x276: {  	v6 =	vor.u32 v38, v6  }
0x277: {  	v6 =	vadd.s32 v3, v6;
	[tilespmem:$0x1FF90] =	vst v2;
	v2 =	vld.idx.msk [tilespmem:v4+s13+$0x0], $0xffff;
	_ =	sdelay $0x4  }
0x278: {  	[tilespmem:$0x1FFA0] =	vst v2;
	v2 =	vld.idx.msk [tilespmem:v6+s5+$0x0], $0xffff;
	_ =	sdelay $0x4  }
0x279: {  	[tilespmem:$0x1FFC0] =	vst v2;
	v2 =	vld [tilespmem:$0xA70];
	_ =	sdelay $0x3  }
0x27a: {  	v31 =	vld [tilespmem:$0xA60];
	[tilespmem:s5], [sflag:$0x1] =	stream.linear.gather [hbm4b:s23+s2], $0x8000, $0x38  }
0x27b: {  	[tilespmem:$0x1FFB0] =	vst v2  }
0x27c: {  	_ =	swait.ge [sflag:s4], $0x8000  }
0x27d: {  	[sflag:s4] =	ssyncset.done $0x0  }
0x27e: {  	[sflag:s4] =	ssyncadd.s32 $0xFFFF8000  }
0x27f: {  	v2 =	vld [tilespmem:$0x880];
	_ =	sdelay $0x4  }
0x280: {  	v5 =	vshll.u32 v2, $0x3  }
0x281: {  	v39 =	vand.u32 $0x7F, v2;
	v5 =	vand.u32 $0xFFFFFC00, v5  }
0x282: {  	v5 =	vor.u32 v39, v5  }
0x283: {  	v5 =	vadd.s32 v47, v5;
	_ =	sdelay $0x1  }
0x284: {  	v4 =	vld [tilespmem:$0x890];
	_ =	sdelay $0x1  }
0x285: {  	v33 =	vld.idx.msk [tilespmem:v2+s13+$0x0], $0xffff  }
0x286: {  	v2 =	vld.idx.msk [tilespmem:v5+s6+$0x0], $0xffff;
	_ =	sdelay $0x1  }
0x287: {  	v40 =	vshll.u32 v4, $0x3  }
0x288: {  	v48 =	vand.u32 $0x7F, v4;
	v6 =	vand.u32 $0xFFFFFC00, v40  }
0x289: {  	v6 =	vor.u32 v48, v6  }
0x28a: {  	v6 =	vadd.s32 v3, v6;
	[tilespmem:$0x1FFE0] =	vst v2;
	v2 =	vld.idx.msk [tilespmem:v4+s13+$0x0], $0xffff;
	_ =	sdelay $0x4  }
0x28b: {  	[tilespmem:$0x1FFD0] =	vst v2;
	v2 =	vld.idx.msk [tilespmem:v6+s6+$0x0], $0xffff;
	_ =	sdelay $0x2  }
0x28c: {  	v35 =	vld [tilespmem:$0xA80]  }
0x28d: {  	v32 =	vld [tilespmem:$0xA90];
	[tilespmem:s6], [sflag:$0x1] =	stream.linear.gather [hbm4b:s25+s2], $0x8000, $0x38  }
0x28e: {  	[tilespmem:$0x1FFF0] =	vst v2  }
0x28f: {  	_ =	swait.ge [sflag:s4], $0x8000  }
0x290: {  	[sflag:s4] =	ssyncset.done $0x0  }
0x291: {  	[sflag:s4] =	ssyncadd.s32 $0xFFFF8000  }
0x292: {  	v2 =	vld [tilespmem:$0x8A0]  }
0x293: {  	v4 =	vld [tilespmem:$0x8B0];
	_ =	sdelay $0x3  }
0x294: {  	v5 =	vshll.u32 v2, $0x3  }
0x295: {  	v49 =	vand.u32 $0x7F, v2;
	v50 =	vshll.u32 v4, $0x3;
	v5 =	vand.u32 $0xFFFFFC00, v5  }
0x296: {  	v51 =	vand.u32 $0x7F, v4;
	v6 =	vand.u32 $0xFFFFFC00, v50;
	v5 =	vor.u32 v49, v5  }
0x297: {  	v6 =	vor.u32 v51, v6;
	v5 =	vadd.s32 v47, v5  }
0x298: {  	v29 =	vld [tilespmem:$0xAA0];
	v6 =	vadd.s32 v3, v6  }
0x299: {  	v37 =	vld [tilespmem:$0xAB0]  }
0x29a: {  	v39 =	vld.idx.msk [tilespmem:v2+s13+$0x0], $0xffff  }
0x29b: {  	v36 =	vld.idx.msk [tilespmem:v4+s13+$0x0], $0xffff  }
0x29c: {  	v34 =	vld.idx.msk [tilespmem:v5+s7+$0x0], $0xffff  }
0x29d: {  	v30 =	vld.idx.msk [tilespmem:v6+s7+$0x0], $0xffff;
	[tilespmem:s7], [sflag:$0x1] =	stream.linear.gather [hbm4b:s26+s2], $0x8000, $0x38  }
0x29e: {  	_ =	swait.ge [sflag:s4], $0x8000  }
0x29f: {  	[sflag:s4] =	ssyncset.done $0x0  }
0x2a0: {  	[sflag:s4] =	ssyncadd.s32 $0xFFFF8000  }
0x2a1: {  	v2 =	vld [tilespmem:$0x8C0]  }
0x2a2: {  	v4 =	vld [tilespmem:$0x8D0];
	_ =	sdelay $0x3  }
0x2a3: {  	v5 =	vshll.u32 v2, $0x3  }
0x2a4: {  	v52 =	vand.u32 $0x7F, v2;
	v53 =	vshll.u32 v4, $0x3;
	v5 =	vand.u32 $0xFFFFFC00, v5  }
0x2a5: {  	v54 =	vand.u32 $0x7F, v4;
	v6 =	vand.u32 $0xFFFFFC00, v53;
	v5 =	vor.u32 v52, v5  }
0x2a6: {  	v6 =	vor.u32 v54, v6;
	v5 =	vadd.s32 v47, v5  }
0x2a7: {  	v22 =	vld [tilespmem:$0xAC0];
	v6 =	vadd.s32 v3, v6  }
0x2a8: {  	v25 =	vld [tilespmem:$0xAD0]  }
0x2a9: {  	v24 =	vld.idx.msk [tilespmem:v2+s13+$0x0], $0xffff  }
0x2aa: {  	v27 =	vld.idx.msk [tilespmem:v4+s13+$0x0], $0xffff  }
0x2ab: {  	v40 =	vld.idx.msk [tilespmem:v5+s5+$0x0], $0xffff  }
0x2ac: {  	v38 =	vld.idx.msk [tilespmem:v6+s5+$0x0], $0xffff;
	[tilespmem:s5], [sflag:$0x1] =	stream.linear.gather [hbm4b:s28+s2], $0x8000, $0x38  }
0x2ad: {  	_ =	swait.ge [sflag:s4], $0x8000  }
0x2ae: {  	[sflag:s4] =	ssyncset.done $0x0  }
0x2af: {  	[sflag:s4] =	ssyncadd.s32 $0xFFFF8000  }
0x2b0: {  	v2 =	vld [tilespmem:$0x8E0]  }
0x2b1: {  	v4 =	vld [tilespmem:$0x8F0];
	_ =	sdelay $0x3  }
0x2b2: {  	v5 =	vshll.u32 v2, $0x3  }
0x2b3: {  	v55 =	vand.u32 $0x7F, v2;
	v56 =	vshll.u32 v4, $0x3;
	v5 =	vand.u32 $0xFFFFFC00, v5  }
0x2b4: {  	v57 =	vand.u32 $0x7F, v4;
	v6 =	vand.u32 $0xFFFFFC00, v56;
	v5 =	vor.u32 v55, v5  }
0x2b5: {  	v6 =	vor.u32 v57, v6;
	v5 =	vadd.s32 v47, v5  }
0x2b6: {  	v54 =	vld [tilespmem:$0xAE0];
	v6 =	vadd.s32 v3, v6  }
0x2b7: {  	v49 =	vld [tilespmem:$0xAF0]  }
0x2b8: {  	v52 =	vld.idx.msk [tilespmem:v2+s13+$0x0], $0xffff  }
0x2b9: {  	v23 =	vld.idx.msk [tilespmem:v4+s13+$0x0], $0xffff  }
0x2ba: {  	v48 =	vld.idx.msk [tilespmem:v5+s6+$0x0], $0xffff  }
0x2bb: {  	v26 =	vld.idx.msk [tilespmem:v6+s6+$0x0], $0xffff;
	[tilespmem:s6], [sflag:$0x1] =	stream.linear.gather [hbm4b:s29+s2], $0x8000, $0x38  }
0x2bc: {  	_ =	swait.ge [sflag:s4], $0x8000  }
0x2bd: {  	[sflag:s4] =	ssyncset.done $0x0  }
0x2be: {  	[sflag:s4] =	ssyncadd.s32 $0xFFFF8000  }
0x2bf: {  	v2 =	vld [tilespmem:$0x900]  }
0x2c0: {  	v4 =	vld [tilespmem:$0x910];
	_ =	sdelay $0x3  }
0x2c1: {  	v5 =	vshll.u32 v2, $0x3  }
0x2c2: {  	v58 =	vand.u32 $0x7F, v2;
	v59 =	vshll.u32 v4, $0x3;
	v5 =	vand.u32 $0xFFFFFC00, v5  }
0x2c3: {  	v60 =	vand.u32 $0x7F, v4;
	v6 =	vand.u32 $0xFFFFFC00, v59;
	v5 =	vor.u32 v58, v5  }
0x2c4: {  	v6 =	vor.u32 v60, v6;
	v5 =	vadd.s32 v47, v5  }
0x2c5: {  	v56 =	vld [tilespmem:$0xB10];
	v6 =	vadd.s32 v3, v6  }
0x2c6: {  	v60 =	vld [tilespmem:$0xB00]  }
0x2c7: {  	v58 =	vld.idx.msk [tilespmem:v2+s13+$0x0], $0xffff  }
0x2c8: {  	v53 =	vld.idx.msk [tilespmem:v4+s13+$0x0], $0xffff  }
0x2c9: {  	v51 =	vld.idx.msk [tilespmem:v5+s7+$0x0], $0xffff  }
0x2ca: {  	v50 =	vld.idx.msk [tilespmem:v6+s7+$0x0], $0xffff;
	[tilespmem:s7], [sflag:$0x1] =	stream.linear.gather [hbm4b:s30+s2], $0x8000, $0x38  }
0x2cb: {  	_ =	swait.ge [sflag:s4], $0x8000  }
0x2cc: {  	[sflag:s4] =	ssyncset.done $0x0  }
0x2cd: {  	[sflag:s4] =	ssyncadd.s32 $0xFFFF8000  }
0x2ce: {  	v2 =	vld [tilespmem:$0x920]  }
0x2cf: {  	v4 =	vld [tilespmem:$0x930];
	_ =	sdelay $0x3  }
0x2d0: {  	v5 =	vshll.u32 v2, $0x3  }
0x2d1: {  	v61 =	vand.u32 $0x7F, v2;
	v62 =	vshll.u32 v4, $0x3;
	v5 =	vand.u32 $0xFFFFFC00, v5  }
0x2d2: {  	v63 =	vand.u32 $0x7F, v4;
	v6 =	vand.u32 $0xFFFFFC00, v62;
	v5 =	vor.u32 v61, v5  }
0x2d3: {  	v6 =	vor.u32 v63, v6;
	v5 =	vadd.s32 v47, v5  }
0x2d4: {  	v16 =	vld [tilespmem:$0xB20];
	v6 =	vadd.s32 v3, v6  }
0x2d5: {  	v61 =	vld [tilespmem:$0xB30]  }
0x2d6: {  	v63 =	vld.idx.msk [tilespmem:v2+s13+$0x0], $0xffff  }
0x2d7: {  	v59 =	vld.idx.msk [tilespmem:v4+s13+$0x0], $0xffff  }
0x2d8: {  	v57 =	vld.idx.msk [tilespmem:v5+s5+$0x0], $0xffff  }
0x2d9: {  	v55 =	vld.idx.msk [tilespmem:v6+s5+$0x0], $0xffff;
	[tilespmem:s5], [sflag:$0x1] =	stream.linear.gather [hbm4b:s31+s2], $0x8000, $0x38  }
0x2da: {  	_ =	swait.ge [sflag:s4], $0x8000  }
0x2db: {  	[sflag:s4] =	ssyncset.done $0x0  }
0x2dc: {  	[sflag:s4] =	ssyncadd.s32 $0xFFFF8000  }
0x2dd: {  	v2 =	vld [tilespmem:$0x940]  }
0x2de: {  	v4 =	vld [tilespmem:$0x950];
	_ =	sdelay $0x3  }
0x2df: {  	v5 =	vshll.u32 v2, $0x3  }
0x2e0: {  	v9 =	vand.u32 $0x7F, v2;
	v10 =	vshll.u32 v4, $0x3;
	v5 =	vand.u32 $0xFFFFFC00, v5  }
0x2e1: {  	v11 =	vand.u32 $0x7F, v4;
	v6 =	vand.u32 $0xFFFFFC00, v10;
	v5 =	vor.u32 v9, v5  }
0x2e2: {  	v6 =	vor.u32 v11, v6;
	v5 =	vadd.s32 v47, v5  }
0x2e3: {  	v14 =	vld [tilespmem:$0xB50];
	v6 =	vadd.s32 v3, v6  }
0x2e4: {  	v11 =	vld [tilespmem:$0xB40]  }
0x2e5: {  	v13 =	vld.idx.msk [tilespmem:v2+s13+$0x0], $0xffff  }
0x2e6: {  	v15 =	vld.idx.msk [tilespmem:v4+s13+$0x0], $0xffff  }
0x2e7: {  	v17 =	vld.idx.msk [tilespmem:v5+s6+$0x0], $0xffff  }
0x2e8: {  	v62 =	vld.idx.msk [tilespmem:v6+s6+$0x0], $0xffff;
	[tilespmem:s6], [sflag:$0x1] =	stream.linear.gather [hbm4b:s0+s2], $0x8000, $0x38  }
0x2e9: {  	_ =	swait.ge [sflag:s4], $0x8000  }
0x2ea: {  	[sflag:s4] =	ssyncset.done $0x0  }
0x2eb: {  	[sflag:s4] =	ssyncadd.s32 $0xFFFF8000  }
0x2ec: {  	v2 =	vld [tilespmem:$0x960]  }
0x2ed: {  	v4 =	vld [tilespmem:$0x970];
	_ =	sdelay $0x3  }
0x2ee: {  	v5 =	vshll.u32 v2, $0x3  }
0x2ef: {  	v12 =	vand.u32 $0x7F, v2;
	v18 =	vshll.u32 v4, $0x3;
	v5 =	vand.u32 $0xFFFFFC00, v5  }
0x2f0: {  	v19 =	vand.u32 $0x7F, v4;
	v6 =	vand.u32 $0xFFFFFC00, v18;
	v5 =	vor.u32 v12, v5  }
0x2f1: {  	v6 =	vor.u32 v19, v6;
	v5 =	vadd.s32 v47, v5  }
0x2f2: {  	v6 =	vadd.s32 v3, v6  }
0x2f3: {  	v7 =	vld [tilespmem:$0xB70]  }
0x2f4: {  	v8 =	vld.idx.msk [tilespmem:v2+s13+$0x0], $0xffff  }
0x2f5: {  	v9 =	vld.idx.msk [tilespmem:v4+s13+$0x0], $0xffff  }
0x2f6: {  	v10 =	vld.idx.msk [tilespmem:v5+s7+$0x0], $0xffff  }
0x2f7: {  	v12 =	vld.idx.msk [tilespmem:v6+s7+$0x0], $0xffff  }
0x2f8: {  	v6 =	vld [tilespmem:$0xB60];
	[tilespmem:s7], [sflag:$0x1] =	stream.linear.gather [hbm4b:s24+s2], $0x8000, $0x38  }
0x2f9: {  	_ =	swait.ge [sflag:s4], $0x8000  }
0x2fa: {  	[sflag:s4] =	ssyncset.done $0x0  }
0x2fb: {  	[sflag:s4] =	ssyncadd.s32 $0xFFFF8000  }
0x2fc: {  	v2 =	vld [tilespmem:$0x980];
	_ =	sdelay $0x1  }
0x2fd: {  	v5 =	vld [tilespmem:$0x990];
	_ =	sdelay $0x2  }
0x2fe: {  	v4 =	vshll.u32 v2, $0x3  }
0x2ff: {  	v18 =	vand.u32 $0x7F, v2;
	v4 =	vand.u32 $0xFFFFFC00, v4  }
0x300: {  	v4 =	vor.u32 v18, v4;
	v18 =	vshll.u32 v5, $0x3  }
0x301: {  	v19 =	vand.u32 $0x7F, v5;
	v18 =	vand.u32 $0xFFFFFC00, v18  }
0x302: {  	v21 =	vmul.f32 v43, v21;
	v4 =	vadd.s32 v47, v4;
	v18 =	vor.u32 v19, v18  }
0x303: {  	v43 =	vld [tilespmem:$0x1FEF0];
	v19 =	vadd.s32 v3, v18  }
0x304: {  	v41 =	vmul.f32 v42, v41;
	v42 =	vmul.f32 v21, v20;
	v20 =	vld [tilespmem:$0xB80]  }
0x305: {  	v18 =	vld.idx.msk [tilespmem:v2+s13+$0x0], $0xffff  }
0x306: {  	v2 =	vld.idx.msk [tilespmem:v5+s13+$0x0], $0xffff  }
0x307: {  	v4 =	vld.idx.msk [tilespmem:v4+s5+$0x0], $0xffff  }
0x308: {  	v5 =	vld.idx.msk [tilespmem:v19+s5+$0x0], $0xffff  }
0x309: {  	v21 =	vadd.f32 $0.0e+00, v21;
	v19 =	vld [tilespmem:$0xB90];
	[tilespmem:s5], [sflag:$0x1] =	stream.linear.gather [hbm4b:s1+s2], $0x8000, $0x38  }
0x30a: {  	_ =	swait.ge [sflag:s4], $0x8000  }
0x30b: {  	v44 =	vmul.f32 v41, v44;
	v21 =	vadd.f32 v41, v21;
	v41 =	vld [tilespmem:$0x1FF00]  }
0x30c: {  	v42 =	vadd.f32 $0.0e+00, v42;
	v43 =	vmul.f32 v43, v45;
	v45 =	vld [tilespmem:$0x1FF10];
	_ =	sdelay $0x1  }
0x30d: {  	v42 =	vadd.f32 v44, v42;
	v44 =	vmul.f32 v43, v46  }
0x30e: {  	v21 =	vadd.f32 v43, v21;
	v43 =	vld [tilespmem:$0x1FF20]  }
0x30f: {  	v42 =	vadd.f32 v44, v42;
	v44 =	vld [tilespmem:$0x1FF40]  }
0x310: {  	v41 =	vmul.f32 v45, v41;
	v45 =	vld [tilespmem:$0x1FF30];
	_ =	sdelay $0x1  }
0x311: {  	v46 =	vld [tilespmem:$0x1FF50];
	_ =	sdelay $0x1  }
0x312: {  	v44 =	vmul.f32 v41, v44  }
0x313: {  	v21 =	vadd.f32 v41, v21;
	v43 =	vmul.f32 v45, v43  }
0x314: {  	[sflag:s4] =	ssyncset.done $0x0;
	v41 =	vadd.f32 v44, v42;
	v44 =	vld [tilespmem:$0x1FF70]  }
0x315: {  	[sflag:s4] =	ssyncadd.s32 $0xFFFF8000;
	v42 =	vmul.f32 v43, v46;
	v21 =	vadd.f32 v43, v21;
	v43 =	vld [tilespmem:$0x1FF60]  }
0x316: {  	v45 =	vld [tilespmem:$0x9A0]  }
0x317: {  	v46 =	vld [tilespmem:$0x1FF80];
	_ =	sdelay $0x2  }
0x318: {  	v43 =	vmul.f32 v44, v43  }
0x319: {  	v28 =	vmul.f32 v31, v28  }
0x31a: {  	v31 =	vadd.f32 v42, v41;
	v41 =	vmul.f32 v43, v46;
	v46 =	vshll.u32 v45, $0x3  }
0x31b: {  	v42 =	vand.u32 $0xFFFFFC00, v46;
	v46 =	vand.u32 $0x7F, v45  }
0x31c: {  	v31 =	vadd.f32 v41, v31;
	v41 =	vor.u32 v46, v42;
	v46 =	vld [tilespmem:$0x1FF90];
	_ =	sdelay $0x2  }
0x31d: {  	v44 =	vld [tilespmem:$0x9B0];
	v21 =	vadd.f32 v43, v21  }
0x31e: {  	v43 =	vld [tilespmem:$0x1FFA0]  }
0x31f: {  	v21 =	vadd.f32 v28, v21;
	v28 =	vmul.f32 v28, v46;
	v46 =	vld [tilespmem:$0x1FFB0];
	_ =	sdelay $0x3  }
0x320: {  	v42 =	vshll.u32 v44, $0x3  }
0x321: {  	v42 =	vand.u32 $0xFFFFFC00, v42;
	v43 =	vmul.f32 v46, v43;
	v46 =	vand.u32 $0x7F, v44  }
0x322: {  	v46 =	vor.u32 v46, v42;
	v42 =	vld [tilespmem:$0x1FFC0];
	_ =	sdelay $0x2  }
0x323: {  	v28 =	vadd.f32 v28, v31;
	v31 =	vadd.s32 v3, v46;
	v46 =	vld [tilespmem:$0x1FFD0];
	_ =	sdelay $0x1  }
0x324: {  	v33 =	vmul.f32 v35, v33;
	v21 =	vadd.f32 v43, v21;
	v35 =	vmul.f32 v43, v42;
	v43 =	vld.idx.msk [tilespmem:v45+s13+$0x0], $0xffff  }
0x325: {  	v45 =	vld [tilespmem:$0x1FFE0];
	_ =	sdelay $0x1  }
0x326: {  	v32 =	vmul.f32 v32, v46;
	v46 =	vld [tilespmem:$0x1FFF0];
	_ =	sdelay $0x1  }
0x327: {  	v41 =	vadd.s32 v47, v41  }
0x328: {  	v21 =	vadd.f32 v33, v21;
	v28 =	vadd.f32 v35, v28;
	v33 =	vmul.f32 v33, v45  }
0x329: {  	v29 =	vmul.f32 v29, v39;
	v39 =	vld [tilespmem:$0xBB0]  }
0x32a: {  	v42 =	vld [tilespmem:$0xBA0];
	v21 =	vadd.f32 v32, v21;
	v32 =	vmul.f32 v32, v46;
	v28 =	vadd.f32 v33, v28  }
0x32b: {  	v36 =	vmul.f32 v37, v36;
	v31 =	vld.idx.msk [tilespmem:v31+s6+$0x0], $0xffff  }
0x32c: {  	v35 =	vld.idx.msk [tilespmem:v41+s6+$0x0], $0xffff;
	v21 =	vadd.f32 v29, v21;
	v29 =	vmul.f32 v29, v34;
	v28 =	vadd.f32 v32, v28  }
0x32d: {  	v22 =	vmul.f32 v22, v24;
	v33 =	vld.idx.msk [tilespmem:v44+s13+$0x0], $0xffff;
	_ =	swait.ge [sflag:s4], $0x8000  }
0x32e: {  	v21 =	vadd.f32 v36, v21;
	v36 =	vmul.f32 v36, v30;
	[sflag:s4] =	ssyncset.done $0x0;
	v34 =	vadd.f32 v29, v28  }
0x32f: {  	v25 =	vmul.f32 v25, v27;
	[sflag:s4] =	ssyncadd.s32 $0xFFFF8000  }
0x330: {  	v21 =	vadd.f32 v22, v21;
	v22 =	vmul.f32 v22, v40;
	v37 =	vld [tilespmem:$0x9C0];
	v24 =	vadd.f32 v36, v34  }
0x331: {  	v40 =	vmul.f32 v54, v52;
	v44 =	vld [tilespmem:$0x9D0]  }
0x332: {  	v23 =	vmul.f32 v49, v23;
	v41 =	vmul.f32 v25, v38;
	v22 =	vadd.f32 v22, v24  }
0x333: {  	v21 =	vadd.f32 v25, v21;
	v28 =	vmul.f32 v40, v48;
	v48 =	vmul.f32 v60, v58  }
0x334: {  	v26 =	vmul.f32 v23, v26;
	v16 =	vmul.f32 v16, v63;
	v22 =	vadd.f32 v41, v22  }
0x335: {  	v54 =	vmul.f32 v56, v53;
	v21 =	vadd.f32 v40, v21;
	v56 =	vmul.f32 v48, v51  }
0x336: {  	v45 =	vshll.u32 v37, $0x3;
	v49 =	vshll.u32 v44, $0x3;
	v22 =	vadd.f32 v28, v22  }
0x337: {  	v52 =	vand.u32 $0x7F, v44;
	v21 =	vadd.f32 v23, v21;
	v28 =	vand.u32 $0xFFFFFC00, v49  }
0x338: {  	v46 =	vand.u32 $0x7F, v37;
	v28 =	vor.u32 v52, v28;
	v22 =	vadd.f32 v26, v22  }
0x339: {  	v24 =	vand.u32 $0xFFFFFC00, v45;
	v21 =	vadd.f32 v48, v21;
	v28 =	vadd.s32 v3, v28  }
0x33a: {  	v58 =	vmul.f32 v54, v50;
	v24 =	vor.u32 v46, v24;
	v22 =	vadd.f32 v56, v22  }
0x33b: {  	v29 =	vld [tilespmem:$0xBC0];
	v24 =	vadd.s32 v47, v24;
	v21 =	vadd.f32 v54, v21  }
0x33c: {  	v60 =	vmul.f32 v61, v59;
	v61 =	vmul.f32 v16, v57;
	v23 =	vld [tilespmem:$0xBD0];
	v22 =	vadd.f32 v58, v22  }
0x33d: {  	v27 =	vld.idx.msk [tilespmem:v37+s13+$0x0], $0xffff;
	v16 =	vadd.f32 v16, v21  }
0x33e: {  	v11 =	vmul.f32 v11, v13;
	v63 =	vld.idx.msk [tilespmem:v28+s7+$0x0], $0xffff;
	v28 =	vmul.f32 v60, v55;
	v26 =	vadd.f32 v61, v22  }
0x33f: {  	v25 =	vld.idx.msk [tilespmem:v44+s13+$0x0], $0xffff;
	v16 =	vadd.f32 v60, v16  }
0x340: {  	v14 =	vmul.f32 v14, v15;
	v30 =	vmul.f32 v11, v17;
	v24 =	vld.idx.msk [tilespmem:v24+s7+$0x0], $0xffff;
	_ =	swait.ge [sflag:s4], $0x8000;
	v13 =	vadd.f32 v28, v26  }
0x341: {  	v11 =	vadd.f32 v11, v16;
	[sflag:s4] =	ssyncset.done $0x0  }
0x342: {  	v6 =	vmul.f32 v6, v8;
	v36 =	vmul.f32 v14, v62;
	[sflag:s4] =	ssyncadd.s32 $0xFFFF8000;
	v34 =	vadd.f32 v30, v13  }
0x343: {  	v11 =	vadd.f32 v14, v11;
	v32 =	vld [tilespmem:$0x9E0]  }
0x344: {  	v7 =	vmul.f32 v7, v9;
	v37 =	vmul.f32 v6, v10;
	v8 =	vadd.f32 v36, v34  }
0x345: {  	v2 =	vmul.f32 v19, v2;
	v38 =	vmul.f32 v20, v18;
	v6 =	vadd.f32 v6, v11;
	v40 =	vld [tilespmem:$0x9F0]  }
0x346: {  	v41 =	vmul.f32 v7, v12;
	v8 =	vadd.f32 v37, v8  }
0x347: {  	v5 =	vmul.f32 v2, v5;
	v4 =	vmul.f32 v38, v4;
	v6 =	vadd.f32 v7, v6  }
0x348: {  	v50 =	vmul.f32 v43, v42;
	v44 =	vshll.u32 v32, $0x3;
	v8 =	vadd.f32 v41, v8  }
0x349: {  	v6 =	vadd.f32 v38, v6;
	v45 =	vand.u32 $0x7F, v32;
	v12 =	vand.u32 $0xFFFFFC00, v44  }
0x34a: {  	v49 =	vshll.u32 v40, $0x3;
	v46 =	vor.u32 v45, v12;
	v4 =	vadd.f32 v4, v8  }
0x34b: {  	v51 =	vand.u32 $0x7F, v40;
	v48 =	vadd.s32 v47, v46;
	v8 =	vand.u32 $0xFFFFFC00, v49  }
0x34c: {  	v52 =	vld [tilespmem:$0xBE0];
	v2 =	vadd.f32 v2, v6;
	v4 =	vadd.f32 v5, v4;
	v5 =	vor.u32 v51, v8  }
0x34d: {  	v53 =	vmul.f32 v33, v39;
	v54 =	vmul.f32 v50, v35;
	v59 =	vld [tilespmem:$0xBF0];
	v5 =	vadd.s32 v3, v5  }
0x34e: {  	v55 =	vld.idx.msk [tilespmem:v32+s13+$0x0], $0xffff;
	v2 =	vadd.f32 v50, v2  }
0x34f: {  	v57 =	vmul.f32 v53, v31;
	v58 =	vmul.f32 v27, v29;
	v60 =	vld.idx.msk [tilespmem:v40+s13+$0x0], $0xffff;
	v4 =	vadd.f32 v54, v4  }
0x350: {  	v2 =	vadd.f32 v53, v2;
	v56 =	vld.idx.msk [tilespmem:v48+s5+$0x0], $0xffff  }
0x351: {  	v61 =	vmul.f32 v25, v23;
	v62 =	vmul.f32 v58, v24;
	v4 =	vadd.f32 v57, v4  }
0x352: {  	v2 =	vadd.f32 v58, v2;
	v5 =	vld.idx.msk [tilespmem:v5+s5+$0x0], $0xffff  }
0x353: {  	v63 =	vmul.f32 v61, v63;
	v8 =	vmul.f32 v55, v52;
	v4 =	vadd.f32 v62, v4  }
0x354: {  	v2 =	vadd.f32 v61, v2  }
0x355: {  	v9 =	vmul.f32 v60, v59;
	v6 =	vmul.f32 v8, v56;
	v4 =	vadd.f32 v63, v4  }
0x356: {  	v2 =	vadd.f32 v8, v2  }
0x357: {  	v4 =	vadd.f32 v6, v4;
	v5 =	vmul.f32 v9, v5  }
0x358: {  	v2 =	vadd.f32 v9, v2  }
0x359: {  	v4 =	vadd.f32 v5, v4  }
0x35a: {  	[tilespmem:$0x1E090] =	vst v2  }
0x35b: {  	s19 =	simm.s32 $0x1E080;
	[tilespmem:$0x1E080] =	vst v4  }
0x35c: {  	[spmem:s12] =	stream.linear.scatter [tilespmem:s19], [sflag:$0x3], $0x20, $0x38;
	[tilespmem:$0x1EB80] =	vst v63  }
.Ltmp6:
0x35d: {  	_ =	swait.ge [sflag:s8], $0x20;
	(pc) =	sbr.rel @p0 .LBB2_11-.Ltmp6, $3  }
0x35e: {  	[sflag:s8] =	ssyncset.done $0x0  }
0x35f: {  	[sflag:s8] =	ssyncadd.s32 $0xFFFFFFE0  }
0x360: {  	[bflag:$0x0] =	sbarrier.arrive $0xFFFF;
	_ =	sdelay $0x1  }
0x361: {  	s15 =	rddreg [dreg:$0x2];
	s16 =	simm.s32 $0x1E100  }
0x362: {  	[tilespmem:s16], [sflag:$0x2] =	stream.linear.gather [spmem:s15], $0x20, $0x38;
	[tilespmem:$0x1EB80] =	vst v63  }
0x363: {  	s16 =	sld [smem:$0x7EF];
	_ =	sdelay $0x1  }
0x364: {  	s17 =	simm.s32 $0x1E120;
	s18 =	sld [smem:$0x7F0]  }
0x365: {  	[tilespmem:s17], [sflag:$0x2] =	stream.linear.gather [spmem:s16], $0x20, $0x38;
	[tilespmem:$0x1EB80] =	vst v63  }
0x366: {  	s19 =	simm.s32 $0x1E140;
	s16 =	sld [smem:$0x7F1]  }
0x367: {  	[tilespmem:s19], [sflag:$0x2] =	stream.linear.gather [spmem:s18], $0x20, $0x38;
	[tilespmem:$0x1EB80] =	vst v63  }
0x368: {  	s17 =	simm.s32 $0x1E160;
	s18 =	sld [smem:$0x7F2]  }
0x369: {  	[tilespmem:s17], [sflag:$0x2] =	stream.linear.gather [spmem:s16], $0x20, $0x38;
	[tilespmem:$0x1EB80] =	vst v63  }
0x36a: {  	s19 =	simm.s32 $0x1E180;
	s16 =	sld [smem:$0x7F3]  }
0x36b: {  	[tilespmem:s19], [sflag:$0x2] =	stream.linear.gather [spmem:s18], $0x20, $0x38;
	[tilespmem:$0x1EB80] =	vst v63  }
0x36c: {  	s17 =	simm.s32 $0x1E1A0;
	s18 =	sld [smem:$0x7F4]  }
0x36d: {  	[tilespmem:s17], [sflag:$0x2] =	stream.linear.gather [spmem:s16], $0x20, $0x38;
	[tilespmem:$0x1EB80] =	vst v63  }
0x36e: {  	s19 =	simm.s32 $0x1E1C0;
	s16 =	sld [smem:$0x7F5]  }
0x36f: {  	[tilespmem:s19], [sflag:$0x2] =	stream.linear.gather [spmem:s18], $0x20, $0x38;
	[tilespmem:$0x1EB80] =	vst v63  }
0x370: {  	s17 =	simm.s32 $0x1E1E0;
	s18 =	sld [smem:$0x7F6]  }
0x371: {  	[tilespmem:s17], [sflag:$0x2] =	stream.linear.gather [spmem:s16], $0x20, $0x38;
	[tilespmem:$0x1EB80] =	vst v63  }
0x372: {  	s19 =	simm.s32 $0x1E200;
	s16 =	sld [smem:$0x7F7]  }
0x373: {  	[tilespmem:s19], [sflag:$0x2] =	stream.linear.gather [spmem:s18], $0x20, $0x38;
	[tilespmem:$0x1EB80] =	vst v63  }
0x374: {  	s17 =	simm.s32 $0x1E220;
	s18 =	sld [smem:$0x7F8]  }
0x375: {  	[tilespmem:s17], [sflag:$0x2] =	stream.linear.gather [spmem:s16], $0x20, $0x38;
	[tilespmem:$0x1EB80] =	vst v63  }
0x376: {  	s19 =	simm.s32 $0x1E240;
	s16 =	sld [smem:$0x7F9]  }
0x377: {  	[tilespmem:s19], [sflag:$0x2] =	stream.linear.gather [spmem:s18], $0x20, $0x38;
	[tilespmem:$0x1EB80] =	vst v63  }
0x378: {  	s17 =	simm.s32 $0x1E260;
	s18 =	sld [smem:$0x7FA]  }
0x379: {  	[tilespmem:s17], [sflag:$0x2] =	stream.linear.gather [spmem:s16], $0x20, $0x38;
	[tilespmem:$0x1EB80] =	vst v63  }
0x37a: {  	s19 =	simm.s32 $0x1E280;
	s16 =	sld [smem:$0x7FB]  }
0x37b: {  	[tilespmem:s19], [sflag:$0x2] =	stream.linear.gather [spmem:s18], $0x20, $0x38;
	[tilespmem:$0x1EB80] =	vst v63  }
0x37c: {  	s17 =	simm.s32 $0x1E2A0;
	s18 =	sld [smem:$0x7FC]  }
0x37d: {  	[tilespmem:s17], [sflag:$0x2] =	stream.linear.gather [spmem:s16], $0x20, $0x38;
	[tilespmem:$0x1EB80] =	vst v63  }
0x37e: {  	s19 =	simm.s32 $0x1E2C0;
	s16 =	sld [smem:$0x7FD]  }
0x37f: {  	[tilespmem:s19], [sflag:$0x2] =	stream.linear.gather [spmem:s18], $0x20, $0x38;
	[tilespmem:$0x1EB80] =	vst v63  }
0x380: {  	s17 =	simm.s32 $0x1E2E0  }
0x381: {  	[tilespmem:s17], [sflag:$0x2] =	stream.linear.gather [spmem:s16], $0x20, $0x38;
	[tilespmem:$0x1EB80] =	vst v63  }
0x382: {  	_ =	swait.ge [sflag:s10], $0x20  }
0x383: {  	[sflag:s10] =	ssyncset.done $0x0  }
0x384: {  	[sflag:s10] =	ssyncadd.s32 $0xFFFFFFE0  }
0x385: {  	_ =	swait.ge [sflag:s10], $0x20  }
0x386: {  	[sflag:s10] =	ssyncset.done $0x0  }
0x387: {  	[sflag:s10] =	ssyncadd.s32 $0xFFFFFFE0  }
0x388: {  	_ =	swait.ge [sflag:s10], $0x20  }
0x389: {  	[sflag:s10] =	ssyncset.done $0x0  }
0x38a: {  	[sflag:s10] =	ssyncadd.s32 $0xFFFFFFE0  }
0x38b: {  	_ =	swait.ge [sflag:s10], $0x20  }
0x38c: {  	[sflag:s10] =	ssyncset.done $0x0  }
0x38d: {  	[sflag:s10] =	ssyncadd.s32 $0xFFFFFFE0  }
0x38e: {  	_ =	swait.ge [sflag:s10], $0x20  }
0x38f: {  	[sflag:s10] =	ssyncset.done $0x0  }
0x390: {  	[sflag:s10] =	ssyncadd.s32 $0xFFFFFFE0  }
0x391: {  	_ =	swait.ge [sflag:s10], $0x20  }
0x392: {  	[sflag:s10] =	ssyncset.done $0x0  }
0x393: {  	[sflag:s10] =	ssyncadd.s32 $0xFFFFFFE0  }
0x394: {  	_ =	swait.ge [sflag:s10], $0x20  }
0x395: {  	[sflag:s10] =	ssyncset.done $0x0  }
0x396: {  	[sflag:s10] =	ssyncadd.s32 $0xFFFFFFE0  }
0x397: {  	_ =	swait.ge [sflag:s10], $0x20  }
0x398: {  	[sflag:s10] =	ssyncset.done $0x0  }
0x399: {  	[sflag:s10] =	ssyncadd.s32 $0xFFFFFFE0  }
0x39a: {  	_ =	swait.ge [sflag:s10], $0x20  }
0x39b: {  	[sflag:s10] =	ssyncset.done $0x0  }
0x39c: {  	[sflag:s10] =	ssyncadd.s32 $0xFFFFFFE0  }
0x39d: {  	_ =	swait.ge [sflag:s10], $0x20  }
0x39e: {  	[sflag:s10] =	ssyncset.done $0x0  }
0x39f: {  	[sflag:s10] =	ssyncadd.s32 $0xFFFFFFE0  }
0x3a0: {  	_ =	swait.ge [sflag:s10], $0x20  }
0x3a1: {  	[sflag:s10] =	ssyncset.done $0x0  }
0x3a2: {  	[sflag:s10] =	ssyncadd.s32 $0xFFFFFFE0  }
0x3a3: {  	_ =	swait.ge [sflag:s10], $0x20  }
0x3a4: {  	[sflag:s10] =	ssyncset.done $0x0  }
0x3a5: {  	[sflag:s10] =	ssyncadd.s32 $0xFFFFFFE0  }
0x3a6: {  	_ =	swait.ge [sflag:s10], $0x20  }
0x3a7: {  	[sflag:s10] =	ssyncset.done $0x0  }
0x3a8: {  	[sflag:s10] =	ssyncadd.s32 $0xFFFFFFE0  }
0x3a9: {  	_ =	swait.ge [sflag:s10], $0x20  }
0x3aa: {  	[sflag:s10] =	ssyncset.done $0x0  }
0x3ab: {  	[sflag:s10] =	ssyncadd.s32 $0xFFFFFFE0  }
0x3ac: {  	_ =	swait.ge [sflag:s10], $0x20  }
0x3ad: {  	[sflag:s10] =	ssyncset.done $0x0  }
0x3ae: {  	[sflag:s10] =	ssyncadd.s32 $0xFFFFFFE0  }
0x3af: {  	_ =	swait.ge [sflag:s10], $0x20  }
0x3b0: {  	[sflag:s10] =	ssyncset.done $0x0  }
0x3b1: {  	[sflag:s10] =	ssyncadd.s32 $0xFFFFFFE0  }
0x3b2: {  	v2 =	vld [tilespmem:$0x1E100]  }
0x3b3: {  	v4 =	vld [tilespmem:$0x1E110]  }
0x3b4: {  	v5 =	vld [tilespmem:$0x1E120]  }
0x3b5: {  	v6 =	vld [tilespmem:$0x1E130]  }
0x3b6: {  	v7 =	vld [tilespmem:$0x1E140]  }
0x3b7: {  	v8 =	vld [tilespmem:$0x1E150];
	v2 =	vadd.f32 $0.0e+00, v2  }
0x3b8: {  	v9 =	vld [tilespmem:$0x1E160];
	v4 =	vadd.f32 $0.0e+00, v4  }
0x3b9: {  	v2 =	vadd.f32 v5, v2;
	v5 =	vld [tilespmem:$0x1E170]  }
0x3ba: {  	v43 =	vld [tilespmem:$0x1E180];
	v4 =	vadd.f32 v6, v4  }
0x3bb: {  	v44 =	vld [tilespmem:$0x1E190];
	v2 =	vadd.f32 v7, v2  }
0x3bc: {  	v45 =	vld [tilespmem:$0x1E1A0];
	v4 =	vadd.f32 v8, v4  }
0x3bd: {  	v46 =	vld [tilespmem:$0x1E1B0];
	v2 =	vadd.f32 v9, v2  }
0x3be: {  	v4 =	vadd.f32 v5, v4;
	v5 =	vld [tilespmem:$0x1E1C0]  }
0x3bf: {  	v48 =	vld [tilespmem:$0x1E1D0];
	v2 =	vadd.f32 v43, v2  }
0x3c0: {  	v49 =	vld [tilespmem:$0x1E1E0];
	v4 =	vadd.f32 v44, v4  }
0x3c1: {  	v50 =	vld [tilespmem:$0x1E1F0];
	v2 =	vadd.f32 v45, v2  }
0x3c2: {  	v51 =	vld [tilespmem:$0x1E200];
	v4 =	vadd.f32 v46, v4  }
0x3c3: {  	v2 =	vadd.f32 v5, v2;
	v5 =	vld [tilespmem:$0x1E210]  }
0x3c4: {  	v52 =	vld [tilespmem:$0x1E220];
	v4 =	vadd.f32 v48, v4  }
0x3c5: {  	v53 =	vld [tilespmem:$0x1E230];
	v2 =	vadd.f32 v49, v2  }
0x3c6: {  	v54 =	vld [tilespmem:$0x1E240];
	v4 =	vadd.f32 v50, v4  }
0x3c7: {  	v55 =	vld [tilespmem:$0x1E250];
	v2 =	vadd.f32 v51, v2  }
0x3c8: {  	v4 =	vadd.f32 v5, v4;
	v5 =	vld [tilespmem:$0x1E260]  }
0x3c9: {  	v56 =	vld [tilespmem:$0x1E270];
	v2 =	vadd.f32 v52, v2  }
0x3ca: {  	v57 =	vld [tilespmem:$0x1E280];
	v4 =	vadd.f32 v53, v4  }
0x3cb: {  	v58 =	vld [tilespmem:$0x1E290];
	v2 =	vadd.f32 v54, v2  }
0x3cc: {  	v59 =	vld [tilespmem:$0x1E2A0];
	v4 =	vadd.f32 v55, v4  }
0x3cd: {  	v2 =	vadd.f32 v5, v2;
	v5 =	vld [tilespmem:$0x1E2B0]  }
0x3ce: {  	v60 =	vld [tilespmem:$0x1E2C0];
	v4 =	vadd.f32 v56, v4  }
0x3cf: {  	v61 =	vld [tilespmem:$0x1E2D0];
	v2 =	vadd.f32 v57, v2  }
0x3d0: {  	v62 =	vld [tilespmem:$0x1E2E0];
	v4 =	vadd.f32 v58, v4  }
0x3d1: {  	v63 =	vld [tilespmem:$0x1E2F0];
	v2 =	vadd.f32 v59, v2  }
0x3d2: {  	v4 =	vadd.f32 v5, v4  }
0x3d3: {  	v2 =	vadd.f32 v60, v2  }
0x3d4: {  	v4 =	vadd.f32 v61, v4  }
0x3d5: {  	v2 =	vadd.f32 v62, v2  }
0x3d6: {  	v4 =	vadd.f32 v63, v4  }
0x3d7: {  	(xrf2) =	vadd.scan.msk.f32 $0xffff, v2  }
0x3d8: {  	(xrf2) =	vadd.scan.msk.f32 $0xffff, v4;
	_ =	sdelay $0x8  }
0x3d9: {  	v2, _, _ =	vpop (xrf2)  }
0x3da: {  	v2 =	vbroadcast v2, $0xF;
	v4, _, _ =	vpop (xrf2)  }
0x3db: {  	v4 =	vbroadcast v4, $0xF  }
0x3dc: {  	[tilespmem:$0x1E300] =	vst v2  }
.Ltmp7:
0x3dd: {  	s19 =	simm.s32 $0x1E300;
	s18 =	rddreg [dreg:$0x15];
	[tilespmem:$0x1E310] =	vst v4;
	(pc) =	sbr.rel .LBB2_11-.Ltmp7, $4  }
0x3de: {  	[hbm4b:s18+s2] =	stream.linear.scatter [tilespmem:s19], [sflag:$0x3], $0x80, $0x38;
	[tilespmem:$0x1EB80] =	vst v63  }
0x3df: {  	_ =	swait.ge [sflag:s8], $0x80  }
0x3e0: {  	[sflag:s8] =	ssyncset.done $0x0  }
0x3e1: {  	[sflag:s8] =	ssyncadd.s32 $0xFFFFFF80  }
.LBB2_12:
0x3e2: {  	_ =	sfence.sel $0x180000  }
0x3e3: {  	[bflag:$0x0] =	sbarrier.arrive $0xFFFF  }
0x3e4: {  	_ =	strace $0x90000047  }
0x3e5: {  	[bflag:$0x2] =	sbarrier.arrive $0xFFFF  }
0x3e6: {  	s0 =	rddreg [dreg:$0x3]  }
0x3e7: {  	s0 =	sadd.s32 @!p0 $0x100000, s0  }
0x3e8: {  	[sflag:s0] =	ssyncadd.tile.s32 @!p0 $0x1;
	_ =	shalt  }
.Lfunc_end2:
_tile_overlayer_lowered:
.L_overlay_start_2:
0x3e9: {  	(tag) =	ssettag $0x2  }
0x3ea: {  	s0 =	rddreg [dreg:$0x0];
	s2 =	stileid.u32  }
0x3eb: {  	s1 =	rddreg [dreg:$0x1];
	p0 =	sne.s32 s2, $0x0  }
0x3ec: {  	s3 =	rddreg [dreg:$0x2];
	[bflag:$0x3] =	sbarrier.arrive $0xFFFF;
	s2 =	simm.s32 @!p0 $0x1C03  }
0x3ed: {  	[timem:s3], [sflag:s2] =	dma.local @!p0 [hbm:s0], s1  }
0x3ee: {  	s0 =	simm.s32 @!p0 $0x3  }
0x3ef: {  	_ =	swait.ge @!p0 [sflag:s0], s1  }
0x3f0: {  	s1 =	ssub.s32 @!p0 $0x0, s1;
	[sflag:s0] =	ssyncset.done @!p0 $0x0  }
0x3f1: {  	[sflag:s0] =	ssyncadd.s32 @!p0 s1  }
0x3f2: {  	[bflag:$0x3] =	sbarrier.arrive $0xFFFF  }
0x3f3: {  	_ =	shalt  }

</sc_bundles>
